<compile_context>
chip_gen: v7x
topology: tpu7x:2x2x1
jax: 0.10.2.dev20260603
libtpu: 0.0.44.dev20260713+nightly
codegen_flags: <defaults>
</compile_context>

<pallas_src>
import functools

import jax
import jax.numpy as jnp
from jax import lax
from jax.experimental import pallas as pl
from jax.experimental.pallas import tpu as pltpu
from jax.experimental.pallas import tpu_sc as plsc

NC = 2
NS = 16
NW = NC * NS
C_PAD = 128
BATCH = 128
NBUF = 2
DEG_F = 8

_SC_PARAMS = pltpu.CompilerParams(use_tc_tiling_on_sc=False)
_SC_PARAMS_NOLAYOUT = pltpu.CompilerParams(use_tc_tiling_on_sc=False,
                                           needs_layout_passes=False)


@functools.lru_cache(maxsize=None)
def _make_propagate(npad: int, chunks: int, f: int):
    cw = C_PAD // f
    rows_per_tile = npad // NS
    nring = 2 * NBUF
    nfull = chunks // NBUF
    assert chunks % NBUF == 0 and nfull >= 2 and chunks >= nring
    mesh = plsc.VectorSubcoreMesh(core_axis_name="c", subcore_axis_name="s")

    @functools.partial(
        pl.kernel,
        out_type=jax.ShapeDtypeStruct((NC, npad, C_PAD), jnp.float32),
        mesh=mesh,
        scratch_types=[
            pltpu.VMEM_SHARED((npad, C_PAD), jnp.float32),
            pltpu.VMEM((nring, BATCH), jnp.int32),
            pltpu.VMEM((chunks, BATCH), jnp.int32),
            pltpu.VMEM((NBUF, BATCH, cw), jnp.float32),
            pltpu.SemaphoreType.DMA((NBUF,)),
            pltpu.SemaphoreType.DMA((NBUF,)),
            pltpu.SemaphoreType.DMA((2,)),
            pltpu.SemaphoreType.DMA((nring,)),
        ],
        compiler_params=_SC_PARAMS,
    )
    def prop(h_hbm, src_hbm, dst_hbm, zeros_hbm, out_hbm,
             acc, src_v, dst_v, rows_v, gsem, ssem, isem, rsem):
        cid = lax.axis_index("c")
        sid = lax.axis_index("s")
        wid = sid * NC + cid
        hview = h_hbm if f == 1 else h_hbm.reshape(h_hbm.shape[0] * f, cw)
        accv = acc if f == 1 else acc.reshape(npad * f, cw)
        zdst = acc.at[pl.ds(sid * rows_per_tile, rows_per_tile)]
        pltpu.async_copy(zeros_hbm, zdst, isem.at[0])
        pltpu.async_copy(dst_hbm.at[wid], dst_v, isem.at[1])

        def start_refill(j):
            s = j % nring
            pltpu.async_copy(src_hbm.at[wid, pl.ds(j * BATCH, BATCH)],
                             src_v.at[s], rsem.at[s])

        def wait_refill(j):
            s = j % nring
            pltpu.make_async_copy(src_hbm.at[wid, pl.ds(0, BATCH)],
                                  src_v.at[s], rsem.at[s]).wait()

        def start_gather(b, j):
            pltpu.async_copy(hview.at[src_v.at[j % nring]], rows_v.at[b],
                             gsem.at[b])

        def wait_gather(b):
            pltpu.make_async_copy(hview.at[src_v.at[0]], rows_v.at[b],
                                  gsem.at[b]).wait()

        def start_scatter(b, j):
            pltpu.async_copy(rows_v.at[b], accv.at[dst_v.at[j]],
                             ssem.at[b], add=True)

        def wait_scatter(b, j):
            pltpu.make_async_copy(rows_v.at[b], accv.at[dst_v.at[j]],
                                  ssem.at[b]).wait()

        for s in range(nring):
            start_refill(s)
        wait_refill(0)
        start_gather(0, 0)
        wait_refill(1)
        start_gather(1, 1)
        pltpu.make_async_copy(dst_hbm.at[wid], dst_v, isem.at[1]).wait()
        pltpu.make_async_copy(zeros_hbm, zdst, isem.at[0]).wait()
        plsc.subcore_barrier()

        wait_gather(0)
        start_scatter(0, 0)
        wait_gather(1)
        start_scatter(1, 1)

        def blk(jj, carry):
            j0 = jj * NBUF
            wait_refill(j0)
            wait_scatter(0, j0 - 2)
            start_gather(0, j0)
            wait_refill(j0 + 1)
            wait_scatter(1, j0 - 1)
            start_gather(1, j0 + 1)
            start_refill(jnp.minimum(j0 + NBUF, chunks - 1))
            start_refill(jnp.minimum(j0 + NBUF + 1, chunks - 1))
            wait_gather(0)
            start_scatter(0, j0)
            wait_gather(1)
            start_scatter(1, j0 + 1)
            return carry

        lax.fori_loop(1, nfull, blk, 0)
        last0 = (nfull - 1) * NBUF
        wait_scatter(0, last0)
        wait_scatter(1, last0 + 1)
        wait_refill(chunks - 1)
        wait_refill(chunks - 1)
        plsc.subcore_barrier()
        pltpu.sync_copy(acc.at[pl.ds(sid * rows_per_tile, rows_per_tile)],
                        out_hbm.at[cid, pl.ds(sid * rows_per_tile, rows_per_tile)])

    return prop


def _fast_rsqrt(x):
    i = plsc.bitcast(x, jnp.int32)
    y = plsc.bitcast(jnp.int32(0x5F3759DF) - (i >> 1), jnp.float32)
    for _ in range(3):
        y = y * (1.5 - 0.5 * x * y * y)
    return y


@functools.lru_cache(maxsize=None)
def _make_degcount(npad: int, chunks2: int):
    cw = C_PAD // DEG_F
    rows_per_tile = npad // NS
    ngrp = -(-rows_per_tile // 16)
    mesh = plsc.VectorSubcoreMesh(core_axis_name="c", subcore_axis_name="s")

    @functools.partial(
        pl.kernel,
        out_type=jax.ShapeDtypeStruct((npad,), jnp.float32),
        mesh=mesh,
        scratch_types=[
            pltpu.VMEM_SHARED((npad, cw), jnp.float32),
            pltpu.VMEM((chunks2, BATCH), jnp.int32),
            pltpu.VMEM((BATCH, cw), jnp.float32),
            pltpu.VMEM((rows_per_tile, cw), jnp.float32),
            pltpu.VMEM((ngrp * 16,), jnp.float32),
            pltpu.SemaphoreType.DMA,
        ],
        compiler_params=_SC_PARAMS_NOLAYOUT,
    )
    def degc(dst_hbm, out_hbm, acc, dst_v, ones_v, tbuf, obuf, sem):
        sid = lax.axis_index("s")
        pltpu.sync_copy(dst_hbm.at[sid], dst_v)
        ones16 = jnp.ones((cw,), jnp.float32)

        def fill_ones(i, carry):
            ones_v[i, :] = ones16
            return carry

        lax.fori_loop(0, BATCH, fill_ones, 0)
        z16 = jnp.zeros((cw,), jnp.float32)

        def fill_zeros(i, carry):
            tbuf[i, :] = z16
            return carry

        lax.fori_loop(0, rows_per_tile, fill_zeros, 0)
        pltpu.sync_copy(tbuf, acc.at[pl.ds(sid * rows_per_tile, rows_per_tile)])
        plsc.subcore_barrier()

        def fire(j, carry):
            pltpu.async_copy(ones_v, acc.at[dst_v.at[j]], sem, add=True)
            return carry

        lax.fori_loop(0, chunks2, fire, 0)

        def drain(j, carry):
            pltpu.make_async_copy(ones_v, acc.at[dst_v.at[0]], sem).wait()
            return carry

        lax.fori_loop(0, chunks2, drain, 0)
        plsc.subcore_barrier()

        pltpu.sync_copy(acc.at[pl.ds(sid * rows_per_tile, rows_per_tile)], tbuf)
        lanes = lax.iota(jnp.int32, 16)
        zc = jnp.zeros((16,), jnp.int32)

        def conv(g, carry):
            rows = jnp.minimum(g * 16 + lanes, rows_per_tile - 1)
            cnt = plsc.load_gather(tbuf, [rows, zc])
            obuf[pl.ds(g * 16, 16)] = _fast_rsqrt(cnt + 1.0)
            return carry

        lax.fori_loop(0, ngrp, conv, 0)
        pltpu.sync_copy(obuf.at[pl.ds(0, rows_per_tile)],
                        out_hbm.at[pl.ds(sid * rows_per_tile, rows_per_tile)])

    return degc


def _pad_cols(y, w):
    c = y.shape[-1]
    if c == w:
        return y
    return jnp.concatenate([y, jnp.zeros(y.shape[:-1] + (w - c,), y.dtype)], axis=-1)


def _mm_scale_body(x_ref, w_ref, dinv_ref, hp_ref):
    dinv = dinv_ref[...]
    y = jnp.dot(x_ref[...], w_ref[...], preferred_element_type=jnp.float32)
    hp_ref[...] = _pad_cols(dinv[:, :y.shape[1]] * y, hp_ref.shape[-1])


def _mid_body(p_ref, h_ref, dinv_ref, w_ref, b_ref, o_ref):
    n = h_ref.shape[0]
    c_in, c_out = w_ref.shape
    dinv = dinv_ref[...]
    p = p_ref[...]
    pre = dinv[:, :c_in] * (p[0, :n, :c_in] + p[1, :n, :c_in] + h_ref[:, :c_in])
    z = jnp.maximum(pre + b_ref[...], 0.0)
    y = dinv[:, :c_out] * jnp.dot(z, w_ref[...], preferred_element_type=jnp.float32)
    o_ref[...] = _pad_cols(y, o_ref.shape[-1])


def _final_body(p_ref, h_ref, dinv_ref, b_ref, o_ref):
    n, c = o_ref.shape
    dinv = dinv_ref[...]
    p = p_ref[...]
    o_ref[...] = dinv[:, :c] * (p[0, :n, :c] + p[1, :n, :c] + h_ref[:, :c]) + b_ref[...]


def _tc(body, out_shape, *args):
    return pl.pallas_call(body, out_shape=out_shape)(*args)


def kernel(x, edge_index, W1, b1, W2, b2, W3, b3):
    n, _ = x.shape
    e = edge_index.shape[1]
    assert e % NW == 0
    per = e // NW
    chunks = -(-per // BATCH)
    chunks = -(-chunks // 8) * 8
    perp = chunks * BATCH
    npad = -(-n // (NS * 8)) * (NS * 8)
    if perp > per and npad == n:
        npad += NS * 8
    rows_per_tile = npad // NS

    ped = e // NS
    chunks2 = -(-ped // BATCH)
    chunks2 = -(-chunks2 // 8) * 8
    if (perp > per or chunks2 * BATCH > ped) and npad == n:
        npad = n + NS * 8
        rows_per_tile = npad // NS

    ei = edge_index.astype(jnp.int32)
    src = ei[0].reshape(NW, per)
    dst = ei[1].reshape(NW, per)
    dstd = ei[1].reshape(NS, ped)
    if perp > per:
        padn = perp - per
        r = jnp.arange(padn, dtype=jnp.int32)
        src = jnp.concatenate(
            [src, jnp.broadcast_to((r % n)[None], (NW, padn))], axis=1)
        dst = jnp.concatenate(
            [dst, jnp.broadcast_to((n + r % (npad - n))[None], (NW, padn))], axis=1)
    dst = dst.reshape(NW, chunks, BATCH)
    padd = chunks2 * BATCH - ped
    if padd:
        r = jnp.arange(padd, dtype=jnp.int32)
        dstd = jnp.concatenate(
            [dstd, jnp.broadcast_to((n + r % (npad - n))[None], (NS, padd))], axis=1)
    dstd = dstd.reshape(NS, chunks2, BATCH)

    zeros_pad = jnp.zeros((rows_per_tile, C_PAD), jnp.float32)
    dinv1 = _make_degcount(npad, chunks2)(dstd)
    dinv = jnp.broadcast_to(dinv1[:n, None], (n, C_PAD))

    h1p = _tc(_mm_scale_body, jax.ShapeDtypeStruct((n, C_PAD), jnp.float32),
              x, W1, dinv)

    def propagate(h, c_real):
        del c_real
        return _make_propagate(npad, chunks, 1)(h, src, dst, zeros_pad)

    P1 = propagate(h1p, W1.shape[1])
    h2p = _tc(_mid_body, jax.ShapeDtypeStruct((n, C_PAD), jnp.float32),
              P1, h1p, dinv, W2, b1)

    P2 = propagate(h2p, W2.shape[1])
    h3p = _tc(_mid_body, jax.ShapeDtypeStruct((n, C_PAD), jnp.float32),
              P2, h2p, dinv, W3, b2)

    P3 = propagate(h3p, W3.shape[1])
    out = _tc(_final_body, jax.ShapeDtypeStruct((n, W3.shape[1]), jnp.float32),
              P3, h3p, dinv, b3)
    return out

# --- scband reference (transcript-rebuilt; emitter-appended) ---
"""Pipeline reference for scband-gcnencoder3-35201551958717 (READ-ONLY COPY).

The authoritative reference and input builder live on the scoring server;
editing this copy changes nothing except your own understanding.
"""

import jax, jax.numpy as jnp
import numpy as np

N_NODES = 10000
N_EDGES = 320000
IN_CH = 128
OUT_CH = 32


def _gcn_conv(x, edge_index, W, b):
    # Faithful PyG GCNConv: add self-loops, symmetric normalization, linear, scatter-add, bias
    N = x.shape[0]
    src = edge_index[0]
    dst = edge_index[1]
    loop = jnp.arange(N, dtype=src.dtype)
    src_full = jnp.concatenate([src, loop])
    dst_full = jnp.concatenate([dst, loop])
    ones = jnp.ones(src_full.shape[0], dtype=x.dtype)
    deg = jax.ops.segment_sum(ones, dst_full, num_segments=N)
    deg_inv_sqrt = jnp.where(deg > 0, deg ** -0.5, 0.0)
    norm = deg_inv_sqrt[src_full] * deg_inv_sqrt[dst_full]
    h = x @ W  # linear transform (no bias inside, bias added after aggregation as in PyG)
    msg = h[src_full] * norm[:, None]
    out = jax.ops.segment_sum(msg, dst_full, num_segments=N)
    return out + b


def setup_inputs(seed: int = 0) -> dict:
    key = jax.random.key(seed)
    k_x, k_e, k1, k2, k3 = jax.random.split(key, 5)
    x = jax.random.normal(k_x, (N_NODES, IN_CH), dtype=jnp.float32)
    edge_index = jax.random.randint(k_e, (2, N_EDGES), 0, N_NODES, dtype=jnp.int64)
    # conv1: 128 -> 4*32=128, conv2: 128 -> 2*32=64, conv3: 64 -> 32
    s1 = (1.0 / IN_CH) ** 0.5
    W1 = jax.random.uniform(k1, (IN_CH, 4 * OUT_CH), dtype=jnp.float32, minval=-s1, maxval=s1)
    b1 = jnp.zeros((4 * OUT_CH,), dtype=jnp.float32)
    s2 = (1.0 / (4 * OUT_CH)) ** 0.5
    W2 = jax.random.uniform(k2, (4 * OUT_CH, 2 * OUT_CH), dtype=jnp.float32, minval=-s2, maxval=s2)
    b2 = jnp.zeros((2 * OUT_CH,), dtype=jnp.float32)
    s3 = (1.0 / (2 * OUT_CH)) ** 0.5
    W3 = jax.random.uniform(k3, (2 * OUT_CH, OUT_CH), dtype=jnp.float32, minval=-s3, maxval=s3)
    b3 = jnp.zeros((OUT_CH,), dtype=jnp.float32)
    return {"x": x, "edge_index": edge_index, "W1": W1, "b1": b1, "W2": W2, "b2": b2, "W3": W3, "b3": b3}


def reference(x, edge_index, W1, b1, W2, b2, W3, b3):
    h = _gcn_conv(x, edge_index, W1, b1)
    h = jax.nn.relu(h)
    h = _gcn_conv(h, edge_index, W2, b2)
    h = jax.nn.relu(h)
    out = _gcn_conv(h, edge_index, W3, b3)
    return out

if __name__ == "__main__":
    import jax
    _d = setup_inputs()
    print(jax.jit(kernel)(*tuple(_d.values())))

</pallas_src>

<mosaic_0001>
#map = affine_map<(d0, d1) -> (0, 0)>
#map1 = affine_map<(d0, d1) -> (0, 0, 0)>
module attributes {stable_mosaic.version = 14 : i64} {
  func.func @prop(%arg0: i32, %arg1: i32, %arg2: memref<10000x128xf32, #tpu.memory_space<hbm>>, %arg3: memref<32x10240xi32, #tpu.memory_space<hbm>>, %arg4: memref<32x80x128xi32, #tpu.memory_space<hbm>>, %arg5: memref<632x128xf32, #tpu.memory_space<hbm>>, %arg6: memref<2x10112x128xf32, #tpu.memory_space<hbm>>, %arg7: memref<10112x128xf32, #tpu.memory_space<vmem_shared>>, %arg8: memref<4x128xi32, #tpu.memory_space<vmem>>, %arg9: memref<80x128xi32, #tpu.memory_space<vmem>>, %arg10: memref<2x128x128xf32, #tpu.memory_space<vmem>>, %arg11: memref<2x!tpu.dma_semaphore, #tpu.memory_space<semaphore_mem>>, %arg12: memref<2x!tpu.dma_semaphore, #tpu.memory_space<semaphore_mem>>, %arg13: memref<2x!tpu.dma_semaphore, #tpu.memory_space<semaphore_mem>>, %arg14: memref<4x!tpu.dma_semaphore, #tpu.memory_space<semaphore_mem>>) attributes {dimension_semantics = [#tpu.dimension_semantics<core_parallel>, #tpu.dimension_semantics<subcore_parallel>], iteration_bounds = array<i64: 2, 16>, scalar_prefetch = 0 : i64, scratch_operands = 8 : i64, tpu.core_type = #tpu.core_type<sc_vector_subcore>, window_params = [{transform_indices = #map}, {transform_indices = #map}, {transform_indices = #map1}, {transform_indices = #map}, {transform_indices = #map1}]} {
    %mul3A = arith.constant 2 : i32
    %mul3A_0 = arith.muli %arg1, %mul3A : i32
    %add3A = arith.addi %mul3A_0, %arg0 : i32
    %mul3A_1 = arith.constant 632 : i32
    %mul3A_2 = arith.muli %arg1, %mul3A_1 : i32
    %dma_start3A = arith.constant 0 : i32
    %dma_start3A_3 = tpu.memref_slice %arg13[%dma_start3A] : memref<2x!tpu.dma_semaphore, #tpu.memory_space<semaphore_mem>> -> memref<1x!tpu.dma_semaphore, #tpu.memory_space<semaphore_mem>>
    %dma_start3A_4 = tpu.memref_squeeze %dma_start3A_3 : memref<1x!tpu.dma_semaphore, #tpu.memory_space<semaphore_mem>> -> memref<!tpu.dma_semaphore, #tpu.memory_space<semaphore_mem>>
    %dma_start3A_5 = arith.constant 0 : i32
    %dma_start3A_6 = tpu.memref_slice %arg7[%mul3A_2, %dma_start3A_5] : memref<10112x128xf32, #tpu.memory_space<vmem_shared>> -> memref<632x128xf32, #tpu.memory_space<vmem_shared>>
    tpu.enqueue_dma source(%arg5 : memref<632x128xf32, #tpu.memory_space<hbm>>) target(%dma_start3A_6 : memref<632x128xf32, #tpu.memory_space<vmem_shared>>) target_semaphore(%dma_start3A_4 : memref<!tpu.dma_semaphore, #tpu.memory_space<semaphore_mem>>)
    %dma_start3A_7 = arith.constant 1 : i32
    %dma_start3A_8 = arith.constant 0 : i32
    %dma_start3A_9 = arith.constant 0 : i32
    %dma_start3A_10 = tpu.memref_slice %arg4[%add3A, %dma_start3A_8, %dma_start3A_9] : memref<32x80x128xi32, #tpu.memory_space<hbm>> -> memref<1x80x128xi32, #tpu.memory_space<hbm>>
    %dma_start3A_11 = tpu.memref_squeeze %dma_start3A_10 : memref<1x80x128xi32, #tpu.memory_space<hbm>> -> memref<80x128xi32, #tpu.memory_space<hbm>>
    %dma_start3A_12 = tpu.memref_slice %arg13[%dma_start3A_7] : memref<2x!tpu.dma_semaphore, #tpu.memory_space<semaphore_mem>> -> memref<1x!tpu.dma_semaphore, #tpu.memory_space<semaphore_mem>>
    %dma_start3A_13 = tpu.memref_squeeze %dma_start3A_12 : memref<1x!tpu.dma_semaphore, #tpu.memory_space<semaphore_mem>> -> memref<!tpu.dma_semaphore, #tpu.memory_space<semaphore_mem>>
    %dma_start3A_14 = arith.constant 0 : i32
    %dma_start3A_15 = arith.constant 0 : i32
    %dma_start3A_16 = tpu.memref_slice %arg4[%add3A, %dma_start3A_14, %dma_start3A_15] : memref<32x80x128xi32, #tpu.memory_space<hbm>> -> memref<1x80x128xi32, #tpu.memory_space<hbm>>
    %dma_start3A_17 = tpu.memref_squeeze %dma_start3A_16 : memref<1x80x128xi32, #tpu.memory_space<hbm>> -> memref<80x128xi32, #tpu.memory_space<hbm>>
    tpu.enqueue_dma source(%dma_start3A_17 : memref<80x128xi32, #tpu.memory_space<hbm>>) target(%arg9 : memref<80x128xi32, #tpu.memory_space<vmem>>) target_semaphore(%dma_start3A_13 : memref<!tpu.dma_semaphore, #tpu.memory_space<semaphore_mem>>)
    %dma_start3A_18 = arith.constant 0 : i32
    %dma_start3A_19 = arith.constant 0 : i32
    %dma_start3A_20 = arith.constant 0 : i32
    %dma_start3A_21 = tpu.memref_slice %arg8[%dma_start3A_18, %dma_start3A_20] : memref<4x128xi32, #tpu.memory_space<vmem>> -> memref<1x128xi32, #tpu.memory_space<vmem>>
    %dma_start3A_22 = tpu.memref_squeeze %dma_start3A_21 : memref<1x128xi32, #tpu.memory_space<vmem>> -> memref<128xi32, #tpu.memory_space<vmem>>
    %dma_start3A_23 = arith.constant 0 : i32
    %dma_start3A_24 = tpu.memref_slice %arg3[%add3A, %dma_start3A_23] : memref<32x10240xi32, #tpu.memory_space<hbm>> -> memref<1x128xi32, #tpu.memory_space<hbm>>
    %dma_start3A_25 = tpu.memref_squeeze %dma_start3A_24 : memref<1x128xi32, #tpu.memory_space<hbm>> -> memref<128xi32, #tpu.memory_space<hbm>>
    %dma_start3A_26 = tpu.memref_slice %arg14[%dma_start3A_19] : memref<4x!tpu.dma_semaphore, #tpu.memory_space<semaphore_mem>> -> memref<1x!tpu.dma_semaphore, #tpu.memory_space<semaphore_mem>>
    %dma_start3A_27 = tpu.memref_squeeze %dma_start3A_26 : memref<1x!tpu.dma_semaphore, #tpu.memory_space<semaphore_mem>> -> memref<!tpu.dma_semaphore, #tpu.memory_space<semaphore_mem>>
    %dma_start3A_28 = arith.constant 0 : i32
    %dma_start3A_29 = tpu.memref_slice %arg8[%dma_start3A_18, %dma_start3A_28] : memref<4x128xi32, #tpu.memory_space<vmem>> -> memref<1x128xi32, #tpu.memory_space<vmem>>
    %dma_start3A_30 = tpu.memref_squeeze %dma_start3A_29 : memref<1x128xi32, #tpu.memory_space<vmem>> -> memref<128xi32, #tpu.memory_space<vmem>>
    %dma_start3A_31 = arith.constant 0 : i32
    %dma_start3A_32 = tpu.memref_slice %arg3[%add3A, %dma_start3A_31] : memref<32x10240xi32, #tpu.memory_space<hbm>> -> memref<1x128xi32, #tpu.memory_space<hbm>>
    %dma_start3A_33 = tpu.memref_squeeze %dma_start3A_32 : memref<1x128xi32, #tpu.memory_space<hbm>> -> memref<128xi32, #tpu.memory_space<hbm>>
    tpu.enqueue_dma source(%dma_start3A_33 : memref<128xi32, #tpu.memory_space<hbm>>) target(%dma_start3A_30 : memref<128xi32, #tpu.memory_space<vmem>>) target_semaphore(%dma_start3A_27 : memref<!tpu.dma_semaphore, #tpu.memory_space<semaphore_mem>>)
    %dma_start3A_34 = arith.constant 1 : i32
    %dma_start3A_35 = arith.constant 1 : i32
    %dma_start3A_36 = arith.constant 0 : i32
    %dma_start3A_37 = tpu.memref_slice %arg8[%dma_start3A_34, %dma_start3A_36] : memref<4x128xi32, #tpu.memory_space<vmem>> -> memref<1x128xi32, #tpu.memory_space<vmem>>
    %dma_start3A_38 = tpu.memref_squeeze %dma_start3A_37 : memref<1x128xi32, #tpu.memory_space<vmem>> -> memref<128xi32, #tpu.memory_space<vmem>>
    %dma_start3A_39 = arith.constant 128 : i32
    %dma_start3A_40 = tpu.memref_slice %arg3[%add3A, %dma_start3A_39] : memref<32x10240xi32, #tpu.memory_space<hbm>> -> memref<1x128xi32, #tpu.memory_space<hbm>>
    %dma_start3A_41 = tpu.memref_squeeze %dma_start3A_40 : memref<1x128xi32, #tpu.memory_space<hbm>> -> memref<128xi32, #tpu.memory_space<hbm>>
    %dma_start3A_42 = tpu.memref_slice %arg14[%dma_start3A_35] : memref<4x!tpu.dma_semaphore, #tpu.memory_space<semaphore_mem>> -> memref<1x!tpu.dma_semaphore, #tpu.memory_space<semaphore_mem>>
    %dma_start3A_43 = tpu.memref_squeeze %dma_start3A_42 : memref<1x!tpu.dma_semaphore, #tpu.memory_space<semaphore_mem>> -> memref<!tpu.dma_semaphore, #tpu.memory_space<semaphore_mem>>
    %dma_start3A_44 = arith.constant 0 : i32
    %dma_start3A_45 = tpu.memref_slice %arg8[%dma_start3A_34, %dma_start3A_44] : memref<4x128xi32, #tpu.memory_space<vmem>> -> memref<1x128xi32, #tpu.memory_space<vmem>>
    %dma_start3A_46 = tpu.memref_squeeze %dma_start3A_45 : memref<1x128xi32, #tpu.memory_space<vmem>> -> memref<128xi32, #tpu.memory_space<vmem>>
    %dma_start3A_47 = arith.constant 128 : i32
    %dma_start3A_48 = tpu.memref_slice %arg3[%add3A, %dma_start3A_47] : memref<32x10240xi32, #tpu.memory_space<hbm>> -> memref<1x128xi32, #tpu.memory_space<hbm>>
    %dma_start3A_49 = tpu.memref_squeeze %dma_start3A_48 : memref<1x128xi32, #tpu.memory_space<hbm>> -> memref<128xi32, #tpu.memory_space<hbm>>
    tpu.enqueue_dma source(%dma_start3A_49 : memref<128xi32, #tpu.memory_space<hbm>>) target(%dma_start3A_46 : memref<128xi32, #tpu.memory_space<vmem>>) target_semaphore(%dma_start3A_43 : memref<!tpu.dma_semaphore, #tpu.memory_space<semaphore_mem>>)
    %dma_start3A_50 = arith.constant 2 : i32
    %dma_start3A_51 = arith.constant 2 : i32
    %dma_start3A_52 = arith.constant 0 : i32
    %dma_start3A_53 = tpu.memref_slice %arg8[%dma_start3A_50, %dma_start3A_52] : memref<4x128xi32, #tpu.memory_space<vmem>> -> memref<1x128xi32, #tpu.memory_space<vmem>>
    %dma_start3A_54 = tpu.memref_squeeze %dma_start3A_53 : memref<1x128xi32, #tpu.memory_space<vmem>> -> memref<128xi32, #tpu.memory_space<vmem>>
    %dma_start3A_55 = arith.constant 256 : i32
    %dma_start3A_56 = tpu.memref_slice %arg3[%add3A, %dma_start3A_55] : memref<32x10240xi32, #tpu.memory_space<hbm>> -> memref<1x128xi32, #tpu.memory_space<hbm>>
    %dma_start3A_57 = tpu.memref_squeeze %dma_start3A_56 : memref<1x128xi32, #tpu.memory_space<hbm>> -> memref<128xi32, #tpu.memory_space<hbm>>
    %dma_start3A_58 = tpu.memref_slice %arg14[%dma_start3A_51] : memref<4x!tpu.dma_semaphore, #tpu.memory_space<semaphore_mem>> -> memref<1x!tpu.dma_semaphore, #tpu.memory_space<semaphore_mem>>
    %dma_start3A_59 = tpu.memref_squeeze %dma_start3A_58 : memref<1x!tpu.dma_semaphore, #tpu.memory_space<semaphore_mem>> -> memref<!tpu.dma_semaphore, #tpu.memory_space<semaphore_mem>>
    %dma_start3A_60 = arith.constant 0 : i32
    %dma_start3A_61 = tpu.memref_slice %arg8[%dma_start3A_50, %dma_start3A_60] : memref<4x128xi32, #tpu.memory_space<vmem>> -> memref<1x128xi32, #tpu.memory_space<vmem>>
    %dma_start3A_62 = tpu.memref_squeeze %dma_start3A_61 : memref<1x128xi32, #tpu.memory_space<vmem>> -> memref<128xi32, #tpu.memory_space<vmem>>
    %dma_start3A_63 = arith.constant 256 : i32
    %dma_start3A_64 = tpu.memref_slice %arg3[%add3A, %dma_start3A_63] : memref<32x10240xi32, #tpu.memory_space<hbm>> -> memref<1x128xi32, #tpu.memory_space<hbm>>
    %dma_start3A_65 = tpu.memref_squeeze %dma_start3A_64 : memref<1x128xi32, #tpu.memory_space<hbm>> -> memref<128xi32, #tpu.memory_space<hbm>>
    tpu.enqueue_dma source(%dma_start3A_65 : memref<128xi32, #tpu.memory_space<hbm>>) target(%dma_start3A_62 : memref<128xi32, #tpu.memory_space<vmem>>) target_semaphore(%dma_start3A_59 : memref<!tpu.dma_semaphore, #tpu.memory_space<semaphore_mem>>)
    %dma_start3A_66 = arith.constant 3 : i32
    %dma_start3A_67 = arith.constant 3 : i32
    %dma_start3A_68 = arith.constant 0 : i32
    %dma_start3A_69 = tpu.memref_slice %arg8[%dma_start3A_66, %dma_start3A_68] : memref<4x128xi32, #tpu.memory_space<vmem>> -> memref<1x128xi32, #tpu.memory_space<vmem>>
    %dma_start3A_70 = tpu.memref_squeeze %dma_start3A_69 : memref<1x128xi32, #tpu.memory_space<vmem>> -> memref<128xi32, #tpu.memory_space<vmem>>
    %dma_start3A_71 = arith.constant 384 : i32
    %dma_start3A_72 = tpu.memref_slice %arg3[%add3A, %dma_start3A_71] : memref<32x10240xi32, #tpu.memory_space<hbm>> -> memref<1x128xi32, #tpu.memory_space<hbm>>
    %dma_start3A_73 = tpu.memref_squeeze %dma_start3A_72 : memref<1x128xi32, #tpu.memory_space<hbm>> -> memref<128xi32, #tpu.memory_space<hbm>>
    %dma_start3A_74 = tpu.memref_slice %arg14[%dma_start3A_67] : memref<4x!tpu.dma_semaphore, #tpu.memory_space<semaphore_mem>> -> memref<1x!tpu.dma_semaphore, #tpu.memory_space<semaphore_mem>>
    %dma_start3A_75 = tpu.memref_squeeze %dma_start3A_74 : memref<1x!tpu.dma_semaphore, #tpu.memory_space<semaphore_mem>> -> memref<!tpu.dma_semaphore, #tpu.memory_space<semaphore_mem>>
    %dma_start3A_76 = arith.constant 0 : i32
    %dma_start3A_77 = tpu.memref_slice %arg8[%dma_start3A_66, %dma_start3A_76] : memref<4x128xi32, #tpu.memory_space<vmem>> -> memref<1x128xi32, #tpu.memory_space<vmem>>
    %dma_start3A_78 = tpu.memref_squeeze %dma_start3A_77 : memref<1x128xi32, #tpu.memory_space<vmem>> -> memref<128xi32, #tpu.memory_space<vmem>>
    %dma_start3A_79 = arith.constant 384 : i32
    %dma_start3A_80 = tpu.memref_slice %arg3[%add3A, %dma_start3A_79] : memref<32x10240xi32, #tpu.memory_space<hbm>> -> memref<1x128xi32, #tpu.memory_space<hbm>>
    %dma_start3A_81 = tpu.memref_squeeze %dma_start3A_80 : memref<1x128xi32, #tpu.memory_space<hbm>> -> memref<128xi32, #tpu.memory_space<hbm>>
    tpu.enqueue_dma source(%dma_start3A_81 : memref<128xi32, #tpu.memory_space<hbm>>) target(%dma_start3A_78 : memref<128xi32, #tpu.memory_space<vmem>>) target_semaphore(%dma_start3A_75 : memref<!tpu.dma_semaphore, #tpu.memory_space<semaphore_mem>>)
    %dma_wait3A = arith.constant 0 : i32
    %dma_wait3A_82 = arith.constant 0 : i32
    %dma_wait3A_83 = arith.constant 0 : i32
    %dma_wait3A_84 = tpu.memref_slice %arg8[%dma_wait3A, %dma_wait3A_83] : memref<4x128xi32, #tpu.memory_space<vmem>> -> memref<1x128xi32, #tpu.memory_space<vmem>>
    %dma_wait3A_85 = tpu.memref_squeeze %dma_wait3A_84 : memref<1x128xi32, #tpu.memory_space<vmem>> -> memref<128xi32, #tpu.memory_space<vmem>>
    %dma_wait3A_86 = arith.constant 0 : i32
    %dma_wait3A_87 = tpu.memref_slice %arg3[%add3A, %dma_wait3A_86] : memref<32x10240xi32, #tpu.memory_space<hbm>> -> memref<1x128xi32, #tpu.memory_space<hbm>>
    %dma_wait3A_88 = tpu.memref_squeeze %dma_wait3A_87 : memref<1x128xi32, #tpu.memory_space<hbm>> -> memref<128xi32, #tpu.memory_space<hbm>>
    %dma_wait3A_89 = tpu.memref_slice %arg14[%dma_wait3A_82] : memref<4x!tpu.dma_semaphore, #tpu.memory_space<semaphore_mem>> -> memref<1x!tpu.dma_semaphore, #tpu.memory_space<semaphore_mem>>
    %dma_wait3A_90 = tpu.memref_squeeze %dma_wait3A_89 : memref<1x!tpu.dma_semaphore, #tpu.memory_space<semaphore_mem>> -> memref<!tpu.dma_semaphore, #tpu.memory_space<semaphore_mem>>
    %dma_wait3A_91 = arith.constant 0 : i32
    %dma_wait3A_92 = tpu.memref_slice %arg8[%dma_wait3A, %dma_wait3A_91] : memref<4x128xi32, #tpu.memory_space<vmem>> -> memref<1x128xi32, #tpu.memory_space<vmem>>
    %dma_wait3A_93 = tpu.memref_squeeze %dma_wait3A_92 : memref<1x128xi32, #tpu.memory_space<vmem>> -> memref<128xi32, #tpu.memory_space<vmem>>
    %dma_wait3A_94 = arith.constant 0 : i32
    %dma_wait3A_95 = tpu.memref_slice %arg3[%add3A, %dma_wait3A_94] : memref<32x10240xi32, #tpu.memory_space<hbm>> -> memref<1x128xi32, #tpu.memory_space<hbm>>
    %dma_wait3A_96 = tpu.memref_squeeze %dma_wait3A_95 : memref<1x128xi32, #tpu.memory_space<hbm>> -> memref<128xi32, #tpu.memory_space<hbm>>
    tpu.wait_dma2 semaphore(%dma_wait3A_90 : memref<!tpu.dma_semaphore, #tpu.memory_space<semaphore_mem>>) src(%dma_wait3A_96 : memref<128xi32, #tpu.memory_space<hbm>>) dst(%dma_wait3A_93 : memref<128xi32, #tpu.memory_space<vmem>>)
    %dma_start3A_97 = arith.constant 0 : i32
    %dma_start3A_98 = arith.constant 0 : i32
    %dma_start3A_99 = arith.constant 0 : i32
    %dma_start3A_100 = arith.constant 0 : i32
    %dma_start3A_101 = arith.constant 0 : i32
    %dma_start3A_102 = tpu.memref_slice %arg10[%dma_start3A_98, %dma_start3A_100, %dma_start3A_101] : memref<2x128x128xf32, #tpu.memory_space<vmem>> -> memref<1x128x128xf32, #tpu.memory_space<vmem>>
    %dma_start3A_103 = tpu.memref_squeeze %dma_start3A_102 : memref<1x128x128xf32, #tpu.memory_space<vmem>> -> memref<128x128xf32, #tpu.memory_space<vmem>>
    %dma_start3A_104 = arith.constant 0 : i32
    %dma_start3A_105 = tpu.memref_slice %arg8[%dma_start3A_97, %dma_start3A_104] : memref<4x128xi32, #tpu.memory_space<vmem>> -> memref<1x128xi32, #tpu.memory_space<vmem>>
    %dma_start3A_106 = tpu.memref_squeeze %dma_start3A_105 : memref<1x128xi32, #tpu.memory_space<vmem>> -> memref<128xi32, #tpu.memory_space<vmem>>
    %dma_start3A_107 = arith.constant 0 : i32
    %dma_start3A_108 = arith.constant 0 : i32
    %dma_start3A_109 = tpu.memref_slice %arg2[%dma_start3A_107, %dma_start3A_108] : memref<10000x128xf32, #tpu.memory_space<hbm>> -> memref<10000x128xf32, #tpu.memory_space<hbm>>
    %dma_start3A_110 = tpu.memref_slice %arg11[%dma_start3A_99] : memref<2x!tpu.dma_semaphore, #tpu.memory_space<semaphore_mem>> -> memref<1x!tpu.dma_semaphore, #tpu.memory_space<semaphore_mem>>
    %dma_start3A_111 = tpu.memref_squeeze %dma_start3A_110 : memref<1x!tpu.dma_semaphore, #tpu.memory_space<semaphore_mem>> -> memref<!tpu.dma_semaphore, #tpu.memory_space<semaphore_mem>>
    tpu.enqueue_indirect_dma source(%dma_start3A_109 : memref<10000x128xf32, #tpu.memory_space<hbm>>) target(%dma_start3A_103 : memref<128x128xf32, #tpu.memory_space<vmem>>) offsets(%dma_start3A_106 : memref<128xi32, #tpu.memory_space<vmem>>) semaphore(%dma_start3A_111 : memref<!tpu.dma_semaphore, #tpu.memory_space<semaphore_mem>>)
    %dma_wait3A_112 = arith.constant 1 : i32
    %dma_wait3A_113 = arith.constant 1 : i32
    %dma_wait3A_114 = arith.constant 0 : i32
    %dma_wait3A_115 = tpu.memref_slice %arg8[%dma_wait3A_112, %dma_wait3A_114] : memref<4x128xi32, #tpu.memory_space<vmem>> -> memref<1x128xi32, #tpu.memory_space<vmem>>
    %dma_wait3A_116 = tpu.memref_squeeze %dma_wait3A_115 : memref<1x128xi32, #tpu.memory_space<vmem>> -> memref<128xi32, #tpu.memory_space<vmem>>
    %dma_wait3A_117 = arith.constant 0 : i32
    %dma_wait3A_118 = tpu.memref_slice %arg3[%add3A, %dma_wait3A_117] : memref<32x10240xi32, #tpu.memory_space<hbm>> -> memref<1x128xi32, #tpu.memory_space<hbm>>
    %dma_wait3A_119 = tpu.memref_squeeze %dma_wait3A_118 : memref<1x128xi32, #tpu.memory_space<hbm>> -> memref<128xi32, #tpu.memory_space<hbm>>
    %dma_wait3A_120 = tpu.memref_slice %arg14[%dma_wait3A_113] : memref<4x!tpu.dma_semaphore, #tpu.memory_space<semaphore_mem>> -> memref<1x!tpu.dma_semaphore, #tpu.memory_space<semaphore_mem>>
    %dma_wait3A_121 = tpu.memref_squeeze %dma_wait3A_120 : memref<1x!tpu.dma_semaphore, #tpu.memory_space<semaphore_mem>> -> memref<!tpu.dma_semaphore, #tpu.memory_space<semaphore_mem>>
    %dma_wait3A_122 = arith.constant 0 : i32
    %dma_wait3A_123 = tpu.memref_slice %arg8[%dma_wait3A_112, %dma_wait3A_122] : memref<4x128xi32, #tpu.memory_space<vmem>> -> memref<1x128xi32, #tpu.memory_space<vmem>>
    %dma_wait3A_124 = tpu.memref_squeeze %dma_wait3A_123 : memref<1x128xi32, #tpu.memory_space<vmem>> -> memref<128xi32, #tpu.memory_space<vmem>>
    %dma_wait3A_125 = arith.constant 0 : i32
    %dma_wait3A_126 = tpu.memref_slice %arg3[%add3A, %dma_wait3A_125] : memref<32x10240xi32, #tpu.memory_space<hbm>> -> memref<1x128xi32, #tpu.memory_space<hbm>>
    %dma_wait3A_127 = tpu.memref_squeeze %dma_wait3A_126 : memref<1x128xi32, #tpu.memory_space<hbm>> -> memref<128xi32, #tpu.memory_space<hbm>>
    tpu.wait_dma2 semaphore(%dma_wait3A_121 : memref<!tpu.dma_semaphore, #tpu.memory_space<semaphore_mem>>) src(%dma_wait3A_127 : memref<128xi32, #tpu.memory_space<hbm>>) dst(%dma_wait3A_124 : memref<128xi32, #tpu.memory_space<vmem>>)
    %dma_start3A_128 = arith.constant 1 : i32
    %dma_start3A_129 = arith.constant 1 : i32
    %dma_start3A_130 = arith.constant 1 : i32
    %dma_start3A_131 = arith.constant 0 : i32
    %dma_start3A_132 = arith.constant 0 : i32
    %dma_start3A_133 = tpu.memref_slice %arg10[%dma_start3A_129, %dma_start3A_131, %dma_start3A_132] : memref<2x128x128xf32, #tpu.memory_space<vmem>> -> memref<1x128x128xf32, #tpu.memory_space<vmem>>
    %dma_start3A_134 = tpu.memref_squeeze %dma_start3A_133 : memref<1x128x128xf32, #tpu.memory_space<vmem>> -> memref<128x128xf32, #tpu.memory_space<vmem>>
    %dma_start3A_135 = arith.constant 0 : i32
    %dma_start3A_136 = tpu.memref_slice %arg8[%dma_start3A_128, %dma_start3A_135] : memref<4x128xi32, #tpu.memory_space<vmem>> -> memref<1x128xi32, #tpu.memory_space<vmem>>
    %dma_start3A_137 = tpu.memref_squeeze %dma_start3A_136 : memref<1x128xi32, #tpu.memory_space<vmem>> -> memref<128xi32, #tpu.memory_space<vmem>>
    %dma_start3A_138 = arith.constant 0 : i32
    %dma_start3A_139 = arith.constant 0 : i32
    %dma_start3A_140 = tpu.memref_slice %arg2[%dma_start3A_138, %dma_start3A_139] : memref<10000x128xf32, #tpu.memory_space<hbm>> -> memref<10000x128xf32, #tpu.memory_space<hbm>>
    %dma_start3A_141 = tpu.memref_slice %arg11[%dma_start3A_130] : memref<2x!tpu.dma_semaphore, #tpu.memory_space<semaphore_mem>> -> memref<1x!tpu.dma_semaphore, #tpu.memory_space<semaphore_mem>>
    %dma_start3A_142 = tpu.memref_squeeze %dma_start3A_141 : memref<1x!tpu.dma_semaphore, #tpu.memory_space<semaphore_mem>> -> memref<!tpu.dma_semaphore, #tpu.memory_space<semaphore_mem>>
    tpu.enqueue_indirect_dma source(%dma_start3A_140 : memref<10000x128xf32, #tpu.memory_space<hbm>>) target(%dma_start3A_134 : memref<128x128xf32, #tpu.memory_space<vmem>>) offsets(%dma_start3A_137 : memref<128xi32, #tpu.memory_space<vmem>>) semaphore(%dma_start3A_142 : memref<!tpu.dma_semaphore, #tpu.memory_space<semaphore_mem>>)
    %dma_wait3A_143 = arith.constant 1 : i32
    %dma_wait3A_144 = arith.constant 0 : i32
    %dma_wait3A_145 = arith.constant 0 : i32
    %dma_wait3A_146 = tpu.memref_slice %arg4[%add3A, %dma_wait3A_144, %dma_wait3A_145] : memref<32x80x128xi32, #tpu.memory_space<hbm>> -> memref<1x80x128xi32, #tpu.memory_space<hbm>>
    %dma_wait3A_147 = tpu.memref_squeeze %dma_wait3A_146 : memref<1x80x128xi32, #tpu.memory_space<hbm>> -> memref<80x128xi32, #tpu.memory_space<hbm>>
    %dma_wait3A_148 = tpu.memref_slice %arg13[%dma_wait3A_143] : memref<2x!tpu.dma_semaphore, #tpu.memory_space<semaphore_mem>> -> memref<1x!tpu.dma_semaphore, #tpu.memory_space<semaphore_mem>>
    %dma_wait3A_149 = tpu.memref_squeeze %dma_wait3A_148 : memref<1x!tpu.dma_semaphore, #tpu.memory_space<semaphore_mem>> -> memref<!tpu.dma_semaphore, #tpu.memory_space<semaphore_mem>>
    %dma_wait3A_150 = arith.constant 0 : i32
    %dma_wait3A_151 = arith.constant 0 : i32
    %dma_wait3A_152 = tpu.memref_slice %arg4[%add3A, %dma_wait3A_150, %dma_wait3A_151] : memref<32x80x128xi32, #tpu.memory_space<hbm>> -> memref<1x80x128xi32, #tpu.memory_space<hbm>>
    %dma_wait3A_153 = tpu.memref_squeeze %dma_wait3A_152 : memref<1x80x128xi32, #tpu.memory_space<hbm>> -> memref<80x128xi32, #tpu.memory_space<hbm>>
    tpu.wait_dma2 semaphore(%dma_wait3A_149 : memref<!tpu.dma_semaphore, #tpu.memory_space<semaphore_mem>>) src(%dma_wait3A_153 : memref<80x128xi32, #tpu.memory_space<hbm>>) dst(%arg9 : memref<80x128xi32, #tpu.memory_space<vmem>>)
    %dma_wait3A_154 = arith.constant 0 : i32
    %dma_wait3A_155 = tpu.memref_slice %arg13[%dma_wait3A_154] : memref<2x!tpu.dma_semaphore, #tpu.memory_space<semaphore_mem>> -> memref<1x!tpu.dma_semaphore, #tpu.memory_space<semaphore_mem>>
    %dma_wait3A_156 = tpu.memref_squeeze %dma_wait3A_155 : memref<1x!tpu.dma_semaphore, #tpu.memory_space<semaphore_mem>> -> memref<!tpu.dma_semaphore, #tpu.memory_space<semaphore_mem>>
    %dma_wait3A_157 = arith.constant 0 : i32
    %dma_wait3A_158 = tpu.memref_slice %arg7[%mul3A_2, %dma_wait3A_157] : memref<10112x128xf32, #tpu.memory_space<vmem_shared>> -> memref<632x128xf32, #tpu.memory_space<vmem_shared>>
    tpu.wait_dma2 semaphore(%dma_wait3A_156 : memref<!tpu.dma_semaphore, #tpu.memory_space<semaphore_mem>>) src(%arg5 : memref<632x128xf32, #tpu.memory_space<hbm>>) dst(%dma_wait3A_158 : memref<632x128xf32, #tpu.memory_space<vmem_shared>>)
    %barrier3A = arith.constant 0 : index
    tpu.barrier barrier_id(%barrier3A)
    %dma_wait3A_159 = arith.constant 0 : i32
    %dma_wait3A_160 = arith.constant 0 : i32
    %dma_wait3A_161 = arith.constant 0 : i32
    %dma_wait3A_162 = arith.constant 0 : i32
    %dma_wait3A_163 = arith.constant 0 : i32
    %dma_wait3A_164 = tpu.memref_slice %arg10[%dma_wait3A_160, %dma_wait3A_162, %dma_wait3A_163] : memref<2x128x128xf32, #tpu.memory_space<vmem>> -> memref<1x128x128xf32, #tpu.memory_space<vmem>>
    %dma_wait3A_165 = tpu.memref_squeeze %dma_wait3A_164 : memref<1x128x128xf32, #tpu.memory_space<vmem>> -> memref<128x128xf32, #tpu.memory_space<vmem>>
    %dma_wait3A_166 = arith.constant 0 : i32
    %dma_wait3A_167 = tpu.memref_slice %arg8[%dma_wait3A_159, %dma_wait3A_166] : memref<4x128xi32, #tpu.memory_space<vmem>> -> memref<1x128xi32, #tpu.memory_space<vmem>>
    %dma_wait3A_168 = tpu.memref_squeeze %dma_wait3A_167 : memref<1x128xi32, #tpu.memory_space<vmem>> -> memref<128xi32, #tpu.memory_space<vmem>>
    %dma_wait3A_169 = arith.constant 0 : i32
    %dma_wait3A_170 = arith.constant 0 : i32
    %dma_wait3A_171 = tpu.memref_slice %arg2[%dma_wait3A_169, %dma_wait3A_170] : memref<10000x128xf32, #tpu.memory_space<hbm>> -> memref<10000x128xf32, #tpu.memory_space<hbm>>
    %dma_wait3A_172 = tpu.memref_slice %arg11[%dma_wait3A_161] : memref<2x!tpu.dma_semaphore, #tpu.memory_space<semaphore_mem>> -> memref<1x!tpu.dma_semaphore, #tpu.memory_space<semaphore_mem>>
    %dma_wait3A_173 = tpu.memref_squeeze %dma_wait3A_172 : memref<1x!tpu.dma_semaphore, #tpu.memory_space<semaphore_mem>> -> memref<!tpu.dma_semaphore, #tpu.memory_space<semaphore_mem>>
    tpu.wait_indirect_dma semaphore(%dma_wait3A_173 : memref<!tpu.dma_semaphore, #tpu.memory_space<semaphore_mem>>) src(%dma_wait3A_171 : memref<10000x128xf32, #tpu.memory_space<hbm>>) dst(%dma_wait3A_165 : memref<128x128xf32, #tpu.memory_space<vmem>>)
    %dma_start3A_174 = arith.constant 0 : i32
    %dma_start3A_175 = arith.constant 0 : i32
    %dma_start3A_176 = arith.constant 0 : i32
    %dma_start3A_177 = arith.constant 0 : i32
    %dma_start3A_178 = arith.constant 0 : i32
    %dma_start3A_179 = tpu.memref_slice %arg10[%dma_start3A_174, %dma_start3A_177, %dma_start3A_178] : memref<2x128x128xf32, #tpu.memory_space<vmem>> -> memref<1x128x128xf32, #tpu.memory_space<vmem>>
    %dma_start3A_180 = tpu.memref_squeeze %dma_start3A_179 : memref<1x128x128xf32, #tpu.memory_space<vmem>> -> memref<128x128xf32, #tpu.memory_space<vmem>>
    %dma_start3A_181 = arith.constant 0 : i32
    %dma_start3A_182 = tpu.memref_slice %arg9[%dma_start3A_175, %dma_start3A_181] : memref<80x128xi32, #tpu.memory_space<vmem>> -> memref<1x128xi32, #tpu.memory_space<vmem>>
    %dma_start3A_183 = tpu.memref_squeeze %dma_start3A_182 : memref<1x128xi32, #tpu.memory_space<vmem>> -> memref<128xi32, #tpu.memory_space<vmem>>
    %dma_start3A_184 = arith.constant 0 : i32
    %dma_start3A_185 = arith.constant 0 : i32
    %dma_start3A_186 = tpu.memref_slice %arg7[%dma_start3A_184, %dma_start3A_185] : memref<10112x128xf32, #tpu.memory_space<vmem_shared>> -> memref<10112x128xf32, #tpu.memory_space<vmem_shared>>
    %dma_start3A_187 = tpu.memref_slice %arg12[%dma_start3A_176] : memref<2x!tpu.dma_semaphore, #tpu.memory_space<semaphore_mem>> -> memref<1x!tpu.dma_semaphore, #tpu.memory_space<semaphore_mem>>
    %dma_start3A_188 = tpu.memref_squeeze %dma_start3A_187 : memref<1x!tpu.dma_semaphore, #tpu.memory_space<semaphore_mem>> -> memref<!tpu.dma_semaphore, #tpu.memory_space<semaphore_mem>>
    tpu.enqueue_indirect_dma source(%dma_start3A_180 : memref<128x128xf32, #tpu.memory_space<vmem>>) target(%dma_start3A_186 : memref<10112x128xf32, #tpu.memory_space<vmem_shared>>) offsets(%dma_start3A_183 : memref<128xi32, #tpu.memory_space<vmem>>) semaphore(%dma_start3A_188 : memref<!tpu.dma_semaphore, #tpu.memory_space<semaphore_mem>>) {add = true}
    %dma_wait3A_189 = arith.constant 0 : i32
    %dma_wait3A_190 = arith.constant 1 : i32
    %dma_wait3A_191 = arith.constant 1 : i32
    %dma_wait3A_192 = arith.constant 0 : i32
    %dma_wait3A_193 = arith.constant 0 : i32
    %dma_wait3A_194 = tpu.memref_slice %arg10[%dma_wait3A_190, %dma_wait3A_192, %dma_wait3A_193] : memref<2x128x128xf32, #tpu.memory_space<vmem>> -> memref<1x128x128xf32, #tpu.memory_space<vmem>>
    %dma_wait3A_195 = tpu.memref_squeeze %dma_wait3A_194 : memref<1x128x128xf32, #tpu.memory_space<vmem>> -> memref<128x128xf32, #tpu.memory_space<vmem>>
    %dma_wait3A_196 = arith.constant 0 : i32
    %dma_wait3A_197 = tpu.memref_slice %arg8[%dma_wait3A_189, %dma_wait3A_196] : memref<4x128xi32, #tpu.memory_space<vmem>> -> memref<1x128xi32, #tpu.memory_space<vmem>>
    %dma_wait3A_198 = tpu.memref_squeeze %dma_wait3A_197 : memref<1x128xi32, #tpu.memory_space<vmem>> -> memref<128xi32, #tpu.memory_space<vmem>>
    %dma_wait3A_199 = arith.constant 0 : i32
    %dma_wait3A_200 = arith.constant 0 : i32
    %dma_wait3A_201 = tpu.memref_slice %arg2[%dma_wait3A_199, %dma_wait3A_200] : memref<10000x128xf32, #tpu.memory_space<hbm>> -> memref<10000x128xf32, #tpu.memory_space<hbm>>
    %dma_wait3A_202 = tpu.memref_slice %arg11[%dma_wait3A_191] : memref<2x!tpu.dma_semaphore, #tpu.memory_space<semaphore_mem>> -> memref<1x!tpu.dma_semaphore, #tpu.memory_space<semaphore_mem>>
    %dma_wait3A_203 = tpu.memref_squeeze %dma_wait3A_202 : memref<1x!tpu.dma_semaphore, #tpu.memory_space<semaphore_mem>> -> memref<!tpu.dma_semaphore, #tpu.memory_space<semaphore_mem>>
    tpu.wait_indirect_dma semaphore(%dma_wait3A_203 : memref<!tpu.dma_semaphore, #tpu.memory_space<semaphore_mem>>) src(%dma_wait3A_201 : memref<10000x128xf32, #tpu.memory_space<hbm>>) dst(%dma_wait3A_195 : memref<128x128xf32, #tpu.memory_space<vmem>>)
    %dma_start3A_204 = arith.constant 1 : i32
    %dma_start3A_205 = arith.constant 1 : i32
    %dma_start3A_206 = arith.constant 1 : i32
    %dma_start3A_207 = arith.constant 0 : i32
    %dma_start3A_208 = arith.constant 0 : i32
    %dma_start3A_209 = tpu.memref_slice %arg10[%dma_start3A_204, %dma_start3A_207, %dma_start3A_208] : memref<2x128x128xf32, #tpu.memory_space<vmem>> -> memref<1x128x128xf32, #tpu.memory_space<vmem>>
    %dma_start3A_210 = tpu.memref_squeeze %dma_start3A_209 : memref<1x128x128xf32, #tpu.memory_space<vmem>> -> memref<128x128xf32, #tpu.memory_space<vmem>>
    %dma_start3A_211 = arith.constant 0 : i32
    %dma_start3A_212 = tpu.memref_slice %arg9[%dma_start3A_205, %dma_start3A_211] : memref<80x128xi32, #tpu.memory_space<vmem>> -> memref<1x128xi32, #tpu.memory_space<vmem>>
    %dma_start3A_213 = tpu.memref_squeeze %dma_start3A_212 : memref<1x128xi32, #tpu.memory_space<vmem>> -> memref<128xi32, #tpu.memory_space<vmem>>
    %dma_start3A_214 = arith.constant 0 : i32
    %dma_start3A_215 = arith.constant 0 : i32
    %dma_start3A_216 = tpu.memref_slice %arg7[%dma_start3A_214, %dma_start3A_215] : memref<10112x128xf32, #tpu.memory_space<vmem_shared>> -> memref<10112x128xf32, #tpu.memory_space<vmem_shared>>
    %dma_start3A_217 = tpu.memref_slice %arg12[%dma_start3A_206] : memref<2x!tpu.dma_semaphore, #tpu.memory_space<semaphore_mem>> -> memref<1x!tpu.dma_semaphore, #tpu.memory_space<semaphore_mem>>
    %dma_start3A_218 = tpu.memref_squeeze %dma_start3A_217 : memref<1x!tpu.dma_semaphore, #tpu.memory_space<semaphore_mem>> -> memref<!tpu.dma_semaphore, #tpu.memory_space<semaphore_mem>>
    tpu.enqueue_indirect_dma source(%dma_start3A_210 : memref<128x128xf32, #tpu.memory_space<vmem>>) target(%dma_start3A_216 : memref<10112x128xf32, #tpu.memory_space<vmem_shared>>) offsets(%dma_start3A_213 : memref<128xi32, #tpu.memory_space<vmem>>) semaphore(%dma_start3A_218 : memref<!tpu.dma_semaphore, #tpu.memory_space<semaphore_mem>>) {add = true}
    %scan3A = arith.constant 0 : i32
    %scan3A_219 = arith.constant 1 : i32
    %scan3A_220 = arith.constant 39 : i32
    %scan3A_221 = arith.addi %scan3A_219, %scan3A_220 : i32
    %scan3A_222 = arith.constant 1 : i32
    scf.for %scan3A_291 = %scan3A_219 to %scan3A_221 step %scan3A_222  : i32 {
      %mul3A_292 = arith.constant 2 : i32
      %mul3A_293 = arith.muli %scan3A_291, %mul3A_292 : i32
      %jit3A = arith.constant 4 : i32
      %eq3A = arith.constant 0 : i32
      %eq3A_294 = arith.cmpi eq, %jit3A, %eq3A : i32
      %jit3A_295 = arith.constant 1 : i32
      %select_n3A = arith.select %eq3A_294, %jit3A_295, %jit3A : i32
      %rem3A = arith.remsi %mul3A_293, %select_n3A : i32
      %ne3A = arith.constant 0 : i32
      %ne3A_296 = arith.cmpi ne, %rem3A, %ne3A : i32
      %lt3A = arith.constant 0 : i32
      %lt3A_297 = arith.cmpi slt, %rem3A, %lt3A : i32
      %lt3A_298 = arith.constant 0 : i32
      %lt3A_299 = arith.cmpi slt, %select_n3A, %lt3A_298 : i32
      %ne3A_300 = arith.xori %lt3A_297, %lt3A_299 : i1
      %and3A = arith.andi %ne3A_300, %ne3A_296 : i1
      %add3A_301 = arith.addi %rem3A, %select_n3A : i32
      %select_n3A_302 = arith.select %and3A, %add3A_301, %rem3A : i32
      %dma_wait3A_303 = arith.constant 0 : i32
      %dma_wait3A_304 = tpu.memref_slice %arg8[%select_n3A_302, %dma_wait3A_303] : memref<4x128xi32, #tpu.memory_space<vmem>> -> memref<1x128xi32, #tpu.memory_space<vmem>>
      %dma_wait3A_305 = tpu.memref_squeeze %dma_wait3A_304 : memref<1x128xi32, #tpu.memory_space<vmem>> -> memref<128xi32, #tpu.memory_space<vmem>>
      %dma_wait3A_306 = arith.constant 0 : i32
      %dma_wait3A_307 = tpu.memref_slice %arg3[%add3A, %dma_wait3A_306] : memref<32x10240xi32, #tpu.memory_space<hbm>> -> memref<1x128xi32, #tpu.memory_space<hbm>>
      %dma_wait3A_308 = tpu.memref_squeeze %dma_wait3A_307 : memref<1x128xi32, #tpu.memory_space<hbm>> -> memref<128xi32, #tpu.memory_space<hbm>>
      %dma_wait3A_309 = tpu.memref_slice %arg14[%select_n3A_302] : memref<4x!tpu.dma_semaphore, #tpu.memory_space<semaphore_mem>> -> memref<1x!tpu.dma_semaphore, #tpu.memory_space<semaphore_mem>>
      %dma_wait3A_310 = tpu.memref_squeeze %dma_wait3A_309 : memref<1x!tpu.dma_semaphore, #tpu.memory_space<semaphore_mem>> -> memref<!tpu.dma_semaphore, #tpu.memory_space<semaphore_mem>>
      %dma_wait3A_311 = arith.constant 0 : i32
      %dma_wait3A_312 = tpu.memref_slice %arg8[%select_n3A_302, %dma_wait3A_311] : memref<4x128xi32, #tpu.memory_space<vmem>> -> memref<1x128xi32, #tpu.memory_space<vmem>>
      %dma_wait3A_313 = tpu.memref_squeeze %dma_wait3A_312 : memref<1x128xi32, #tpu.memory_space<vmem>> -> memref<128xi32, #tpu.memory_space<vmem>>
      %dma_wait3A_314 = arith.constant 0 : i32
      %dma_wait3A_315 = tpu.memref_slice %arg3[%add3A, %dma_wait3A_314] : memref<32x10240xi32, #tpu.memory_space<hbm>> -> memref<1x128xi32, #tpu.memory_space<hbm>>
      %dma_wait3A_316 = tpu.memref_squeeze %dma_wait3A_315 : memref<1x128xi32, #tpu.memory_space<hbm>> -> memref<128xi32, #tpu.memory_space<hbm>>
      tpu.wait_dma2 semaphore(%dma_wait3A_310 : memref<!tpu.dma_semaphore, #tpu.memory_space<semaphore_mem>>) src(%dma_wait3A_316 : memref<128xi32, #tpu.memory_space<hbm>>) dst(%dma_wait3A_313 : memref<128xi32, #tpu.memory_space<vmem>>)
      %sub3A = arith.constant 2 : i32
      %sub3A_317 = arith.subi %mul3A_293, %sub3A : i32
      %dma_wait3A_318 = arith.constant 0 : i32
      %dma_wait3A_319 = arith.constant 0 : i32
      %dma_wait3A_320 = arith.constant 0 : i32
      %dma_wait3A_321 = arith.constant 0 : i32
      %dma_wait3A_322 = tpu.memref_slice %arg10[%dma_wait3A_318, %dma_wait3A_320, %dma_wait3A_321] : memref<2x128x128xf32, #tpu.memory_space<vmem>> -> memref<1x128x128xf32, #tpu.memory_space<vmem>>
      %dma_wait3A_323 = tpu.memref_squeeze %dma_wait3A_322 : memref<1x128x128xf32, #tpu.memory_space<vmem>> -> memref<128x128xf32, #tpu.memory_space<vmem>>
      %dma_wait3A_324 = arith.constant 0 : i32
      %dma_wait3A_325 = tpu.memref_slice %arg9[%sub3A_317, %dma_wait3A_324] : memref<80x128xi32, #tpu.memory_space<vmem>> -> memref<1x128xi32, #tpu.memory_space<vmem>>
      %dma_wait3A_326 = tpu.memref_squeeze %dma_wait3A_325 : memref<1x128xi32, #tpu.memory_space<vmem>> -> memref<128xi32, #tpu.memory_space<vmem>>
      %dma_wait3A_327 = arith.constant 0 : i32
      %dma_wait3A_328 = arith.constant 0 : i32
      %dma_wait3A_329 = tpu.memref_slice %arg7[%dma_wait3A_327, %dma_wait3A_328] : memref<10112x128xf32, #tpu.memory_space<vmem_shared>> -> memref<10112x128xf32, #tpu.memory_space<vmem_shared>>
      %dma_wait3A_330 = tpu.memref_slice %arg12[%dma_wait3A_319] : memref<2x!tpu.dma_semaphore, #tpu.memory_space<semaphore_mem>> -> memref<1x!tpu.dma_semaphore, #tpu.memory_space<semaphore_mem>>
      %dma_wait3A_331 = tpu.memref_squeeze %dma_wait3A_330 : memref<1x!tpu.dma_semaphore, #tpu.memory_space<semaphore_mem>> -> memref<!tpu.dma_semaphore, #tpu.memory_space<semaphore_mem>>
      tpu.wait_indirect_dma semaphore(%dma_wait3A_331 : memref<!tpu.dma_semaphore, #tpu.memory_space<semaphore_mem>>) src(%dma_wait3A_323 : memref<128x128xf32, #tpu.memory_space<vmem>>) dst(%dma_wait3A_329 : memref<10112x128xf32, #tpu.memory_space<vmem_shared>>)
      %jit3A_332 = arith.constant 4 : i32
      %eq3A_333 = arith.constant 0 : i32
      %eq3A_334 = arith.cmpi eq, %jit3A_332, %eq3A_333 : i32
      %jit3A_335 = arith.constant 1 : i32
      %select_n3A_336 = arith.select %eq3A_334, %jit3A_335, %jit3A_332 : i32
      %rem3A_337 = arith.remsi %mul3A_293, %select_n3A_336 : i32
      %ne3A_338 = arith.constant 0 : i32
      %ne3A_339 = arith.cmpi ne, %rem3A_337, %ne3A_338 : i32
      %lt3A_340 = arith.constant 0 : i32
      %lt3A_341 = arith.cmpi slt, %rem3A_337, %lt3A_340 : i32
      %lt3A_342 = arith.constant 0 : i32
      %lt3A_343 = arith.cmpi slt, %select_n3A_336, %lt3A_342 : i32
      %ne3A_344 = arith.xori %lt3A_341, %lt3A_343 : i1
      %and3A_345 = arith.andi %ne3A_344, %ne3A_339 : i1
      %add3A_346 = arith.addi %rem3A_337, %select_n3A_336 : i32
      %select_n3A_347 = arith.select %and3A_345, %add3A_346, %rem3A_337 : i32
      %dma_start3A_348 = arith.constant 0 : i32
      %dma_start3A_349 = arith.constant 0 : i32
      %dma_start3A_350 = arith.constant 0 : i32
      %dma_start3A_351 = arith.constant 0 : i32
      %dma_start3A_352 = tpu.memref_slice %arg10[%dma_start3A_348, %dma_start3A_350, %dma_start3A_351] : memref<2x128x128xf32, #tpu.memory_space<vmem>> -> memref<1x128x128xf32, #tpu.memory_space<vmem>>
      %dma_start3A_353 = tpu.memref_squeeze %dma_start3A_352 : memref<1x128x128xf32, #tpu.memory_space<vmem>> -> memref<128x128xf32, #tpu.memory_space<vmem>>
      %dma_start3A_354 = arith.constant 0 : i32
      %dma_start3A_355 = tpu.memref_slice %arg8[%select_n3A_347, %dma_start3A_354] : memref<4x128xi32, #tpu.memory_space<vmem>> -> memref<1x128xi32, #tpu.memory_space<vmem>>
      %dma_start3A_356 = tpu.memref_squeeze %dma_start3A_355 : memref<1x128xi32, #tpu.memory_space<vmem>> -> memref<128xi32, #tpu.memory_space<vmem>>
      %dma_start3A_357 = arith.constant 0 : i32
      %dma_start3A_358 = arith.constant 0 : i32
      %dma_start3A_359 = tpu.memref_slice %arg2[%dma_start3A_357, %dma_start3A_358] : memref<10000x128xf32, #tpu.memory_space<hbm>> -> memref<10000x128xf32, #tpu.memory_space<hbm>>
      %dma_start3A_360 = tpu.memref_slice %arg11[%dma_start3A_349] : memref<2x!tpu.dma_semaphore, #tpu.memory_space<semaphore_mem>> -> memref<1x!tpu.dma_semaphore, #tpu.memory_space<semaphore_mem>>
      %dma_start3A_361 = tpu.memref_squeeze %dma_start3A_360 : memref<1x!tpu.dma_semaphore, #tpu.memory_space<semaphore_mem>> -> memref<!tpu.dma_semaphore, #tpu.memory_space<semaphore_mem>>
      tpu.enqueue_indirect_dma source(%dma_start3A_359 : memref<10000x128xf32, #tpu.memory_space<hbm>>) target(%dma_start3A_353 : memref<128x128xf32, #tpu.memory_space<vmem>>) offsets(%dma_start3A_356 : memref<128xi32, #tpu.memory_space<vmem>>) semaphore(%dma_start3A_361 : memref<!tpu.dma_semaphore, #tpu.memory_space<semaphore_mem>>)
      %add3A_362 = arith.constant 1 : i32
      %add3A_363 = arith.addi %mul3A_293, %add3A_362 : i32
      %jit3A_364 = arith.constant 4 : i32
      %eq3A_365 = arith.constant 0 : i32
      %eq3A_366 = arith.cmpi eq, %jit3A_364, %eq3A_365 : i32
      %jit3A_367 = arith.constant 1 : i32
      %select_n3A_368 = arith.select %eq3A_366, %jit3A_367, %jit3A_364 : i32
      %rem3A_369 = arith.remsi %add3A_363, %select_n3A_368 : i32
      %ne3A_370 = arith.constant 0 : i32
      %ne3A_371 = arith.cmpi ne, %rem3A_369, %ne3A_370 : i32
      %lt3A_372 = arith.constant 0 : i32
      %lt3A_373 = arith.cmpi slt, %rem3A_369, %lt3A_372 : i32
      %lt3A_374 = arith.constant 0 : i32
      %lt3A_375 = arith.cmpi slt, %select_n3A_368, %lt3A_374 : i32
      %ne3A_376 = arith.xori %lt3A_373, %lt3A_375 : i1
      %and3A_377 = arith.andi %ne3A_376, %ne3A_371 : i1
      %add3A_378 = arith.addi %rem3A_369, %select_n3A_368 : i32
      %select_n3A_379 = arith.select %and3A_377, %add3A_378, %rem3A_369 : i32
      %dma_wait3A_380 = arith.constant 0 : i32
      %dma_wait3A_381 = tpu.memref_slice %arg8[%select_n3A_379, %dma_wait3A_380] : memref<4x128xi32, #tpu.memory_space<vmem>> -> memref<1x128xi32, #tpu.memory_space<vmem>>
      %dma_wait3A_382 = tpu.memref_squeeze %dma_wait3A_381 : memref<1x128xi32, #tpu.memory_space<vmem>> -> memref<128xi32, #tpu.memory_space<vmem>>
      %dma_wait3A_383 = arith.constant 0 : i32
      %dma_wait3A_384 = tpu.memref_slice %arg3[%add3A, %dma_wait3A_383] : memref<32x10240xi32, #tpu.memory_space<hbm>> -> memref<1x128xi32, #tpu.memory_space<hbm>>
      %dma_wait3A_385 = tpu.memref_squeeze %dma_wait3A_384 : memref<1x128xi32, #tpu.memory_space<hbm>> -> memref<128xi32, #tpu.memory_space<hbm>>
      %dma_wait3A_386 = tpu.memref_slice %arg14[%select_n3A_379] : memref<4x!tpu.dma_semaphore, #tpu.memory_space<semaphore_mem>> -> memref<1x!tpu.dma_semaphore, #tpu.memory_space<semaphore_mem>>
      %dma_wait3A_387 = tpu.memref_squeeze %dma_wait3A_386 : memref<1x!tpu.dma_semaphore, #tpu.memory_space<semaphore_mem>> -> memref<!tpu.dma_semaphore, #tpu.memory_space<semaphore_mem>>
      %dma_wait3A_388 = arith.constant 0 : i32
      %dma_wait3A_389 = tpu.memref_slice %arg8[%select_n3A_379, %dma_wait3A_388] : memref<4x128xi32, #tpu.memory_space<vmem>> -> memref<1x128xi32, #tpu.memory_space<vmem>>
      %dma_wait3A_390 = tpu.memref_squeeze %dma_wait3A_389 : memref<1x128xi32, #tpu.memory_space<vmem>> -> memref<128xi32, #tpu.memory_space<vmem>>
      %dma_wait3A_391 = arith.constant 0 : i32
      %dma_wait3A_392 = tpu.memref_slice %arg3[%add3A, %dma_wait3A_391] : memref<32x10240xi32, #tpu.memory_space<hbm>> -> memref<1x128xi32, #tpu.memory_space<hbm>>
      %dma_wait3A_393 = tpu.memref_squeeze %dma_wait3A_392 : memref<1x128xi32, #tpu.memory_space<hbm>> -> memref<128xi32, #tpu.memory_space<hbm>>
      tpu.wait_dma2 semaphore(%dma_wait3A_387 : memref<!tpu.dma_semaphore, #tpu.memory_space<semaphore_mem>>) src(%dma_wait3A_393 : memref<128xi32, #tpu.memory_space<hbm>>) dst(%dma_wait3A_390 : memref<128xi32, #tpu.memory_space<vmem>>)
      %sub3A_394 = arith.constant 1 : i32
      %sub3A_395 = arith.subi %mul3A_293, %sub3A_394 : i32
      %dma_wait3A_396 = arith.constant 1 : i32
      %dma_wait3A_397 = arith.constant 1 : i32
      %dma_wait3A_398 = arith.constant 0 : i32
      %dma_wait3A_399 = arith.constant 0 : i32
      %dma_wait3A_400 = tpu.memref_slice %arg10[%dma_wait3A_396, %dma_wait3A_398, %dma_wait3A_399] : memref<2x128x128xf32, #tpu.memory_space<vmem>> -> memref<1x128x128xf32, #tpu.memory_space<vmem>>
      %dma_wait3A_401 = tpu.memref_squeeze %dma_wait3A_400 : memref<1x128x128xf32, #tpu.memory_space<vmem>> -> memref<128x128xf32, #tpu.memory_space<vmem>>
      %dma_wait3A_402 = arith.constant 0 : i32
      %dma_wait3A_403 = tpu.memref_slice %arg9[%sub3A_395, %dma_wait3A_402] : memref<80x128xi32, #tpu.memory_space<vmem>> -> memref<1x128xi32, #tpu.memory_space<vmem>>
      %dma_wait3A_404 = tpu.memref_squeeze %dma_wait3A_403 : memref<1x128xi32, #tpu.memory_space<vmem>> -> memref<128xi32, #tpu.memory_space<vmem>>
      %dma_wait3A_405 = arith.constant 0 : i32
      %dma_wait3A_406 = arith.constant 0 : i32
      %dma_wait3A_407 = tpu.memref_slice %arg7[%dma_wait3A_405, %dma_wait3A_406] : memref<10112x128xf32, #tpu.memory_space<vmem_shared>> -> memref<10112x128xf32, #tpu.memory_space<vmem_shared>>
      %dma_wait3A_408 = tpu.memref_slice %arg12[%dma_wait3A_397] : memref<2x!tpu.dma_semaphore, #tpu.memory_space<semaphore_mem>> -> memref<1x!tpu.dma_semaphore, #tpu.memory_space<semaphore_mem>>
      %dma_wait3A_409 = tpu.memref_squeeze %dma_wait3A_408 : memref<1x!tpu.dma_semaphore, #tpu.memory_space<semaphore_mem>> -> memref<!tpu.dma_semaphore, #tpu.memory_space<semaphore_mem>>
      tpu.wait_indirect_dma semaphore(%dma_wait3A_409 : memref<!tpu.dma_semaphore, #tpu.memory_space<semaphore_mem>>) src(%dma_wait3A_401 : memref<128x128xf32, #tpu.memory_space<vmem>>) dst(%dma_wait3A_407 : memref<10112x128xf32, #tpu.memory_space<vmem_shared>>)
      %add3A_410 = arith.constant 1 : i32
      %add3A_411 = arith.addi %mul3A_293, %add3A_410 : i32
      %jit3A_412 = arith.constant 4 : i32
      %eq3A_413 = arith.constant 0 : i32
      %eq3A_414 = arith.cmpi eq, %jit3A_412, %eq3A_413 : i32
      %jit3A_415 = arith.constant 1 : i32
      %select_n3A_416 = arith.select %eq3A_414, %jit3A_415, %jit3A_412 : i32
      %rem3A_417 = arith.remsi %add3A_411, %select_n3A_416 : i32
      %ne3A_418 = arith.constant 0 : i32
      %ne3A_419 = arith.cmpi ne, %rem3A_417, %ne3A_418 : i32
      %lt3A_420 = arith.constant 0 : i32
      %lt3A_421 = arith.cmpi slt, %rem3A_417, %lt3A_420 : i32
      %lt3A_422 = arith.constant 0 : i32
      %lt3A_423 = arith.cmpi slt, %select_n3A_416, %lt3A_422 : i32
      %ne3A_424 = arith.xori %lt3A_421, %lt3A_423 : i1
      %and3A_425 = arith.andi %ne3A_424, %ne3A_419 : i1
      %add3A_426 = arith.addi %rem3A_417, %select_n3A_416 : i32
      %select_n3A_427 = arith.select %and3A_425, %add3A_426, %rem3A_417 : i32
      %dma_start3A_428 = arith.constant 1 : i32
      %dma_start3A_429 = arith.constant 1 : i32
      %dma_start3A_430 = arith.constant 0 : i32
      %dma_start3A_431 = arith.constant 0 : i32
      %dma_start3A_432 = tpu.memref_slice %arg10[%dma_start3A_428, %dma_start3A_430, %dma_start3A_431] : memref<2x128x128xf32, #tpu.memory_space<vmem>> -> memref<1x128x128xf32, #tpu.memory_space<vmem>>
      %dma_start3A_433 = tpu.memref_squeeze %dma_start3A_432 : memref<1x128x128xf32, #tpu.memory_space<vmem>> -> memref<128x128xf32, #tpu.memory_space<vmem>>
      %dma_start3A_434 = arith.constant 0 : i32
      %dma_start3A_435 = tpu.memref_slice %arg8[%select_n3A_427, %dma_start3A_434] : memref<4x128xi32, #tpu.memory_space<vmem>> -> memref<1x128xi32, #tpu.memory_space<vmem>>
      %dma_start3A_436 = tpu.memref_squeeze %dma_start3A_435 : memref<1x128xi32, #tpu.memory_space<vmem>> -> memref<128xi32, #tpu.memory_space<vmem>>
      %dma_start3A_437 = arith.constant 0 : i32
      %dma_start3A_438 = arith.constant 0 : i32
      %dma_start3A_439 = tpu.memref_slice %arg2[%dma_start3A_437, %dma_start3A_438] : memref<10000x128xf32, #tpu.memory_space<hbm>> -> memref<10000x128xf32, #tpu.memory_space<hbm>>
      %dma_start3A_440 = tpu.memref_slice %arg11[%dma_start3A_429] : memref<2x!tpu.dma_semaphore, #tpu.memory_space<semaphore_mem>> -> memref<1x!tpu.dma_semaphore, #tpu.memory_space<semaphore_mem>>
      %dma_start3A_441 = tpu.memref_squeeze %dma_start3A_440 : memref<1x!tpu.dma_semaphore, #tpu.memory_space<semaphore_mem>> -> memref<!tpu.dma_semaphore, #tpu.memory_space<semaphore_mem>>
      tpu.enqueue_indirect_dma source(%dma_start3A_439 : memref<10000x128xf32, #tpu.memory_space<hbm>>) target(%dma_start3A_433 : memref<128x128xf32, #tpu.memory_space<vmem>>) offsets(%dma_start3A_436 : memref<128xi32, #tpu.memory_space<vmem>>) semaphore(%dma_start3A_441 : memref<!tpu.dma_semaphore, #tpu.memory_space<semaphore_mem>>)
      %add3A_442 = arith.constant 2 : i32
      %add3A_443 = arith.addi %mul3A_293, %add3A_442 : i32
      %min3A = arith.constant 79 : i32
      %min3A_444 = arith.minsi %add3A_443, %min3A : i32
      %jit3A_445 = arith.constant 4 : i32
      %eq3A_446 = arith.constant 0 : i32
      %eq3A_447 = arith.cmpi eq, %jit3A_445, %eq3A_446 : i32
      %jit3A_448 = arith.constant 1 : i32
      %select_n3A_449 = arith.select %eq3A_447, %jit3A_448, %jit3A_445 : i32
      %rem3A_450 = arith.remsi %min3A_444, %select_n3A_449 : i32
      %ne3A_451 = arith.constant 0 : i32
      %ne3A_452 = arith.cmpi ne, %rem3A_450, %ne3A_451 : i32
      %lt3A_453 = arith.constant 0 : i32
      %lt3A_454 = arith.cmpi slt, %rem3A_450, %lt3A_453 : i32
      %lt3A_455 = arith.constant 0 : i32
      %lt3A_456 = arith.cmpi slt, %select_n3A_449, %lt3A_455 : i32
      %ne3A_457 = arith.xori %lt3A_454, %lt3A_456 : i1
      %and3A_458 = arith.andi %ne3A_457, %ne3A_452 : i1
      %add3A_459 = arith.addi %rem3A_450, %select_n3A_449 : i32
      %select_n3A_460 = arith.select %and3A_458, %add3A_459, %rem3A_450 : i32
      %mul3A_461 = arith.constant 128 : i32
      %mul3A_462 = arith.muli %min3A_444, %mul3A_461 : i32
      %dma_start3A_463 = arith.constant 0 : i32
      %dma_start3A_464 = tpu.memref_slice %arg8[%select_n3A_460, %dma_start3A_463] : memref<4x128xi32, #tpu.memory_space<vmem>> -> memref<1x128xi32, #tpu.memory_space<vmem>>
      %dma_start3A_465 = tpu.memref_squeeze %dma_start3A_464 : memref<1x128xi32, #tpu.memory_space<vmem>> -> memref<128xi32, #tpu.memory_space<vmem>>
      %dma_start3A_466 = tpu.memref_slice %arg3[%add3A, %mul3A_462] : memref<32x10240xi32, #tpu.memory_space<hbm>> -> memref<1x128xi32, #tpu.memory_space<hbm>>
      %dma_start3A_467 = tpu.memref_squeeze %dma_start3A_466 : memref<1x128xi32, #tpu.memory_space<hbm>> -> memref<128xi32, #tpu.memory_space<hbm>>
      %dma_start3A_468 = tpu.memref_slice %arg14[%select_n3A_460] : memref<4x!tpu.dma_semaphore, #tpu.memory_space<semaphore_mem>> -> memref<1x!tpu.dma_semaphore, #tpu.memory_space<semaphore_mem>>
      %dma_start3A_469 = tpu.memref_squeeze %dma_start3A_468 : memref<1x!tpu.dma_semaphore, #tpu.memory_space<semaphore_mem>> -> memref<!tpu.dma_semaphore, #tpu.memory_space<semaphore_mem>>
      %dma_start3A_470 = arith.constant 0 : i32
      %dma_start3A_471 = tpu.memref_slice %arg8[%select_n3A_460, %dma_start3A_470] : memref<4x128xi32, #tpu.memory_space<vmem>> -> memref<1x128xi32, #tpu.memory_space<vmem>>
      %dma_start3A_472 = tpu.memref_squeeze %dma_start3A_471 : memref<1x128xi32, #tpu.memory_space<vmem>> -> memref<128xi32, #tpu.memory_space<vmem>>
      %dma_start3A_473 = tpu.memref_slice %arg3[%add3A, %mul3A_462] : memref<32x10240xi32, #tpu.memory_space<hbm>> -> memref<1x128xi32, #tpu.memory_space<hbm>>
      %dma_start3A_474 = tpu.memref_squeeze %dma_start3A_473 : memref<1x128xi32, #tpu.memory_space<hbm>> -> memref<128xi32, #tpu.memory_space<hbm>>
      tpu.enqueue_dma source(%dma_start3A_474 : memref<128xi32, #tpu.memory_space<hbm>>) target(%dma_start3A_472 : memref<128xi32, #tpu.memory_space<vmem>>) target_semaphore(%dma_start3A_469 : memref<!tpu.dma_semaphore, #tpu.memory_space<semaphore_mem>>)
      %add3A_475 = arith.constant 2 : i32
      %add3A_476 = arith.addi %mul3A_293, %add3A_475 : i32
      %add3A_477 = arith.constant 1 : i32
      %add3A_478 = arith.addi %add3A_476, %add3A_477 : i32
      %min3A_479 = arith.constant 79 : i32
      %min3A_480 = arith.minsi %add3A_478, %min3A_479 : i32
      %jit3A_481 = arith.constant 4 : i32
      %eq3A_482 = arith.constant 0 : i32
      %eq3A_483 = arith.cmpi eq, %jit3A_481, %eq3A_482 : i32
      %jit3A_484 = arith.constant 1 : i32
      %select_n3A_485 = arith.select %eq3A_483, %jit3A_484, %jit3A_481 : i32
      %rem3A_486 = arith.remsi %min3A_480, %select_n3A_485 : i32
      %ne3A_487 = arith.constant 0 : i32
      %ne3A_488 = arith.cmpi ne, %rem3A_486, %ne3A_487 : i32
      %lt3A_489 = arith.constant 0 : i32
      %lt3A_490 = arith.cmpi slt, %rem3A_486, %lt3A_489 : i32
      %lt3A_491 = arith.constant 0 : i32
      %lt3A_492 = arith.cmpi slt, %select_n3A_485, %lt3A_491 : i32
      %ne3A_493 = arith.xori %lt3A_490, %lt3A_492 : i1
      %and3A_494 = arith.andi %ne3A_493, %ne3A_488 : i1
      %add3A_495 = arith.addi %rem3A_486, %select_n3A_485 : i32
      %select_n3A_496 = arith.select %and3A_494, %add3A_495, %rem3A_486 : i32
      %mul3A_497 = arith.constant 128 : i32
      %mul3A_498 = arith.muli %min3A_480, %mul3A_497 : i32
      %dma_start3A_499 = arith.constant 0 : i32
      %dma_start3A_500 = tpu.memref_slice %arg8[%select_n3A_496, %dma_start3A_499] : memref<4x128xi32, #tpu.memory_space<vmem>> -> memref<1x128xi32, #tpu.memory_space<vmem>>
      %dma_start3A_501 = tpu.memref_squeeze %dma_start3A_500 : memref<1x128xi32, #tpu.memory_space<vmem>> -> memref<128xi32, #tpu.memory_space<vmem>>
      %dma_start3A_502 = tpu.memref_slice %arg3[%add3A, %mul3A_498] : memref<32x10240xi32, #tpu.memory_space<hbm>> -> memref<1x128xi32, #tpu.memory_space<hbm>>
      %dma_start3A_503 = tpu.memref_squeeze %dma_start3A_502 : memref<1x128xi32, #tpu.memory_space<hbm>> -> memref<128xi32, #tpu.memory_space<hbm>>
      %dma_start3A_504 = tpu.memref_slice %arg14[%select_n3A_496] : memref<4x!tpu.dma_semaphore, #tpu.memory_space<semaphore_mem>> -> memref<1x!tpu.dma_semaphore, #tpu.memory_space<semaphore_mem>>
      %dma_start3A_505 = tpu.memref_squeeze %dma_start3A_504 : memref<1x!tpu.dma_semaphore, #tpu.memory_space<semaphore_mem>> -> memref<!tpu.dma_semaphore, #tpu.memory_space<semaphore_mem>>
      %dma_start3A_506 = arith.constant 0 : i32
      %dma_start3A_507 = tpu.memref_slice %arg8[%select_n3A_496, %dma_start3A_506] : memref<4x128xi32, #tpu.memory_space<vmem>> -> memref<1x128xi32, #tpu.memory_space<vmem>>
      %dma_start3A_508 = tpu.memref_squeeze %dma_start3A_507 : memref<1x128xi32, #tpu.memory_space<vmem>> -> memref<128xi32, #tpu.memory_space<vmem>>
      %dma_start3A_509 = tpu.memref_slice %arg3[%add3A, %mul3A_498] : memref<32x10240xi32, #tpu.memory_space<hbm>> -> memref<1x128xi32, #tpu.memory_space<hbm>>
      %dma_start3A_510 = tpu.memref_squeeze %dma_start3A_509 : memref<1x128xi32, #tpu.memory_space<hbm>> -> memref<128xi32, #tpu.memory_space<hbm>>
      tpu.enqueue_dma source(%dma_start3A_510 : memref<128xi32, #tpu.memory_space<hbm>>) target(%dma_start3A_508 : memref<128xi32, #tpu.memory_space<vmem>>) target_semaphore(%dma_start3A_505 : memref<!tpu.dma_semaphore, #tpu.memory_space<semaphore_mem>>)
      %dma_wait3A_511 = arith.constant 0 : i32
      %dma_wait3A_512 = arith.constant 0 : i32
      %dma_wait3A_513 = arith.constant 0 : i32
      %dma_wait3A_514 = arith.constant 0 : i32
      %dma_wait3A_515 = arith.constant 0 : i32
      %dma_wait3A_516 = tpu.memref_slice %arg10[%dma_wait3A_512, %dma_wait3A_514, %dma_wait3A_515] : memref<2x128x128xf32, #tpu.memory_space<vmem>> -> memref<1x128x128xf32, #tpu.memory_space<vmem>>
      %dma_wait3A_517 = tpu.memref_squeeze %dma_wait3A_516 : memref<1x128x128xf32, #tpu.memory_space<vmem>> -> memref<128x128xf32, #tpu.memory_space<vmem>>
      %dma_wait3A_518 = arith.constant 0 : i32
      %dma_wait3A_519 = tpu.memref_slice %arg8[%dma_wait3A_511, %dma_wait3A_518] : memref<4x128xi32, #tpu.memory_space<vmem>> -> memref<1x128xi32, #tpu.memory_space<vmem>>
      %dma_wait3A_520 = tpu.memref_squeeze %dma_wait3A_519 : memref<1x128xi32, #tpu.memory_space<vmem>> -> memref<128xi32, #tpu.memory_space<vmem>>
      %dma_wait3A_521 = arith.constant 0 : i32
      %dma_wait3A_522 = arith.constant 0 : i32
      %dma_wait3A_523 = tpu.memref_slice %arg2[%dma_wait3A_521, %dma_wait3A_522] : memref<10000x128xf32, #tpu.memory_space<hbm>> -> memref<10000x128xf32, #tpu.memory_space<hbm>>
      %dma_wait3A_524 = tpu.memref_slice %arg11[%dma_wait3A_513] : memref<2x!tpu.dma_semaphore, #tpu.memory_space<semaphore_mem>> -> memref<1x!tpu.dma_semaphore, #tpu.memory_space<semaphore_mem>>
      %dma_wait3A_525 = tpu.memref_squeeze %dma_wait3A_524 : memref<1x!tpu.dma_semaphore, #tpu.memory_space<semaphore_mem>> -> memref<!tpu.dma_semaphore, #tpu.memory_space<semaphore_mem>>
      tpu.wait_indirect_dma semaphore(%dma_wait3A_525 : memref<!tpu.dma_semaphore, #tpu.memory_space<semaphore_mem>>) src(%dma_wait3A_523 : memref<10000x128xf32, #tpu.memory_space<hbm>>) dst(%dma_wait3A_517 : memref<128x128xf32, #tpu.memory_space<vmem>>)
      %dma_start3A_526 = arith.constant 0 : i32
      %dma_start3A_527 = arith.constant 0 : i32
      %dma_start3A_528 = arith.constant 0 : i32
      %dma_start3A_529 = arith.constant 0 : i32
      %dma_start3A_530 = tpu.memref_slice %arg10[%dma_start3A_526, %dma_start3A_528, %dma_start3A_529] : memref<2x128x128xf32, #tpu.memory_space<vmem>> -> memref<1x128x128xf32, #tpu.memory_space<vmem>>
      %dma_start3A_531 = tpu.memref_squeeze %dma_start3A_530 : memref<1x128x128xf32, #tpu.memory_space<vmem>> -> memref<128x128xf32, #tpu.memory_space<vmem>>
      %dma_start3A_532 = arith.constant 0 : i32
      %dma_start3A_533 = tpu.memref_slice %arg9[%mul3A_293, %dma_start3A_532] : memref<80x128xi32, #tpu.memory_space<vmem>> -> memref<1x128xi32, #tpu.memory_space<vmem>>
      %dma_start3A_534 = tpu.memref_squeeze %dma_start3A_533 : memref<1x128xi32, #tpu.memory_space<vmem>> -> memref<128xi32, #tpu.memory_space<vmem>>
      %dma_start3A_535 = arith.constant 0 : i32
      %dma_start3A_536 = arith.constant 0 : i32
      %dma_start3A_537 = tpu.memref_slice %arg7[%dma_start3A_535, %dma_start3A_536] : memref<10112x128xf32, #tpu.memory_space<vmem_shared>> -> memref<10112x128xf32, #tpu.memory_space<vmem_shared>>
      %dma_start3A_538 = tpu.memref_slice %arg12[%dma_start3A_527] : memref<2x!tpu.dma_semaphore, #tpu.memory_space<semaphore_mem>> -> memref<1x!tpu.dma_semaphore, #tpu.memory_space<semaphore_mem>>
      %dma_start3A_539 = tpu.memref_squeeze %dma_start3A_538 : memref<1x!tpu.dma_semaphore, #tpu.memory_space<semaphore_mem>> -> memref<!tpu.dma_semaphore, #tpu.memory_space<semaphore_mem>>
      tpu.enqueue_indirect_dma source(%dma_start3A_531 : memref<128x128xf32, #tpu.memory_space<vmem>>) target(%dma_start3A_537 : memref<10112x128xf32, #tpu.memory_space<vmem_shared>>) offsets(%dma_start3A_534 : memref<128xi32, #tpu.memory_space<vmem>>) semaphore(%dma_start3A_539 : memref<!tpu.dma_semaphore, #tpu.memory_space<semaphore_mem>>) {add = true}
      %dma_wait3A_540 = arith.constant 0 : i32
      %dma_wait3A_541 = arith.constant 1 : i32
      %dma_wait3A_542 = arith.constant 1 : i32
      %dma_wait3A_543 = arith.constant 0 : i32
      %dma_wait3A_544 = arith.constant 0 : i32
      %dma_wait3A_545 = tpu.memref_slice %arg10[%dma_wait3A_541, %dma_wait3A_543, %dma_wait3A_544] : memref<2x128x128xf32, #tpu.memory_space<vmem>> -> memref<1x128x128xf32, #tpu.memory_space<vmem>>
      %dma_wait3A_546 = tpu.memref_squeeze %dma_wait3A_545 : memref<1x128x128xf32, #tpu.memory_space<vmem>> -> memref<128x128xf32, #tpu.memory_space<vmem>>
      %dma_wait3A_547 = arith.constant 0 : i32
      %dma_wait3A_548 = tpu.memref_slice %arg8[%dma_wait3A_540, %dma_wait3A_547] : memref<4x128xi32, #tpu.memory_space<vmem>> -> memref<1x128xi32, #tpu.memory_space<vmem>>
      %dma_wait3A_549 = tpu.memref_squeeze %dma_wait3A_548 : memref<1x128xi32, #tpu.memory_space<vmem>> -> memref<128xi32, #tpu.memory_space<vmem>>
      %dma_wait3A_550 = arith.constant 0 : i32
      %dma_wait3A_551 = arith.constant 0 : i32
      %dma_wait3A_552 = tpu.memref_slice %arg2[%dma_wait3A_550, %dma_wait3A_551] : memref<10000x128xf32, #tpu.memory_space<hbm>> -> memref<10000x128xf32, #tpu.memory_space<hbm>>
      %dma_wait3A_553 = tpu.memref_slice %arg11[%dma_wait3A_542] : memref<2x!tpu.dma_semaphore, #tpu.memory_space<semaphore_mem>> -> memref<1x!tpu.dma_semaphore, #tpu.memory_space<semaphore_mem>>
      %dma_wait3A_554 = tpu.memref_squeeze %dma_wait3A_553 : memref<1x!tpu.dma_semaphore, #tpu.memory_space<semaphore_mem>> -> memref<!tpu.dma_semaphore, #tpu.memory_space<semaphore_mem>>
      tpu.wait_indirect_dma semaphore(%dma_wait3A_554 : memref<!tpu.dma_semaphore, #tpu.memory_space<semaphore_mem>>) src(%dma_wait3A_552 : memref<10000x128xf32, #tpu.memory_space<hbm>>) dst(%dma_wait3A_546 : memref<128x128xf32, #tpu.memory_space<vmem>>)
      %add3A_555 = arith.constant 1 : i32
      %add3A_556 = arith.addi %mul3A_293, %add3A_555 : i32
      %dma_start3A_557 = arith.constant 1 : i32
      %dma_start3A_558 = arith.constant 1 : i32
      %dma_start3A_559 = arith.constant 0 : i32
      %dma_start3A_560 = arith.constant 0 : i32
      %dma_start3A_561 = tpu.memref_slice %arg10[%dma_start3A_557, %dma_start3A_559, %dma_start3A_560] : memref<2x128x128xf32, #tpu.memory_space<vmem>> -> memref<1x128x128xf32, #tpu.memory_space<vmem>>
      %dma_start3A_562 = tpu.memref_squeeze %dma_start3A_561 : memref<1x128x128xf32, #tpu.memory_space<vmem>> -> memref<128x128xf32, #tpu.memory_space<vmem>>
      %dma_start3A_563 = arith.constant 0 : i32
      %dma_start3A_564 = tpu.memref_slice %arg9[%add3A_556, %dma_start3A_563] : memref<80x128xi32, #tpu.memory_space<vmem>> -> memref<1x128xi32, #tpu.memory_space<vmem>>
      %dma_start3A_565 = tpu.memref_squeeze %dma_start3A_564 : memref<1x128xi32, #tpu.memory_space<vmem>> -> memref<128xi32, #tpu.memory_space<vmem>>
      %dma_start3A_566 = arith.constant 0 : i32
      %dma_start3A_567 = arith.constant 0 : i32
      %dma_start3A_568 = tpu.memref_slice %arg7[%dma_start3A_566, %dma_start3A_567] : memref<10112x128xf32, #tpu.memory_space<vmem_shared>> -> memref<10112x128xf32, #tpu.memory_space<vmem_shared>>
      %dma_start3A_569 = tpu.memref_slice %arg12[%dma_start3A_558] : memref<2x!tpu.dma_semaphore, #tpu.memory_space<semaphore_mem>> -> memref<1x!tpu.dma_semaphore, #tpu.memory_space<semaphore_mem>>
      %dma_start3A_570 = tpu.memref_squeeze %dma_start3A_569 : memref<1x!tpu.dma_semaphore, #tpu.memory_space<semaphore_mem>> -> memref<!tpu.dma_semaphore, #tpu.memory_space<semaphore_mem>>
      tpu.enqueue_indirect_dma source(%dma_start3A_562 : memref<128x128xf32, #tpu.memory_space<vmem>>) target(%dma_start3A_568 : memref<10112x128xf32, #tpu.memory_space<vmem_shared>>) offsets(%dma_start3A_565 : memref<128xi32, #tpu.memory_space<vmem>>) semaphore(%dma_start3A_570 : memref<!tpu.dma_semaphore, #tpu.memory_space<semaphore_mem>>) {add = true}
    }
    %scan3A_223 = arith.constant 39 : i32
    %dma_wait3A_224 = arith.constant 0 : i32
    %dma_wait3A_225 = arith.constant 78 : i32
    %dma_wait3A_226 = arith.constant 0 : i32
    %dma_wait3A_227 = arith.constant 0 : i32
    %dma_wait3A_228 = arith.constant 0 : i32
    %dma_wait3A_229 = tpu.memref_slice %arg10[%dma_wait3A_224, %dma_wait3A_227, %dma_wait3A_228] : memref<2x128x128xf32, #tpu.memory_space<vmem>> -> memref<1x128x128xf32, #tpu.memory_space<vmem>>
    %dma_wait3A_230 = tpu.memref_squeeze %dma_wait3A_229 : memref<1x128x128xf32, #tpu.memory_space<vmem>> -> memref<128x128xf32, #tpu.memory_space<vmem>>
    %dma_wait3A_231 = arith.constant 0 : i32
    %dma_wait3A_232 = tpu.memref_slice %arg9[%dma_wait3A_225, %dma_wait3A_231] : memref<80x128xi32, #tpu.memory_space<vmem>> -> memref<1x128xi32, #tpu.memory_space<vmem>>
    %dma_wait3A_233 = tpu.memref_squeeze %dma_wait3A_232 : memref<1x128xi32, #tpu.memory_space<vmem>> -> memref<128xi32, #tpu.memory_space<vmem>>
    %dma_wait3A_234 = arith.constant 0 : i32
    %dma_wait3A_235 = arith.constant 0 : i32
    %dma_wait3A_236 = tpu.memref_slice %arg7[%dma_wait3A_234, %dma_wait3A_235] : memref<10112x128xf32, #tpu.memory_space<vmem_shared>> -> memref<10112x128xf32, #tpu.memory_space<vmem_shared>>
    %dma_wait3A_237 = tpu.memref_slice %arg12[%dma_wait3A_226] : memref<2x!tpu.dma_semaphore, #tpu.memory_space<semaphore_mem>> -> memref<1x!tpu.dma_semaphore, #tpu.memory_space<semaphore_mem>>
    %dma_wait3A_238 = tpu.memref_squeeze %dma_wait3A_237 : memref<1x!tpu.dma_semaphore, #tpu.memory_space<semaphore_mem>> -> memref<!tpu.dma_semaphore, #tpu.memory_space<semaphore_mem>>
    tpu.wait_indirect_dma semaphore(%dma_wait3A_238 : memref<!tpu.dma_semaphore, #tpu.memory_space<semaphore_mem>>) src(%dma_wait3A_230 : memref<128x128xf32, #tpu.memory_space<vmem>>) dst(%dma_wait3A_236 : memref<10112x128xf32, #tpu.memory_space<vmem_shared>>)
    %dma_wait3A_239 = arith.constant 1 : i32
    %dma_wait3A_240 = arith.constant 79 : i32
    %dma_wait3A_241 = arith.constant 1 : i32
    %dma_wait3A_242 = arith.constant 0 : i32
    %dma_wait3A_243 = arith.constant 0 : i32
    %dma_wait3A_244 = tpu.memref_slice %arg10[%dma_wait3A_239, %dma_wait3A_242, %dma_wait3A_243] : memref<2x128x128xf32, #tpu.memory_space<vmem>> -> memref<1x128x128xf32, #tpu.memory_space<vmem>>
    %dma_wait3A_245 = tpu.memref_squeeze %dma_wait3A_244 : memref<1x128x128xf32, #tpu.memory_space<vmem>> -> memref<128x128xf32, #tpu.memory_space<vmem>>
    %dma_wait3A_246 = arith.constant 0 : i32
    %dma_wait3A_247 = tpu.memref_slice %arg9[%dma_wait3A_240, %dma_wait3A_246] : memref<80x128xi32, #tpu.memory_space<vmem>> -> memref<1x128xi32, #tpu.memory_space<vmem>>
    %dma_wait3A_248 = tpu.memref_squeeze %dma_wait3A_247 : memref<1x128xi32, #tpu.memory_space<vmem>> -> memref<128xi32, #tpu.memory_space<vmem>>
    %dma_wait3A_249 = arith.constant 0 : i32
    %dma_wait3A_250 = arith.constant 0 : i32
    %dma_wait3A_251 = tpu.memref_slice %arg7[%dma_wait3A_249, %dma_wait3A_250] : memref<10112x128xf32, #tpu.memory_space<vmem_shared>> -> memref<10112x128xf32, #tpu.memory_space<vmem_shared>>
    %dma_wait3A_252 = tpu.memref_slice %arg12[%dma_wait3A_241] : memref<2x!tpu.dma_semaphore, #tpu.memory_space<semaphore_mem>> -> memref<1x!tpu.dma_semaphore, #tpu.memory_space<semaphore_mem>>
    %dma_wait3A_253 = tpu.memref_squeeze %dma_wait3A_252 : memref<1x!tpu.dma_semaphore, #tpu.memory_space<semaphore_mem>> -> memref<!tpu.dma_semaphore, #tpu.memory_space<semaphore_mem>>
    tpu.wait_indirect_dma semaphore(%dma_wait3A_253 : memref<!tpu.dma_semaphore, #tpu.memory_space<semaphore_mem>>) src(%dma_wait3A_245 : memref<128x128xf32, #tpu.memory_space<vmem>>) dst(%dma_wait3A_251 : memref<10112x128xf32, #tpu.memory_space<vmem_shared>>)
    %dma_wait3A_254 = arith.constant 3 : i32
    %dma_wait3A_255 = arith.constant 3 : i32
    %dma_wait3A_256 = arith.constant 0 : i32
    %dma_wait3A_257 = tpu.memref_slice %arg8[%dma_wait3A_254, %dma_wait3A_256] : memref<4x128xi32, #tpu.memory_space<vmem>> -> memref<1x128xi32, #tpu.memory_space<vmem>>
    %dma_wait3A_258 = tpu.memref_squeeze %dma_wait3A_257 : memref<1x128xi32, #tpu.memory_space<vmem>> -> memref<128xi32, #tpu.memory_space<vmem>>
    %dma_wait3A_259 = arith.constant 0 : i32
    %dma_wait3A_260 = tpu.memref_slice %arg3[%add3A, %dma_wait3A_259] : memref<32x10240xi32, #tpu.memory_space<hbm>> -> memref<1x128xi32, #tpu.memory_space<hbm>>
    %dma_wait3A_261 = tpu.memref_squeeze %dma_wait3A_260 : memref<1x128xi32, #tpu.memory_space<hbm>> -> memref<128xi32, #tpu.memory_space<hbm>>
    %dma_wait3A_262 = tpu.memref_slice %arg14[%dma_wait3A_255] : memref<4x!tpu.dma_semaphore, #tpu.memory_space<semaphore_mem>> -> memref<1x!tpu.dma_semaphore, #tpu.memory_space<semaphore_mem>>
    %dma_wait3A_263 = tpu.memref_squeeze %dma_wait3A_262 : memref<1x!tpu.dma_semaphore, #tpu.memory_space<semaphore_mem>> -> memref<!tpu.dma_semaphore, #tpu.memory_space<semaphore_mem>>
    %dma_wait3A_264 = arith.constant 0 : i32
    %dma_wait3A_265 = tpu.memref_slice %arg8[%dma_wait3A_254, %dma_wait3A_264] : memref<4x128xi32, #tpu.memory_space<vmem>> -> memref<1x128xi32, #tpu.memory_space<vmem>>
    %dma_wait3A_266 = tpu.memref_squeeze %dma_wait3A_265 : memref<1x128xi32, #tpu.memory_space<vmem>> -> memref<128xi32, #tpu.memory_space<vmem>>
    %dma_wait3A_267 = arith.constant 0 : i32
    %dma_wait3A_268 = tpu.memref_slice %arg3[%add3A, %dma_wait3A_267] : memref<32x10240xi32, #tpu.memory_space<hbm>> -> memref<1x128xi32, #tpu.memory_space<hbm>>
    %dma_wait3A_269 = tpu.memref_squeeze %dma_wait3A_268 : memref<1x128xi32, #tpu.memory_space<hbm>> -> memref<128xi32, #tpu.memory_space<hbm>>
    tpu.wait_dma2 semaphore(%dma_wait3A_263 : memref<!tpu.dma_semaphore, #tpu.memory_space<semaphore_mem>>) src(%dma_wait3A_269 : memref<128xi32, #tpu.memory_space<hbm>>) dst(%dma_wait3A_266 : memref<128xi32, #tpu.memory_space<vmem>>)
    %dma_wait3A_270 = arith.constant 3 : i32
    %dma_wait3A_271 = arith.constant 3 : i32
    %dma_wait3A_272 = arith.constant 0 : i32
    %dma_wait3A_273 = tpu.memref_slice %arg8[%dma_wait3A_270, %dma_wait3A_272] : memref<4x128xi32, #tpu.memory_space<vmem>> -> memref<1x128xi32, #tpu.memory_space<vmem>>
    %dma_wait3A_274 = tpu.memref_squeeze %dma_wait3A_273 : memref<1x128xi32, #tpu.memory_space<vmem>> -> memref<128xi32, #tpu.memory_space<vmem>>
    %dma_wait3A_275 = arith.constant 0 : i32
    %dma_wait3A_276 = tpu.memref_slice %arg3[%add3A, %dma_wait3A_275] : memref<32x10240xi32, #tpu.memory_space<hbm>> -> memref<1x128xi32, #tpu.memory_space<hbm>>
    %dma_wait3A_277 = tpu.memref_squeeze %dma_wait3A_276 : memref<1x128xi32, #tpu.memory_space<hbm>> -> memref<128xi32, #tpu.memory_space<hbm>>
    %dma_wait3A_278 = tpu.memref_slice %arg14[%dma_wait3A_271] : memref<4x!tpu.dma_semaphore, #tpu.memory_space<semaphore_mem>> -> memref<1x!tpu.dma_semaphore, #tpu.memory_space<semaphore_mem>>
    %dma_wait3A_279 = tpu.memref_squeeze %dma_wait3A_278 : memref<1x!tpu.dma_semaphore, #tpu.memory_space<semaphore_mem>> -> memref<!tpu.dma_semaphore, #tpu.memory_space<semaphore_mem>>
    %dma_wait3A_280 = arith.constant 0 : i32
    %dma_wait3A_281 = tpu.memref_slice %arg8[%dma_wait3A_270, %dma_wait3A_280] : memref<4x128xi32, #tpu.memory_space<vmem>> -> memref<1x128xi32, #tpu.memory_space<vmem>>
    %dma_wait3A_282 = tpu.memref_squeeze %dma_wait3A_281 : memref<1x128xi32, #tpu.memory_space<vmem>> -> memref<128xi32, #tpu.memory_space<vmem>>
    %dma_wait3A_283 = arith.constant 0 : i32
    %dma_wait3A_284 = tpu.memref_slice %arg3[%add3A, %dma_wait3A_283] : memref<32x10240xi32, #tpu.memory_space<hbm>> -> memref<1x128xi32, #tpu.memory_space<hbm>>
    %dma_wait3A_285 = tpu.memref_squeeze %dma_wait3A_284 : memref<1x128xi32, #tpu.memory_space<hbm>> -> memref<128xi32, #tpu.memory_space<hbm>>
    tpu.wait_dma2 semaphore(%dma_wait3A_279 : memref<!tpu.dma_semaphore, #tpu.memory_space<semaphore_mem>>) src(%dma_wait3A_285 : memref<128xi32, #tpu.memory_space<hbm>>) dst(%dma_wait3A_282 : memref<128xi32, #tpu.memory_space<vmem>>)
    %barrier3A_286 = arith.constant 0 : index
    tpu.barrier barrier_id(%barrier3A_286)
    %mul3A_287 = arith.constant 632 : i32
    %mul3A_288 = arith.muli %arg1, %mul3A_287 : i32
    %mul3A_289 = arith.constant 632 : i32
    %mul3A_290 = arith.muli %arg1, %mul3A_289 : i32
    "tpu.region"() ({
      %run_scoped3A = tpu.sem_alloc : memref<!tpu.dma_semaphore, #tpu.memory_space<semaphore_mem>>
      %dma_start3A_291 = arith.constant 0 : i32
      %dma_start3A_292 = tpu.memref_slice %arg6[%arg0, %mul3A_290, %dma_start3A_291] : memref<2x10112x128xf32, #tpu.memory_space<hbm>> -> memref<1x632x128xf32, #tpu.memory_space<hbm>>
      %dma_start3A_293 = tpu.memref_squeeze %dma_start3A_292 : memref<1x632x128xf32, #tpu.memory_space<hbm>> -> memref<632x128xf32, #tpu.memory_space<hbm>>
      %dma_start3A_294 = arith.constant 0 : i32
      %dma_start3A_295 = tpu.memref_slice %arg7[%mul3A_288, %dma_start3A_294] : memref<10112x128xf32, #tpu.memory_space<vmem_shared>> -> memref<632x128xf32, #tpu.memory_space<vmem_shared>>
      tpu.enqueue_dma source(%dma_start3A_295 : memref<632x128xf32, #tpu.memory_space<vmem_shared>>) target(%dma_start3A_293 : memref<632x128xf32, #tpu.memory_space<hbm>>) target_semaphore(%run_scoped3A : memref<!tpu.dma_semaphore, #tpu.memory_space<semaphore_mem>>)
      %dma_wait3A_296 = arith.constant 0 : i32
      %dma_wait3A_297 = tpu.memref_slice %arg6[%arg0, %mul3A_290, %dma_wait3A_296] : memref<2x10112x128xf32, #tpu.memory_space<hbm>> -> memref<1x632x128xf32, #tpu.memory_space<hbm>>
      %dma_wait3A_298 = tpu.memref_squeeze %dma_wait3A_297 : memref<1x632x128xf32, #tpu.memory_space<hbm>> -> memref<632x128xf32, #tpu.memory_space<hbm>>
      %dma_wait3A_299 = arith.constant 0 : i32
      %dma_wait3A_300 = tpu.memref_slice %arg7[%mul3A_288, %dma_wait3A_299] : memref<10112x128xf32, #tpu.memory_space<vmem_shared>> -> memref<632x128xf32, #tpu.memory_space<vmem_shared>>
      tpu.wait_dma2 semaphore(%run_scoped3A : memref<!tpu.dma_semaphore, #tpu.memory_space<semaphore_mem>>) src(%dma_wait3A_300 : memref<632x128xf32, #tpu.memory_space<vmem_shared>>) dst(%dma_wait3A_298 : memref<632x128xf32, #tpu.memory_space<hbm>>)
      tpu.yield
    }) : () -> ()
    return
  }
}

#map = affine_map<(d0, d1) -> (0, 0)>
#map1 = affine_map<(d0, d1) -> (0, 0, 0)>
module attributes {stable_mosaic.version = 14 : i64} {
  func.func @prop(%arg0: i32, %arg1: i32, %arg2: memref<10000x128xf32, #tpu.memory_space<hbm>>, %arg3: memref<32x10240xi32, #tpu.memory_space<hbm>>, %arg4: memref<32x80x128xi32, #tpu.memory_space<hbm>>, %arg5: memref<632x128xf32, #tpu.memory_space<hbm>>, %arg6: memref<2x10112x128xf32, #tpu.memory_space<hbm>>, %arg7: memref<10112x128xf32, #tpu.memory_space<vmem_shared>>, %arg8: memref<4x128xi32, #tpu.memory_space<vmem>>, %arg9: memref<80x128xi32, #tpu.memory_space<vmem>>, %arg10: memref<2x128x128xf32, #tpu.memory_space<vmem>>, %arg11: memref<2x!tpu.dma_semaphore, #tpu.memory_space<semaphore_mem>>, %arg12: memref<2x!tpu.dma_semaphore, #tpu.memory_space<semaphore_mem>>, %arg13: memref<2x!tpu.dma_semaphore, #tpu.memory_space<semaphore_mem>>, %arg14: memref<4x!tpu.dma_semaphore, #tpu.memory_space<semaphore_mem>>) attributes {dimension_semantics = [#tpu.dimension_semantics<core_parallel>, #tpu.dimension_semantics<subcore_parallel>], iteration_bounds = array<i64: 2, 16>, scalar_prefetch = 0 : i64, scratch_operands = 8 : i64, tpu.core_type = #tpu.core_type<sc_vector_subcore>, window_params = [{transform_indices = #map}, {transform_indices = #map}, {transform_indices = #map1}, {transform_indices = #map}, {transform_indices = #map1}]} {
    %mul3A = arith.constant 2 : i32
    %mul3A_0 = arith.muli %arg1, %mul3A : i32
    %add3A = arith.addi %mul3A_0, %arg0 : i32
    %mul3A_1 = arith.constant 632 : i32
    %mul3A_2 = arith.muli %arg1, %mul3A_1 : i32
    %dma_start3A = arith.constant 0 : i32
    %dma_start3A_3 = tpu.memref_slice %arg13[%dma_start3A] : memref<2x!tpu.dma_semaphore, #tpu.memory_space<semaphore_mem>> -> memref<1x!tpu.dma_semaphore, #tpu.memory_space<semaphore_mem>>
    %dma_start3A_4 = tpu.memref_squeeze %dma_start3A_3 : memref<1x!tpu.dma_semaphore, #tpu.memory_space<semaphore_mem>> -> memref<!tpu.dma_semaphore, #tpu.memory_space<semaphore_mem>>
    %dma_start3A_5 = arith.constant 0 : i32
    %dma_start3A_6 = tpu.memref_slice %arg7[%mul3A_2, %dma_start3A_5] : memref<10112x128xf32, #tpu.memory_space<vmem_shared>> -> memref<632x128xf32, #tpu.memory_space<vmem_shared>>
    tpu.enqueue_dma source(%arg5 : memref<632x128xf32, #tpu.memory_space<hbm>>) target(%dma_start3A_6 : memref<632x128xf32, #tpu.memory_space<vmem_shared>>) target_semaphore(%dma_start3A_4 : memref<!tpu.dma_semaphore, #tpu.memory_space<semaphore_mem>>)
    %dma_start3A_7 = arith.constant 1 : i32
    %dma_start3A_8 = arith.constant 0 : i32
    %dma_start3A_9 = arith.constant 0 : i32
    %dma_start3A_10 = tpu.memref_slice %arg4[%add3A, %dma_start3A_8, %dma_start3A_9] : memref<32x80x128xi32, #tpu.memory_space<hbm>> -> memref<1x80x128xi32, #tpu.memory_space<hbm>>
    %dma_start3A_11 = tpu.memref_squeeze %dma_start3A_10 : memref<1x80x128xi32, #tpu.memory_space<hbm>> -> memref<80x128xi32, #tpu.memory_space<hbm>>
    %dma_start3A_12 = tpu.memref_slice %arg13[%dma_start3A_7] : memref<2x!tpu.dma_semaphore, #tpu.memory_space<semaphore_mem>> -> memref<1x!tpu.dma_semaphore, #tpu.memory_space<semaphore_mem>>
    %dma_start3A_13 = tpu.memref_squeeze %dma_start3A_12 : memref<1x!tpu.dma_semaphore, #tpu.memory_space<semaphore_mem>> -> memref<!tpu.dma_semaphore, #tpu.memory_space<semaphore_mem>>
    %dma_start3A_14 = arith.constant 0 : i32
    %dma_start3A_15 = arith.constant 0 : i32
    %dma_start3A_16 = tpu.memref_slice %arg4[%add3A, %dma_start3A_14, %dma_start3A_15] : memref<32x80x128xi32, #tpu.memory_space<hbm>> -> memref<1x80x128xi32, #tpu.memory_space<hbm>>
    %dma_start3A_17 = tpu.memref_squeeze %dma_start3A_16 : memref<1x80x128xi32, #tpu.memory_space<hbm>> -> memref<80x128xi32, #tpu.memory_space<hbm>>
    tpu.enqueue_dma source(%dma_start3A_17 : memref<80x128xi32, #tpu.memory_space<hbm>>) target(%arg9 : memref<80x128xi32, #tpu.memory_space<vmem>>) target_semaphore(%dma_start3A_13 : memref<!tpu.dma_semaphore, #tpu.memory_space<semaphore_mem>>)
    %dma_start3A_18 = arith.constant 0 : i32
    %dma_start3A_19 = arith.constant 0 : i32
    %dma_start3A_20 = arith.constant 0 : i32
    %dma_start3A_21 = tpu.memref_slice %arg8[%dma_start3A_18, %dma_start3A_20] : memref<4x128xi32, #tpu.memory_space<vmem>> -> memref<1x128xi32, #tpu.memory_space<vmem>>
    %dma_start3A_22 = tpu.memref_squeeze %dma_start3A_21 : memref<1x128xi32, #tpu.memory_space<vmem>> -> memref<128xi32, #tpu.memory_space<vmem>>
    %dma_start3A_23 = arith.constant 0 : i32
    %dma_start3A_24 = tpu.memref_slice %arg3[%add3A, %dma_start3A_23] : memref<32x10240xi32, #tpu.memory_space<hbm>> -> memref<1x128xi32, #tpu.memory_space<hbm>>
    %dma_start3A_25 = tpu.memref_squeeze %dma_start3A_24 : memref<1x128xi32, #tpu.memory_space<hbm>> -> memref<128xi32, #tpu.memory_space<hbm>>
    %dma_start3A_26 = tpu.memref_slice %arg14[%dma_start3A_19] : memref<4x!tpu.dma_semaphore, #tpu.memory_space<semaphore_mem>> -> memref<1x!tpu.dma_semaphore, #tpu.memory_space<semaphore_mem>>
    %dma_start3A_27 = tpu.memref_squeeze %dma_start3A_26 : memref<1x!tpu.dma_semaphore, #tpu.memory_space<semaphore_mem>> -> memref<!tpu.dma_semaphore, #tpu.memory_space<semaphore_mem>>
    %dma_start3A_28 = arith.constant 0 : i32
    %dma_start3A_29 = tpu.memref_slice %arg8[%dma_start3A_18, %dma_start3A_28] : memref<4x128xi32, #tpu.memory_space<vmem>> -> memref<1x128xi32, #tpu.memory_space<vmem>>
    %dma_start3A_30 = tpu.memref_squeeze %dma_start3A_29 : memref<1x128xi32, #tpu.memory_space<vmem>> -> memref<128xi32, #tpu.memory_space<vmem>>
    %dma_start3A_31 = arith.constant 0 : i32
    %dma_start3A_32 = tpu.memref_slice %arg3[%add3A, %dma_start3A_31] : memref<32x10240xi32, #tpu.memory_space<hbm>> -> memref<1x128xi32, #tpu.memory_space<hbm>>
    %dma_start3A_33 = tpu.memref_squeeze %dma_start3A_32 : memref<1x128xi32, #tpu.memory_space<hbm>> -> memref<128xi32, #tpu.memory_space<hbm>>
    tpu.enqueue_dma source(%dma_start3A_33 : memref<128xi32, #tpu.memory_space<hbm>>) target(%dma_start3A_30 : memref<128xi32, #tpu.memory_space<vmem>>) target_semaphore(%dma_start3A_27 : memref<!tpu.dma_semaphore, #tpu.memory_space<semaphore_mem>>)
    %dma_start3A_34 = arith.constant 1 : i32
    %dma_start3A_35 = arith.constant 1 : i32
    %dma_start3A_36 = arith.constant 0 : i32
    %dma_start3A_37 = tpu.memref_slice %arg8[%dma_start3A_34, %dma_start3A_36] : memref<4x128xi32, #tpu.memory_space<vmem>> -> memref<1x128xi32, #tpu.memory_space<vmem>>
    %dma_start3A_38 = tpu.memref_squeeze %dma_start3A_37 : memref<1x128xi32, #tpu.memory_space<vmem>> -> memref<128xi32, #tpu.memory_space<vmem>>
    %dma_start3A_39 = arith.constant 128 : i32
    %dma_start3A_40 = tpu.memref_slice %arg3[%add3A, %dma_start3A_39] : memref<32x10240xi32, #tpu.memory_space<hbm>> -> memref<1x128xi32, #tpu.memory_space<hbm>>
    %dma_start3A_41 = tpu.memref_squeeze %dma_start3A_40 : memref<1x128xi32, #tpu.memory_space<hbm>> -> memref<128xi32, #tpu.memory_space<hbm>>
    %dma_start3A_42 = tpu.memref_slice %arg14[%dma_start3A_35] : memref<4x!tpu.dma_semaphore, #tpu.memory_space<semaphore_mem>> -> memref<1x!tpu.dma_semaphore, #tpu.memory_space<semaphore_mem>>
    %dma_start3A_43 = tpu.memref_squeeze %dma_start3A_42 : memref<1x!tpu.dma_semaphore, #tpu.memory_space<semaphore_mem>> -> memref<!tpu.dma_semaphore, #tpu.memory_space<semaphore_mem>>
    %dma_start3A_44 = arith.constant 0 : i32
    %dma_start3A_45 = tpu.memref_slice %arg8[%dma_start3A_34, %dma_start3A_44] : memref<4x128xi32, #tpu.memory_space<vmem>> -> memref<1x128xi32, #tpu.memory_space<vmem>>
    %dma_start3A_46 = tpu.memref_squeeze %dma_start3A_45 : memref<1x128xi32, #tpu.memory_space<vmem>> -> memref<128xi32, #tpu.memory_space<vmem>>
    %dma_start3A_47 = arith.constant 128 : i32
    %dma_start3A_48 = tpu.memref_slice %arg3[%add3A, %dma_start3A_47] : memref<32x10240xi32, #tpu.memory_space<hbm>> -> memref<1x128xi32, #tpu.memory_space<hbm>>
    %dma_start3A_49 = tpu.memref_squeeze %dma_start3A_48 : memref<1x128xi32, #tpu.memory_space<hbm>> -> memref<128xi32, #tpu.memory_space<hbm>>
    tpu.enqueue_dma source(%dma_start3A_49 : memref<128xi32, #tpu.memory_space<hbm>>) target(%dma_start3A_46 : memref<128xi32, #tpu.memory_space<vmem>>) target_semaphore(%dma_start3A_43 : memref<!tpu.dma_semaphore, #tpu.memory_space<semaphore_mem>>)
    %dma_start3A_50 = arith.constant 2 : i32
    %dma_start3A_51 = arith.constant 2 : i32
    %dma_start3A_52 = arith.constant 0 : i32
    %dma_start3A_53 = tpu.memref_slice %arg8[%dma_start3A_50, %dma_start3A_52] : memref<4x128xi32, #tpu.memory_space<vmem>> -> memref<1x128xi32, #tpu.memory_space<vmem>>
    %dma_start3A_54 = tpu.memref_squeeze %dma_start3A_53 : memref<1x128xi32, #tpu.memory_space<vmem>> -> memref<128xi32, #tpu.memory_space<vmem>>
    %dma_start3A_55 = arith.constant 256 : i32
    %dma_start3A_56 = tpu.memref_slice %arg3[%add3A, %dma_start3A_55] : memref<32x10240xi32, #tpu.memory_space<hbm>> -> memref<1x128xi32, #tpu.memory_space<hbm>>
    %dma_start3A_57 = tpu.memref_squeeze %dma_start3A_56 : memref<1x128xi32, #tpu.memory_space<hbm>> -> memref<128xi32, #tpu.memory_space<hbm>>
    %dma_start3A_58 = tpu.memref_slice %arg14[%dma_start3A_51] : memref<4x!tpu.dma_semaphore, #tpu.memory_space<semaphore_mem>> -> memref<1x!tpu.dma_semaphore, #tpu.memory_space<semaphore_mem>>
    %dma_start3A_59 = tpu.memref_squeeze %dma_start3A_58 : memref<1x!tpu.dma_semaphore, #tpu.memory_space<semaphore_mem>> -> memref<!tpu.dma_semaphore, #tpu.memory_space<semaphore_mem>>
    %dma_start3A_60 = arith.constant 0 : i32
    %dma_start3A_61 = tpu.memref_slice %arg8[%dma_start3A_50, %dma_start3A_60] : memref<4x128xi32, #tpu.memory_space<vmem>> -> memref<1x128xi32, #tpu.memory_space<vmem>>
    %dma_start3A_62 = tpu.memref_squeeze %dma_start3A_61 : memref<1x128xi32, #tpu.memory_space<vmem>> -> memref<128xi32, #tpu.memory_space<vmem>>
    %dma_start3A_63 = arith.constant 256 : i32
    %dma_start3A_64 = tpu.memref_slice %arg3[%add3A, %dma_start3A_63] : memref<32x10240xi32, #tpu.memory_space<hbm>> -> memref<1x128xi32, #tpu.memory_space<hbm>>
    %dma_start3A_65 = tpu.memref_squeeze %dma_start3A_64 : memref<1x128xi32, #tpu.memory_space<hbm>> -> memref<128xi32, #tpu.memory_space<hbm>>
    tpu.enqueue_dma source(%dma_start3A_65 : memref<128xi32, #tpu.memory_space<hbm>>) target(%dma_start3A_62 : memref<128xi32, #tpu.memory_space<vmem>>) target_semaphore(%dma_start3A_59 : memref<!tpu.dma_semaphore, #tpu.memory_space<semaphore_mem>>)
    %dma_start3A_66 = arith.constant 3 : i32
    %dma_start3A_67 = arith.constant 3 : i32
    %dma_start3A_68 = arith.constant 0 : i32
    %dma_start3A_69 = tpu.memref_slice %arg8[%dma_start3A_66, %dma_start3A_68] : memref<4x128xi32, #tpu.memory_space<vmem>> -> memref<1x128xi32, #tpu.memory_space<vmem>>
    %dma_start3A_70 = tpu.memref_squeeze %dma_start3A_69 : memref<1x128xi32, #tpu.memory_space<vmem>> -> memref<128xi32, #tpu.memory_space<vmem>>
    %dma_start3A_71 = arith.constant 384 : i32
    %dma_start3A_72 = tpu.memref_slice %arg3[%add3A, %dma_start3A_71] : memref<32x10240xi32, #tpu.memory_space<hbm>> -> memref<1x128xi32, #tpu.memory_space<hbm>>
    %dma_start3A_73 = tpu.memref_squeeze %dma_start3A_72 : memref<1x128xi32, #tpu.memory_space<hbm>> -> memref<128xi32, #tpu.memory_space<hbm>>
    %dma_start3A_74 = tpu.memref_slice %arg14[%dma_start3A_67] : memref<4x!tpu.dma_semaphore, #tpu.memory_space<semaphore_mem>> -> memref<1x!tpu.dma_semaphore, #tpu.memory_space<semaphore_mem>>
    %dma_start3A_75 = tpu.memref_squeeze %dma_start3A_74 : memref<1x!tpu.dma_semaphore, #tpu.memory_space<semaphore_mem>> -> memref<!tpu.dma_semaphore, #tpu.memory_space<semaphore_mem>>
    %dma_start3A_76 = arith.constant 0 : i32
    %dma_start3A_77 = tpu.memref_slice %arg8[%dma_start3A_66, %dma_start3A_76] : memref<4x128xi32, #tpu.memory_space<vmem>> -> memref<1x128xi32, #tpu.memory_space<vmem>>
    %dma_start3A_78 = tpu.memref_squeeze %dma_start3A_77 : memref<1x128xi32, #tpu.memory_space<vmem>> -> memref<128xi32, #tpu.memory_space<vmem>>
    %dma_start3A_79 = arith.constant 384 : i32
    %dma_start3A_80 = tpu.memref_slice %arg3[%add3A, %dma_start3A_79] : memref<32x10240xi32, #tpu.memory_space<hbm>> -> memref<1x128xi32, #tpu.memory_space<hbm>>
    %dma_start3A_81 = tpu.memref_squeeze %dma_start3A_80 : memref<1x128xi32, #tpu.memory_space<hbm>> -> memref<128xi32, #tpu.memory_space<hbm>>
    tpu.enqueue_dma source(%dma_start3A_81 : memref<128xi32, #tpu.memory_space<hbm>>) target(%dma_start3A_78 : memref<128xi32, #tpu.memory_space<vmem>>) target_semaphore(%dma_start3A_75 : memref<!tpu.dma_semaphore, #tpu.memory_space<semaphore_mem>>)
    %dma_wait3A = arith.constant 0 : i32
    %dma_wait3A_82 = arith.constant 0 : i32
    %dma_wait3A_83 = arith.constant 0 : i32
    %dma_wait3A_84 = tpu.memref_slice %arg8[%dma_wait3A, %dma_wait3A_83] : memref<4x128xi32, #tpu.memory_space<vmem>> -> memref<1x128xi32, #tpu.memory_space<vmem>>
    %dma_wait3A_85 = tpu.memref_squeeze %dma_wait3A_84 : memref<1x128xi32, #tpu.memory_space<vmem>> -> memref<128xi32, #tpu.memory_space<vmem>>
    %dma_wait3A_86 = arith.constant 0 : i32
    %dma_wait3A_87 = tpu.memref_slice %arg3[%add3A, %dma_wait3A_86] : memref<32x10240xi32, #tpu.memory_space<hbm>> -> memref<1x128xi32, #tpu.memory_space<hbm>>
    %dma_wait3A_88 = tpu.memref_squeeze %dma_wait3A_87 : memref<1x128xi32, #tpu.memory_space<hbm>> -> memref<128xi32, #tpu.memory_space<hbm>>
    %dma_wait3A_89 = tpu.memref_slice %arg14[%dma_wait3A_82] : memref<4x!tpu.dma_semaphore, #tpu.memory_space<semaphore_mem>> -> memref<1x!tpu.dma_semaphore, #tpu.memory_space<semaphore_mem>>
    %dma_wait3A_90 = tpu.memref_squeeze %dma_wait3A_89 : memref<1x!tpu.dma_semaphore, #tpu.memory_space<semaphore_mem>> -> memref<!tpu.dma_semaphore, #tpu.memory_space<semaphore_mem>>
    %dma_wait3A_91 = arith.constant 0 : i32
    %dma_wait3A_92 = tpu.memref_slice %arg8[%dma_wait3A, %dma_wait3A_91] : memref<4x128xi32, #tpu.memory_space<vmem>> -> memref<1x128xi32, #tpu.memory_space<vmem>>
    %dma_wait3A_93 = tpu.memref_squeeze %dma_wait3A_92 : memref<1x128xi32, #tpu.memory_space<vmem>> -> memref<128xi32, #tpu.memory_space<vmem>>
    %dma_wait3A_94 = arith.constant 0 : i32
    %dma_wait3A_95 = tpu.memref_slice %arg3[%add3A, %dma_wait3A_94] : memref<32x10240xi32, #tpu.memory_space<hbm>> -> memref<1x128xi32, #tpu.memory_space<hbm>>
    %dma_wait3A_96 = tpu.memref_squeeze %dma_wait3A_95 : memref<1x128xi32, #tpu.memory_space<hbm>> -> memref<128xi32, #tpu.memory_space<hbm>>
    tpu.wait_dma2 semaphore(%dma_wait3A_90 : memref<!tpu.dma_semaphore, #tpu.memory_space<semaphore_mem>>) src(%dma_wait3A_96 : memref<128xi32, #tpu.memory_space<hbm>>) dst(%dma_wait3A_93 : memref<128xi32, #tpu.memory_space<vmem>>)
    %dma_start3A_97 = arith.constant 0 : i32
    %dma_start3A_98 = arith.constant 0 : i32
    %dma_start3A_99 = arith.constant 0 : i32
    %dma_start3A_100 = arith.constant 0 : i32
    %dma_start3A_101 = arith.constant 0 : i32
    %dma_start3A_102 = tpu.memref_slice %arg10[%dma_start3A_98, %dma_start3A_100, %dma_start3A_101] : memref<2x128x128xf32, #tpu.memory_space<vmem>> -> memref<1x128x128xf32, #tpu.memory_space<vmem>>
    %dma_start3A_103 = tpu.memref_squeeze %dma_start3A_102 : memref<1x128x128xf32, #tpu.memory_space<vmem>> -> memref<128x128xf32, #tpu.memory_space<vmem>>
    %dma_start3A_104 = arith.constant 0 : i32
    %dma_start3A_105 = tpu.memref_slice %arg8[%dma_start3A_97, %dma_start3A_104] : memref<4x128xi32, #tpu.memory_space<vmem>> -> memref<1x128xi32, #tpu.memory_space<vmem>>
    %dma_start3A_106 = tpu.memref_squeeze %dma_start3A_105 : memref<1x128xi32, #tpu.memory_space<vmem>> -> memref<128xi32, #tpu.memory_space<vmem>>
    %dma_start3A_107 = arith.constant 0 : i32
    %dma_start3A_108 = arith.constant 0 : i32
    %dma_start3A_109 = tpu.memref_slice %arg2[%dma_start3A_107, %dma_start3A_108] : memref<10000x128xf32, #tpu.memory_space<hbm>> -> memref<10000x128xf32, #tpu.memory_space<hbm>>
    %dma_start3A_110 = tpu.memref_slice %arg11[%dma_start3A_99] : memref<2x!tpu.dma_semaphore, #tpu.memory_space<semaphore_mem>> -> memref<1x!tpu.dma_semaphore, #tpu.memory_space<semaphore_mem>>
    %dma_start3A_111 = tpu.memref_squeeze %dma_start3A_110 : memref<1x!tpu.dma_semaphore, #tpu.memory_space<semaphore_mem>> -> memref<!tpu.dma_semaphore, #tpu.memory_space<semaphore_mem>>
    tpu.enqueue_indirect_dma source(%dma_start3A_109 : memref<10000x128xf32, #tpu.memory_space<hbm>>) target(%dma_start3A_103 : memref<128x128xf32, #tpu.memory_space<vmem>>) offsets(%dma_start3A_106 : memref<128xi32, #tpu.memory_space<vmem>>) semaphore(%dma_start3A_111 : memref<!tpu.dma_semaphore, #tpu.memory_space<semaphore_mem>>)
    %dma_wait3A_112 = arith.constant 1 : i32
    %dma_wait3A_113 = arith.constant 1 : i32
    %dma_wait3A_114 = arith.constant 0 : i32
    %dma_wait3A_115 = tpu.memref_slice %arg8[%dma_wait3A_112, %dma_wait3A_114] : memref<4x128xi32, #tpu.memory_space<vmem>> -> memref<1x128xi32, #tpu.memory_space<vmem>>
    %dma_wait3A_116 = tpu.memref_squeeze %dma_wait3A_115 : memref<1x128xi32, #tpu.memory_space<vmem>> -> memref<128xi32, #tpu.memory_space<vmem>>
    %dma_wait3A_117 = arith.constant 0 : i32
    %dma_wait3A_118 = tpu.memref_slice %arg3[%add3A, %dma_wait3A_117] : memref<32x10240xi32, #tpu.memory_space<hbm>> -> memref<1x128xi32, #tpu.memory_space<hbm>>
    %dma_wait3A_119 = tpu.memref_squeeze %dma_wait3A_118 : memref<1x128xi32, #tpu.memory_space<hbm>> -> memref<128xi32, #tpu.memory_space<hbm>>
    %dma_wait3A_120 = tpu.memref_slice %arg14[%dma_wait3A_113] : memref<4x!tpu.dma_semaphore, #tpu.memory_space<semaphore_mem>> -> memref<1x!tpu.dma_semaphore, #tpu.memory_space<semaphore_mem>>
    %dma_wait3A_121 = tpu.memref_squeeze %dma_wait3A_120 : memref<1x!tpu.dma_semaphore, #tpu.memory_space<semaphore_mem>> -> memref<!tpu.dma_semaphore, #tpu.memory_space<semaphore_mem>>
    %dma_wait3A_122 = arith.constant 0 : i32
    %dma_wait3A_123 = tpu.memref_slice %arg8[%dma_wait3A_112, %dma_wait3A_122] : memref<4x128xi32, #tpu.memory_space<vmem>> -> memref<1x128xi32, #tpu.memory_space<vmem>>
    %dma_wait3A_124 = tpu.memref_squeeze %dma_wait3A_123 : memref<1x128xi32, #tpu.memory_space<vmem>> -> memref<128xi32, #tpu.memory_space<vmem>>
    %dma_wait3A_125 = arith.constant 0 : i32
    %dma_wait3A_126 = tpu.memref_slice %arg3[%add3A, %dma_wait3A_125] : memref<32x10240xi32, #tpu.memory_space<hbm>> -> memref<1x128xi32, #tpu.memory_space<hbm>>
    %dma_wait3A_127 = tpu.memref_squeeze %dma_wait3A_126 : memref<1x128xi32, #tpu.memory_space<hbm>> -> memref<128xi32, #tpu.memory_space<hbm>>
    tpu.wait_dma2 semaphore(%dma_wait3A_121 : memref<!tpu.dma_semaphore, #tpu.memory_space<semaphore_mem>>) src(%dma_wait3A_127 : memref<128xi32, #tpu.memory_space<hbm>>) dst(%dma_wait3A_124 : memref<128xi32, #tpu.memory_space<vmem>>)
    %dma_start3A_128 = arith.constant 1 : i32
    %dma_start3A_129 = arith.constant 1 : i32
    %dma_start3A_130 = arith.constant 1 : i32
    %dma_start3A_131 = arith.constant 0 : i32
    %dma_start3A_132 = arith.constant 0 : i32
    %dma_start3A_133 = tpu.memref_slice %arg10[%dma_start3A_129, %dma_start3A_131, %dma_start3A_132] : memref<2x128x128xf32, #tpu.memory_space<vmem>> -> memref<1x128x128xf32, #tpu.memory_space<vmem>>
    %dma_start3A_134 = tpu.memref_squeeze %dma_start3A_133 : memref<1x128x128xf32, #tpu.memory_space<vmem>> -> memref<128x128xf32, #tpu.memory_space<vmem>>
    %dma_start3A_135 = arith.constant 0 : i32
    %dma_start3A_136 = tpu.memref_slice %arg8[%dma_start3A_128, %dma_start3A_135] : memref<4x128xi32, #tpu.memory_space<vmem>> -> memref<1x128xi32, #tpu.memory_space<vmem>>
    %dma_start3A_137 = tpu.memref_squeeze %dma_start3A_136 : memref<1x128xi32, #tpu.memory_space<vmem>> -> memref<128xi32, #tpu.memory_space<vmem>>
    %dma_start3A_138 = arith.constant 0 : i32
    %dma_start3A_139 = arith.constant 0 : i32
    %dma_start3A_140 = tpu.memref_slice %arg2[%dma_start3A_138, %dma_start3A_139] : memref<10000x128xf32, #tpu.memory_space<hbm>> -> memref<10000x128xf32, #tpu.memory_space<hbm>>
    %dma_start3A_141 = tpu.memref_slice %arg11[%dma_start3A_130] : memref<2x!tpu.dma_semaphore, #tpu.memory_space<semaphore_mem>> -> memref<1x!tpu.dma_semaphore, #tpu.memory_space<semaphore_mem>>
    %dma_start3A_142 = tpu.memref_squeeze %dma_start3A_141 : memref<1x!tpu.dma_semaphore, #tpu.memory_space<semaphore_mem>> -> memref<!tpu.dma_semaphore, #tpu.memory_space<semaphore_mem>>
    tpu.enqueue_indirect_dma source(%dma_start3A_140 : memref<10000x128xf32, #tpu.memory_space<hbm>>) target(%dma_start3A_134 : memref<128x128xf32, #tpu.memory_space<vmem>>) offsets(%dma_start3A_137 : memref<128xi32, #tpu.memory_space<vmem>>) semaphore(%dma_start3A_142 : memref<!tpu.dma_semaphore, #tpu.memory_space<semaphore_mem>>)
    %dma_wait3A_143 = arith.constant 1 : i32
    %dma_wait3A_144 = arith.constant 0 : i32
    %dma_wait3A_145 = arith.constant 0 : i32
    %dma_wait3A_146 = tpu.memref_slice %arg4[%add3A, %dma_wait3A_144, %dma_wait3A_145] : memref<32x80x128xi32, #tpu.memory_space<hbm>> -> memref<1x80x128xi32, #tpu.memory_space<hbm>>
    %dma_wait3A_147 = tpu.memref_squeeze %dma_wait3A_146 : memref<1x80x128xi32, #tpu.memory_space<hbm>> -> memref<80x128xi32, #tpu.memory_space<hbm>>
    %dma_wait3A_148 = tpu.memref_slice %arg13[%dma_wait3A_143] : memref<2x!tpu.dma_semaphore, #tpu.memory_space<semaphore_mem>> -> memref<1x!tpu.dma_semaphore, #tpu.memory_space<semaphore_mem>>
    %dma_wait3A_149 = tpu.memref_squeeze %dma_wait3A_148 : memref<1x!tpu.dma_semaphore, #tpu.memory_space<semaphore_mem>> -> memref<!tpu.dma_semaphore, #tpu.memory_space<semaphore_mem>>
    %dma_wait3A_150 = arith.constant 0 : i32
    %dma_wait3A_151 = arith.constant 0 : i32
    %dma_wait3A_152 = tpu.memref_slice %arg4[%add3A, %dma_wait3A_150, %dma_wait3A_151] : memref<32x80x128xi32, #tpu.memory_space<hbm>> -> memref<1x80x128xi32, #tpu.memory_space<hbm>>
    %dma_wait3A_153 = tpu.memref_squeeze %dma_wait3A_152 : memref<1x80x128xi32, #tpu.memory_space<hbm>> -> memref<80x128xi32, #tpu.memory_space<hbm>>
    tpu.wait_dma2 semaphore(%dma_wait3A_149 : memref<!tpu.dma_semaphore, #tpu.memory_space<semaphore_mem>>) src(%dma_wait3A_153 : memref<80x128xi32, #tpu.memory_space<hbm>>) dst(%arg9 : memref<80x128xi32, #tpu.memory_space<vmem>>)
    %dma_wait3A_154 = arith.constant 0 : i32
    %dma_wait3A_155 = tpu.memref_slice %arg13[%dma_wait3A_154] : memref<2x!tpu.dma_semaphore, #tpu.memory_space<semaphore_mem>> -> memref<1x!tpu.dma_semaphore, #tpu.memory_space<semaphore_mem>>
    %dma_wait3A_156 = tpu.memref_squeeze %dma_wait3A_155 : memref<1x!tpu.dma_semaphore, #tpu.memory_space<semaphore_mem>> -> memref<!tpu.dma_semaphore, #tpu.memory_space<semaphore_mem>>
    %dma_wait3A_157 = arith.constant 0 : i32
    %dma_wait3A_158 = tpu.memref_slice %arg7[%mul3A_2, %dma_wait3A_157] : memref<10112x128xf32, #tpu.memory_space<vmem_shared>> -> memref<632x128xf32, #tpu.memory_space<vmem_shared>>
    tpu.wait_dma2 semaphore(%dma_wait3A_156 : memref<!tpu.dma_semaphore, #tpu.memory_space<semaphore_mem>>) src(%arg5 : memref<632x128xf32, #tpu.memory_space<hbm>>) dst(%dma_wait3A_158 : memref<632x128xf32, #tpu.memory_space<vmem_shared>>)
    %barrier3A = arith.constant 0 : index
    tpu.barrier barrier_id(%barrier3A)
    %dma_wait3A_159 = arith.constant 0 : i32
    %dma_wait3A_160 = arith.constant 0 : i32
    %dma_wait3A_161 = arith.constant 0 : i32
    %dma_wait3A_162 = arith.constant 0 : i32
    %dma_wait3A_163 = arith.constant 0 : i32
    %dma_wait3A_164 = tpu.memref_slice %arg10[%dma_wait3A_160, %dma_wait3A_162, %dma_wait3A_163] : memref<2x128x128xf32, #tpu.memory_space<vmem>> -> memref<1x128x128xf32, #tpu.memory_space<vmem>>
    %dma_wait3A_165 = tpu.memref_squeeze %dma_wait3A_164 : memref<1x128x128xf32, #tpu.memory_space<vmem>> -> memref<128x128xf32, #tpu.memory_space<vmem>>
    %dma_wait3A_166 = arith.constant 0 : i32
    %dma_wait3A_167 = tpu.memref_slice %arg8[%dma_wait3A_159, %dma_wait3A_166] : memref<4x128xi32, #tpu.memory_space<vmem>> -> memref<1x128xi32, #tpu.memory_space<vmem>>
    %dma_wait3A_168 = tpu.memref_squeeze %dma_wait3A_167 : memref<1x128xi32, #tpu.memory_space<vmem>> -> memref<128xi32, #tpu.memory_space<vmem>>
    %dma_wait3A_169 = arith.constant 0 : i32
    %dma_wait3A_170 = arith.constant 0 : i32
    %dma_wait3A_171 = tpu.memref_slice %arg2[%dma_wait3A_169, %dma_wait3A_170] : memref<10000x128xf32, #tpu.memory_space<hbm>> -> memref<10000x128xf32, #tpu.memory_space<hbm>>
    %dma_wait3A_172 = tpu.memref_slice %arg11[%dma_wait3A_161] : memref<2x!tpu.dma_semaphore, #tpu.memory_space<semaphore_mem>> -> memref<1x!tpu.dma_semaphore, #tpu.memory_space<semaphore_mem>>
    %dma_wait3A_173 = tpu.memref_squeeze %dma_wait3A_172 : memref<1x!tpu.dma_semaphore, #tpu.memory_space<semaphore_mem>> -> memref<!tpu.dma_semaphore, #tpu.memory_space<semaphore_mem>>
    tpu.wait_indirect_dma semaphore(%dma_wait3A_173 : memref<!tpu.dma_semaphore, #tpu.memory_space<semaphore_mem>>) src(%dma_wait3A_171 : memref<10000x128xf32, #tpu.memory_space<hbm>>) dst(%dma_wait3A_165 : memref<128x128xf32, #tpu.memory_space<vmem>>)
    %dma_start3A_174 = arith.constant 0 : i32
    %dma_start3A_175 = arith.constant 0 : i32
    %dma_start3A_176 = arith.constant 0 : i32
    %dma_start3A_177 = arith.constant 0 : i32
    %dma_start3A_178 = arith.constant 0 : i32
    %dma_start3A_179 = tpu.memref_slice %arg10[%dma_start3A_174, %dma_start3A_177, %dma_start3A_178] : memref<2x128x128xf32, #tpu.memory_space<vmem>> -> memref<1x128x128xf32, #tpu.memory_space<vmem>>
    %dma_start3A_180 = tpu.memref_squeeze %dma_start3A_179 : memref<1x128x128xf32, #tpu.memory_space<vmem>> -> memref<128x128xf32, #tpu.memory_space<vmem>>
    %dma_start3A_181 = arith.constant 0 : i32
    %dma_start3A_182 = tpu.memref_slice %arg9[%dma_start3A_175, %dma_start3A_181] : memref<80x128xi32, #tpu.memory_space<vmem>> -> memref<1x128xi32, #tpu.memory_space<vmem>>
    %dma_start3A_183 = tpu.memref_squeeze %dma_start3A_182 : memref<1x128xi32, #tpu.memory_space<vmem>> -> memref<128xi32, #tpu.memory_space<vmem>>
    %dma_start3A_184 = arith.constant 0 : i32
    %dma_start3A_185 = arith.constant 0 : i32
    %dma_start3A_186 = tpu.memref_slice %arg7[%dma_start3A_184, %dma_start3A_185] : memref<10112x128xf32, #tpu.memory_space<vmem_shared>> -> memref<10112x128xf32, #tpu.memory_space<vmem_shared>>
    %dma_start3A_187 = tpu.memref_slice %arg12[%dma_start3A_176] : memref<2x!tpu.dma_semaphore, #tpu.memory_space<semaphore_mem>> -> memref<1x!tpu.dma_semaphore, #tpu.memory_space<semaphore_mem>>
    %dma_start3A_188 = tpu.memref_squeeze %dma_start3A_187 : memref<1x!tpu.dma_semaphore, #tpu.memory_space<semaphore_mem>> -> memref<!tpu.dma_semaphore, #tpu.memory_space<semaphore_mem>>
    tpu.enqueue_indirect_dma source(%dma_start3A_180 : memref<128x128xf32, #tpu.memory_space<vmem>>) target(%dma_start3A_186 : memref<10112x128xf32, #tpu.memory_space<vmem_shared>>) offsets(%dma_start3A_183 : memref<128xi32, #tpu.memory_space<vmem>>) semaphore(%dma_start3A_188 : memref<!tpu.dma_semaphore, #tpu.memory_space<semaphore_mem>>) {add = true}
    %dma_wait3A_189 = arith.constant 0 : i32
    %dma_wait3A_190 = arith.constant 1 : i32
    %dma_wait3A_191 = arith.constant 1 : i32
    %dma_wait3A_192 = arith.constant 0 : i32
    %dma_wait3A_193 = arith.constant 0 : i32
    %dma_wait3A_194 = tpu.memref_slice %arg10[%dma_wait3A_190, %dma_wait3A_192, %dma_wait3A_193] : memref<2x128x128xf32, #tpu.memory_space<vmem>> -> memref<1x128x128xf32, #tpu.memory_space<vmem>>
    %dma_wait3A_195 = tpu.memref_squeeze %dma_wait3A_194 : memref<1x128x128xf32, #tpu.memory_space<vmem>> -> memref<128x128xf32, #tpu.memory_space<vmem>>
    %dma_wait3A_196 = arith.constant 0 : i32
    %dma_wait3A_197 = tpu.memref_slice %arg8[%dma_wait3A_189, %dma_wait3A_196] : memref<4x128xi32, #tpu.memory_space<vmem>> -> memref<1x128xi32, #tpu.memory_space<vmem>>
    %dma_wait3A_198 = tpu.memref_squeeze %dma_wait3A_197 : memref<1x128xi32, #tpu.memory_space<vmem>> -> memref<128xi32, #tpu.memory_space<vmem>>
    %dma_wait3A_199 = arith.constant 0 : i32
    %dma_wait3A_200 = arith.constant 0 : i32
    %dma_wait3A_201 = tpu.memref_slice %arg2[%dma_wait3A_199, %dma_wait3A_200] : memref<10000x128xf32, #tpu.memory_space<hbm>> -> memref<10000x128xf32, #tpu.memory_space<hbm>>
    %dma_wait3A_202 = tpu.memref_slice %arg11[%dma_wait3A_191] : memref<2x!tpu.dma_semaphore, #tpu.memory_space<semaphore_mem>> -> memref<1x!tpu.dma_semaphore, #tpu.memory_space<semaphore_mem>>
    %dma_wait3A_203 = tpu.memref_squeeze %dma_wait3A_202 : memref<1x!tpu.dma_semaphore, #tpu.memory_space<semaphore_mem>> -> memref<!tpu.dma_semaphore, #tpu.memory_space<semaphore_mem>>
    tpu.wait_indirect_dma semaphore(%dma_wait3A_203 : memref<!tpu.dma_semaphore, #tpu.memory_space<semaphore_mem>>) src(%dma_wait3A_201 : memref<10000x128xf32, #tpu.memory_space<hbm>>) dst(%dma_wait3A_195 : memref<128x128xf32, #tpu.memory_space<vmem>>)
    %dma_start3A_204 = arith.constant 1 : i32
    %dma_start3A_205 = arith.constant 1 : i32
    %dma_start3A_206 = arith.constant 1 : i32
    %dma_start3A_207 = arith.constant 0 : i32
    %dma_start3A_208 = arith.constant 0 : i32
    %dma_start3A_209 = tpu.memref_slice %arg10[%dma_start3A_204, %dma_start3A_207, %dma_start3A_208] : memref<2x128x128xf32, #tpu.memory_space<vmem>> -> memref<1x128x128xf32, #tpu.memory_space<vmem>>
    %dma_start3A_210 = tpu.memref_squeeze %dma_start3A_209 : memref<1x128x128xf32, #tpu.memory_space<vmem>> -> memref<128x128xf32, #tpu.memory_space<vmem>>
    %dma_start3A_211 = arith.constant 0 : i32
    %dma_start3A_212 = tpu.memref_slice %arg9[%dma_start3A_205, %dma_start3A_211] : memref<80x128xi32, #tpu.memory_space<vmem>> -> memref<1x128xi32, #tpu.memory_space<vmem>>
    %dma_start3A_213 = tpu.memref_squeeze %dma_start3A_212 : memref<1x128xi32, #tpu.memory_space<vmem>> -> memref<128xi32, #tpu.memory_space<vmem>>
    %dma_start3A_214 = arith.constant 0 : i32
    %dma_start3A_215 = arith.constant 0 : i32
    %dma_start3A_216 = tpu.memref_slice %arg7[%dma_start3A_214, %dma_start3A_215] : memref<10112x128xf32, #tpu.memory_space<vmem_shared>> -> memref<10112x128xf32, #tpu.memory_space<vmem_shared>>
    %dma_start3A_217 = tpu.memref_slice %arg12[%dma_start3A_206] : memref<2x!tpu.dma_semaphore, #tpu.memory_space<semaphore_mem>> -> memref<1x!tpu.dma_semaphore, #tpu.memory_space<semaphore_mem>>
    %dma_start3A_218 = tpu.memref_squeeze %dma_start3A_217 : memref<1x!tpu.dma_semaphore, #tpu.memory_space<semaphore_mem>> -> memref<!tpu.dma_semaphore, #tpu.memory_space<semaphore_mem>>
    tpu.enqueue_indirect_dma source(%dma_start3A_210 : memref<128x128xf32, #tpu.memory_space<vmem>>) target(%dma_start3A_216 : memref<10112x128xf32, #tpu.memory_space<vmem_shared>>) offsets(%dma_start3A_213 : memref<128xi32, #tpu.memory_space<vmem>>) semaphore(%dma_start3A_218 : memref<!tpu.dma_semaphore, #tpu.memory_space<semaphore_mem>>) {add = true}
    %scan3A = arith.constant 0 : i32
    %scan3A_219 = arith.constant 1 : i32
    %scan3A_220 = arith.constant 39 : i32
    %scan3A_221 = arith.addi %scan3A_219, %scan3A_220 : i32
    %scan3A_222 = arith.constant 1 : i32
    scf.for %scan3A_291 = %scan3A_219 to %scan3A_221 step %scan3A_222  : i32 {
      %mul3A_292 = arith.constant 2 : i32
      %mul3A_293 = arith.muli %scan3A_291, %mul3A_292 : i32
      %jit3A = arith.constant 4 : i32
      %eq3A = arith.constant 0 : i32
      %eq3A_294 = arith.cmpi eq, %jit3A, %eq3A : i32
      %jit3A_295 = arith.constant 1 : i32
      %select_n3A = arith.select %eq3A_294, %jit3A_295, %jit3A : i32
      %rem3A = arith.remsi %mul3A_293, %select_n3A : i32
      %ne3A = arith.constant 0 : i32
      %ne3A_296 = arith.cmpi ne, %rem3A, %ne3A : i32
      %lt3A = arith.constant 0 : i32
      %lt3A_297 = arith.cmpi slt, %rem3A, %lt3A : i32
      %lt3A_298 = arith.constant 0 : i32
      %lt3A_299 = arith.cmpi slt, %select_n3A, %lt3A_298 : i32
      %ne3A_300 = arith.xori %lt3A_297, %lt3A_299 : i1
      %and3A = arith.andi %ne3A_300, %ne3A_296 : i1
      %add3A_301 = arith.addi %rem3A, %select_n3A : i32
      %select_n3A_302 = arith.select %and3A, %add3A_301, %rem3A : i32
      %dma_wait3A_303 = arith.constant 0 : i32
      %dma_wait3A_304 = tpu.memref_slice %arg8[%select_n3A_302, %dma_wait3A_303] : memref<4x128xi32, #tpu.memory_space<vmem>> -> memref<1x128xi32, #tpu.memory_space<vmem>>
      %dma_wait3A_305 = tpu.memref_squeeze %dma_wait3A_304 : memref<1x128xi32, #tpu.memory_space<vmem>> -> memref<128xi32, #tpu.memory_space<vmem>>
      %dma_wait3A_306 = arith.constant 0 : i32
      %dma_wait3A_307 = tpu.memref_slice %arg3[%add3A, %dma_wait3A_306] : memref<32x10240xi32, #tpu.memory_space<hbm>> -> memref<1x128xi32, #tpu.memory_space<hbm>>
      %dma_wait3A_308 = tpu.memref_squeeze %dma_wait3A_307 : memref<1x128xi32, #tpu.memory_space<hbm>> -> memref<128xi32, #tpu.memory_space<hbm>>
      %dma_wait3A_309 = tpu.memref_slice %arg14[%select_n3A_302] : memref<4x!tpu.dma_semaphore, #tpu.memory_space<semaphore_mem>> -> memref<1x!tpu.dma_semaphore, #tpu.memory_space<semaphore_mem>>
      %dma_wait3A_310 = tpu.memref_squeeze %dma_wait3A_309 : memref<1x!tpu.dma_semaphore, #tpu.memory_space<semaphore_mem>> -> memref<!tpu.dma_semaphore, #tpu.memory_space<semaphore_mem>>
      %dma_wait3A_311 = arith.constant 0 : i32
      %dma_wait3A_312 = tpu.memref_slice %arg8[%select_n3A_302, %dma_wait3A_311] : memref<4x128xi32, #tpu.memory_space<vmem>> -> memref<1x128xi32, #tpu.memory_space<vmem>>
      %dma_wait3A_313 = tpu.memref_squeeze %dma_wait3A_312 : memref<1x128xi32, #tpu.memory_space<vmem>> -> memref<128xi32, #tpu.memory_space<vmem>>
      %dma_wait3A_314 = arith.constant 0 : i32
      %dma_wait3A_315 = tpu.memref_slice %arg3[%add3A, %dma_wait3A_314] : memref<32x10240xi32, #tpu.memory_space<hbm>> -> memref<1x128xi32, #tpu.memory_space<hbm>>
      %dma_wait3A_316 = tpu.memref_squeeze %dma_wait3A_315 : memref<1x128xi32, #tpu.memory_space<hbm>> -> memref<128xi32, #tpu.memory_space<hbm>>
      tpu.wait_dma2 semaphore(%dma_wait3A_310 : memref<!tpu.dma_semaphore, #tpu.memory_space<semaphore_mem>>) src(%dma_wait3A_316 : memref<128xi32, #tpu.memory_space<hbm>>) dst(%dma_wait3A_313 : memref<128xi32, #tpu.memory_space<vmem>>)
      %sub3A = arith.constant 2 : i32
      %sub3A_317 = arith.subi %mul3A_293, %sub3A : i32
      %dma_wait3A_318 = arith.constant 0 : i32
      %dma_wait3A_319 = arith.constant 0 : i32
      %dma_wait3A_320 = arith.constant 0 : i32
      %dma_wait3A_321 = arith.constant 0 : i32
      %dma_wait3A_322 = tpu.memref_slice %arg10[%dma_wait3A_318, %dma_wait3A_320, %dma_wait3A_321] : memref<2x128x128xf32, #tpu.memory_space<vmem>> -> memref<1x128x128xf32, #tpu.memory_space<vmem>>
      %dma_wait3A_323 = tpu.memref_squeeze %dma_wait3A_322 : memref<1x128x128xf32, #tpu.memory_space<vmem>> -> memref<128x128xf32, #tpu.memory_space<vmem>>
      %dma_wait3A_324 = arith.constant 0 : i32
      %dma_wait3A_325 = tpu.memref_slice %arg9[%sub3A_317, %dma_wait3A_324] : memref<80x128xi32, #tpu.memory_space<vmem>> -> memref<1x128xi32, #tpu.memory_space<vmem>>
      %dma_wait3A_326 = tpu.memref_squeeze %dma_wait3A_325 : memref<1x128xi32, #tpu.memory_space<vmem>> -> memref<128xi32, #tpu.memory_space<vmem>>
      %dma_wait3A_327 = arith.constant 0 : i32
      %dma_wait3A_328 = arith.constant 0 : i32
      %dma_wait3A_329 = tpu.memref_slice %arg7[%dma_wait3A_327, %dma_wait3A_328] : memref<10112x128xf32, #tpu.memory_space<vmem_shared>> -> memref<10112x128xf32, #tpu.memory_space<vmem_shared>>
      %dma_wait3A_330 = tpu.memref_slice %arg12[%dma_wait3A_319] : memref<2x!tpu.dma_semaphore, #tpu.memory_space<semaphore_mem>> -> memref<1x!tpu.dma_semaphore, #tpu.memory_space<semaphore_mem>>
      %dma_wait3A_331 = tpu.memref_squeeze %dma_wait3A_330 : memref<1x!tpu.dma_semaphore, #tpu.memory_space<semaphore_mem>> -> memref<!tpu.dma_semaphore, #tpu.memory_space<semaphore_mem>>
      tpu.wait_indirect_dma semaphore(%dma_wait3A_331 : memref<!tpu.dma_semaphore, #tpu.memory_space<semaphore_mem>>) src(%dma_wait3A_323 : memref<128x128xf32, #tpu.memory_space<vmem>>) dst(%dma_wait3A_329 : memref<10112x128xf32, #tpu.memory_space<vmem_shared>>)
      %jit3A_332 = arith.constant 4 : i32
      %eq3A_333 = arith.constant 0 : i32
      %eq3A_334 = arith.cmpi eq, %jit3A_332, %eq3A_333 : i32
      %jit3A_335 = arith.constant 1 : i32
      %select_n3A_336 = arith.select %eq3A_334, %jit3A_335, %jit3A_332 : i32
      %rem3A_337 = arith.remsi %mul3A_293, %select_n3A_336 : i32
      %ne3A_338 = arith.constant 0 : i32
      %ne3A_339 = arith.cmpi ne, %rem3A_337, %ne3A_338 : i32
      %lt3A_340 = arith.constant 0 : i32
      %lt3A_341 = arith.cmpi slt, %rem3A_337, %lt3A_340 : i32
      %lt3A_342 = arith.constant 0 : i32
      %lt3A_343 = arith.cmpi slt, %select_n3A_336, %lt3A_342 : i32
      %ne3A_344 = arith.xori %lt3A_341, %lt3A_343 : i1
      %and3A_345 = arith.andi %ne3A_344, %ne3A_339 : i1
      %add3A_346 = arith.addi %rem3A_337, %select_n3A_336 : i32
      %select_n3A_347 = arith.select %and3A_345, %add3A_346, %rem3A_337 : i32
      %dma_start3A_348 = arith.constant 0 : i32
      %dma_start3A_349 = arith.constant 0 : i32
      %dma_start3A_350 = arith.constant 0 : i32
      %dma_start3A_351 = arith.constant 0 : i32
      %dma_start3A_352 = tpu.memref_slice %arg10[%dma_start3A_348, %dma_start3A_350, %dma_start3A_351] : memref<2x128x128xf32, #tpu.memory_space<vmem>> -> memref<1x128x128xf32, #tpu.memory_space<vmem>>
      %dma_start3A_353 = tpu.memref_squeeze %dma_start3A_352 : memref<1x128x128xf32, #tpu.memory_space<vmem>> -> memref<128x128xf32, #tpu.memory_space<vmem>>
      %dma_start3A_354 = arith.constant 0 : i32
      %dma_start3A_355 = tpu.memref_slice %arg8[%select_n3A_347, %dma_start3A_354] : memref<4x128xi32, #tpu.memory_space<vmem>> -> memref<1x128xi32, #tpu.memory_space<vmem>>
      %dma_start3A_356 = tpu.memref_squeeze %dma_start3A_355 : memref<1x128xi32, #tpu.memory_space<vmem>> -> memref<128xi32, #tpu.memory_space<vmem>>
      %dma_start3A_357 = arith.constant 0 : i32
      %dma_start3A_358 = arith.constant 0 : i32
      %dma_start3A_359 = tpu.memref_slice %arg2[%dma_start3A_357, %dma_start3A_358] : memref<10000x128xf32, #tpu.memory_space<hbm>> -> memref<10000x128xf32, #tpu.memory_space<hbm>>
      %dma_start3A_360 = tpu.memref_slice %arg11[%dma_start3A_349] : memref<2x!tpu.dma_semaphore, #tpu.memory_space<semaphore_mem>> -> memref<1x!tpu.dma_semaphore, #tpu.memory_space<semaphore_mem>>
      %dma_start3A_361 = tpu.memref_squeeze %dma_start3A_360 : memref<1x!tpu.dma_semaphore, #tpu.memory_space<semaphore_mem>> -> memref<!tpu.dma_semaphore, #tpu.memory_space<semaphore_mem>>
      tpu.enqueue_indirect_dma source(%dma_start3A_359 : memref<10000x128xf32, #tpu.memory_space<hbm>>) target(%dma_start3A_353 : memref<128x128xf32, #tpu.memory_space<vmem>>) offsets(%dma_start3A_356 : memref<128xi32, #tpu.memory_space<vmem>>) semaphore(%dma_start3A_361 : memref<!tpu.dma_semaphore, #tpu.memory_space<semaphore_mem>>)
      %add3A_362 = arith.constant 1 : i32
      %add3A_363 = arith.addi %mul3A_293, %add3A_362 : i32
      %jit3A_364 = arith.constant 4 : i32
      %eq3A_365 = arith.constant 0 : i32
      %eq3A_366 = arith.cmpi eq, %jit3A_364, %eq3A_365 : i32
      %jit3A_367 = arith.constant 1 : i32
      %select_n3A_368 = arith.select %eq3A_366, %jit3A_367, %jit3A_364 : i32
      %rem3A_369 = arith.remsi %add3A_363, %select_n3A_368 : i32
      %ne3A_370 = arith.constant 0 : i32
      %ne3A_371 = arith.cmpi ne, %rem3A_369, %ne3A_370 : i32
      %lt3A_372 = arith.constant 0 : i32
      %lt3A_373 = arith.cmpi slt, %rem3A_369, %lt3A_372 : i32
      %lt3A_374 = arith.constant 0 : i32
      %lt3A_375 = arith.cmpi slt, %select_n3A_368, %lt3A_374 : i32
      %ne3A_376 = arith.xori %lt3A_373, %lt3A_375 : i1
      %and3A_377 = arith.andi %ne3A_376, %ne3A_371 : i1
      %add3A_378 = arith.addi %rem3A_369, %select_n3A_368 : i32
      %select_n3A_379 = arith.select %and3A_377, %add3A_378, %rem3A_369 : i32
      %dma_wait3A_380 = arith.constant 0 : i32
      %dma_wait3A_381 = tpu.memref_slice %arg8[%select_n3A_379, %dma_wait3A_380] : memref<4x128xi32, #tpu.memory_space<vmem>> -> memref<1x128xi32, #tpu.memory_space<vmem>>
      %dma_wait3A_382 = tpu.memref_squeeze %dma_wait3A_381 : memref<1x128xi32, #tpu.memory_space<vmem>> -> memref<128xi32, #tpu.memory_space<vmem>>
      %dma_wait3A_383 = arith.constant 0 : i32
      %dma_wait3A_384 = tpu.memref_slice %arg3[%add3A, %dma_wait3A_383] : memref<32x10240xi32, #tpu.memory_space<hbm>> -> memref<1x128xi32, #tpu.memory_space<hbm>>
      %dma_wait3A_385 = tpu.memref_squeeze %dma_wait3A_384 : memref<1x128xi32, #tpu.memory_space<hbm>> -> memref<128xi32, #tpu.memory_space<hbm>>
      %dma_wait3A_386 = tpu.memref_slice %arg14[%select_n3A_379] : memref<4x!tpu.dma_semaphore, #tpu.memory_space<semaphore_mem>> -> memref<1x!tpu.dma_semaphore, #tpu.memory_space<semaphore_mem>>
      %dma_wait3A_387 = tpu.memref_squeeze %dma_wait3A_386 : memref<1x!tpu.dma_semaphore, #tpu.memory_space<semaphore_mem>> -> memref<!tpu.dma_semaphore, #tpu.memory_space<semaphore_mem>>
      %dma_wait3A_388 = arith.constant 0 : i32
      %dma_wait3A_389 = tpu.memref_slice %arg8[%select_n3A_379, %dma_wait3A_388] : memref<4x128xi32, #tpu.memory_space<vmem>> -> memref<1x128xi32, #tpu.memory_space<vmem>>
      %dma_wait3A_390 = tpu.memref_squeeze %dma_wait3A_389 : memref<1x128xi32, #tpu.memory_space<vmem>> -> memref<128xi32, #tpu.memory_space<vmem>>
      %dma_wait3A_391 = arith.constant 0 : i32
      %dma_wait3A_392 = tpu.memref_slice %arg3[%add3A, %dma_wait3A_391] : memref<32x10240xi32, #tpu.memory_space<hbm>> -> memref<1x128xi32, #tpu.memory_space<hbm>>
      %dma_wait3A_393 = tpu.memref_squeeze %dma_wait3A_392 : memref<1x128xi32, #tpu.memory_space<hbm>> -> memref<128xi32, #tpu.memory_space<hbm>>
      tpu.wait_dma2 semaphore(%dma_wait3A_387 : memref<!tpu.dma_semaphore, #tpu.memory_space<semaphore_mem>>) src(%dma_wait3A_393 : memref<128xi32, #tpu.memory_space<hbm>>) dst(%dma_wait3A_390 : memref<128xi32, #tpu.memory_space<vmem>>)
      %sub3A_394 = arith.constant 1 : i32
      %sub3A_395 = arith.subi %mul3A_293, %sub3A_394 : i32
      %dma_wait3A_396 = arith.constant 1 : i32
      %dma_wait3A_397 = arith.constant 1 : i32
      %dma_wait3A_398 = arith.constant 0 : i32
      %dma_wait3A_399 = arith.constant 0 : i32
      %dma_wait3A_400 = tpu.memref_slice %arg10[%dma_wait3A_396, %dma_wait3A_398, %dma_wait3A_399] : memref<2x128x128xf32, #tpu.memory_space<vmem>> -> memref<1x128x128xf32, #tpu.memory_space<vmem>>
      %dma_wait3A_401 = tpu.memref_squeeze %dma_wait3A_400 : memref<1x128x128xf32, #tpu.memory_space<vmem>> -> memref<128x128xf32, #tpu.memory_space<vmem>>
      %dma_wait3A_402 = arith.constant 0 : i32
      %dma_wait3A_403 = tpu.memref_slice %arg9[%sub3A_395, %dma_wait3A_402] : memref<80x128xi32, #tpu.memory_space<vmem>> -> memref<1x128xi32, #tpu.memory_space<vmem>>
      %dma_wait3A_404 = tpu.memref_squeeze %dma_wait3A_403 : memref<1x128xi32, #tpu.memory_space<vmem>> -> memref<128xi32, #tpu.memory_space<vmem>>
      %dma_wait3A_405 = arith.constant 0 : i32
      %dma_wait3A_406 = arith.constant 0 : i32
      %dma_wait3A_407 = tpu.memref_slice %arg7[%dma_wait3A_405, %dma_wait3A_406] : memref<10112x128xf32, #tpu.memory_space<vmem_shared>> -> memref<10112x128xf32, #tpu.memory_space<vmem_shared>>
      %dma_wait3A_408 = tpu.memref_slice %arg12[%dma_wait3A_397] : memref<2x!tpu.dma_semaphore, #tpu.memory_space<semaphore_mem>> -> memref<1x!tpu.dma_semaphore, #tpu.memory_space<semaphore_mem>>
      %dma_wait3A_409 = tpu.memref_squeeze %dma_wait3A_408 : memref<1x!tpu.dma_semaphore, #tpu.memory_space<semaphore_mem>> -> memref<!tpu.dma_semaphore, #tpu.memory_space<semaphore_mem>>
      tpu.wait_indirect_dma semaphore(%dma_wait3A_409 : memref<!tpu.dma_semaphore, #tpu.memory_space<semaphore_mem>>) src(%dma_wait3A_401 : memref<128x128xf32, #tpu.memory_space<vmem>>) dst(%dma_wait3A_407 : memref<10112x128xf32, #tpu.memory_space<vmem_shared>>)
      %add3A_410 = arith.constant 1 : i32
      %add3A_411 = arith.addi %mul3A_293, %add3A_410 : i32
      %jit3A_412 = arith.constant 4 : i32
      %eq3A_413 = arith.constant 0 : i32
      %eq3A_414 = arith.cmpi eq, %jit3A_412, %eq3A_413 : i32
      %jit3A_415 = arith.constant 1 : i32
      %select_n3A_416 = arith.select %eq3A_414, %jit3A_415, %jit3A_412 : i32
      %rem3A_417 = arith.remsi %add3A_411, %select_n3A_416 : i32
      %ne3A_418 = arith.constant 0 : i32
      %ne3A_419 = arith.cmpi ne, %rem3A_417, %ne3A_418 : i32
      %lt3A_420 = arith.constant 0 : i32
      %lt3A_421 = arith.cmpi slt, %rem3A_417, %lt3A_420 : i32
      %lt3A_422 = arith.constant 0 : i32
      %lt3A_423 = arith.cmpi slt, %select_n3A_416, %lt3A_422 : i32
      %ne3A_424 = arith.xori %lt3A_421, %lt3A_423 : i1
      %and3A_425 = arith.andi %ne3A_424, %ne3A_419 : i1
      %add3A_426 = arith.addi %rem3A_417, %select_n3A_416 : i32
      %select_n3A_427 = arith.select %and3A_425, %add3A_426, %rem3A_417 : i32
      %dma_start3A_428 = arith.constant 1 : i32
      %dma_start3A_429 = arith.constant 1 : i32
      %dma_start3A_430 = arith.constant 0 : i32
      %dma_start3A_431 = arith.constant 0 : i32
      %dma_start3A_432 = tpu.memref_slice %arg10[%dma_start3A_428, %dma_start3A_430, %dma_start3A_431] : memref<2x128x128xf32, #tpu.memory_space<vmem>> -> memref<1x128x128xf32, #tpu.memory_space<vmem>>
      %dma_start3A_433 = tpu.memref_squeeze %dma_start3A_432 : memref<1x128x128xf32, #tpu.memory_space<vmem>> -> memref<128x128xf32, #tpu.memory_space<vmem>>
      %dma_start3A_434 = arith.constant 0 : i32
      %dma_start3A_435 = tpu.memref_slice %arg8[%select_n3A_427, %dma_start3A_434] : memref<4x128xi32, #tpu.memory_space<vmem>> -> memref<1x128xi32, #tpu.memory_space<vmem>>
      %dma_start3A_436 = tpu.memref_squeeze %dma_start3A_435 : memref<1x128xi32, #tpu.memory_space<vmem>> -> memref<128xi32, #tpu.memory_space<vmem>>
      %dma_start3A_437 = arith.constant 0 : i32
      %dma_start3A_438 = arith.constant 0 : i32
      %dma_start3A_439 = tpu.memref_slice %arg2[%dma_start3A_437, %dma_start3A_438] : memref<10000x128xf32, #tpu.memory_space<hbm>> -> memref<10000x128xf32, #tpu.memory_space<hbm>>
      %dma_start3A_440 = tpu.memref_slice %arg11[%dma_start3A_429] : memref<2x!tpu.dma_semaphore, #tpu.memory_space<semaphore_mem>> -> memref<1x!tpu.dma_semaphore, #tpu.memory_space<semaphore_mem>>
      %dma_start3A_441 = tpu.memref_squeeze %dma_start3A_440 : memref<1x!tpu.dma_semaphore, #tpu.memory_space<semaphore_mem>> -> memref<!tpu.dma_semaphore, #tpu.memory_space<semaphore_mem>>
      tpu.enqueue_indirect_dma source(%dma_start3A_439 : memref<10000x128xf32, #tpu.memory_space<hbm>>) target(%dma_start3A_433 : memref<128x128xf32, #tpu.memory_space<vmem>>) offsets(%dma_start3A_436 : memref<128xi32, #tpu.memory_space<vmem>>) semaphore(%dma_start3A_441 : memref<!tpu.dma_semaphore, #tpu.memory_space<semaphore_mem>>)
      %add3A_442 = arith.constant 2 : i32
      %add3A_443 = arith.addi %mul3A_293, %add3A_442 : i32
      %min3A = arith.constant 79 : i32
      %min3A_444 = arith.minsi %add3A_443, %min3A : i32
      %jit3A_445 = arith.constant 4 : i32
      %eq3A_446 = arith.constant 0 : i32
      %eq3A_447 = arith.cmpi eq, %jit3A_445, %eq3A_446 : i32
      %jit3A_448 = arith.constant 1 : i32
      %select_n3A_449 = arith.select %eq3A_447, %jit3A_448, %jit3A_445 : i32
      %rem3A_450 = arith.remsi %min3A_444, %select_n3A_449 : i32
      %ne3A_451 = arith.constant 0 : i32
      %ne3A_452 = arith.cmpi ne, %rem3A_450, %ne3A_451 : i32
      %lt3A_453 = arith.constant 0 : i32
      %lt3A_454 = arith.cmpi slt, %rem3A_450, %lt3A_453 : i32
      %lt3A_455 = arith.constant 0 : i32
      %lt3A_456 = arith.cmpi slt, %select_n3A_449, %lt3A_455 : i32
      %ne3A_457 = arith.xori %lt3A_454, %lt3A_456 : i1
      %and3A_458 = arith.andi %ne3A_457, %ne3A_452 : i1
      %add3A_459 = arith.addi %rem3A_450, %select_n3A_449 : i32
      %select_n3A_460 = arith.select %and3A_458, %add3A_459, %rem3A_450 : i32
      %mul3A_461 = arith.constant 128 : i32
      %mul3A_462 = arith.muli %min3A_444, %mul3A_461 : i32
      %dma_start3A_463 = arith.constant 0 : i32
      %dma_start3A_464 = tpu.memref_slice %arg8[%select_n3A_460, %dma_start3A_463] : memref<4x128xi32, #tpu.memory_space<vmem>> -> memref<1x128xi32, #tpu.memory_space<vmem>>
      %dma_start3A_465 = tpu.memref_squeeze %dma_start3A_464 : memref<1x128xi32, #tpu.memory_space<vmem>> -> memref<128xi32, #tpu.memory_space<vmem>>
      %dma_start3A_466 = tpu.memref_slice %arg3[%add3A, %mul3A_462] : memref<32x10240xi32, #tpu.memory_space<hbm>> -> memref<1x128xi32, #tpu.memory_space<hbm>>
      %dma_start3A_467 = tpu.memref_squeeze %dma_start3A_466 : memref<1x128xi32, #tpu.memory_space<hbm>> -> memref<128xi32, #tpu.memory_space<hbm>>
      %dma_start3A_468 = tpu.memref_slice %arg14[%select_n3A_460] : memref<4x!tpu.dma_semaphore, #tpu.memory_space<semaphore_mem>> -> memref<1x!tpu.dma_semaphore, #tpu.memory_space<semaphore_mem>>
      %dma_start3A_469 = tpu.memref_squeeze %dma_start3A_468 : memref<1x!tpu.dma_semaphore, #tpu.memory_space<semaphore_mem>> -> memref<!tpu.dma_semaphore, #tpu.memory_space<semaphore_mem>>
      %dma_start3A_470 = arith.constant 0 : i32
      %dma_start3A_471 = tpu.memref_slice %arg8[%select_n3A_460, %dma_start3A_470] : memref<4x128xi32, #tpu.memory_space<vmem>> -> memref<1x128xi32, #tpu.memory_space<vmem>>
      %dma_start3A_472 = tpu.memref_squeeze %dma_start3A_471 : memref<1x128xi32, #tpu.memory_space<vmem>> -> memref<128xi32, #tpu.memory_space<vmem>>
      %dma_start3A_473 = tpu.memref_slice %arg3[%add3A, %mul3A_462] : memref<32x10240xi32, #tpu.memory_space<hbm>> -> memref<1x128xi32, #tpu.memory_space<hbm>>
      %dma_start3A_474 = tpu.memref_squeeze %dma_start3A_473 : memref<1x128xi32, #tpu.memory_space<hbm>> -> memref<128xi32, #tpu.memory_space<hbm>>
      tpu.enqueue_dma source(%dma_start3A_474 : memref<128xi32, #tpu.memory_space<hbm>>) target(%dma_start3A_472 : memref<128xi32, #tpu.memory_space<vmem>>) target_semaphore(%dma_start3A_469 : memref<!tpu.dma_semaphore, #tpu.memory_space<semaphore_mem>>)
      %add3A_475 = arith.constant 2 : i32
      %add3A_476 = arith.addi %mul3A_293, %add3A_475 : i32
      %add3A_477 = arith.constant 1 : i32
      %add3A_478 = arith.addi %add3A_476, %add3A_477 : i32
      %min3A_479 = arith.constant 79 : i32
      %min3A_480 = arith.minsi %add3A_478, %min3A_479 : i32
      %jit3A_481 = arith.constant 4 : i32
      %eq3A_482 = arith.constant 0 : i32
      %eq3A_483 = arith.cmpi eq, %jit3A_481, %eq3A_482 : i32
      %jit3A_484 = arith.constant 1 : i32
      %select_n3A_485 = arith.select %eq3A_483, %jit3A_484, %jit3A_481 : i32
      %rem3A_486 = arith.remsi %min3A_480, %select_n3A_485 : i32
      %ne3A_487 = arith.constant 0 : i32
      %ne3A_488 = arith.cmpi ne, %rem3A_486, %ne3A_487 : i32
      %lt3A_489 = arith.constant 0 : i32
      %lt3A_490 = arith.cmpi slt, %rem3A_486, %lt3A_489 : i32
      %lt3A_491 = arith.constant 0 : i32
      %lt3A_492 = arith.cmpi slt, %select_n3A_485, %lt3A_491 : i32
      %ne3A_493 = arith.xori %lt3A_490, %lt3A_492 : i1
      %and3A_494 = arith.andi %ne3A_493, %ne3A_488 : i1
      %add3A_495 = arith.addi %rem3A_486, %select_n3A_485 : i32
      %select_n3A_496 = arith.select %and3A_494, %add3A_495, %rem3A_486 : i32
      %mul3A_497 = arith.constant 128 : i32
      %mul3A_498 = arith.muli %min3A_480, %mul3A_497 : i32
      %dma_start3A_499 = arith.constant 0 : i32
      %dma_start3A_500 = tpu.memref_slice %arg8[%select_n3A_496, %dma_start3A_499] : memref<4x128xi32, #tpu.memory_space<vmem>> -> memref<1x128xi32, #tpu.memory_space<vmem>>
      %dma_start3A_501 = tpu.memref_squeeze %dma_start3A_500 : memref<1x128xi32, #tpu.memory_space<vmem>> -> memref<128xi32, #tpu.memory_space<vmem>>
      %dma_start3A_502 = tpu.memref_slice %arg3[%add3A, %mul3A_498] : memref<32x10240xi32, #tpu.memory_space<hbm>> -> memref<1x128xi32, #tpu.memory_space<hbm>>
      %dma_start3A_503 = tpu.memref_squeeze %dma_start3A_502 : memref<1x128xi32, #tpu.memory_space<hbm>> -> memref<128xi32, #tpu.memory_space<hbm>>
      %dma_start3A_504 = tpu.memref_slice %arg14[%select_n3A_496] : memref<4x!tpu.dma_semaphore, #tpu.memory_space<semaphore_mem>> -> memref<1x!tpu.dma_semaphore, #tpu.memory_space<semaphore_mem>>
      %dma_start3A_505 = tpu.memref_squeeze %dma_start3A_504 : memref<1x!tpu.dma_semaphore, #tpu.memory_space<semaphore_mem>> -> memref<!tpu.dma_semaphore, #tpu.memory_space<semaphore_mem>>
      %dma_start3A_506 = arith.constant 0 : i32
      %dma_start3A_507 = tpu.memref_slice %arg8[%select_n3A_496, %dma_start3A_506] : memref<4x128xi32, #tpu.memory_space<vmem>> -> memref<1x128xi32, #tpu.memory_space<vmem>>
      %dma_start3A_508 = tpu.memref_squeeze %dma_start3A_507 : memref<1x128xi32, #tpu.memory_space<vmem>> -> memref<128xi32, #tpu.memory_space<vmem>>
      %dma_start3A_509 = tpu.memref_slice %arg3[%add3A, %mul3A_498] : memref<32x10240xi32, #tpu.memory_space<hbm>> -> memref<1x128xi32, #tpu.memory_space<hbm>>
      %dma_start3A_510 = tpu.memref_squeeze %dma_start3A_509 : memref<1x128xi32, #tpu.memory_space<hbm>> -> memref<128xi32, #tpu.memory_space<hbm>>
      tpu.enqueue_dma source(%dma_start3A_510 : memref<128xi32, #tpu.memory_space<hbm>>) target(%dma_start3A_508 : memref<128xi32, #tpu.memory_space<vmem>>) target_semaphore(%dma_start3A_505 : memref<!tpu.dma_semaphore, #tpu.memory_space<semaphore_mem>>)
      %dma_wait3A_511 = arith.constant 0 : i32
      %dma_wait3A_512 = arith.constant 0 : i32
      %dma_wait3A_513 = arith.constant 0 : i32
      %dma_wait3A_514 = arith.constant 0 : i32
      %dma_wait3A_515 = arith.constant 0 : i32
      %dma_wait3A_516 = tpu.memref_slice %arg10[%dma_wait3A_512, %dma_wait3A_514, %dma_wait3A_515] : memref<2x128x128xf32, #tpu.memory_space<vmem>> -> memref<1x128x128xf32, #tpu.memory_space<vmem>>
      %dma_wait3A_517 = tpu.memref_squeeze %dma_wait3A_516 : memref<1x128x128xf32, #tpu.memory_space<vmem>> -> memref<128x128xf32, #tpu.memory_space<vmem>>
      %dma_wait3A_518 = arith.constant 0 : i32
      %dma_wait3A_519 = tpu.memref_slice %arg8[%dma_wait3A_511, %dma_wait3A_518] : memref<4x128xi32, #tpu.memory_space<vmem>> -> memref<1x128xi32, #tpu.memory_space<vmem>>
      %dma_wait3A_520 = tpu.memref_squeeze %dma_wait3A_519 : memref<1x128xi32, #tpu.memory_space<vmem>> -> memref<128xi32, #tpu.memory_space<vmem>>
      %dma_wait3A_521 = arith.constant 0 : i32
      %dma_wait3A_522 = arith.constant 0 : i32
      %dma_wait3A_523 = tpu.memref_slice %arg2[%dma_wait3A_521, %dma_wait3A_522] : memref<10000x128xf32, #tpu.memory_space<hbm>> -> memref<10000x128xf32, #tpu.memory_space<hbm>>
      %dma_wait3A_524 = tpu.memref_slice %arg11[%dma_wait3A_513] : memref<2x!tpu.dma_semaphore, #tpu.memory_space<semaphore_mem>> -> memref<1x!tpu.dma_semaphore, #tpu.memory_space<semaphore_mem>>
      %dma_wait3A_525 = tpu.memref_squeeze %dma_wait3A_524 : memref<1x!tpu.dma_semaphore, #tpu.memory_space<semaphore_mem>> -> memref<!tpu.dma_semaphore, #tpu.memory_space<semaphore_mem>>
      tpu.wait_indirect_dma semaphore(%dma_wait3A_525 : memref<!tpu.dma_semaphore, #tpu.memory_space<semaphore_mem>>) src(%dma_wait3A_523 : memref<10000x128xf32, #tpu.memory_space<hbm>>) dst(%dma_wait3A_517 : memref<128x128xf32, #tpu.memory_space<vmem>>)
      %dma_start3A_526 = arith.constant 0 : i32
      %dma_start3A_527 = arith.constant 0 : i32
      %dma_start3A_528 = arith.constant 0 : i32
      %dma_start3A_529 = arith.constant 0 : i32
      %dma_start3A_530 = tpu.memref_slice %arg10[%dma_start3A_526, %dma_start3A_528, %dma_start3A_529] : memref<2x128x128xf32, #tpu.memory_space<vmem>> -> memref<1x128x128xf32, #tpu.memory_space<vmem>>
      %dma_start3A_531 = tpu.memref_squeeze %dma_start3A_530 : memref<1x128x128xf32, #tpu.memory_space<vmem>> -> memref<128x128xf32, #tpu.memory_space<vmem>>
      %dma_start3A_532 = arith.constant 0 : i32
      %dma_start3A_533 = tpu.memref_slice %arg9[%mul3A_293, %dma_start3A_532] : memref<80x128xi32, #tpu.memory_space<vmem>> -> memref<1x128xi32, #tpu.memory_space<vmem>>
      %dma_start3A_534 = tpu.memref_squeeze %dma_start3A_533 : memref<1x128xi32, #tpu.memory_space<vmem>> -> memref<128xi32, #tpu.memory_space<vmem>>
      %dma_start3A_535 = arith.constant 0 : i32
      %dma_start3A_536 = arith.constant 0 : i32
      %dma_start3A_537 = tpu.memref_slice %arg7[%dma_start3A_535, %dma_start3A_536] : memref<10112x128xf32, #tpu.memory_space<vmem_shared>> -> memref<10112x128xf32, #tpu.memory_space<vmem_shared>>
      %dma_start3A_538 = tpu.memref_slice %arg12[%dma_start3A_527] : memref<2x!tpu.dma_semaphore, #tpu.memory_space<semaphore_mem>> -> memref<1x!tpu.dma_semaphore, #tpu.memory_space<semaphore_mem>>
      %dma_start3A_539 = tpu.memref_squeeze %dma_start3A_538 : memref<1x!tpu.dma_semaphore, #tpu.memory_space<semaphore_mem>> -> memref<!tpu.dma_semaphore, #tpu.memory_space<semaphore_mem>>
      tpu.enqueue_indirect_dma source(%dma_start3A_531 : memref<128x128xf32, #tpu.memory_space<vmem>>) target(%dma_start3A_537 : memref<10112x128xf32, #tpu.memory_space<vmem_shared>>) offsets(%dma_start3A_534 : memref<128xi32, #tpu.memory_space<vmem>>) semaphore(%dma_start3A_539 : memref<!tpu.dma_semaphore, #tpu.memory_space<semaphore_mem>>) {add = true}
      %dma_wait3A_540 = arith.constant 0 : i32
      %dma_wait3A_541 = arith.constant 1 : i32
      %dma_wait3A_542 = arith.constant 1 : i32
      %dma_wait3A_543 = arith.constant 0 : i32
      %dma_wait3A_544 = arith.constant 0 : i32
      %dma_wait3A_545 = tpu.memref_slice %arg10[%dma_wait3A_541, %dma_wait3A_543, %dma_wait3A_544] : memref<2x128x128xf32, #tpu.memory_space<vmem>> -> memref<1x128x128xf32, #tpu.memory_space<vmem>>
      %dma_wait3A_546 = tpu.memref_squeeze %dma_wait3A_545 : memref<1x128x128xf32, #tpu.memory_space<vmem>> -> memref<128x128xf32, #tpu.memory_space<vmem>>
      %dma_wait3A_547 = arith.constant 0 : i32
      %dma_wait3A_548 = tpu.memref_slice %arg8[%dma_wait3A_540, %dma_wait3A_547] : memref<4x128xi32, #tpu.memory_space<vmem>> -> memref<1x128xi32, #tpu.memory_space<vmem>>
      %dma_wait3A_549 = tpu.memref_squeeze %dma_wait3A_548 : memref<1x128xi32, #tpu.memory_space<vmem>> -> memref<128xi32, #tpu.memory_space<vmem>>
      %dma_wait3A_550 = arith.constant 0 : i32
      %dma_wait3A_551 = arith.constant 0 : i32
      %dma_wait3A_552 = tpu.memref_slice %arg2[%dma_wait3A_550, %dma_wait3A_551] : memref<10000x128xf32, #tpu.memory_space<hbm>> -> memref<10000x128xf32, #tpu.memory_space<hbm>>
      %dma_wait3A_553 = tpu.memref_slice %arg11[%dma_wait3A_542] : memref<2x!tpu.dma_semaphore, #tpu.memory_space<semaphore_mem>> -> memref<1x!tpu.dma_semaphore, #tpu.memory_space<semaphore_mem>>
      %dma_wait3A_554 = tpu.memref_squeeze %dma_wait3A_553 : memref<1x!tpu.dma_semaphore, #tpu.memory_space<semaphore_mem>> -> memref<!tpu.dma_semaphore, #tpu.memory_space<semaphore_mem>>
      tpu.wait_indirect_dma semaphore(%dma_wait3A_554 : memref<!tpu.dma_semaphore, #tpu.memory_space<semaphore_mem>>) src(%dma_wait3A_552 : memref<10000x128xf32, #tpu.memory_space<hbm>>) dst(%dma_wait3A_546 : memref<128x128xf32, #tpu.memory_space<vmem>>)
      %add3A_555 = arith.constant 1 : i32
      %add3A_556 = arith.addi %mul3A_293, %add3A_555 : i32
      %dma_start3A_557 = arith.constant 1 : i32
      %dma_start3A_558 = arith.constant 1 : i32
      %dma_start3A_559 = arith.constant 0 : i32
      %dma_start3A_560 = arith.constant 0 : i32
      %dma_start3A_561 = tpu.memref_slice %arg10[%dma_start3A_557, %dma_start3A_559, %dma_start3A_560] : memref<2x128x128xf32, #tpu.memory_space<vmem>> -> memref<1x128x128xf32, #tpu.memory_space<vmem>>
      %dma_start3A_562 = tpu.memref_squeeze %dma_start3A_561 : memref<1x128x128xf32, #tpu.memory_space<vmem>> -> memref<128x128xf32, #tpu.memory_space<vmem>>
      %dma_start3A_563 = arith.constant 0 : i32
      %dma_start3A_564 = tpu.memref_slice %arg9[%add3A_556, %dma_start3A_563] : memref<80x128xi32, #tpu.memory_space<vmem>> -> memref<1x128xi32, #tpu.memory_space<vmem>>
      %dma_start3A_565 = tpu.memref_squeeze %dma_start3A_564 : memref<1x128xi32, #tpu.memory_space<vmem>> -> memref<128xi32, #tpu.memory_space<vmem>>
      %dma_start3A_566 = arith.constant 0 : i32
      %dma_start3A_567 = arith.constant 0 : i32
      %dma_start3A_568 = tpu.memref_slice %arg7[%dma_start3A_566, %dma_start3A_567] : memref<10112x128xf32, #tpu.memory_space<vmem_shared>> -> memref<10112x128xf32, #tpu.memory_space<vmem_shared>>
      %dma_start3A_569 = tpu.memref_slice %arg12[%dma_start3A_558] : memref<2x!tpu.dma_semaphore, #tpu.memory_space<semaphore_mem>> -> memref<1x!tpu.dma_semaphore, #tpu.memory_space<semaphore_mem>>
      %dma_start3A_570 = tpu.memref_squeeze %dma_start3A_569 : memref<1x!tpu.dma_semaphore, #tpu.memory_space<semaphore_mem>> -> memref<!tpu.dma_semaphore, #tpu.memory_space<semaphore_mem>>
      tpu.enqueue_indirect_dma source(%dma_start3A_562 : memref<128x128xf32, #tpu.memory_space<vmem>>) target(%dma_start3A_568 : memref<10112x128xf32, #tpu.memory_space<vmem_shared>>) offsets(%dma_start3A_565 : memref<128xi32, #tpu.memory_space<vmem>>) semaphore(%dma_start3A_570 : memref<!tpu.dma_semaphore, #tpu.memory_space<semaphore_mem>>) {add = true}
    }
    %scan3A_223 = arith.constant 39 : i32
    %dma_wait3A_224 = arith.constant 0 : i32
    %dma_wait3A_225 = arith.constant 78 : i32
    %dma_wait3A_226 = arith.constant 0 : i32
    %dma_wait3A_227 = arith.constant 0 : i32
    %dma_wait3A_228 = arith.constant 0 : i32
    %dma_wait3A_229 = tpu.memref_slice %arg10[%dma_wait3A_224, %dma_wait3A_227, %dma_wait3A_228] : memref<2x128x128xf32, #tpu.memory_space<vmem>> -> memref<1x128x128xf32, #tpu.memory_space<vmem>>
    %dma_wait3A_230 = tpu.memref_squeeze %dma_wait3A_229 : memref<1x128x128xf32, #tpu.memory_space<vmem>> -> memref<128x128xf32, #tpu.memory_space<vmem>>
    %dma_wait3A_231 = arith.constant 0 : i32
    %dma_wait3A_232 = tpu.memref_slice %arg9[%dma_wait3A_225, %dma_wait3A_231] : memref<80x128xi32, #tpu.memory_space<vmem>> -> memref<1x128xi32, #tpu.memory_space<vmem>>
    %dma_wait3A_233 = tpu.memref_squeeze %dma_wait3A_232 : memref<1x128xi32, #tpu.memory_space<vmem>> -> memref<128xi32, #tpu.memory_space<vmem>>
    %dma_wait3A_234 = arith.constant 0 : i32
    %dma_wait3A_235 = arith.constant 0 : i32
    %dma_wait3A_236 = tpu.memref_slice %arg7[%dma_wait3A_234, %dma_wait3A_235] : memref<10112x128xf32, #tpu.memory_space<vmem_shared>> -> memref<10112x128xf32, #tpu.memory_space<vmem_shared>>
    %dma_wait3A_237 = tpu.memref_slice %arg12[%dma_wait3A_226] : memref<2x!tpu.dma_semaphore, #tpu.memory_space<semaphore_mem>> -> memref<1x!tpu.dma_semaphore, #tpu.memory_space<semaphore_mem>>
    %dma_wait3A_238 = tpu.memref_squeeze %dma_wait3A_237 : memref<1x!tpu.dma_semaphore, #tpu.memory_space<semaphore_mem>> -> memref<!tpu.dma_semaphore, #tpu.memory_space<semaphore_mem>>
    tpu.wait_indirect_dma semaphore(%dma_wait3A_238 : memref<!tpu.dma_semaphore, #tpu.memory_space<semaphore_mem>>) src(%dma_wait3A_230 : memref<128x128xf32, #tpu.memory_space<vmem>>) dst(%dma_wait3A_236 : memref<10112x128xf32, #tpu.memory_space<vmem_shared>>)
    %dma_wait3A_239 = arith.constant 1 : i32
    %dma_wait3A_240 = arith.constant 79 : i32
    %dma_wait3A_241 = arith.constant 1 : i32
    %dma_wait3A_242 = arith.constant 0 : i32
    %dma_wait3A_243 = arith.constant 0 : i32
    %dma_wait3A_244 = tpu.memref_slice %arg10[%dma_wait3A_239, %dma_wait3A_242, %dma_wait3A_243] : memref<2x128x128xf32, #tpu.memory_space<vmem>> -> memref<1x128x128xf32, #tpu.memory_space<vmem>>
    %dma_wait3A_245 = tpu.memref_squeeze %dma_wait3A_244 : memref<1x128x128xf32, #tpu.memory_space<vmem>> -> memref<128x128xf32, #tpu.memory_space<vmem>>
    %dma_wait3A_246 = arith.constant 0 : i32
    %dma_wait3A_247 = tpu.memref_slice %arg9[%dma_wait3A_240, %dma_wait3A_246] : memref<80x128xi32, #tpu.memory_space<vmem>> -> memref<1x128xi32, #tpu.memory_space<vmem>>
    %dma_wait3A_248 = tpu.memref_squeeze %dma_wait3A_247 : memref<1x128xi32, #tpu.memory_space<vmem>> -> memref<128xi32, #tpu.memory_space<vmem>>
    %dma_wait3A_249 = arith.constant 0 : i32
    %dma_wait3A_250 = arith.constant 0 : i32
    %dma_wait3A_251 = tpu.memref_slice %arg7[%dma_wait3A_249, %dma_wait3A_250] : memref<10112x128xf32, #tpu.memory_space<vmem_shared>> -> memref<10112x128xf32, #tpu.memory_space<vmem_shared>>
    %dma_wait3A_252 = tpu.memref_slice %arg12[%dma_wait3A_241] : memref<2x!tpu.dma_semaphore, #tpu.memory_space<semaphore_mem>> -> memref<1x!tpu.dma_semaphore, #tpu.memory_space<semaphore_mem>>
    %dma_wait3A_253 = tpu.memref_squeeze %dma_wait3A_252 : memref<1x!tpu.dma_semaphore, #tpu.memory_space<semaphore_mem>> -> memref<!tpu.dma_semaphore, #tpu.memory_space<semaphore_mem>>
    tpu.wait_indirect_dma semaphore(%dma_wait3A_253 : memref<!tpu.dma_semaphore, #tpu.memory_space<semaphore_mem>>) src(%dma_wait3A_245 : memref<128x128xf32, #tpu.memory_space<vmem>>) dst(%dma_wait3A_251 : memref<10112x128xf32, #tpu.memory_space<vmem_shared>>)
    %dma_wait3A_254 = arith.constant 3 : i32
    %dma_wait3A_255 = arith.constant 3 : i32
    %dma_wait3A_256 = arith.constant 0 : i32
    %dma_wait3A_257 = tpu.memref_slice %arg8[%dma_wait3A_254, %dma_wait3A_256] : memref<4x128xi32, #tpu.memory_space<vmem>> -> memref<1x128xi32, #tpu.memory_space<vmem>>
    %dma_wait3A_258 = tpu.memref_squeeze %dma_wait3A_257 : memref<1x128xi32, #tpu.memory_space<vmem>> -> memref<128xi32, #tpu.memory_space<vmem>>
    %dma_wait3A_259 = arith.constant 0 : i32
    %dma_wait3A_260 = tpu.memref_slice %arg3[%add3A, %dma_wait3A_259] : memref<32x10240xi32, #tpu.memory_space<hbm>> -> memref<1x128xi32, #tpu.memory_space<hbm>>
    %dma_wait3A_261 = tpu.memref_squeeze %dma_wait3A_260 : memref<1x128xi32, #tpu.memory_space<hbm>> -> memref<128xi32, #tpu.memory_space<hbm>>
    %dma_wait3A_262 = tpu.memref_slice %arg14[%dma_wait3A_255] : memref<4x!tpu.dma_semaphore, #tpu.memory_space<semaphore_mem>> -> memref<1x!tpu.dma_semaphore, #tpu.memory_space<semaphore_mem>>
    %dma_wait3A_263 = tpu.memref_squeeze %dma_wait3A_262 : memref<1x!tpu.dma_semaphore, #tpu.memory_space<semaphore_mem>> -> memref<!tpu.dma_semaphore, #tpu.memory_space<semaphore_mem>>
    %dma_wait3A_264 = arith.constant 0 : i32
    %dma_wait3A_265 = tpu.memref_slice %arg8[%dma_wait3A_254, %dma_wait3A_264] : memref<4x128xi32, #tpu.memory_space<vmem>> -> memref<1x128xi32, #tpu.memory_space<vmem>>
    %dma_wait3A_266 = tpu.memref_squeeze %dma_wait3A_265 : memref<1x128xi32, #tpu.memory_space<vmem>> -> memref<128xi32, #tpu.memory_space<vmem>>
    %dma_wait3A_267 = arith.constant 0 : i32
    %dma_wait3A_268 = tpu.memref_slice %arg3[%add3A, %dma_wait3A_267] : memref<32x10240xi32, #tpu.memory_space<hbm>> -> memref<1x128xi32, #tpu.memory_space<hbm>>
    %dma_wait3A_269 = tpu.memref_squeeze %dma_wait3A_268 : memref<1x128xi32, #tpu.memory_space<hbm>> -> memref<128xi32, #tpu.memory_space<hbm>>
    tpu.wait_dma2 semaphore(%dma_wait3A_263 : memref<!tpu.dma_semaphore, #tpu.memory_space<semaphore_mem>>) src(%dma_wait3A_269 : memref<128xi32, #tpu.memory_space<hbm>>) dst(%dma_wait3A_266 : memref<128xi32, #tpu.memory_space<vmem>>)
    %dma_wait3A_270 = arith.constant 3 : i32
    %dma_wait3A_271 = arith.constant 3 : i32
    %dma_wait3A_272 = arith.constant 0 : i32
    %dma_wait3A_273 = tpu.memref_slice %arg8[%dma_wait3A_270, %dma_wait3A_272] : memref<4x128xi32, #tpu.memory_space<vmem>> -> memref<1x128xi32, #tpu.memory_space<vmem>>
    %dma_wait3A_274 = tpu.memref_squeeze %dma_wait3A_273 : memref<1x128xi32, #tpu.memory_space<vmem>> -> memref<128xi32, #tpu.memory_space<vmem>>
    %dma_wait3A_275 = arith.constant 0 : i32
    %dma_wait3A_276 = tpu.memref_slice %arg3[%add3A, %dma_wait3A_275] : memref<32x10240xi32, #tpu.memory_space<hbm>> -> memref<1x128xi32, #tpu.memory_space<hbm>>
    %dma_wait3A_277 = tpu.memref_squeeze %dma_wait3A_276 : memref<1x128xi32, #tpu.memory_space<hbm>> -> memref<128xi32, #tpu.memory_space<hbm>>
    %dma_wait3A_278 = tpu.memref_slice %arg14[%dma_wait3A_271] : memref<4x!tpu.dma_semaphore, #tpu.memory_space<semaphore_mem>> -> memref<1x!tpu.dma_semaphore, #tpu.memory_space<semaphore_mem>>
    %dma_wait3A_279 = tpu.memref_squeeze %dma_wait3A_278 : memref<1x!tpu.dma_semaphore, #tpu.memory_space<semaphore_mem>> -> memref<!tpu.dma_semaphore, #tpu.memory_space<semaphore_mem>>
    %dma_wait3A_280 = arith.constant 0 : i32
    %dma_wait3A_281 = tpu.memref_slice %arg8[%dma_wait3A_270, %dma_wait3A_280] : memref<4x128xi32, #tpu.memory_space<vmem>> -> memref<1x128xi32, #tpu.memory_space<vmem>>
    %dma_wait3A_282 = tpu.memref_squeeze %dma_wait3A_281 : memref<1x128xi32, #tpu.memory_space<vmem>> -> memref<128xi32, #tpu.memory_space<vmem>>
    %dma_wait3A_283 = arith.constant 0 : i32
    %dma_wait3A_284 = tpu.memref_slice %arg3[%add3A, %dma_wait3A_283] : memref<32x10240xi32, #tpu.memory_space<hbm>> -> memref<1x128xi32, #tpu.memory_space<hbm>>
    %dma_wait3A_285 = tpu.memref_squeeze %dma_wait3A_284 : memref<1x128xi32, #tpu.memory_space<hbm>> -> memref<128xi32, #tpu.memory_space<hbm>>
    tpu.wait_dma2 semaphore(%dma_wait3A_279 : memref<!tpu.dma_semaphore, #tpu.memory_space<semaphore_mem>>) src(%dma_wait3A_285 : memref<128xi32, #tpu.memory_space<hbm>>) dst(%dma_wait3A_282 : memref<128xi32, #tpu.memory_space<vmem>>)
    %barrier3A_286 = arith.constant 0 : index
    tpu.barrier barrier_id(%barrier3A_286)
    %mul3A_287 = arith.constant 632 : i32
    %mul3A_288 = arith.muli %arg1, %mul3A_287 : i32
    %mul3A_289 = arith.constant 632 : i32
    %mul3A_290 = arith.muli %arg1, %mul3A_289 : i32
    "tpu.region"() ({
      %run_scoped3A = tpu.sem_alloc : memref<!tpu.dma_semaphore, #tpu.memory_space<semaphore_mem>>
      %dma_start3A_291 = arith.constant 0 : i32
      %dma_start3A_292 = tpu.memref_slice %arg6[%arg0, %mul3A_290, %dma_start3A_291] : memref<2x10112x128xf32, #tpu.memory_space<hbm>> -> memref<1x632x128xf32, #tpu.memory_space<hbm>>
      %dma_start3A_293 = tpu.memref_squeeze %dma_start3A_292 : memref<1x632x128xf32, #tpu.memory_space<hbm>> -> memref<632x128xf32, #tpu.memory_space<hbm>>
      %dma_start3A_294 = arith.constant 0 : i32
      %dma_start3A_295 = tpu.memref_slice %arg7[%mul3A_288, %dma_start3A_294] : memref<10112x128xf32, #tpu.memory_space<vmem_shared>> -> memref<632x128xf32, #tpu.memory_space<vmem_shared>>
      tpu.enqueue_dma source(%dma_start3A_295 : memref<632x128xf32, #tpu.memory_space<vmem_shared>>) target(%dma_start3A_293 : memref<632x128xf32, #tpu.memory_space<hbm>>) target_semaphore(%run_scoped3A : memref<!tpu.dma_semaphore, #tpu.memory_space<semaphore_mem>>)
      %dma_wait3A_296 = arith.constant 0 : i32
      %dma_wait3A_297 = tpu.memref_slice %arg6[%arg0, %mul3A_290, %dma_wait3A_296] : memref<2x10112x128xf32, #tpu.memory_space<hbm>> -> memref<1x632x128xf32, #tpu.memory_space<hbm>>
      %dma_wait3A_298 = tpu.memref_squeeze %dma_wait3A_297 : memref<1x632x128xf32, #tpu.memory_space<hbm>> -> memref<632x128xf32, #tpu.memory_space<hbm>>
      %dma_wait3A_299 = arith.constant 0 : i32
      %dma_wait3A_300 = tpu.memref_slice %arg7[%mul3A_288, %dma_wait3A_299] : memref<10112x128xf32, #tpu.memory_space<vmem_shared>> -> memref<632x128xf32, #tpu.memory_space<vmem_shared>>
      tpu.wait_dma2 semaphore(%run_scoped3A : memref<!tpu.dma_semaphore, #tpu.memory_space<semaphore_mem>>) src(%dma_wait3A_300 : memref<632x128xf32, #tpu.memory_space<vmem_shared>>) dst(%dma_wait3A_298 : memref<632x128xf32, #tpu.memory_space<hbm>>)
      tpu.yield
    }) : () -> ()
    return
  }
}

#map = affine_map<(d0, d1) -> (0, 0, 0)>
#map1 = affine_map<(d0, d1) -> (0)>
module attributes {stable_mosaic.version = 14 : i64} {
  func.func @degc(%arg0: i32, %arg1: i32, %arg2: memref<16x160x128xi32, #tpu.memory_space<hbm>>, %arg3: memref<10112xf32, #tpu.memory_space<hbm>>, %arg4: memref<10112x16xf32, #tpu.memory_space<vmem_shared>>, %arg5: memref<160x128xi32, #tpu.memory_space<vmem>>, %arg6: memref<128x16xf32, #tpu.memory_space<vmem>>, %arg7: memref<632x16xf32, #tpu.memory_space<vmem>>, %arg8: memref<640xf32, #tpu.memory_space<vmem>>, %arg9: memref<!tpu.dma_semaphore, #tpu.memory_space<semaphore_mem>>) attributes {dimension_semantics = [#tpu.dimension_semantics<core_parallel>, #tpu.dimension_semantics<subcore_parallel>], iteration_bounds = array<i64: 2, 16>, scalar_prefetch = 0 : i64, scratch_operands = 6 : i64, tpu.core_type = #tpu.core_type<sc_vector_subcore>, window_params = [{transform_indices = #map}, {transform_indices = #map1}]} {
    "tpu.region"() ({
      %run_scoped3A = tpu.sem_alloc : memref<!tpu.dma_semaphore, #tpu.memory_space<semaphore_mem>>
      %dma_start3A = arith.constant 0 : i32
      %dma_start3A_40 = arith.constant 0 : i32
      %dma_start3A_41 = tpu.memref_slice %arg2[%arg1, %dma_start3A, %dma_start3A_40] : memref<16x160x128xi32, #tpu.memory_space<hbm>> -> memref<1x160x128xi32, #tpu.memory_space<hbm>>
      %dma_start3A_42 = tpu.memref_squeeze %dma_start3A_41 : memref<1x160x128xi32, #tpu.memory_space<hbm>> -> memref<160x128xi32, #tpu.memory_space<hbm>>
      %dma_start3A_43 = arith.constant 0 : i32
      %dma_start3A_44 = arith.constant 0 : i32
      %dma_start3A_45 = tpu.memref_slice %arg2[%arg1, %dma_start3A_43, %dma_start3A_44] : memref<16x160x128xi32, #tpu.memory_space<hbm>> -> memref<1x160x128xi32, #tpu.memory_space<hbm>>
      %dma_start3A_46 = tpu.memref_squeeze %dma_start3A_45 : memref<1x160x128xi32, #tpu.memory_space<hbm>> -> memref<160x128xi32, #tpu.memory_space<hbm>>
      tpu.enqueue_dma source(%dma_start3A_46 : memref<160x128xi32, #tpu.memory_space<hbm>>) target(%arg5 : memref<160x128xi32, #tpu.memory_space<vmem>>) target_semaphore(%run_scoped3A : memref<!tpu.dma_semaphore, #tpu.memory_space<semaphore_mem>>)
      %dma_wait3A = arith.constant 0 : i32
      %dma_wait3A_47 = arith.constant 0 : i32
      %dma_wait3A_48 = tpu.memref_slice %arg2[%arg1, %dma_wait3A, %dma_wait3A_47] : memref<16x160x128xi32, #tpu.memory_space<hbm>> -> memref<1x160x128xi32, #tpu.memory_space<hbm>>
      %dma_wait3A_49 = tpu.memref_squeeze %dma_wait3A_48 : memref<1x160x128xi32, #tpu.memory_space<hbm>> -> memref<160x128xi32, #tpu.memory_space<hbm>>
      %dma_wait3A_50 = arith.constant 0 : i32
      %dma_wait3A_51 = arith.constant 0 : i32
      %dma_wait3A_52 = tpu.memref_slice %arg2[%arg1, %dma_wait3A_50, %dma_wait3A_51] : memref<16x160x128xi32, #tpu.memory_space<hbm>> -> memref<1x160x128xi32, #tpu.memory_space<hbm>>
      %dma_wait3A_53 = tpu.memref_squeeze %dma_wait3A_52 : memref<1x160x128xi32, #tpu.memory_space<hbm>> -> memref<160x128xi32, #tpu.memory_space<hbm>>
      tpu.wait_dma2 semaphore(%run_scoped3A : memref<!tpu.dma_semaphore, #tpu.memory_space<semaphore_mem>>) src(%dma_wait3A_53 : memref<160x128xi32, #tpu.memory_space<hbm>>) dst(%arg5 : memref<160x128xi32, #tpu.memory_space<vmem>>)
      tpu.yield
    }) : () -> ()
    %broadcast_in_dim3A = arith.constant 1.000000e+00 : f32
    %broadcast_in_dim3A_0 = vector.broadcast %broadcast_in_dim3A : f32 to vector<16xf32>
    %scan3A = arith.constant 0 : i32
    %scan3A_1 = arith.constant 0 : i32
    %scan3A_2 = arith.constant 128 : i32
    %scan3A_3 = arith.addi %scan3A_1, %scan3A_2 : i32
    %scan3A_4 = arith.constant 1 : i32
    scf.for %scan3A_40 = %scan3A_1 to %scan3A_3 step %scan3A_4  : i32 {
      %swap3A = arith.index_cast %scan3A_40 : i32 to index
      %swap3A_41 = arith.constant 0 : index
      %swap3A_42 = tpu.vector_load %arg6[%swap3A, %swap3A_41] {strides = array<i32>} : memref<128x16xf32, #tpu.memory_space<vmem>>, vector<16xf32>,
      tpu.vector_store %arg6[%swap3A, %swap3A_41], %broadcast_in_dim3A_0 {strides = array<i32>} : memref<128x16xf32, #tpu.memory_space<vmem>>, vector<16xf32>,
    }
    %scan3A_5 = arith.constant 128 : i32
    %broadcast_in_dim3A_6 = arith.constant 0.000000e+00 : f32
    %broadcast_in_dim3A_7 = vector.broadcast %broadcast_in_dim3A_6 : f32 to vector<16xf32>
    %scan3A_8 = arith.constant 0 : i32
    %scan3A_9 = arith.constant 0 : i32
    %scan3A_10 = arith.constant 632 : i32
    %scan3A_11 = arith.addi %scan3A_9, %scan3A_10 : i32
    %scan3A_12 = arith.constant 1 : i32
    scf.for %scan3A_40 = %scan3A_9 to %scan3A_11 step %scan3A_12  : i32 {
      %swap3A = arith.index_cast %scan3A_40 : i32 to index
      %swap3A_41 = arith.constant 0 : index
      %swap3A_42 = tpu.vector_load %arg7[%swap3A, %swap3A_41] {strides = array<i32>} : memref<632x16xf32, #tpu.memory_space<vmem>>, vector<16xf32>,
      tpu.vector_store %arg7[%swap3A, %swap3A_41], %broadcast_in_dim3A_7 {strides = array<i32>} : memref<632x16xf32, #tpu.memory_space<vmem>>, vector<16xf32>,
    }
    %scan3A_13 = arith.constant 632 : i32
    %mul3A = arith.constant 632 : i32
    %mul3A_14 = arith.muli %arg1, %mul3A : i32
    "tpu.region"() ({
      %run_scoped3A = tpu.sem_alloc : memref<!tpu.dma_semaphore, #tpu.memory_space<semaphore_mem>>
      %dma_start3A = arith.constant 0 : i32
      %dma_start3A_40 = tpu.memref_slice %arg4[%mul3A_14, %dma_start3A] : memref<10112x16xf32, #tpu.memory_space<vmem_shared>> -> memref<632x16xf32, #tpu.memory_space<vmem_shared>>
      %dma_start3A_41 = arith.constant 0 : i32
      %dma_start3A_42 = tpu.memref_slice %arg4[%mul3A_14, %dma_start3A_41] : memref<10112x16xf32, #tpu.memory_space<vmem_shared>> -> memref<632x16xf32, #tpu.memory_space<vmem_shared>>
      tpu.enqueue_dma source(%arg7 : memref<632x16xf32, #tpu.memory_space<vmem>>) target(%dma_start3A_42 : memref<632x16xf32, #tpu.memory_space<vmem_shared>>) target_semaphore(%run_scoped3A : memref<!tpu.dma_semaphore, #tpu.memory_space<semaphore_mem>>)
      %dma_wait3A = arith.constant 0 : i32
      %dma_wait3A_43 = tpu.memref_slice %arg4[%mul3A_14, %dma_wait3A] : memref<10112x16xf32, #tpu.memory_space<vmem_shared>> -> memref<632x16xf32, #tpu.memory_space<vmem_shared>>
      %dma_wait3A_44 = arith.constant 0 : i32
      %dma_wait3A_45 = tpu.memref_slice %arg4[%mul3A_14, %dma_wait3A_44] : memref<10112x16xf32, #tpu.memory_space<vmem_shared>> -> memref<632x16xf32, #tpu.memory_space<vmem_shared>>
      tpu.wait_dma2 semaphore(%run_scoped3A : memref<!tpu.dma_semaphore, #tpu.memory_space<semaphore_mem>>) src(%arg7 : memref<632x16xf32, #tpu.memory_space<vmem>>) dst(%dma_wait3A_45 : memref<632x16xf32, #tpu.memory_space<vmem_shared>>)
      tpu.yield
    }) : () -> ()
    %barrier3A = arith.constant 0 : index
    tpu.barrier barrier_id(%barrier3A)
    %scan3A_15 = arith.constant 0 : i32
    %scan3A_16 = arith.constant 0 : i32
    %scan3A_17 = arith.constant 160 : i32
    %scan3A_18 = arith.addi %scan3A_16, %scan3A_17 : i32
    %scan3A_19 = arith.constant 1 : i32
    scf.for %scan3A_40 = %scan3A_16 to %scan3A_18 step %scan3A_19  : i32 {
      %dma_start3A = arith.constant 0 : i32
      %dma_start3A_41 = tpu.memref_slice %arg5[%scan3A_40, %dma_start3A] : memref<160x128xi32, #tpu.memory_space<vmem>> -> memref<1x128xi32, #tpu.memory_space<vmem>>
      %dma_start3A_42 = tpu.memref_squeeze %dma_start3A_41 : memref<1x128xi32, #tpu.memory_space<vmem>> -> memref<128xi32, #tpu.memory_space<vmem>>
      %dma_start3A_43 = arith.constant 0 : i32
      %dma_start3A_44 = arith.constant 0 : i32
      %dma_start3A_45 = tpu.memref_slice %arg4[%dma_start3A_43, %dma_start3A_44] : memref<10112x16xf32, #tpu.memory_space<vmem_shared>> -> memref<10112x16xf32, #tpu.memory_space<vmem_shared>>
      tpu.enqueue_indirect_dma source(%arg6 : memref<128x16xf32, #tpu.memory_space<vmem>>) target(%dma_start3A_45 : memref<10112x16xf32, #tpu.memory_space<vmem_shared>>) offsets(%dma_start3A_42 : memref<128xi32, #tpu.memory_space<vmem>>) semaphore(%arg9 : memref<!tpu.dma_semaphore, #tpu.memory_space<semaphore_mem>>) {add = true}
    }
    %scan3A_20 = arith.constant 160 : i32
    %scan3A_21 = arith.constant 0 : i32
    %scan3A_22 = arith.constant 0 : i32
    %scan3A_23 = arith.constant 160 : i32
    %scan3A_24 = arith.addi %scan3A_22, %scan3A_23 : i32
    %scan3A_25 = arith.constant 1 : i32
    scf.for %scan3A_40 = %scan3A_22 to %scan3A_24 step %scan3A_25  : i32 {
      %dma_wait3A = arith.constant 0 : i32
      %dma_wait3A_41 = arith.constant 0 : i32
      %dma_wait3A_42 = tpu.memref_slice %arg5[%dma_wait3A, %dma_wait3A_41] : memref<160x128xi32, #tpu.memory_space<vmem>> -> memref<1x128xi32, #tpu.memory_space<vmem>>
      %dma_wait3A_43 = tpu.memref_squeeze %dma_wait3A_42 : memref<1x128xi32, #tpu.memory_space<vmem>> -> memref<128xi32, #tpu.memory_space<vmem>>
      %dma_wait3A_44 = arith.constant 0 : i32
      %dma_wait3A_45 = arith.constant 0 : i32
      %dma_wait3A_46 = tpu.memref_slice %arg4[%dma_wait3A_44, %dma_wait3A_45] : memref<10112x16xf32, #tpu.memory_space<vmem_shared>> -> memref<10112x16xf32, #tpu.memory_space<vmem_shared>>
      tpu.wait_indirect_dma semaphore(%arg9 : memref<!tpu.dma_semaphore, #tpu.memory_space<semaphore_mem>>) src(%arg6 : memref<128x16xf32, #tpu.memory_space<vmem>>) dst(%dma_wait3A_46 : memref<10112x16xf32, #tpu.memory_space<vmem_shared>>)
    }
    %scan3A_26 = arith.constant 160 : i32
    %barrier3A_27 = arith.constant 0 : index
    tpu.barrier barrier_id(%barrier3A_27)
    %mul3A_28 = arith.constant 632 : i32
    %mul3A_29 = arith.muli %arg1, %mul3A_28 : i32
    "tpu.region"() ({
      %run_scoped3A = tpu.sem_alloc : memref<!tpu.dma_semaphore, #tpu.memory_space<semaphore_mem>>
      %dma_start3A = arith.constant 0 : i32
      %dma_start3A_40 = tpu.memref_slice %arg4[%mul3A_29, %dma_start3A] : memref<10112x16xf32, #tpu.memory_space<vmem_shared>> -> memref<632x16xf32, #tpu.memory_space<vmem_shared>>
      %dma_start3A_41 = arith.constant 0 : i32
      %dma_start3A_42 = tpu.memref_slice %arg4[%mul3A_29, %dma_start3A_41] : memref<10112x16xf32, #tpu.memory_space<vmem_shared>> -> memref<632x16xf32, #tpu.memory_space<vmem_shared>>
      tpu.enqueue_dma source(%dma_start3A_42 : memref<632x16xf32, #tpu.memory_space<vmem_shared>>) target(%arg7 : memref<632x16xf32, #tpu.memory_space<vmem>>) target_semaphore(%run_scoped3A : memref<!tpu.dma_semaphore, #tpu.memory_space<semaphore_mem>>)
      %dma_wait3A = arith.constant 0 : i32
      %dma_wait3A_43 = tpu.memref_slice %arg4[%mul3A_29, %dma_wait3A] : memref<10112x16xf32, #tpu.memory_space<vmem_shared>> -> memref<632x16xf32, #tpu.memory_space<vmem_shared>>
      %dma_wait3A_44 = arith.constant 0 : i32
      %dma_wait3A_45 = tpu.memref_slice %arg4[%mul3A_29, %dma_wait3A_44] : memref<10112x16xf32, #tpu.memory_space<vmem_shared>> -> memref<632x16xf32, #tpu.memory_space<vmem_shared>>
      tpu.wait_dma2 semaphore(%run_scoped3A : memref<!tpu.dma_semaphore, #tpu.memory_space<semaphore_mem>>) src(%dma_wait3A_45 : memref<632x16xf32, #tpu.memory_space<vmem_shared>>) dst(%arg7 : memref<632x16xf32, #tpu.memory_space<vmem>>)
      tpu.yield
    }) : () -> ()
    %iota3A = tpu.iota {dimensions = array<i32: 0>} : vector<16xi32>
    %broadcast_in_dim3A_30 = arith.constant 0 : i32
    %broadcast_in_dim3A_31 = vector.broadcast %broadcast_in_dim3A_30 : i32 to vector<16xi32>
    %scan3A_32 = arith.constant 0 : i32
    %scan3A_33 = arith.constant 0 : i32
    %scan3A_34 = arith.constant 40 : i32
    %scan3A_35 = arith.addi %scan3A_33, %scan3A_34 : i32
    %scan3A_36 = arith.constant 1 : i32
    scf.for %scan3A_40 = %scan3A_33 to %scan3A_35 step %scan3A_36  : i32 {
      %mul3A_41 = arith.constant 16 : i32
      %mul3A_42 = arith.muli %scan3A_40, %mul3A_41 : i32
      %add3A = vector.broadcast %mul3A_42 : i32 to vector<16xi32>
      %add3A_43 = arith.addi %add3A, %iota3A : vector<16xi32>
      %min3A = arith.constant 631 : i32
      %min3A_44 = vector.broadcast %min3A : i32 to vector<16xi32>
      %min3A_45 = arith.minsi %add3A_43, %min3A_44 : vector<16xi32>
      %gather3A = tpu.vector_load_idx %arg7[%min3A_45, %broadcast_in_dim3A_31] : memref<632x16xf32, #tpu.memory_space<vmem>>[vector<16xi32>, vector<16xi32>], vector<16xf32>,
      %add3A_46 = arith.constant 1.000000e+00 : f32
      %add3A_47 = vector.broadcast %add3A_46 : f32 to vector<16xf32>
      %add3A_48 = arith.addf %gather3A, %add3A_47 : vector<16xf32>
      %bitcast3A = vector.bitcast %add3A_48 : vector<16xf32> to vector<16xi32>
      %shift_right_arithmetic3A = arith.constant 1 : i32
      %shift_right_arithmetic3A_49 = vector.broadcast %shift_right_arithmetic3A : i32 to vector<16xi32>
      %shift_right_arithmetic3A_50 = arith.shrsi %bitcast3A, %shift_right_arithmetic3A_49 : vector<16xi32>
      %sub3A = arith.constant 1597463007 : i32
      %sub3A_51 = vector.broadcast %sub3A : i32 to vector<16xi32>
      %sub3A_52 = arith.subi %sub3A_51, %shift_right_arithmetic3A_50 : vector<16xi32>
      %bitcast3A_53 = vector.bitcast %sub3A_52 : vector<16xi32> to vector<16xf32>
      %mul3A_54 = arith.constant 5.000000e-01 : f32
      %mul3A_55 = vector.broadcast %mul3A_54 : f32 to vector<16xf32>
      %mul3A_56 = arith.mulf %mul3A_55, %add3A_48 : vector<16xf32>
      %mul3A_57 = arith.mulf %mul3A_56, %bitcast3A_53 : vector<16xf32>
      %mul3A_58 = arith.mulf %mul3A_57, %bitcast3A_53 : vector<16xf32>
      %sub3A_59 = arith.constant 1.500000e+00 : f32
      %sub3A_60 = vector.broadcast %sub3A_59 : f32 to vector<16xf32>
      %sub3A_61 = arith.subf %sub3A_60, %mul3A_58 : vector<16xf32>
      %mul3A_62 = arith.mulf %bitcast3A_53, %sub3A_61 : vector<16xf32>
      %mul3A_63 = arith.constant 5.000000e-01 : f32
      %mul3A_64 = vector.broadcast %mul3A_63 : f32 to vector<16xf32>
      %mul3A_65 = arith.mulf %mul3A_64, %add3A_48 : vector<16xf32>
      %mul3A_66 = arith.mulf %mul3A_65, %mul3A_62 : vector<16xf32>
      %mul3A_67 = arith.mulf %mul3A_66, %mul3A_62 : vector<16xf32>
      %sub3A_68 = arith.constant 1.500000e+00 : f32
      %sub3A_69 = vector.broadcast %sub3A_68 : f32 to vector<16xf32>
      %sub3A_70 = arith.subf %sub3A_69, %mul3A_67 : vector<16xf32>
      %mul3A_71 = arith.mulf %mul3A_62, %sub3A_70 : vector<16xf32>
      %mul3A_72 = arith.constant 5.000000e-01 : f32
      %mul3A_73 = vector.broadcast %mul3A_72 : f32 to vector<16xf32>
      %mul3A_74 = arith.mulf %mul3A_73, %add3A_48 : vector<16xf32>
      %mul3A_75 = arith.mulf %mul3A_74, %mul3A_71 : vector<16xf32>
      %mul3A_76 = arith.mulf %mul3A_75, %mul3A_71 : vector<16xf32>
      %sub3A_77 = arith.constant 1.500000e+00 : f32
      %sub3A_78 = vector.broadcast %sub3A_77 : f32 to vector<16xf32>
      %sub3A_79 = arith.subf %sub3A_78, %mul3A_76 : vector<16xf32>
      %mul3A_80 = arith.mulf %mul3A_71, %sub3A_79 : vector<16xf32>
      %mul3A_81 = arith.constant 16 : i32
      %mul3A_82 = arith.muli %scan3A_40, %mul3A_81 : i32
      %swap3A = arith.index_cast %mul3A_82 : i32 to index
      %swap3A_83 = tpu.vector_load %arg8[%swap3A] {strides = array<i32>} : memref<640xf32, #tpu.memory_space<vmem>>, vector<16xf32>,
      tpu.vector_store %arg8[%swap3A], %mul3A_80 {strides = array<i32>} : memref<640xf32, #tpu.memory_space<vmem>>, vector<16xf32>,
    }
    %scan3A_37 = arith.constant 40 : i32
    %mul3A_38 = arith.constant 632 : i32
    %mul3A_39 = arith.muli %arg1, %mul3A_38 : i32
    "tpu.region"() ({
      %run_scoped3A = tpu.sem_alloc : memref<!tpu.dma_semaphore, #tpu.memory_space<semaphore_mem>>
      %dma_start3A = arith.constant 0 : i32
      %dma_start3A_40 = tpu.memref_slice %arg8[%dma_start3A] : memref<640xf32, #tpu.memory_space<vmem>> -> memref<632xf32, #tpu.memory_space<vmem>>
      %dma_start3A_41 = tpu.memref_slice %arg3[%mul3A_39] : memref<10112xf32, #tpu.memory_space<hbm>> -> memref<632xf32, #tpu.memory_space<hbm>>
      %dma_start3A_42 = tpu.memref_slice %arg3[%mul3A_39] : memref<10112xf32, #tpu.memory_space<hbm>> -> memref<632xf32, #tpu.memory_space<hbm>>
      %dma_start3A_43 = arith.constant 0 : i32
      %dma_start3A_44 = tpu.memref_slice %arg8[%dma_start3A_43] : memref<640xf32, #tpu.memory_space<vmem>> -> memref<632xf32, #tpu.memory_space<vmem>>
      tpu.enqueue_dma source(%dma_start3A_44 : memref<632xf32, #tpu.memory_space<vmem>>) target(%dma_start3A_42 : memref<632xf32, #tpu.memory_space<hbm>>) target_semaphore(%run_scoped3A : memref<!tpu.dma_semaphore, #tpu.memory_space<semaphore_mem>>)
      %dma_wait3A = arith.constant 0 : i32
      %dma_wait3A_45 = tpu.memref_slice %arg8[%dma_wait3A] : memref<640xf32, #tpu.memory_space<vmem>> -> memref<632xf32, #tpu.memory_space<vmem>>
      %dma_wait3A_46 = tpu.memref_slice %arg3[%mul3A_39] : memref<10112xf32, #tpu.memory_space<hbm>> -> memref<632xf32, #tpu.memory_space<hbm>>
      %dma_wait3A_47 = tpu.memref_slice %arg3[%mul3A_39] : memref<10112xf32, #tpu.memory_space<hbm>> -> memref<632xf32, #tpu.memory_space<hbm>>
      %dma_wait3A_48 = arith.constant 0 : i32
      %dma_wait3A_49 = tpu.memref_slice %arg8[%dma_wait3A_48] : memref<640xf32, #tpu.memory_space<vmem>> -> memref<632xf32, #tpu.memory_space<vmem>>
      tpu.wait_dma2 semaphore(%run_scoped3A : memref<!tpu.dma_semaphore, #tpu.memory_space<semaphore_mem>>) src(%dma_wait3A_49 : memref<632xf32, #tpu.memory_space<vmem>>) dst(%dma_wait3A_47 : memref<632xf32, #tpu.memory_space<hbm>>)
      tpu.yield
    }) : () -> ()
    return
  }
}

#map = affine_map<(d0, d1) -> (0, 0)>
#map1 = affine_map<(d0, d1) -> (0, 0, 0)>
module attributes {stable_mosaic.version = 14 : i64} {
  func.func @prop(%arg0: i32, %arg1: i32, %arg2: memref<10000x128xf32, #tpu.memory_space<hbm>>, %arg3: memref<32x10240xi32, #tpu.memory_space<hbm>>, %arg4: memref<32x80x128xi32, #tpu.memory_space<hbm>>, %arg5: memref<632x128xf32, #tpu.memory_space<hbm>>, %arg6: memref<2x10112x128xf32, #tpu.memory_space<hbm>>, %arg7: memref<10112x128xf32, #tpu.memory_space<vmem_shared>>, %arg8: memref<4x128xi32, #tpu.memory_space<vmem>>, %arg9: memref<80x128xi32, #tpu.memory_space<vmem>>, %arg10: memref<2x128x128xf32, #tpu.memory_space<vmem>>, %arg11: memref<2x!tpu.dma_semaphore, #tpu.memory_space<semaphore_mem>>, %arg12: memref<2x!tpu.dma_semaphore, #tpu.memory_space<semaphore_mem>>, %arg13: memref<2x!tpu.dma_semaphore, #tpu.memory_space<semaphore_mem>>, %arg14: memref<4x!tpu.dma_semaphore, #tpu.memory_space<semaphore_mem>>) attributes {dimension_semantics = [#tpu.dimension_semantics<core_parallel>, #tpu.dimension_semantics<subcore_parallel>], iteration_bounds = array<i64: 2, 16>, scalar_prefetch = 0 : i64, scratch_operands = 8 : i64, tpu.core_type = #tpu.core_type<sc_vector_subcore>, window_params = [{transform_indices = #map}, {transform_indices = #map}, {transform_indices = #map1}, {transform_indices = #map}, {transform_indices = #map1}]} {
    %mul3A = arith.constant 2 : i32
    %mul3A_0 = arith.muli %arg1, %mul3A : i32
    %add3A = arith.addi %mul3A_0, %arg0 : i32
    %mul3A_1 = arith.constant 632 : i32
    %mul3A_2 = arith.muli %arg1, %mul3A_1 : i32
    %dma_start3A = arith.constant 0 : i32
    %dma_start3A_3 = tpu.memref_slice %arg13[%dma_start3A] : memref<2x!tpu.dma_semaphore, #tpu.memory_space<semaphore_mem>> -> memref<1x!tpu.dma_semaphore, #tpu.memory_space<semaphore_mem>>
    %dma_start3A_4 = tpu.memref_squeeze %dma_start3A_3 : memref<1x!tpu.dma_semaphore, #tpu.memory_space<semaphore_mem>> -> memref<!tpu.dma_semaphore, #tpu.memory_space<semaphore_mem>>
    %dma_start3A_5 = arith.constant 0 : i32
    %dma_start3A_6 = tpu.memref_slice %arg7[%mul3A_2, %dma_start3A_5] : memref<10112x128xf32, #tpu.memory_space<vmem_shared>> -> memref<632x128xf32, #tpu.memory_space<vmem_shared>>
    tpu.enqueue_dma source(%arg5 : memref<632x128xf32, #tpu.memory_space<hbm>>) target(%dma_start3A_6 : memref<632x128xf32, #tpu.memory_space<vmem_shared>>) target_semaphore(%dma_start3A_4 : memref<!tpu.dma_semaphore, #tpu.memory_space<semaphore_mem>>)
    %dma_start3A_7 = arith.constant 1 : i32
    %dma_start3A_8 = arith.constant 0 : i32
    %dma_start3A_9 = arith.constant 0 : i32
    %dma_start3A_10 = tpu.memref_slice %arg4[%add3A, %dma_start3A_8, %dma_start3A_9] : memref<32x80x128xi32, #tpu.memory_space<hbm>> -> memref<1x80x128xi32, #tpu.memory_space<hbm>>
    %dma_start3A_11 = tpu.memref_squeeze %dma_start3A_10 : memref<1x80x128xi32, #tpu.memory_space<hbm>> -> memref<80x128xi32, #tpu.memory_space<hbm>>
    %dma_start3A_12 = tpu.memref_slice %arg13[%dma_start3A_7] : memref<2x!tpu.dma_semaphore, #tpu.memory_space<semaphore_mem>> -> memref<1x!tpu.dma_semaphore, #tpu.memory_space<semaphore_mem>>
    %dma_start3A_13 = tpu.memref_squeeze %dma_start3A_12 : memref<1x!tpu.dma_semaphore, #tpu.memory_space<semaphore_mem>> -> memref<!tpu.dma_semaphore, #tpu.memory_space<semaphore_mem>>
    %dma_start3A_14 = arith.constant 0 : i32
    %dma_start3A_15 = arith.constant 0 : i32
    %dma_start3A_16 = tpu.memref_slice %arg4[%add3A, %dma_start3A_14, %dma_start3A_15] : memref<32x80x128xi32, #tpu.memory_space<hbm>> -> memref<1x80x128xi32, #tpu.memory_space<hbm>>
    %dma_start3A_17 = tpu.memref_squeeze %dma_start3A_16 : memref<1x80x128xi32, #tpu.memory_space<hbm>> -> memref<80x128xi32, #tpu.memory_space<hbm>>
    tpu.enqueue_dma source(%dma_start3A_17 : memref<80x128xi32, #tpu.memory_space<hbm>>) target(%arg9 : memref<80x128xi32, #tpu.memory_space<vmem>>) target_semaphore(%dma_start3A_13 : memref<!tpu.dma_semaphore, #tpu.memory_space<semaphore_mem>>)
    %dma_start3A_18 = arith.constant 0 : i32
    %dma_start3A_19 = arith.constant 0 : i32
    %dma_start3A_20 = arith.constant 0 : i32
    %dma_start3A_21 = tpu.memref_slice %arg8[%dma_start3A_18, %dma_start3A_20] : memref<4x128xi32, #tpu.memory_space<vmem>> -> memref<1x128xi32, #tpu.memory_space<vmem>>
    %dma_start3A_22 = tpu.memref_squeeze %dma_start3A_21 : memref<1x128xi32, #tpu.memory_space<vmem>> -> memref<128xi32, #tpu.memory_space<vmem>>
    %dma_start3A_23 = arith.constant 0 : i32
    %dma_start3A_24 = tpu.memref_slice %arg3[%add3A, %dma_start3A_23] : memref<32x10240xi32, #tpu.memory_space<hbm>> -> memref<1x128xi32, #tpu.memory_space<hbm>>
    %dma_start3A_25 = tpu.memref_squeeze %dma_start3A_24 : memref<1x128xi32, #tpu.memory_space<hbm>> -> memref<128xi32, #tpu.memory_space<hbm>>
    %dma_start3A_26 = tpu.memref_slice %arg14[%dma_start3A_19] : memref<4x!tpu.dma_semaphore, #tpu.memory_space<semaphore_mem>> -> memref<1x!tpu.dma_semaphore, #tpu.memory_space<semaphore_mem>>
    %dma_start3A_27 = tpu.memref_squeeze %dma_start3A_26 : memref<1x!tpu.dma_semaphore, #tpu.memory_space<semaphore_mem>> -> memref<!tpu.dma_semaphore, #tpu.memory_space<semaphore_mem>>
    %dma_start3A_28 = arith.constant 0 : i32
    %dma_start3A_29 = tpu.memref_slice %arg8[%dma_start3A_18, %dma_start3A_28] : memref<4x128xi32, #tpu.memory_space<vmem>> -> memref<1x128xi32, #tpu.memory_space<vmem>>
    %dma_start3A_30 = tpu.memref_squeeze %dma_start3A_29 : memref<1x128xi32, #tpu.memory_space<vmem>> -> memref<128xi32, #tpu.memory_space<vmem>>
    %dma_start3A_31 = arith.constant 0 : i32
    %dma_start3A_32 = tpu.memref_slice %arg3[%add3A, %dma_start3A_31] : memref<32x10240xi32, #tpu.memory_space<hbm>> -> memref<1x128xi32, #tpu.memory_space<hbm>>
    %dma_start3A_33 = tpu.memref_squeeze %dma_start3A_32 : memref<1x128xi32, #tpu.memory_space<hbm>> -> memref<128xi32, #tpu.memory_space<hbm>>
    tpu.enqueue_dma source(%dma_start3A_33 : memref<128xi32, #tpu.memory_space<hbm>>) target(%dma_start3A_30 : memref<128xi32, #tpu.memory_space<vmem>>) target_semaphore(%dma_start3A_27 : memref<!tpu.dma_semaphore, #tpu.memory_space<semaphore_mem>>)
    %dma_start3A_34 = arith.constant 1 : i32
    %dma_start3A_35 = arith.constant 1 : i32
    %dma_start3A_36 = arith.constant 0 : i32
    %dma_start3A_37 = tpu.memref_slice %arg8[%dma_start3A_34, %dma_start3A_36] : memref<4x128xi32, #tpu.memory_space<vmem>> -> memref<1x128xi32, #tpu.memory_space<vmem>>
    %dma_start3A_38 = tpu.memref_squeeze %dma_start3A_37 : memref<1x128xi32, #tpu.memory_space<vmem>> -> memref<128xi32, #tpu.memory_space<vmem>>
    %dma_start3A_39 = arith.constant 128 : i32
    %dma_start3A_40 = tpu.memref_slice %arg3[%add3A, %dma_start3A_39] : memref<32x10240xi32, #tpu.memory_space<hbm>> -> memref<1x128xi32, #tpu.memory_space<hbm>>
    %dma_start3A_41 = tpu.memref_squeeze %dma_start3A_40 : memref<1x128xi32, #tpu.memory_space<hbm>> -> memref<128xi32, #tpu.memory_space<hbm>>
    %dma_start3A_42 = tpu.memref_slice %arg14[%dma_start3A_35] : memref<4x!tpu.dma_semaphore, #tpu.memory_space<semaphore_mem>> -> memref<1x!tpu.dma_semaphore, #tpu.memory_space<semaphore_mem>>
    %dma_start3A_43 = tpu.memref_squeeze %dma_start3A_42 : memref<1x!tpu.dma_semaphore, #tpu.memory_space<semaphore_mem>> -> memref<!tpu.dma_semaphore, #tpu.memory_space<semaphore_mem>>
    %dma_start3A_44 = arith.constant 0 : i32
    %dma_start3A_45 = tpu.memref_slice %arg8[%dma_start3A_34, %dma_start3A_44] : memref<4x128xi32, #tpu.memory_space<vmem>> -> memref<1x128xi32, #tpu.memory_space<vmem>>
    %dma_start3A_46 = tpu.memref_squeeze %dma_start3A_45 : memref<1x128xi32, #tpu.memory_space<vmem>> -> memref<128xi32, #tpu.memory_space<vmem>>
    %dma_start3A_47 = arith.constant 128 : i32
    %dma_start3A_48 = tpu.memref_slice %arg3[%add3A, %dma_start3A_47] : memref<32x10240xi32, #tpu.memory_space<hbm>> -> memref<1x128xi32, #tpu.memory_space<hbm>>
    %dma_start3A_49 = tpu.memref_squeeze %dma_start3A_48 : memref<1x128xi32, #tpu.memory_space<hbm>> -> memref<128xi32, #tpu.memory_space<hbm>>
    tpu.enqueue_dma source(%dma_start3A_49 : memref<128xi32, #tpu.memory_space<hbm>>) target(%dma_start3A_46 : memref<128xi32, #tpu.memory_space<vmem>>) target_semaphore(%dma_start3A_43 : memref<!tpu.dma_semaphore, #tpu.memory_space<semaphore_mem>>)
    %dma_start3A_50 = arith.constant 2 : i32
    %dma_start3A_51 = arith.constant 2 : i32
    %dma_start3A_52 = arith.constant 0 : i32
    %dma_start3A_53 = tpu.memref_slice %arg8[%dma_start3A_50, %dma_start3A_52] : memref<4x128xi32, #tpu.memory_space<vmem>> -> memref<1x128xi32, #tpu.memory_space<vmem>>
    %dma_start3A_54 = tpu.memref_squeeze %dma_start3A_53 : memref<1x128xi32, #tpu.memory_space<vmem>> -> memref<128xi32, #tpu.memory_space<vmem>>
    %dma_start3A_55 = arith.constant 256 : i32
    %dma_start3A_56 = tpu.memref_slice %arg3[%add3A, %dma_start3A_55] : memref<32x10240xi32, #tpu.memory_space<hbm>> -> memref<1x128xi32, #tpu.memory_space<hbm>>
    %dma_start3A_57 = tpu.memref_squeeze %dma_start3A_56 : memref<1x128xi32, #tpu.memory_space<hbm>> -> memref<128xi32, #tpu.memory_space<hbm>>
    %dma_start3A_58 = tpu.memref_slice %arg14[%dma_start3A_51] : memref<4x!tpu.dma_semaphore, #tpu.memory_space<semaphore_mem>> -> memref<1x!tpu.dma_semaphore, #tpu.memory_space<semaphore_mem>>
    %dma_start3A_59 = tpu.memref_squeeze %dma_start3A_58 : memref<1x!tpu.dma_semaphore, #tpu.memory_space<semaphore_mem>> -> memref<!tpu.dma_semaphore, #tpu.memory_space<semaphore_mem>>
    %dma_start3A_60 = arith.constant 0 : i32
    %dma_start3A_61 = tpu.memref_slice %arg8[%dma_start3A_50, %dma_start3A_60] : memref<4x128xi32, #tpu.memory_space<vmem>> -> memref<1x128xi32, #tpu.memory_space<vmem>>
    %dma_start3A_62 = tpu.memref_squeeze %dma_start3A_61 : memref<1x128xi32, #tpu.memory_space<vmem>> -> memref<128xi32, #tpu.memory_space<vmem>>
    %dma_start3A_63 = arith.constant 256 : i32
    %dma_start3A_64 = tpu.memref_slice %arg3[%add3A, %dma_start3A_63] : memref<32x10240xi32, #tpu.memory_space<hbm>> -> memref<1x128xi32, #tpu.memory_space<hbm>>
    %dma_start3A_65 = tpu.memref_squeeze %dma_start3A_64 : memref<1x128xi32, #tpu.memory_space<hbm>> -> memref<128xi32, #tpu.memory_space<hbm>>
    tpu.enqueue_dma source(%dma_start3A_65 : memref<128xi32, #tpu.memory_space<hbm>>) target(%dma_start3A_62 : memref<128xi32, #tpu.memory_space<vmem>>) target_semaphore(%dma_start3A_59 : memref<!tpu.dma_semaphore, #tpu.memory_space<semaphore_mem>>)
    %dma_start3A_66 = arith.constant 3 : i32
    %dma_start3A_67 = arith.constant 3 : i32
    %dma_start3A_68 = arith.constant 0 : i32
    %dma_start3A_69 = tpu.memref_slice %arg8[%dma_start3A_66, %dma_start3A_68] : memref<4x128xi32, #tpu.memory_space<vmem>> -> memref<1x128xi32, #tpu.memory_space<vmem>>
    %dma_start3A_70 = tpu.memref_squeeze %dma_start3A_69 : memref<1x128xi32, #tpu.memory_space<vmem>> -> memref<128xi32, #tpu.memory_space<vmem>>
    %dma_start3A_71 = arith.constant 384 : i32
    %dma_start3A_72 = tpu.memref_slice %arg3[%add3A, %dma_start3A_71] : memref<32x10240xi32, #tpu.memory_space<hbm>> -> memref<1x128xi32, #tpu.memory_space<hbm>>
    %dma_start3A_73 = tpu.memref_squeeze %dma_start3A_72 : memref<1x128xi32, #tpu.memory_space<hbm>> -> memref<128xi32, #tpu.memory_space<hbm>>
    %dma_start3A_74 = tpu.memref_slice %arg14[%dma_start3A_67] : memref<4x!tpu.dma_semaphore, #tpu.memory_space<semaphore_mem>> -> memref<1x!tpu.dma_semaphore, #tpu.memory_space<semaphore_mem>>
    %dma_start3A_75 = tpu.memref_squeeze %dma_start3A_74 : memref<1x!tpu.dma_semaphore, #tpu.memory_space<semaphore_mem>> -> memref<!tpu.dma_semaphore, #tpu.memory_space<semaphore_mem>>
    %dma_start3A_76 = arith.constant 0 : i32
    %dma_start3A_77 = tpu.memref_slice %arg8[%dma_start3A_66, %dma_start3A_76] : memref<4x128xi32, #tpu.memory_space<vmem>> -> memref<1x128xi32, #tpu.memory_space<vmem>>
    %dma_start3A_78 = tpu.memref_squeeze %dma_start3A_77 : memref<1x128xi32, #tpu.memory_space<vmem>> -> memref<128xi32, #tpu.memory_space<vmem>>
    %dma_start3A_79 = arith.constant 384 : i32
    %dma_start3A_80 = tpu.memref_slice %arg3[%add3A, %dma_start3A_79] : memref<32x10240xi32, #tpu.memory_space<hbm>> -> memref<1x128xi32, #tpu.memory_space<hbm>>
    %dma_start3A_81 = tpu.memref_squeeze %dma_start3A_80 : memref<1x128xi32, #tpu.memory_space<hbm>> -> memref<128xi32, #tpu.memory_space<hbm>>
    tpu.enqueue_dma source(%dma_start3A_81 : memref<128xi32, #tpu.memory_space<hbm>>) target(%dma_start3A_78 : memref<128xi32, #tpu.memory_space<vmem>>) target_semaphore(%dma_start3A_75 : memref<!tpu.dma_semaphore, #tpu.memory_space<semaphore_mem>>)
    %dma_wait3A = arith.constant 0 : i32
    %dma_wait3A_82 = arith.constant 0 : i32
    %dma_wait3A_83 = arith.constant 0 : i32
    %dma_wait3A_84 = tpu.memref_slice %arg8[%dma_wait3A, %dma_wait3A_83] : memref<4x128xi32, #tpu.memory_space<vmem>> -> memref<1x128xi32, #tpu.memory_space<vmem>>
    %dma_wait3A_85 = tpu.memref_squeeze %dma_wait3A_84 : memref<1x128xi32, #tpu.memory_space<vmem>> -> memref<128xi32, #tpu.memory_space<vmem>>
    %dma_wait3A_86 = arith.constant 0 : i32
    %dma_wait3A_87 = tpu.memref_slice %arg3[%add3A, %dma_wait3A_86] : memref<32x10240xi32, #tpu.memory_space<hbm>> -> memref<1x128xi32, #tpu.memory_space<hbm>>
    %dma_wait3A_88 = tpu.memref_squeeze %dma_wait3A_87 : memref<1x128xi32, #tpu.memory_space<hbm>> -> memref<128xi32, #tpu.memory_space<hbm>>
    %dma_wait3A_89 = tpu.memref_slice %arg14[%dma_wait3A_82] : memref<4x!tpu.dma_semaphore, #tpu.memory_space<semaphore_mem>> -> memref<1x!tpu.dma_semaphore, #tpu.memory_space<semaphore_mem>>
    %dma_wait3A_90 = tpu.memref_squeeze %dma_wait3A_89 : memref<1x!tpu.dma_semaphore, #tpu.memory_space<semaphore_mem>> -> memref<!tpu.dma_semaphore, #tpu.memory_space<semaphore_mem>>
    %dma_wait3A_91 = arith.constant 0 : i32
    %dma_wait3A_92 = tpu.memref_slice %arg8[%dma_wait3A, %dma_wait3A_91] : memref<4x128xi32, #tpu.memory_space<vmem>> -> memref<1x128xi32, #tpu.memory_space<vmem>>
    %dma_wait3A_93 = tpu.memref_squeeze %dma_wait3A_92 : memref<1x128xi32, #tpu.memory_space<vmem>> -> memref<128xi32, #tpu.memory_space<vmem>>
    %dma_wait3A_94 = arith.constant 0 : i32
    %dma_wait3A_95 = tpu.memref_slice %arg3[%add3A, %dma_wait3A_94] : memref<32x10240xi32, #tpu.memory_space<hbm>> -> memref<1x128xi32, #tpu.memory_space<hbm>>
    %dma_wait3A_96 = tpu.memref_squeeze %dma_wait3A_95 : memref<1x128xi32, #tpu.memory_space<hbm>> -> memref<128xi32, #tpu.memory_space<hbm>>
    tpu.wait_dma2 semaphore(%dma_wait3A_90 : memref<!tpu.dma_semaphore, #tpu.memory_space<semaphore_mem>>) src(%dma_wait3A_96 : memref<128xi32, #tpu.memory_space<hbm>>) dst(%dma_wait3A_93 : memref<128xi32, #tpu.memory_space<vmem>>)
    %dma_start3A_97 = arith.constant 0 : i32
    %dma_start3A_98 = arith.constant 0 : i32
    %dma_start3A_99 = arith.constant 0 : i32
    %dma_start3A_100 = arith.constant 0 : i32
    %dma_start3A_101 = arith.constant 0 : i32
    %dma_start3A_102 = tpu.memref_slice %arg10[%dma_start3A_98, %dma_start3A_100, %dma_start3A_101] : memref<2x128x128xf32, #tpu.memory_space<vmem>> -> memref<1x128x128xf32, #tpu.memory_space<vmem>>
    %dma_start3A_103 = tpu.memref_squeeze %dma_start3A_102 : memref<1x128x128xf32, #tpu.memory_space<vmem>> -> memref<128x128xf32, #tpu.memory_space<vmem>>
    %dma_start3A_104 = arith.constant 0 : i32
    %dma_start3A_105 = tpu.memref_slice %arg8[%dma_start3A_97, %dma_start3A_104] : memref<4x128xi32, #tpu.memory_space<vmem>> -> memref<1x128xi32, #tpu.memory_space<vmem>>
    %dma_start3A_106 = tpu.memref_squeeze %dma_start3A_105 : memref<1x128xi32, #tpu.memory_space<vmem>> -> memref<128xi32, #tpu.memory_space<vmem>>
    %dma_start3A_107 = arith.constant 0 : i32
    %dma_start3A_108 = arith.constant 0 : i32
    %dma_start3A_109 = tpu.memref_slice %arg2[%dma_start3A_107, %dma_start3A_108] : memref<10000x128xf32, #tpu.memory_space<hbm>> -> memref<10000x128xf32, #tpu.memory_space<hbm>>
    %dma_start3A_110 = tpu.memref_slice %arg11[%dma_start3A_99] : memref<2x!tpu.dma_semaphore, #tpu.memory_space<semaphore_mem>> -> memref<1x!tpu.dma_semaphore, #tpu.memory_space<semaphore_mem>>
    %dma_start3A_111 = tpu.memref_squeeze %dma_start3A_110 : memref<1x!tpu.dma_semaphore, #tpu.memory_space<semaphore_mem>> -> memref<!tpu.dma_semaphore, #tpu.memory_space<semaphore_mem>>
    tpu.enqueue_indirect_dma source(%dma_start3A_109 : memref<10000x128xf32, #tpu.memory_space<hbm>>) target(%dma_start3A_103 : memref<128x128xf32, #tpu.memory_space<vmem>>) offsets(%dma_start3A_106 : memref<128xi32, #tpu.memory_space<vmem>>) semaphore(%dma_start3A_111 : memref<!tpu.dma_semaphore, #tpu.memory_space<semaphore_mem>>)
    %dma_wait3A_112 = arith.constant 1 : i32
    %dma_wait3A_113 = arith.constant 1 : i32
    %dma_wait3A_114 = arith.constant 0 : i32
    %dma_wait3A_115 = tpu.memref_slice %arg8[%dma_wait3A_112, %dma_wait3A_114] : memref<4x128xi32, #tpu.memory_space<vmem>> -> memref<1x128xi32, #tpu.memory_space<vmem>>
    %dma_wait3A_116 = tpu.memref_squeeze %dma_wait3A_115 : memref<1x128xi32, #tpu.memory_space<vmem>> -> memref<128xi32, #tpu.memory_space<vmem>>
    %dma_wait3A_117 = arith.constant 0 : i32
    %dma_wait3A_118 = tpu.memref_slice %arg3[%add3A, %dma_wait3A_117] : memref<32x10240xi32, #tpu.memory_space<hbm>> -> memref<1x128xi32, #tpu.memory_space<hbm>>
    %dma_wait3A_119 = tpu.memref_squeeze %dma_wait3A_118 : memref<1x128xi32, #tpu.memory_space<hbm>> -> memref<128xi32, #tpu.memory_space<hbm>>
    %dma_wait3A_120 = tpu.memref_slice %arg14[%dma_wait3A_113] : memref<4x!tpu.dma_semaphore, #tpu.memory_space<semaphore_mem>> -> memref<1x!tpu.dma_semaphore, #tpu.memory_space<semaphore_mem>>
    %dma_wait3A_121 = tpu.memref_squeeze %dma_wait3A_120 : memref<1x!tpu.dma_semaphore, #tpu.memory_space<semaphore_mem>> -> memref<!tpu.dma_semaphore, #tpu.memory_space<semaphore_mem>>
    %dma_wait3A_122 = arith.constant 0 : i32
    %dma_wait3A_123 = tpu.memref_slice %arg8[%dma_wait3A_112, %dma_wait3A_122] : memref<4x128xi32, #tpu.memory_space<vmem>> -> memref<1x128xi32, #tpu.memory_space<vmem>>
    %dma_wait3A_124 = tpu.memref_squeeze %dma_wait3A_123 : memref<1x128xi32, #tpu.memory_space<vmem>> -> memref<128xi32, #tpu.memory_space<vmem>>
    %dma_wait3A_125 = arith.constant 0 : i32
    %dma_wait3A_126 = tpu.memref_slice %arg3[%add3A, %dma_wait3A_125] : memref<32x10240xi32, #tpu.memory_space<hbm>> -> memref<1x128xi32, #tpu.memory_space<hbm>>
    %dma_wait3A_127 = tpu.memref_squeeze %dma_wait3A_126 : memref<1x128xi32, #tpu.memory_space<hbm>> -> memref<128xi32, #tpu.memory_space<hbm>>
    tpu.wait_dma2 semaphore(%dma_wait3A_121 : memref<!tpu.dma_semaphore, #tpu.memory_space<semaphore_mem>>) src(%dma_wait3A_127 : memref<128xi32, #tpu.memory_space<hbm>>) dst(%dma_wait3A_124 : memref<128xi32, #tpu.memory_space<vmem>>)
    %dma_start3A_128 = arith.constant 1 : i32
    %dma_start3A_129 = arith.constant 1 : i32
    %dma_start3A_130 = arith.constant 1 : i32
    %dma_start3A_131 = arith.constant 0 : i32
    %dma_start3A_132 = arith.constant 0 : i32
    %dma_start3A_133 = tpu.memref_slice %arg10[%dma_start3A_129, %dma_start3A_131, %dma_start3A_132] : memref<2x128x128xf32, #tpu.memory_space<vmem>> -> memref<1x128x128xf32, #tpu.memory_space<vmem>>
    %dma_start3A_134 = tpu.memref_squeeze %dma_start3A_133 : memref<1x128x128xf32, #tpu.memory_space<vmem>> -> memref<128x128xf32, #tpu.memory_space<vmem>>
    %dma_start3A_135 = arith.constant 0 : i32
    %dma_start3A_136 = tpu.memref_slice %arg8[%dma_start3A_128, %dma_start3A_135] : memref<4x128xi32, #tpu.memory_space<vmem>> -> memref<1x128xi32, #tpu.memory_space<vmem>>
    %dma_start3A_137 = tpu.memref_squeeze %dma_start3A_136 : memref<1x128xi32, #tpu.memory_space<vmem>> -> memref<128xi32, #tpu.memory_space<vmem>>
    %dma_start3A_138 = arith.constant 0 : i32
    %dma_start3A_139 = arith.constant 0 : i32
    %dma_start3A_140 = tpu.memref_slice %arg2[%dma_start3A_138, %dma_start3A_139] : memref<10000x128xf32, #tpu.memory_space<hbm>> -> memref<10000x128xf32, #tpu.memory_space<hbm>>
    %dma_start3A_141 = tpu.memref_slice %arg11[%dma_start3A_130] : memref<2x!tpu.dma_semaphore, #tpu.memory_space<semaphore_mem>> -> memref<1x!tpu.dma_semaphore, #tpu.memory_space<semaphore_mem>>
    %dma_start3A_142 = tpu.memref_squeeze %dma_start3A_141 : memref<1x!tpu.dma_semaphore, #tpu.memory_space<semaphore_mem>> -> memref<!tpu.dma_semaphore, #tpu.memory_space<semaphore_mem>>
    tpu.enqueue_indirect_dma source(%dma_start3A_140 : memref<10000x128xf32, #tpu.memory_space<hbm>>) target(%dma_start3A_134 : memref<128x128xf32, #tpu.memory_space<vmem>>) offsets(%dma_start3A_137 : memref<128xi32, #tpu.memory_space<vmem>>) semaphore(%dma_start3A_142 : memref<!tpu.dma_semaphore, #tpu.memory_space<semaphore_mem>>)
    %dma_wait3A_143 = arith.constant 1 : i32
    %dma_wait3A_144 = arith.constant 0 : i32
    %dma_wait3A_145 = arith.constant 0 : i32
    %dma_wait3A_146 = tpu.memref_slice %arg4[%add3A, %dma_wait3A_144, %dma_wait3A_145] : memref<32x80x128xi32, #tpu.memory_space<hbm>> -> memref<1x80x128xi32, #tpu.memory_space<hbm>>
    %dma_wait3A_147 = tpu.memref_squeeze %dma_wait3A_146 : memref<1x80x128xi32, #tpu.memory_space<hbm>> -> memref<80x128xi32, #tpu.memory_space<hbm>>
    %dma_wait3A_148 = tpu.memref_slice %arg13[%dma_wait3A_143] : memref<2x!tpu.dma_semaphore, #tpu.memory_space<semaphore_mem>> -> memref<1x!tpu.dma_semaphore, #tpu.memory_space<semaphore_mem>>
    %dma_wait3A_149 = tpu.memref_squeeze %dma_wait3A_148 : memref<1x!tpu.dma_semaphore, #tpu.memory_space<semaphore_mem>> -> memref<!tpu.dma_semaphore, #tpu.memory_space<semaphore_mem>>
    %dma_wait3A_150 = arith.constant 0 : i32
    %dma_wait3A_151 = arith.constant 0 : i32
    %dma_wait3A_152 = tpu.memref_slice %arg4[%add3A, %dma_wait3A_150, %dma_wait3A_151] : memref<32x80x128xi32, #tpu.memory_space<hbm>> -> memref<1x80x128xi32, #tpu.memory_space<hbm>>
    %dma_wait3A_153 = tpu.memref_squeeze %dma_wait3A_152 : memref<1x80x128xi32, #tpu.memory_space<hbm>> -> memref<80x128xi32, #tpu.memory_space<hbm>>
    tpu.wait_dma2 semaphore(%dma_wait3A_149 : memref<!tpu.dma_semaphore, #tpu.memory_space<semaphore_mem>>) src(%dma_wait3A_153 : memref<80x128xi32, #tpu.memory_space<hbm>>) dst(%arg9 : memref<80x128xi32, #tpu.memory_space<vmem>>)
    %dma_wait3A_154 = arith.constant 0 : i32
    %dma_wait3A_155 = tpu.memref_slice %arg13[%dma_wait3A_154] : memref<2x!tpu.dma_semaphore, #tpu.memory_space<semaphore_mem>> -> memref<1x!tpu.dma_semaphore, #tpu.memory_space<semaphore_mem>>
    %dma_wait3A_156 = tpu.memref_squeeze %dma_wait3A_155 : memref<1x!tpu.dma_semaphore, #tpu.memory_space<semaphore_mem>> -> memref<!tpu.dma_semaphore, #tpu.memory_space<semaphore_mem>>
    %dma_wait3A_157 = arith.constant 0 : i32
    %dma_wait3A_158 = tpu.memref_slice %arg7[%mul3A_2, %dma_wait3A_157] : memref<10112x128xf32, #tpu.memory_space<vmem_shared>> -> memref<632x128xf32, #tpu.memory_space<vmem_shared>>
    tpu.wait_dma2 semaphore(%dma_wait3A_156 : memref<!tpu.dma_semaphore, #tpu.memory_space<semaphore_mem>>) src(%arg5 : memref<632x128xf32, #tpu.memory_space<hbm>>) dst(%dma_wait3A_158 : memref<632x128xf32, #tpu.memory_space<vmem_shared>>)
    %barrier3A = arith.constant 0 : index
    tpu.barrier barrier_id(%barrier3A)
    %dma_wait3A_159 = arith.constant 0 : i32
    %dma_wait3A_160 = arith.constant 0 : i32
    %dma_wait3A_161 = arith.constant 0 : i32
    %dma_wait3A_162 = arith.constant 0 : i32
    %dma_wait3A_163 = arith.constant 0 : i32
    %dma_wait3A_164 = tpu.memref_slice %arg10[%dma_wait3A_160, %dma_wait3A_162, %dma_wait3A_163] : memref<2x128x128xf32, #tpu.memory_space<vmem>> -> memref<1x128x128xf32, #tpu.memory_space<vmem>>
    %dma_wait3A_165 = tpu.memref_squeeze %dma_wait3A_164 : memref<1x128x128xf32, #tpu.memory_space<vmem>> -> memref<128x128xf32, #tpu.memory_space<vmem>>
    %dma_wait3A_166 = arith.constant 0 : i32
    %dma_wait3A_167 = tpu.memref_slice %arg8[%dma_wait3A_159, %dma_wait3A_166] : memref<4x128xi32, #tpu.memory_space<vmem>> -> memref<1x128xi32, #tpu.memory_space<vmem>>
    %dma_wait3A_168 = tpu.memref_squeeze %dma_wait3A_167 : memref<1x128xi32, #tpu.memory_space<vmem>> -> memref<128xi32, #tpu.memory_space<vmem>>
    %dma_wait3A_169 = arith.constant 0 : i32
    %dma_wait3A_170 = arith.constant 0 : i32
    %dma_wait3A_171 = tpu.memref_slice %arg2[%dma_wait3A_169, %dma_wait3A_170] : memref<10000x128xf32, #tpu.memory_space<hbm>> -> memref<10000x128xf32, #tpu.memory_space<hbm>>
    %dma_wait3A_172 = tpu.memref_slice %arg11[%dma_wait3A_161] : memref<2x!tpu.dma_semaphore, #tpu.memory_space<semaphore_mem>> -> memref<1x!tpu.dma_semaphore, #tpu.memory_space<semaphore_mem>>
    %dma_wait3A_173 = tpu.memref_squeeze %dma_wait3A_172 : memref<1x!tpu.dma_semaphore, #tpu.memory_space<semaphore_mem>> -> memref<!tpu.dma_semaphore, #tpu.memory_space<semaphore_mem>>
    tpu.wait_indirect_dma semaphore(%dma_wait3A_173 : memref<!tpu.dma_semaphore, #tpu.memory_space<semaphore_mem>>) src(%dma_wait3A_171 : memref<10000x128xf32, #tpu.memory_space<hbm>>) dst(%dma_wait3A_165 : memref<128x128xf32, #tpu.memory_space<vmem>>)
    %dma_start3A_174 = arith.constant 0 : i32
    %dma_start3A_175 = arith.constant 0 : i32
    %dma_start3A_176 = arith.constant 0 : i32
    %dma_start3A_177 = arith.constant 0 : i32
    %dma_start3A_178 = arith.constant 0 : i32
    %dma_start3A_179 = tpu.memref_slice %arg10[%dma_start3A_174, %dma_start3A_177, %dma_start3A_178] : memref<2x128x128xf32, #tpu.memory_space<vmem>> -> memref<1x128x128xf32, #tpu.memory_space<vmem>>
    %dma_start3A_180 = tpu.memref_squeeze %dma_start3A_179 : memref<1x128x128xf32, #tpu.memory_space<vmem>> -> memref<128x128xf32, #tpu.memory_space<vmem>>
    %dma_start3A_181 = arith.constant 0 : i32
    %dma_start3A_182 = tpu.memref_slice %arg9[%dma_start3A_175, %dma_start3A_181] : memref<80x128xi32, #tpu.memory_space<vmem>> -> memref<1x128xi32, #tpu.memory_space<vmem>>
    %dma_start3A_183 = tpu.memref_squeeze %dma_start3A_182 : memref<1x128xi32, #tpu.memory_space<vmem>> -> memref<128xi32, #tpu.memory_space<vmem>>
    %dma_start3A_184 = arith.constant 0 : i32
    %dma_start3A_185 = arith.constant 0 : i32
    %dma_start3A_186 = tpu.memref_slice %arg7[%dma_start3A_184, %dma_start3A_185] : memref<10112x128xf32, #tpu.memory_space<vmem_shared>> -> memref<10112x128xf32, #tpu.memory_space<vmem_shared>>
    %dma_start3A_187 = tpu.memref_slice %arg12[%dma_start3A_176] : memref<2x!tpu.dma_semaphore, #tpu.memory_space<semaphore_mem>> -> memref<1x!tpu.dma_semaphore, #tpu.memory_space<semaphore_mem>>
    %dma_start3A_188 = tpu.memref_squeeze %dma_start3A_187 : memref<1x!tpu.dma_semaphore, #tpu.memory_space<semaphore_mem>> -> memref<!tpu.dma_semaphore, #tpu.memory_space<semaphore_mem>>
    tpu.enqueue_indirect_dma source(%dma_start3A_180 : memref<128x128xf32, #tpu.memory_space<vmem>>) target(%dma_start3A_186 : memref<10112x128xf32, #tpu.memory_space<vmem_shared>>) offsets(%dma_start3A_183 : memref<128xi32, #tpu.memory_space<vmem>>) semaphore(%dma_start3A_188 : memref<!tpu.dma_semaphore, #tpu.memory_space<semaphore_mem>>) {add = true}
    %dma_wait3A_189 = arith.constant 0 : i32
    %dma_wait3A_190 = arith.constant 1 : i32
    %dma_wait3A_191 = arith.constant 1 : i32
    %dma_wait3A_192 = arith.constant 0 : i32
    %dma_wait3A_193 = arith.constant 0 : i32
    %dma_wait3A_194 = tpu.memref_slice %arg10[%dma_wait3A_190, %dma_wait3A_192, %dma_wait3A_193] : memref<2x128x128xf32, #tpu.memory_space<vmem>> -> memref<1x128x128xf32, #tpu.memory_space<vmem>>
    %dma_wait3A_195 = tpu.memref_squeeze %dma_wait3A_194 : memref<1x128x128xf32, #tpu.memory_space<vmem>> -> memref<128x128xf32, #tpu.memory_space<vmem>>
    %dma_wait3A_196 = arith.constant 0 : i32
    %dma_wait3A_197 = tpu.memref_slice %arg8[%dma_wait3A_189, %dma_wait3A_196] : memref<4x128xi32, #tpu.memory_space<vmem>> -> memref<1x128xi32, #tpu.memory_space<vmem>>
    %dma_wait3A_198 = tpu.memref_squeeze %dma_wait3A_197 : memref<1x128xi32, #tpu.memory_space<vmem>> -> memref<128xi32, #tpu.memory_space<vmem>>
    %dma_wait3A_199 = arith.constant 0 : i32
    %dma_wait3A_200 = arith.constant 0 : i32
    %dma_wait3A_201 = tpu.memref_slice %arg2[%dma_wait3A_199, %dma_wait3A_200] : memref<10000x128xf32, #tpu.memory_space<hbm>> -> memref<10000x128xf32, #tpu.memory_space<hbm>>
    %dma_wait3A_202 = tpu.memref_slice %arg11[%dma_wait3A_191] : memref<2x!tpu.dma_semaphore, #tpu.memory_space<semaphore_mem>> -> memref<1x!tpu.dma_semaphore, #tpu.memory_space<semaphore_mem>>
    %dma_wait3A_203 = tpu.memref_squeeze %dma_wait3A_202 : memref<1x!tpu.dma_semaphore, #tpu.memory_space<semaphore_mem>> -> memref<!tpu.dma_semaphore, #tpu.memory_space<semaphore_mem>>
    tpu.wait_indirect_dma semaphore(%dma_wait3A_203 : memref<!tpu.dma_semaphore, #tpu.memory_space<semaphore_mem>>) src(%dma_wait3A_201 : memref<10000x128xf32, #tpu.memory_space<hbm>>) dst(%dma_wait3A_195 : memref<128x128xf32, #tpu.memory_space<vmem>>)
    %dma_start3A_204 = arith.constant 1 : i32
    %dma_start3A_205 = arith.constant 1 : i32
    %dma_start3A_206 = arith.constant 1 : i32
    %dma_start3A_207 = arith.constant 0 : i32
    %dma_start3A_208 = arith.constant 0 : i32
    %dma_start3A_209 = tpu.memref_slice %arg10[%dma_start3A_204, %dma_start3A_207, %dma_start3A_208] : memref<2x128x128xf32, #tpu.memory_space<vmem>> -> memref<1x128x128xf32, #tpu.memory_space<vmem>>
    %dma_start3A_210 = tpu.memref_squeeze %dma_start3A_209 : memref<1x128x128xf32, #tpu.memory_space<vmem>> -> memref<128x128xf32, #tpu.memory_space<vmem>>
    %dma_start3A_211 = arith.constant 0 : i32
    %dma_start3A_212 = tpu.memref_slice %arg9[%dma_start3A_205, %dma_start3A_211] : memref<80x128xi32, #tpu.memory_space<vmem>> -> memref<1x128xi32, #tpu.memory_space<vmem>>
    %dma_start3A_213 = tpu.memref_squeeze %dma_start3A_212 : memref<1x128xi32, #tpu.memory_space<vmem>> -> memref<128xi32, #tpu.memory_space<vmem>>
    %dma_start3A_214 = arith.constant 0 : i32
    %dma_start3A_215 = arith.constant 0 : i32
    %dma_start3A_216 = tpu.memref_slice %arg7[%dma_start3A_214, %dma_start3A_215] : memref<10112x128xf32, #tpu.memory_space<vmem_shared>> -> memref<10112x128xf32, #tpu.memory_space<vmem_shared>>
    %dma_start3A_217 = tpu.memref_slice %arg12[%dma_start3A_206] : memref<2x!tpu.dma_semaphore, #tpu.memory_space<semaphore_mem>> -> memref<1x!tpu.dma_semaphore, #tpu.memory_space<semaphore_mem>>
    %dma_start3A_218 = tpu.memref_squeeze %dma_start3A_217 : memref<1x!tpu.dma_semaphore, #tpu.memory_space<semaphore_mem>> -> memref<!tpu.dma_semaphore, #tpu.memory_space<semaphore_mem>>
    tpu.enqueue_indirect_dma source(%dma_start3A_210 : memref<128x128xf32, #tpu.memory_space<vmem>>) target(%dma_start3A_216 : memref<10112x128xf32, #tpu.memory_space<vmem_shared>>) offsets(%dma_start3A_213 : memref<128xi32, #tpu.memory_space<vmem>>) semaphore(%dma_start3A_218 : memref<!tpu.dma_semaphore, #tpu.memory_space<semaphore_mem>>) {add = true}
    %scan3A = arith.constant 0 : i32
    %scan3A_219 = arith.constant 1 : i32
    %scan3A_220 = arith.constant 39 : i32
    %scan3A_221 = arith.addi %scan3A_219, %scan3A_220 : i32
    %scan3A_222 = arith.constant 1 : i32
    scf.for %scan3A_291 = %scan3A_219 to %scan3A_221 step %scan3A_222  : i32 {
      %mul3A_292 = arith.constant 2 : i32
      %mul3A_293 = arith.muli %scan3A_291, %mul3A_292 : i32
      %jit3A = arith.constant 4 : i32
      %eq3A = arith.constant 0 : i32
      %eq3A_294 = arith.cmpi eq, %jit3A, %eq3A : i32
      %jit3A_295 = arith.constant 1 : i32
      %select_n3A = arith.select %eq3A_294, %jit3A_295, %jit3A : i32
      %rem3A = arith.remsi %mul3A_293, %select_n3A : i32
      %ne3A = arith.constant 0 : i32
      %ne3A_296 = arith.cmpi ne, %rem3A, %ne3A : i32
      %lt3A = arith.constant 0 : i32
      %lt3A_297 = arith.cmpi slt, %rem3A, %lt3A : i32
      %lt3A_298 = arith.constant 0 : i32
      %lt3A_299 = arith.cmpi slt, %select_n3A, %lt3A_298 : i32
      %ne3A_300 = arith.xori %lt3A_297, %lt3A_299 : i1
      %and3A = arith.andi %ne3A_300, %ne3A_296 : i1
      %add3A_301 = arith.addi %rem3A, %select_n3A : i32
      %select_n3A_302 = arith.select %and3A, %add3A_301, %rem3A : i32
      %dma_wait3A_303 = arith.constant 0 : i32
      %dma_wait3A_304 = tpu.memref_slice %arg8[%select_n3A_302, %dma_wait3A_303] : memref<4x128xi32, #tpu.memory_space<vmem>> -> memref<1x128xi32, #tpu.memory_space<vmem>>
      %dma_wait3A_305 = tpu.memref_squeeze %dma_wait3A_304 : memref<1x128xi32, #tpu.memory_space<vmem>> -> memref<128xi32, #tpu.memory_space<vmem>>
      %dma_wait3A_306 = arith.constant 0 : i32
      %dma_wait3A_307 = tpu.memref_slice %arg3[%add3A, %dma_wait3A_306] : memref<32x10240xi32, #tpu.memory_space<hbm>> -> memref<1x128xi32, #tpu.memory_space<hbm>>
      %dma_wait3A_308 = tpu.memref_squeeze %dma_wait3A_307 : memref<1x128xi32, #tpu.memory_space<hbm>> -> memref<128xi32, #tpu.memory_space<hbm>>
      %dma_wait3A_309 = tpu.memref_slice %arg14[%select_n3A_302] : memref<4x!tpu.dma_semaphore, #tpu.memory_space<semaphore_mem>> -> memref<1x!tpu.dma_semaphore, #tpu.memory_space<semaphore_mem>>
      %dma_wait3A_310 = tpu.memref_squeeze %dma_wait3A_309 : memref<1x!tpu.dma_semaphore, #tpu.memory_space<semaphore_mem>> -> memref<!tpu.dma_semaphore, #tpu.memory_space<semaphore_mem>>
      %dma_wait3A_311 = arith.constant 0 : i32
      %dma_wait3A_312 = tpu.memref_slice %arg8[%select_n3A_302, %dma_wait3A_311] : memref<4x128xi32, #tpu.memory_space<vmem>> -> memref<1x128xi32, #tpu.memory_space<vmem>>
      %dma_wait3A_313 = tpu.memref_squeeze %dma_wait3A_312 : memref<1x128xi32, #tpu.memory_space<vmem>> -> memref<128xi32, #tpu.memory_space<vmem>>
      %dma_wait3A_314 = arith.constant 0 : i32
      %dma_wait3A_315 = tpu.memref_slice %arg3[%add3A, %dma_wait3A_314] : memref<32x10240xi32, #tpu.memory_space<hbm>> -> memref<1x128xi32, #tpu.memory_space<hbm>>
      %dma_wait3A_316 = tpu.memref_squeeze %dma_wait3A_315 : memref<1x128xi32, #tpu.memory_space<hbm>> -> memref<128xi32, #tpu.memory_space<hbm>>
      tpu.wait_dma2 semaphore(%dma_wait3A_310 : memref<!tpu.dma_semaphore, #tpu.memory_space<semaphore_mem>>) src(%dma_wait3A_316 : memref<128xi32, #tpu.memory_space<hbm>>) dst(%dma_wait3A_313 : memref<128xi32, #tpu.memory_space<vmem>>)
      %sub3A = arith.constant 2 : i32
      %sub3A_317 = arith.subi %mul3A_293, %sub3A : i32
      %dma_wait3A_318 = arith.constant 0 : i32
      %dma_wait3A_319 = arith.constant 0 : i32
      %dma_wait3A_320 = arith.constant 0 : i32
      %dma_wait3A_321 = arith.constant 0 : i32
      %dma_wait3A_322 = tpu.memref_slice %arg10[%dma_wait3A_318, %dma_wait3A_320, %dma_wait3A_321] : memref<2x128x128xf32, #tpu.memory_space<vmem>> -> memref<1x128x128xf32, #tpu.memory_space<vmem>>
      %dma_wait3A_323 = tpu.memref_squeeze %dma_wait3A_322 : memref<1x128x128xf32, #tpu.memory_space<vmem>> -> memref<128x128xf32, #tpu.memory_space<vmem>>
      %dma_wait3A_324 = arith.constant 0 : i32
      %dma_wait3A_325 = tpu.memref_slice %arg9[%sub3A_317, %dma_wait3A_324] : memref<80x128xi32, #tpu.memory_space<vmem>> -> memref<1x128xi32, #tpu.memory_space<vmem>>
      %dma_wait3A_326 = tpu.memref_squeeze %dma_wait3A_325 : memref<1x128xi32, #tpu.memory_space<vmem>> -> memref<128xi32, #tpu.memory_space<vmem>>
      %dma_wait3A_327 = arith.constant 0 : i32
      %dma_wait3A_328 = arith.constant 0 : i32
      %dma_wait3A_329 = tpu.memref_slice %arg7[%dma_wait3A_327, %dma_wait3A_328] : memref<10112x128xf32, #tpu.memory_space<vmem_shared>> -> memref<10112x128xf32, #tpu.memory_space<vmem_shared>>
      %dma_wait3A_330 = tpu.memref_slice %arg12[%dma_wait3A_319] : memref<2x!tpu.dma_semaphore, #tpu.memory_space<semaphore_mem>> -> memref<1x!tpu.dma_semaphore, #tpu.memory_space<semaphore_mem>>
      %dma_wait3A_331 = tpu.memref_squeeze %dma_wait3A_330 : memref<1x!tpu.dma_semaphore, #tpu.memory_space<semaphore_mem>> -> memref<!tpu.dma_semaphore, #tpu.memory_space<semaphore_mem>>
      tpu.wait_indirect_dma semaphore(%dma_wait3A_331 : memref<!tpu.dma_semaphore, #tpu.memory_space<semaphore_mem>>) src(%dma_wait3A_323 : memref<128x128xf32, #tpu.memory_space<vmem>>) dst(%dma_wait3A_329 : memref<10112x128xf32, #tpu.memory_space<vmem_shared>>)
      %jit3A_332 = arith.constant 4 : i32
      %eq3A_333 = arith.constant 0 : i32
      %eq3A_334 = arith.cmpi eq, %jit3A_332, %eq3A_333 : i32
      %jit3A_335 = arith.constant 1 : i32
      %select_n3A_336 = arith.select %eq3A_334, %jit3A_335, %jit3A_332 : i32
      %rem3A_337 = arith.remsi %mul3A_293, %select_n3A_336 : i32
      %ne3A_338 = arith.constant 0 : i32
      %ne3A_339 = arith.cmpi ne, %rem3A_337, %ne3A_338 : i32
      %lt3A_340 = arith.constant 0 : i32
      %lt3A_341 = arith.cmpi slt, %rem3A_337, %lt3A_340 : i32
      %lt3A_342 = arith.constant 0 : i32
      %lt3A_343 = arith.cmpi slt, %select_n3A_336, %lt3A_342 : i32
      %ne3A_344 = arith.xori %lt3A_341, %lt3A_343 : i1
      %and3A_345 = arith.andi %ne3A_344, %ne3A_339 : i1
      %add3A_346 = arith.addi %rem3A_337, %select_n3A_336 : i32
      %select_n3A_347 = arith.select %and3A_345, %add3A_346, %rem3A_337 : i32
      %dma_start3A_348 = arith.constant 0 : i32
      %dma_start3A_349 = arith.constant 0 : i32
      %dma_start3A_350 = arith.constant 0 : i32
      %dma_start3A_351 = arith.constant 0 : i32
      %dma_start3A_352 = tpu.memref_slice %arg10[%dma_start3A_348, %dma_start3A_350, %dma_start3A_351] : memref<2x128x128xf32, #tpu.memory_space<vmem>> -> memref<1x128x128xf32, #tpu.memory_space<vmem>>
      %dma_start3A_353 = tpu.memref_squeeze %dma_start3A_352 : memref<1x128x128xf32, #tpu.memory_space<vmem>> -> memref<128x128xf32, #tpu.memory_space<vmem>>
      %dma_start3A_354 = arith.constant 0 : i32
      %dma_start3A_355 = tpu.memref_slice %arg8[%select_n3A_347, %dma_start3A_354] : memref<4x128xi32, #tpu.memory_space<vmem>> -> memref<1x128xi32, #tpu.memory_space<vmem>>
      %dma_start3A_356 = tpu.memref_squeeze %dma_start3A_355 : memref<1x128xi32, #tpu.memory_space<vmem>> -> memref<128xi32, #tpu.memory_space<vmem>>
      %dma_start3A_357 = arith.constant 0 : i32
      %dma_start3A_358 = arith.constant 0 : i32
      %dma_start3A_359 = tpu.memref_slice %arg2[%dma_start3A_357, %dma_start3A_358] : memref<10000x128xf32, #tpu.memory_space<hbm>> -> memref<10000x128xf32, #tpu.memory_space<hbm>>
      %dma_start3A_360 = tpu.memref_slice %arg11[%dma_start3A_349] : memref<2x!tpu.dma_semaphore, #tpu.memory_space<semaphore_mem>> -> memref<1x!tpu.dma_semaphore, #tpu.memory_space<semaphore_mem>>
      %dma_start3A_361 = tpu.memref_squeeze %dma_start3A_360 : memref<1x!tpu.dma_semaphore, #tpu.memory_space<semaphore_mem>> -> memref<!tpu.dma_semaphore, #tpu.memory_space<semaphore_mem>>
      tpu.enqueue_indirect_dma source(%dma_start3A_359 : memref<10000x128xf32, #tpu.memory_space<hbm>>) target(%dma_start3A_353 : memref<128x128xf32, #tpu.memory_space<vmem>>) offsets(%dma_start3A_356 : memref<128xi32, #tpu.memory_space<vmem>>) semaphore(%dma_start3A_361 : memref<!tpu.dma_semaphore, #tpu.memory_space<semaphore_mem>>)
      %add3A_362 = arith.constant 1 : i32
      %add3A_363 = arith.addi %mul3A_293, %add3A_362 : i32
      %jit3A_364 = arith.constant 4 : i32
      %eq3A_365 = arith.constant 0 : i32
      %eq3A_366 = arith.cmpi eq, %jit3A_364, %eq3A_365 : i32
      %jit3A_367 = arith.constant 1 : i32
      %select_n3A_368 = arith.select %eq3A_366, %jit3A_367, %jit3A_364 : i32
      %rem3A_369 = arith.remsi %add3A_363, %select_n3A_368 : i32
      %ne3A_370 = arith.constant 0 : i32
      %ne3A_371 = arith.cmpi ne, %rem3A_369, %ne3A_370 : i32
      %lt3A_372 = arith.constant 0 : i32
      %lt3A_373 = arith.cmpi slt, %rem3A_369, %lt3A_372 : i32
      %lt3A_374 = arith.constant 0 : i32
      %lt3A_375 = arith.cmpi slt, %select_n3A_368, %lt3A_374 : i32
      %ne3A_376 = arith.xori %lt3A_373, %lt3A_375 : i1
      %and3A_377 = arith.andi %ne3A_376, %ne3A_371 : i1
      %add3A_378 = arith.addi %rem3A_369, %select_n3A_368 : i32
      %select_n3A_379 = arith.select %and3A_377, %add3A_378, %rem3A_369 : i32
      %dma_wait3A_380 = arith.constant 0 : i32
      %dma_wait3A_381 = tpu.memref_slice %arg8[%select_n3A_379, %dma_wait3A_380] : memref<4x128xi32, #tpu.memory_space<vmem>> -> memref<1x128xi32, #tpu.memory_space<vmem>>
      %dma_wait3A_382 = tpu.memref_squeeze %dma_wait3A_381 : memref<1x128xi32, #tpu.memory_space<vmem>> -> memref<128xi32, #tpu.memory_space<vmem>>
      %dma_wait3A_383 = arith.constant 0 : i32
      %dma_wait3A_384 = tpu.memref_slice %arg3[%add3A, %dma_wait3A_383] : memref<32x10240xi32, #tpu.memory_space<hbm>> -> memref<1x128xi32, #tpu.memory_space<hbm>>
      %dma_wait3A_385 = tpu.memref_squeeze %dma_wait3A_384 : memref<1x128xi32, #tpu.memory_space<hbm>> -> memref<128xi32, #tpu.memory_space<hbm>>
      %dma_wait3A_386 = tpu.memref_slice %arg14[%select_n3A_379] : memref<4x!tpu.dma_semaphore, #tpu.memory_space<semaphore_mem>> -> memref<1x!tpu.dma_semaphore, #tpu.memory_space<semaphore_mem>>
      %dma_wait3A_387 = tpu.memref_squeeze %dma_wait3A_386 : memref<1x!tpu.dma_semaphore, #tpu.memory_space<semaphore_mem>> -> memref<!tpu.dma_semaphore, #tpu.memory_space<semaphore_mem>>
      %dma_wait3A_388 = arith.constant 0 : i32
      %dma_wait3A_389 = tpu.memref_slice %arg8[%select_n3A_379, %dma_wait3A_388] : memref<4x128xi32, #tpu.memory_space<vmem>> -> memref<1x128xi32, #tpu.memory_space<vmem>>
      %dma_wait3A_390 = tpu.memref_squeeze %dma_wait3A_389 : memref<1x128xi32, #tpu.memory_space<vmem>> -> memref<128xi32, #tpu.memory_space<vmem>>
      %dma_wait3A_391 = arith.constant 0 : i32
      %dma_wait3A_392 = tpu.memref_slice %arg3[%add3A, %dma_wait3A_391] : memref<32x10240xi32, #tpu.memory_space<hbm>> -> memref<1x128xi32, #tpu.memory_space<hbm>>
      %dma_wait3A_393 = tpu.memref_squeeze %dma_wait3A_392 : memref<1x128xi32, #tpu.memory_space<hbm>> -> memref<128xi32, #tpu.memory_space<hbm>>
      tpu.wait_dma2 semaphore(%dma_wait3A_387 : memref<!tpu.dma_semaphore, #tpu.memory_space<semaphore_mem>>) src(%dma_wait3A_393 : memref<128xi32, #tpu.memory_space<hbm>>) dst(%dma_wait3A_390 : memref<128xi32, #tpu.memory_space<vmem>>)
      %sub3A_394 = arith.constant 1 : i32
      %sub3A_395 = arith.subi %mul3A_293, %sub3A_394 : i32
      %dma_wait3A_396 = arith.constant 1 : i32
      %dma_wait3A_397 = arith.constant 1 : i32
      %dma_wait3A_398 = arith.constant 0 : i32
      %dma_wait3A_399 = arith.constant 0 : i32
      %dma_wait3A_400 = tpu.memref_slice %arg10[%dma_wait3A_396, %dma_wait3A_398, %dma_wait3A_399] : memref<2x128x128xf32, #tpu.memory_space<vmem>> -> memref<1x128x128xf32, #tpu.memory_space<vmem>>
      %dma_wait3A_401 = tpu.memref_squeeze %dma_wait3A_400 : memref<1x128x128xf32, #tpu.memory_space<vmem>> -> memref<128x128xf32, #tpu.memory_space<vmem>>
      %dma_wait3A_402 = arith.constant 0 : i32
      %dma_wait3A_403 = tpu.memref_slice %arg9[%sub3A_395, %dma_wait3A_402] : memref<80x128xi32, #tpu.memory_space<vmem>> -> memref<1x128xi32, #tpu.memory_space<vmem>>
      %dma_wait3A_404 = tpu.memref_squeeze %dma_wait3A_403 : memref<1x128xi32, #tpu.memory_space<vmem>> -> memref<128xi32, #tpu.memory_space<vmem>>
      %dma_wait3A_405 = arith.constant 0 : i32
      %dma_wait3A_406 = arith.constant 0 : i32
      %dma_wait3A_407 = tpu.memref_slice %arg7[%dma_wait3A_405, %dma_wait3A_406] : memref<10112x128xf32, #tpu.memory_space<vmem_shared>> -> memref<10112x128xf32, #tpu.memory_space<vmem_shared>>
      %dma_wait3A_408 = tpu.memref_slice %arg12[%dma_wait3A_397] : memref<2x!tpu.dma_semaphore, #tpu.memory_space<semaphore_mem>> -> memref<1x!tpu.dma_semaphore, #tpu.memory_space<semaphore_mem>>
      %dma_wait3A_409 = tpu.memref_squeeze %dma_wait3A_408 : memref<1x!tpu.dma_semaphore, #tpu.memory_space<semaphore_mem>> -> memref<!tpu.dma_semaphore, #tpu.memory_space<semaphore_mem>>
      tpu.wait_indirect_dma semaphore(%dma_wait3A_409 : memref<!tpu.dma_semaphore, #tpu.memory_space<semaphore_mem>>) src(%dma_wait3A_401 : memref<128x128xf32, #tpu.memory_space<vmem>>) dst(%dma_wait3A_407 : memref<10112x128xf32, #tpu.memory_space<vmem_shared>>)
      %add3A_410 = arith.constant 1 : i32
      %add3A_411 = arith.addi %mul3A_293, %add3A_410 : i32
      %jit3A_412 = arith.constant 4 : i32
      %eq3A_413 = arith.constant 0 : i32
      %eq3A_414 = arith.cmpi eq, %jit3A_412, %eq3A_413 : i32
      %jit3A_415 = arith.constant 1 : i32
      %select_n3A_416 = arith.select %eq3A_414, %jit3A_415, %jit3A_412 : i32
      %rem3A_417 = arith.remsi %add3A_411, %select_n3A_416 : i32
      %ne3A_418 = arith.constant 0 : i32
      %ne3A_419 = arith.cmpi ne, %rem3A_417, %ne3A_418 : i32
      %lt3A_420 = arith.constant 0 : i32
      %lt3A_421 = arith.cmpi slt, %rem3A_417, %lt3A_420 : i32
      %lt3A_422 = arith.constant 0 : i32
      %lt3A_423 = arith.cmpi slt, %select_n3A_416, %lt3A_422 : i32
      %ne3A_424 = arith.xori %lt3A_421, %lt3A_423 : i1
      %and3A_425 = arith.andi %ne3A_424, %ne3A_419 : i1
      %add3A_426 = arith.addi %rem3A_417, %select_n3A_416 : i32
      %select_n3A_427 = arith.select %and3A_425, %add3A_426, %rem3A_417 : i32
      %dma_start3A_428 = arith.constant 1 : i32
      %dma_start3A_429 = arith.constant 1 : i32
      %dma_start3A_430 = arith.constant 0 : i32
      %dma_start3A_431 = arith.constant 0 : i32
      %dma_start3A_432 = tpu.memref_slice %arg10[%dma_start3A_428, %dma_start3A_430, %dma_start3A_431] : memref<2x128x128xf32, #tpu.memory_space<vmem>> -> memref<1x128x128xf32, #tpu.memory_space<vmem>>
      %dma_start3A_433 = tpu.memref_squeeze %dma_start3A_432 : memref<1x128x128xf32, #tpu.memory_space<vmem>> -> memref<128x128xf32, #tpu.memory_space<vmem>>
      %dma_start3A_434 = arith.constant 0 : i32
      %dma_start3A_435 = tpu.memref_slice %arg8[%select_n3A_427, %dma_start3A_434] : memref<4x128xi32, #tpu.memory_space<vmem>> -> memref<1x128xi32, #tpu.memory_space<vmem>>
      %dma_start3A_436 = tpu.memref_squeeze %dma_start3A_435 : memref<1x128xi32, #tpu.memory_space<vmem>> -> memref<128xi32, #tpu.memory_space<vmem>>
      %dma_start3A_437 = arith.constant 0 : i32
      %dma_start3A_438 = arith.constant 0 : i32
      %dma_start3A_439 = tpu.memref_slice %arg2[%dma_start3A_437, %dma_start3A_438] : memref<10000x128xf32, #tpu.memory_space<hbm>> -> memref<10000x128xf32, #tpu.memory_space<hbm>>
      %dma_start3A_440 = tpu.memref_slice %arg11[%dma_start3A_429] : memref<2x!tpu.dma_semaphore, #tpu.memory_space<semaphore_mem>> -> memref<1x!tpu.dma_semaphore, #tpu.memory_space<semaphore_mem>>
      %dma_start3A_441 = tpu.memref_squeeze %dma_start3A_440 : memref<1x!tpu.dma_semaphore, #tpu.memory_space<semaphore_mem>> -> memref<!tpu.dma_semaphore, #tpu.memory_space<semaphore_mem>>
      tpu.enqueue_indirect_dma source(%dma_start3A_439 : memref<10000x128xf32, #tpu.memory_space<hbm>>) target(%dma_start3A_433 : memref<128x128xf32, #tpu.memory_space<vmem>>) offsets(%dma_start3A_436 : memref<128xi32, #tpu.memory_space<vmem>>) semaphore(%dma_start3A_441 : memref<!tpu.dma_semaphore, #tpu.memory_space<semaphore_mem>>)
      %add3A_442 = arith.constant 2 : i32
      %add3A_443 = arith.addi %mul3A_293, %add3A_442 : i32
      %min3A = arith.constant 79 : i32
      %min3A_444 = arith.minsi %add3A_443, %min3A : i32
      %jit3A_445 = arith.constant 4 : i32
      %eq3A_446 = arith.constant 0 : i32
      %eq3A_447 = arith.cmpi eq, %jit3A_445, %eq3A_446 : i32
      %jit3A_448 = arith.constant 1 : i32
      %select_n3A_449 = arith.select %eq3A_447, %jit3A_448, %jit3A_445 : i32
      %rem3A_450 = arith.remsi %min3A_444, %select_n3A_449 : i32
      %ne3A_451 = arith.constant 0 : i32
      %ne3A_452 = arith.cmpi ne, %rem3A_450, %ne3A_451 : i32
      %lt3A_453 = arith.constant 0 : i32
      %lt3A_454 = arith.cmpi slt, %rem3A_450, %lt3A_453 : i32
      %lt3A_455 = arith.constant 0 : i32
      %lt3A_456 = arith.cmpi slt, %select_n3A_449, %lt3A_455 : i32
      %ne3A_457 = arith.xori %lt3A_454, %lt3A_456 : i1
      %and3A_458 = arith.andi %ne3A_457, %ne3A_452 : i1
      %add3A_459 = arith.addi %rem3A_450, %select_n3A_449 : i32
      %select_n3A_460 = arith.select %and3A_458, %add3A_459, %rem3A_450 : i32
      %mul3A_461 = arith.constant 128 : i32
      %mul3A_462 = arith.muli %min3A_444, %mul3A_461 : i32
      %dma_start3A_463 = arith.constant 0 : i32
      %dma_start3A_464 = tpu.memref_slice %arg8[%select_n3A_460, %dma_start3A_463] : memref<4x128xi32, #tpu.memory_space<vmem>> -> memref<1x128xi32, #tpu.memory_space<vmem>>
      %dma_start3A_465 = tpu.memref_squeeze %dma_start3A_464 : memref<1x128xi32, #tpu.memory_space<vmem>> -> memref<128xi32, #tpu.memory_space<vmem>>
      %dma_start3A_466 = tpu.memref_slice %arg3[%add3A, %mul3A_462] : memref<32x10240xi32, #tpu.memory_space<hbm>> -> memref<1x128xi32, #tpu.memory_space<hbm>>
      %dma_start3A_467 = tpu.memref_squeeze %dma_start3A_466 : memref<1x128xi32, #tpu.memory_space<hbm>> -> memref<128xi32, #tpu.memory_space<hbm>>
      %dma_start3A_468 = tpu.memref_slice %arg14[%select_n3A_460] : memref<4x!tpu.dma_semaphore, #tpu.memory_space<semaphore_mem>> -> memref<1x!tpu.dma_semaphore, #tpu.memory_space<semaphore_mem>>
      %dma_start3A_469 = tpu.memref_squeeze %dma_start3A_468 : memref<1x!tpu.dma_semaphore, #tpu.memory_space<semaphore_mem>> -> memref<!tpu.dma_semaphore, #tpu.memory_space<semaphore_mem>>
      %dma_start3A_470 = arith.constant 0 : i32
      %dma_start3A_471 = tpu.memref_slice %arg8[%select_n3A_460, %dma_start3A_470] : memref<4x128xi32, #tpu.memory_space<vmem>> -> memref<1x128xi32, #tpu.memory_space<vmem>>
      %dma_start3A_472 = tpu.memref_squeeze %dma_start3A_471 : memref<1x128xi32, #tpu.memory_space<vmem>> -> memref<128xi32, #tpu.memory_space<vmem>>
      %dma_start3A_473 = tpu.memref_slice %arg3[%add3A, %mul3A_462] : memref<32x10240xi32, #tpu.memory_space<hbm>> -> memref<1x128xi32, #tpu.memory_space<hbm>>
      %dma_start3A_474 = tpu.memref_squeeze %dma_start3A_473 : memref<1x128xi32, #tpu.memory_space<hbm>> -> memref<128xi32, #tpu.memory_space<hbm>>
      tpu.enqueue_dma source(%dma_start3A_474 : memref<128xi32, #tpu.memory_space<hbm>>) target(%dma_start3A_472 : memref<128xi32, #tpu.memory_space<vmem>>) target_semaphore(%dma_start3A_469 : memref<!tpu.dma_semaphore, #tpu.memory_space<semaphore_mem>>)
      %add3A_475 = arith.constant 2 : i32
      %add3A_476 = arith.addi %mul3A_293, %add3A_475 : i32
      %add3A_477 = arith.constant 1 : i32
      %add3A_478 = arith.addi %add3A_476, %add3A_477 : i32
      %min3A_479 = arith.constant 79 : i32
      %min3A_480 = arith.minsi %add3A_478, %min3A_479 : i32
      %jit3A_481 = arith.constant 4 : i32
      %eq3A_482 = arith.constant 0 : i32
      %eq3A_483 = arith.cmpi eq, %jit3A_481, %eq3A_482 : i32
      %jit3A_484 = arith.constant 1 : i32
      %select_n3A_485 = arith.select %eq3A_483, %jit3A_484, %jit3A_481 : i32
      %rem3A_486 = arith.remsi %min3A_480, %select_n3A_485 : i32
      %ne3A_487 = arith.constant 0 : i32
      %ne3A_488 = arith.cmpi ne, %rem3A_486, %ne3A_487 : i32
      %lt3A_489 = arith.constant 0 : i32
      %lt3A_490 = arith.cmpi slt, %rem3A_486, %lt3A_489 : i32
      %lt3A_491 = arith.constant 0 : i32
      %lt3A_492 = arith.cmpi slt, %select_n3A_485, %lt3A_491 : i32
      %ne3A_493 = arith.xori %lt3A_490, %lt3A_492 : i1
      %and3A_494 = arith.andi %ne3A_493, %ne3A_488 : i1
      %add3A_495 = arith.addi %rem3A_486, %select_n3A_485 : i32
      %select_n3A_496 = arith.select %and3A_494, %add3A_495, %rem3A_486 : i32
      %mul3A_497 = arith.constant 128 : i32
      %mul3A_498 = arith.muli %min3A_480, %mul3A_497 : i32
      %dma_start3A_499 = arith.constant 0 : i32
      %dma_start3A_500 = tpu.memref_slice %arg8[%select_n3A_496, %dma_start3A_499] : memref<4x128xi32, #tpu.memory_space<vmem>> -> memref<1x128xi32, #tpu.memory_space<vmem>>
      %dma_start3A_501 = tpu.memref_squeeze %dma_start3A_500 : memref<1x128xi32, #tpu.memory_space<vmem>> -> memref<128xi32, #tpu.memory_space<vmem>>
      %dma_start3A_502 = tpu.memref_slice %arg3[%add3A, %mul3A_498] : memref<32x10240xi32, #tpu.memory_space<hbm>> -> memref<1x128xi32, #tpu.memory_space<hbm>>
      %dma_start3A_503 = tpu.memref_squeeze %dma_start3A_502 : memref<1x128xi32, #tpu.memory_space<hbm>> -> memref<128xi32, #tpu.memory_space<hbm>>
      %dma_start3A_504 = tpu.memref_slice %arg14[%select_n3A_496] : memref<4x!tpu.dma_semaphore, #tpu.memory_space<semaphore_mem>> -> memref<1x!tpu.dma_semaphore, #tpu.memory_space<semaphore_mem>>
      %dma_start3A_505 = tpu.memref_squeeze %dma_start3A_504 : memref<1x!tpu.dma_semaphore, #tpu.memory_space<semaphore_mem>> -> memref<!tpu.dma_semaphore, #tpu.memory_space<semaphore_mem>>
      %dma_start3A_506 = arith.constant 0 : i32
      %dma_start3A_507 = tpu.memref_slice %arg8[%select_n3A_496, %dma_start3A_506] : memref<4x128xi32, #tpu.memory_space<vmem>> -> memref<1x128xi32, #tpu.memory_space<vmem>>
      %dma_start3A_508 = tpu.memref_squeeze %dma_start3A_507 : memref<1x128xi32, #tpu.memory_space<vmem>> -> memref<128xi32, #tpu.memory_space<vmem>>
      %dma_start3A_509 = tpu.memref_slice %arg3[%add3A, %mul3A_498] : memref<32x10240xi32, #tpu.memory_space<hbm>> -> memref<1x128xi32, #tpu.memory_space<hbm>>
      %dma_start3A_510 = tpu.memref_squeeze %dma_start3A_509 : memref<1x128xi32, #tpu.memory_space<hbm>> -> memref<128xi32, #tpu.memory_space<hbm>>
      tpu.enqueue_dma source(%dma_start3A_510 : memref<128xi32, #tpu.memory_space<hbm>>) target(%dma_start3A_508 : memref<128xi32, #tpu.memory_space<vmem>>) target_semaphore(%dma_start3A_505 : memref<!tpu.dma_semaphore, #tpu.memory_space<semaphore_mem>>)
      %dma_wait3A_511 = arith.constant 0 : i32
      %dma_wait3A_512 = arith.constant 0 : i32
      %dma_wait3A_513 = arith.constant 0 : i32
      %dma_wait3A_514 = arith.constant 0 : i32
      %dma_wait3A_515 = arith.constant 0 : i32
      %dma_wait3A_516 = tpu.memref_slice %arg10[%dma_wait3A_512, %dma_wait3A_514, %dma_wait3A_515] : memref<2x128x128xf32, #tpu.memory_space<vmem>> -> memref<1x128x128xf32, #tpu.memory_space<vmem>>
      %dma_wait3A_517 = tpu.memref_squeeze %dma_wait3A_516 : memref<1x128x128xf32, #tpu.memory_space<vmem>> -> memref<128x128xf32, #tpu.memory_space<vmem>>
      %dma_wait3A_518 = arith.constant 0 : i32
      %dma_wait3A_519 = tpu.memref_slice %arg8[%dma_wait3A_511, %dma_wait3A_518] : memref<4x128xi32, #tpu.memory_space<vmem>> -> memref<1x128xi32, #tpu.memory_space<vmem>>
      %dma_wait3A_520 = tpu.memref_squeeze %dma_wait3A_519 : memref<1x128xi32, #tpu.memory_space<vmem>> -> memref<128xi32, #tpu.memory_space<vmem>>
      %dma_wait3A_521 = arith.constant 0 : i32
      %dma_wait3A_522 = arith.constant 0 : i32
      %dma_wait3A_523 = tpu.memref_slice %arg2[%dma_wait3A_521, %dma_wait3A_522] : memref<10000x128xf32, #tpu.memory_space<hbm>> -> memref<10000x128xf32, #tpu.memory_space<hbm>>
      %dma_wait3A_524 = tpu.memref_slice %arg11[%dma_wait3A_513] : memref<2x!tpu.dma_semaphore, #tpu.memory_space<semaphore_mem>> -> memref<1x!tpu.dma_semaphore, #tpu.memory_space<semaphore_mem>>
      %dma_wait3A_525 = tpu.memref_squeeze %dma_wait3A_524 : memref<1x!tpu.dma_semaphore, #tpu.memory_space<semaphore_mem>> -> memref<!tpu.dma_semaphore, #tpu.memory_space<semaphore_mem>>
      tpu.wait_indirect_dma semaphore(%dma_wait3A_525 : memref<!tpu.dma_semaphore, #tpu.memory_space<semaphore_mem>>) src(%dma_wait3A_523 : memref<10000x128xf32, #tpu.memory_space<hbm>>) dst(%dma_wait3A_517 : memref<128x128xf32, #tpu.memory_space<vmem>>)
      %dma_start3A_526 = arith.constant 0 : i32
      %dma_start3A_527 = arith.constant 0 : i32
      %dma_start3A_528 = arith.constant 0 : i32
      %dma_start3A_529 = arith.constant 0 : i32
      %dma_start3A_530 = tpu.memref_slice %arg10[%dma_start3A_526, %dma_start3A_528, %dma_start3A_529] : memref<2x128x128xf32, #tpu.memory_space<vmem>> -> memref<1x128x128xf32, #tpu.memory_space<vmem>>
      %dma_start3A_531 = tpu.memref_squeeze %dma_start3A_530 : memref<1x128x128xf32, #tpu.memory_space<vmem>> -> memref<128x128xf32, #tpu.memory_space<vmem>>
      %dma_start3A_532 = arith.constant 0 : i32
      %dma_start3A_533 = tpu.memref_slice %arg9[%mul3A_293, %dma_start3A_532] : memref<80x128xi32, #tpu.memory_space<vmem>> -> memref<1x128xi32, #tpu.memory_space<vmem>>
      %dma_start3A_534 = tpu.memref_squeeze %dma_start3A_533 : memref<1x128xi32, #tpu.memory_space<vmem>> -> memref<128xi32, #tpu.memory_space<vmem>>
      %dma_start3A_535 = arith.constant 0 : i32
      %dma_start3A_536 = arith.constant 0 : i32
      %dma_start3A_537 = tpu.memref_slice %arg7[%dma_start3A_535, %dma_start3A_536] : memref<10112x128xf32, #tpu.memory_space<vmem_shared>> -> memref<10112x128xf32, #tpu.memory_space<vmem_shared>>
      %dma_start3A_538 = tpu.memref_slice %arg12[%dma_start3A_527] : memref<2x!tpu.dma_semaphore, #tpu.memory_space<semaphore_mem>> -> memref<1x!tpu.dma_semaphore, #tpu.memory_space<semaphore_mem>>
      %dma_start3A_539 = tpu.memref_squeeze %dma_start3A_538 : memref<1x!tpu.dma_semaphore, #tpu.memory_space<semaphore_mem>> -> memref<!tpu.dma_semaphore, #tpu.memory_space<semaphore_mem>>
      tpu.enqueue_indirect_dma source(%dma_start3A_531 : memref<128x128xf32, #tpu.memory_space<vmem>>) target(%dma_start3A_537 : memref<10112x128xf32, #tpu.memory_space<vmem_shared>>) offsets(%dma_start3A_534 : memref<128xi32, #tpu.memory_space<vmem>>) semaphore(%dma_start3A_539 : memref<!tpu.dma_semaphore, #tpu.memory_space<semaphore_mem>>) {add = true}
      %dma_wait3A_540 = arith.constant 0 : i32
      %dma_wait3A_541 = arith.constant 1 : i32
      %dma_wait3A_542 = arith.constant 1 : i32
      %dma_wait3A_543 = arith.constant 0 : i32
      %dma_wait3A_544 = arith.constant 0 : i32
      %dma_wait3A_545 = tpu.memref_slice %arg10[%dma_wait3A_541, %dma_wait3A_543, %dma_wait3A_544] : memref<2x128x128xf32, #tpu.memory_space<vmem>> -> memref<1x128x128xf32, #tpu.memory_space<vmem>>
      %dma_wait3A_546 = tpu.memref_squeeze %dma_wait3A_545 : memref<1x128x128xf32, #tpu.memory_space<vmem>> -> memref<128x128xf32, #tpu.memory_space<vmem>>
      %dma_wait3A_547 = arith.constant 0 : i32
      %dma_wait3A_548 = tpu.memref_slice %arg8[%dma_wait3A_540, %dma_wait3A_547] : memref<4x128xi32, #tpu.memory_space<vmem>> -> memref<1x128xi32, #tpu.memory_space<vmem>>
      %dma_wait3A_549 = tpu.memref_squeeze %dma_wait3A_548 : memref<1x128xi32, #tpu.memory_space<vmem>> -> memref<128xi32, #tpu.memory_space<vmem>>
      %dma_wait3A_550 = arith.constant 0 : i32
      %dma_wait3A_551 = arith.constant 0 : i32
      %dma_wait3A_552 = tpu.memref_slice %arg2[%dma_wait3A_550, %dma_wait3A_551] : memref<10000x128xf32, #tpu.memory_space<hbm>> -> memref<10000x128xf32, #tpu.memory_space<hbm>>
      %dma_wait3A_553 = tpu.memref_slice %arg11[%dma_wait3A_542] : memref<2x!tpu.dma_semaphore, #tpu.memory_space<semaphore_mem>> -> memref<1x!tpu.dma_semaphore, #tpu.memory_space<semaphore_mem>>
      %dma_wait3A_554 = tpu.memref_squeeze %dma_wait3A_553 : memref<1x!tpu.dma_semaphore, #tpu.memory_space<semaphore_mem>> -> memref<!tpu.dma_semaphore, #tpu.memory_space<semaphore_mem>>
      tpu.wait_indirect_dma semaphore(%dma_wait3A_554 : memref<!tpu.dma_semaphore, #tpu.memory_space<semaphore_mem>>) src(%dma_wait3A_552 : memref<10000x128xf32, #tpu.memory_space<hbm>>) dst(%dma_wait3A_546 : memref<128x128xf32, #tpu.memory_space<vmem>>)
      %add3A_555 = arith.constant 1 : i32
      %add3A_556 = arith.addi %mul3A_293, %add3A_555 : i32
      %dma_start3A_557 = arith.constant 1 : i32
      %dma_start3A_558 = arith.constant 1 : i32
      %dma_start3A_559 = arith.constant 0 : i32
      %dma_start3A_560 = arith.constant 0 : i32
      %dma_start3A_561 = tpu.memref_slice %arg10[%dma_start3A_557, %dma_start3A_559, %dma_start3A_560] : memref<2x128x128xf32, #tpu.memory_space<vmem>> -> memref<1x128x128xf32, #tpu.memory_space<vmem>>
      %dma_start3A_562 = tpu.memref_squeeze %dma_start3A_561 : memref<1x128x128xf32, #tpu.memory_space<vmem>> -> memref<128x128xf32, #tpu.memory_space<vmem>>
      %dma_start3A_563 = arith.constant 0 : i32
      %dma_start3A_564 = tpu.memref_slice %arg9[%add3A_556, %dma_start3A_563] : memref<80x128xi32, #tpu.memory_space<vmem>> -> memref<1x128xi32, #tpu.memory_space<vmem>>
      %dma_start3A_565 = tpu.memref_squeeze %dma_start3A_564 : memref<1x128xi32, #tpu.memory_space<vmem>> -> memref<128xi32, #tpu.memory_space<vmem>>
      %dma_start3A_566 = arith.constant 0 : i32
      %dma_start3A_567 = arith.constant 0 : i32
      %dma_start3A_568 = tpu.memref_slice %arg7[%dma_start3A_566, %dma_start3A_567] : memref<10112x128xf32, #tpu.memory_space<vmem_shared>> -> memref<10112x128xf32, #tpu.memory_space<vmem_shared>>
      %dma_start3A_569 = tpu.memref_slice %arg12[%dma_start3A_558] : memref<2x!tpu.dma_semaphore, #tpu.memory_space<semaphore_mem>> -> memref<1x!tpu.dma_semaphore, #tpu.memory_space<semaphore_mem>>
      %dma_start3A_570 = tpu.memref_squeeze %dma_start3A_569 : memref<1x!tpu.dma_semaphore, #tpu.memory_space<semaphore_mem>> -> memref<!tpu.dma_semaphore, #tpu.memory_space<semaphore_mem>>
      tpu.enqueue_indirect_dma source(%dma_start3A_562 : memref<128x128xf32, #tpu.memory_space<vmem>>) target(%dma_start3A_568 : memref<10112x128xf32, #tpu.memory_space<vmem_shared>>) offsets(%dma_start3A_565 : memref<128xi32, #tpu.memory_space<vmem>>) semaphore(%dma_start3A_570 : memref<!tpu.dma_semaphore, #tpu.memory_space<semaphore_mem>>) {add = true}
    }
    %scan3A_223 = arith.constant 39 : i32
    %dma_wait3A_224 = arith.constant 0 : i32
    %dma_wait3A_225 = arith.constant 78 : i32
    %dma_wait3A_226 = arith.constant 0 : i32
    %dma_wait3A_227 = arith.constant 0 : i32
    %dma_wait3A_228 = arith.constant 0 : i32
    %dma_wait3A_229 = tpu.memref_slice %arg10[%dma_wait3A_224, %dma_wait3A_227, %dma_wait3A_228] : memref<2x128x128xf32, #tpu.memory_space<vmem>> -> memref<1x128x128xf32, #tpu.memory_space<vmem>>
    %dma_wait3A_230 = tpu.memref_squeeze %dma_wait3A_229 : memref<1x128x128xf32, #tpu.memory_space<vmem>> -> memref<128x128xf32, #tpu.memory_space<vmem>>
    %dma_wait3A_231 = arith.constant 0 : i32
    %dma_wait3A_232 = tpu.memref_slice %arg9[%dma_wait3A_225, %dma_wait3A_231] : memref<80x128xi32, #tpu.memory_space<vmem>> -> memref<1x128xi32, #tpu.memory_space<vmem>>
    %dma_wait3A_233 = tpu.memref_squeeze %dma_wait3A_232 : memref<1x128xi32, #tpu.memory_space<vmem>> -> memref<128xi32, #tpu.memory_space<vmem>>
    %dma_wait3A_234 = arith.constant 0 : i32
    %dma_wait3A_235 = arith.constant 0 : i32
    %dma_wait3A_236 = tpu.memref_slice %arg7[%dma_wait3A_234, %dma_wait3A_235] : memref<10112x128xf32, #tpu.memory_space<vmem_shared>> -> memref<10112x128xf32, #tpu.memory_space<vmem_shared>>
    %dma_wait3A_237 = tpu.memref_slice %arg12[%dma_wait3A_226] : memref<2x!tpu.dma_semaphore, #tpu.memory_space<semaphore_mem>> -> memref<1x!tpu.dma_semaphore, #tpu.memory_space<semaphore_mem>>
    %dma_wait3A_238 = tpu.memref_squeeze %dma_wait3A_237 : memref<1x!tpu.dma_semaphore, #tpu.memory_space<semaphore_mem>> -> memref<!tpu.dma_semaphore, #tpu.memory_space<semaphore_mem>>
    tpu.wait_indirect_dma semaphore(%dma_wait3A_238 : memref<!tpu.dma_semaphore, #tpu.memory_space<semaphore_mem>>) src(%dma_wait3A_230 : memref<128x128xf32, #tpu.memory_space<vmem>>) dst(%dma_wait3A_236 : memref<10112x128xf32, #tpu.memory_space<vmem_shared>>)
    %dma_wait3A_239 = arith.constant 1 : i32
    %dma_wait3A_240 = arith.constant 79 : i32
    %dma_wait3A_241 = arith.constant 1 : i32
    %dma_wait3A_242 = arith.constant 0 : i32
    %dma_wait3A_243 = arith.constant 0 : i32
    %dma_wait3A_244 = tpu.memref_slice %arg10[%dma_wait3A_239, %dma_wait3A_242, %dma_wait3A_243] : memref<2x128x128xf32, #tpu.memory_space<vmem>> -> memref<1x128x128xf32, #tpu.memory_space<vmem>>
    %dma_wait3A_245 = tpu.memref_squeeze %dma_wait3A_244 : memref<1x128x128xf32, #tpu.memory_space<vmem>> -> memref<128x128xf32, #tpu.memory_space<vmem>>
    %dma_wait3A_246 = arith.constant 0 : i32
    %dma_wait3A_247 = tpu.memref_slice %arg9[%dma_wait3A_240, %dma_wait3A_246] : memref<80x128xi32, #tpu.memory_space<vmem>> -> memref<1x128xi32, #tpu.memory_space<vmem>>
    %dma_wait3A_248 = tpu.memref_squeeze %dma_wait3A_247 : memref<1x128xi32, #tpu.memory_space<vmem>> -> memref<128xi32, #tpu.memory_space<vmem>>
    %dma_wait3A_249 = arith.constant 0 : i32
    %dma_wait3A_250 = arith.constant 0 : i32
    %dma_wait3A_251 = tpu.memref_slice %arg7[%dma_wait3A_249, %dma_wait3A_250] : memref<10112x128xf32, #tpu.memory_space<vmem_shared>> -> memref<10112x128xf32, #tpu.memory_space<vmem_shared>>
    %dma_wait3A_252 = tpu.memref_slice %arg12[%dma_wait3A_241] : memref<2x!tpu.dma_semaphore, #tpu.memory_space<semaphore_mem>> -> memref<1x!tpu.dma_semaphore, #tpu.memory_space<semaphore_mem>>
    %dma_wait3A_253 = tpu.memref_squeeze %dma_wait3A_252 : memref<1x!tpu.dma_semaphore, #tpu.memory_space<semaphore_mem>> -> memref<!tpu.dma_semaphore, #tpu.memory_space<semaphore_mem>>
    tpu.wait_indirect_dma semaphore(%dma_wait3A_253 : memref<!tpu.dma_semaphore, #tpu.memory_space<semaphore_mem>>) src(%dma_wait3A_245 : memref<128x128xf32, #tpu.memory_space<vmem>>) dst(%dma_wait3A_251 : memref<10112x128xf32, #tpu.memory_space<vmem_shared>>)
    %dma_wait3A_254 = arith.constant 3 : i32
    %dma_wait3A_255 = arith.constant 3 : i32
    %dma_wait3A_256 = arith.constant 0 : i32
    %dma_wait3A_257 = tpu.memref_slice %arg8[%dma_wait3A_254, %dma_wait3A_256] : memref<4x128xi32, #tpu.memory_space<vmem>> -> memref<1x128xi32, #tpu.memory_space<vmem>>
    %dma_wait3A_258 = tpu.memref_squeeze %dma_wait3A_257 : memref<1x128xi32, #tpu.memory_space<vmem>> -> memref<128xi32, #tpu.memory_space<vmem>>
    %dma_wait3A_259 = arith.constant 0 : i32
    %dma_wait3A_260 = tpu.memref_slice %arg3[%add3A, %dma_wait3A_259] : memref<32x10240xi32, #tpu.memory_space<hbm>> -> memref<1x128xi32, #tpu.memory_space<hbm>>
    %dma_wait3A_261 = tpu.memref_squeeze %dma_wait3A_260 : memref<1x128xi32, #tpu.memory_space<hbm>> -> memref<128xi32, #tpu.memory_space<hbm>>
    %dma_wait3A_262 = tpu.memref_slice %arg14[%dma_wait3A_255] : memref<4x!tpu.dma_semaphore, #tpu.memory_space<semaphore_mem>> -> memref<1x!tpu.dma_semaphore, #tpu.memory_space<semaphore_mem>>
    %dma_wait3A_263 = tpu.memref_squeeze %dma_wait3A_262 : memref<1x!tpu.dma_semaphore, #tpu.memory_space<semaphore_mem>> -> memref<!tpu.dma_semaphore, #tpu.memory_space<semaphore_mem>>
    %dma_wait3A_264 = arith.constant 0 : i32
    %dma_wait3A_265 = tpu.memref_slice %arg8[%dma_wait3A_254, %dma_wait3A_264] : memref<4x128xi32, #tpu.memory_space<vmem>> -> memref<1x128xi32, #tpu.memory_space<vmem>>
    %dma_wait3A_266 = tpu.memref_squeeze %dma_wait3A_265 : memref<1x128xi32, #tpu.memory_space<vmem>> -> memref<128xi32, #tpu.memory_space<vmem>>
    %dma_wait3A_267 = arith.constant 0 : i32
    %dma_wait3A_268 = tpu.memref_slice %arg3[%add3A, %dma_wait3A_267] : memref<32x10240xi32, #tpu.memory_space<hbm>> -> memref<1x128xi32, #tpu.memory_space<hbm>>
    %dma_wait3A_269 = tpu.memref_squeeze %dma_wait3A_268 : memref<1x128xi32, #tpu.memory_space<hbm>> -> memref<128xi32, #tpu.memory_space<hbm>>
    tpu.wait_dma2 semaphore(%dma_wait3A_263 : memref<!tpu.dma_semaphore, #tpu.memory_space<semaphore_mem>>) src(%dma_wait3A_269 : memref<128xi32, #tpu.memory_space<hbm>>) dst(%dma_wait3A_266 : memref<128xi32, #tpu.memory_space<vmem>>)
    %dma_wait3A_270 = arith.constant 3 : i32
    %dma_wait3A_271 = arith.constant 3 : i32
    %dma_wait3A_272 = arith.constant 0 : i32
    %dma_wait3A_273 = tpu.memref_slice %arg8[%dma_wait3A_270, %dma_wait3A_272] : memref<4x128xi32, #tpu.memory_space<vmem>> -> memref<1x128xi32, #tpu.memory_space<vmem>>
    %dma_wait3A_274 = tpu.memref_squeeze %dma_wait3A_273 : memref<1x128xi32, #tpu.memory_space<vmem>> -> memref<128xi32, #tpu.memory_space<vmem>>
    %dma_wait3A_275 = arith.constant 0 : i32
    %dma_wait3A_276 = tpu.memref_slice %arg3[%add3A, %dma_wait3A_275] : memref<32x10240xi32, #tpu.memory_space<hbm>> -> memref<1x128xi32, #tpu.memory_space<hbm>>
    %dma_wait3A_277 = tpu.memref_squeeze %dma_wait3A_276 : memref<1x128xi32, #tpu.memory_space<hbm>> -> memref<128xi32, #tpu.memory_space<hbm>>
    %dma_wait3A_278 = tpu.memref_slice %arg14[%dma_wait3A_271] : memref<4x!tpu.dma_semaphore, #tpu.memory_space<semaphore_mem>> -> memref<1x!tpu.dma_semaphore, #tpu.memory_space<semaphore_mem>>
    %dma_wait3A_279 = tpu.memref_squeeze %dma_wait3A_278 : memref<1x!tpu.dma_semaphore, #tpu.memory_space<semaphore_mem>> -> memref<!tpu.dma_semaphore, #tpu.memory_space<semaphore_mem>>
    %dma_wait3A_280 = arith.constant 0 : i32
    %dma_wait3A_281 = tpu.memref_slice %arg8[%dma_wait3A_270, %dma_wait3A_280] : memref<4x128xi32, #tpu.memory_space<vmem>> -> memref<1x128xi32, #tpu.memory_space<vmem>>
    %dma_wait3A_282 = tpu.memref_squeeze %dma_wait3A_281 : memref<1x128xi32, #tpu.memory_space<vmem>> -> memref<128xi32, #tpu.memory_space<vmem>>
    %dma_wait3A_283 = arith.constant 0 : i32
    %dma_wait3A_284 = tpu.memref_slice %arg3[%add3A, %dma_wait3A_283] : memref<32x10240xi32, #tpu.memory_space<hbm>> -> memref<1x128xi32, #tpu.memory_space<hbm>>
    %dma_wait3A_285 = tpu.memref_squeeze %dma_wait3A_284 : memref<1x128xi32, #tpu.memory_space<hbm>> -> memref<128xi32, #tpu.memory_space<hbm>>
    tpu.wait_dma2 semaphore(%dma_wait3A_279 : memref<!tpu.dma_semaphore, #tpu.memory_space<semaphore_mem>>) src(%dma_wait3A_285 : memref<128xi32, #tpu.memory_space<hbm>>) dst(%dma_wait3A_282 : memref<128xi32, #tpu.memory_space<vmem>>)
    %barrier3A_286 = arith.constant 0 : index
    tpu.barrier barrier_id(%barrier3A_286)
    %mul3A_287 = arith.constant 632 : i32
    %mul3A_288 = arith.muli %arg1, %mul3A_287 : i32
    %mul3A_289 = arith.constant 632 : i32
    %mul3A_290 = arith.muli %arg1, %mul3A_289 : i32
    "tpu.region"() ({
      %run_scoped3A = tpu.sem_alloc : memref<!tpu.dma_semaphore, #tpu.memory_space<semaphore_mem>>
      %dma_start3A_291 = arith.constant 0 : i32
      %dma_start3A_292 = tpu.memref_slice %arg6[%arg0, %mul3A_290, %dma_start3A_291] : memref<2x10112x128xf32, #tpu.memory_space<hbm>> -> memref<1x632x128xf32, #tpu.memory_space<hbm>>
      %dma_start3A_293 = tpu.memref_squeeze %dma_start3A_292 : memref<1x632x128xf32, #tpu.memory_space<hbm>> -> memref<632x128xf32, #tpu.memory_space<hbm>>
      %dma_start3A_294 = arith.constant 0 : i32
      %dma_start3A_295 = tpu.memref_slice %arg7[%mul3A_288, %dma_start3A_294] : memref<10112x128xf32, #tpu.memory_space<vmem_shared>> -> memref<632x128xf32, #tpu.memory_space<vmem_shared>>
      tpu.enqueue_dma source(%dma_start3A_295 : memref<632x128xf32, #tpu.memory_space<vmem_shared>>) target(%dma_start3A_293 : memref<632x128xf32, #tpu.memory_space<hbm>>) target_semaphore(%run_scoped3A : memref<!tpu.dma_semaphore, #tpu.memory_space<semaphore_mem>>)
      %dma_wait3A_296 = arith.constant 0 : i32
      %dma_wait3A_297 = tpu.memref_slice %arg6[%arg0, %mul3A_290, %dma_wait3A_296] : memref<2x10112x128xf32, #tpu.memory_space<hbm>> -> memref<1x632x128xf32, #tpu.memory_space<hbm>>
      %dma_wait3A_298 = tpu.memref_squeeze %dma_wait3A_297 : memref<1x632x128xf32, #tpu.memory_space<hbm>> -> memref<632x128xf32, #tpu.memory_space<hbm>>
      %dma_wait3A_299 = arith.constant 0 : i32
      %dma_wait3A_300 = tpu.memref_slice %arg7[%mul3A_288, %dma_wait3A_299] : memref<10112x128xf32, #tpu.memory_space<vmem_shared>> -> memref<632x128xf32, #tpu.memory_space<vmem_shared>>
      tpu.wait_dma2 semaphore(%run_scoped3A : memref<!tpu.dma_semaphore, #tpu.memory_space<semaphore_mem>>) src(%dma_wait3A_300 : memref<632x128xf32, #tpu.memory_space<vmem_shared>>) dst(%dma_wait3A_298 : memref<632x128xf32, #tpu.memory_space<hbm>>)
      tpu.yield
    }) : () -> ()
    return
  }
}

module attributes {stable_mosaic.version = 14 : i64} {
  func.func @_mm_scale_body(%arg0: memref<10000x128xf32, #tpu.memory_space<vmem>>, %arg1: memref<128x128xf32, #tpu.memory_space<vmem>>, %arg2: memref<10000x128xf32, #tpu.memory_space<vmem>>, %arg3: memref<10000x128xf32, #tpu.memory_space<vmem>>) attributes {dimension_semantics = [], scalar_prefetch = 0 : i64, scratch_operands = 0 : i64, tpu.core_type = #tpu.core_type<tc>} {
    %get3A = arith.constant 0 : index
    %get3A_0 = arith.constant 0 : index
    %get3A_1 = vector.load %arg2[%get3A, %get3A_0] : memref<10000x128xf32, #tpu.memory_space<vmem>>, vector<10000x128xf32>
    %get3A_2 = arith.constant 0 : index
    %get3A_3 = arith.constant 0 : index
    %get3A_4 = vector.load %arg0[%get3A_2, %get3A_3] : memref<10000x128xf32, #tpu.memory_space<vmem>>, vector<10000x128xf32>
    %get3A_5 = arith.constant 0 : index
    %get3A_6 = arith.constant 0 : index
    %get3A_7 = vector.load %arg1[%get3A_5, %get3A_6] : memref<128x128xf32, #tpu.memory_space<vmem>>, vector<128x128xf32>
    %dot_general3A = arith.constant dense<0.000000e+00> : vector<10000x128xf32>
    %dot_general3A_8 = tpu.matmul %get3A_4, %get3A_7, %dot_general3A {dimension_numbers = #tpu.dot_dimension_numbers<[1], [0], [0], [1], [0, 0, 1, 1], [], []>, transpose_lhs_hint = false} : vector<10000x128xf32>, vector<128x128xf32>, vector<10000x128xf32> -> vector<10000x128xf32>
    %mul3A = arith.mulf %get3A_1, %dot_general3A_8 : vector<10000x128xf32>
    %swap3A = arith.constant 0 : index
    %swap3A_9 = arith.constant 0 : index
    %swap3A_10 = vector.load %arg3[%swap3A, %swap3A_9] : memref<10000x128xf32, #tpu.memory_space<vmem>>, vector<10000x128xf32>
    tpu.vector_store %arg3[%swap3A, %swap3A_9], %mul3A {strides = array<i32>} : memref<10000x128xf32, #tpu.memory_space<vmem>>, vector<10000x128xf32>,
    return
  }
}

module attributes {stable_mosaic.version = 14 : i64} {
  func.func @_mid_body(%arg0: memref<2x10112x128xf32, #tpu.memory_space<vmem>>, %arg1: memref<10000x128xf32, #tpu.memory_space<vmem>>, %arg2: memref<10000x128xf32, #tpu.memory_space<vmem>>, %arg3: memref<128x64xf32, #tpu.memory_space<vmem>>, %arg4: memref<128xf32, #tpu.memory_space<vmem>>, %arg5: memref<10000x128xf32, #tpu.memory_space<vmem>>) attributes {dimension_semantics = [], scalar_prefetch = 0 : i64, scratch_operands = 0 : i64, tpu.core_type = #tpu.core_type<tc>} {
    %get3A = arith.constant 0 : index
    %get3A_0 = arith.constant 0 : index
    %get3A_1 = vector.load %arg2[%get3A, %get3A_0] : memref<10000x128xf32, #tpu.memory_space<vmem>>, vector<10000x128xf32>
    %get3A_2 = arith.constant 0 : index
    %get3A_3 = arith.constant 0 : index
    %get3A_4 = arith.constant 0 : index
    %get3A_5 = vector.load %arg0[%get3A_2, %get3A_3, %get3A_4] : memref<2x10112x128xf32, #tpu.memory_space<vmem>>, vector<2x10112x128xf32>
    %slice3A = vector.extract_strided_slice %get3A_5 {offsets = [0, 0, 0], sizes = [1, 10000, 128], strides = [1, 1, 1]} : vector<2x10112x128xf32> to vector<1x10000x128xf32>
    %squeeze3A = vector.shape_cast %slice3A : vector<1x10000x128xf32> to vector<10000x128xf32>
    %slice3A_6 = vector.extract_strided_slice %get3A_5 {offsets = [1, 0, 0], sizes = [1, 10000, 128], strides = [1, 1, 1]} : vector<2x10112x128xf32> to vector<1x10000x128xf32>
    %squeeze3A_7 = vector.shape_cast %slice3A_6 : vector<1x10000x128xf32> to vector<10000x128xf32>
    %add3A = arith.addf %squeeze3A, %squeeze3A_7 : vector<10000x128xf32>
    %get3A_8 = arith.constant 0 : index
    %get3A_9 = arith.constant 0 : index
    %get3A_10 = vector.load %arg1[%get3A_8, %get3A_9] : memref<10000x128xf32, #tpu.memory_space<vmem>>, vector<10000x128xf32>
    %add3A_11 = arith.addf %add3A, %get3A_10 : vector<10000x128xf32>
    %mul3A = arith.mulf %get3A_1, %add3A_11 : vector<10000x128xf32>
    %get3A_12 = arith.constant 0 : index
    %get3A_13 = vector.load %arg4[%get3A_12] : memref<128xf32, #tpu.memory_space<vmem>>, vector<128xf32>
    %broadcast_in_dim3A = vector.shape_cast %get3A_13 : vector<128xf32> to vector<1x128xf32>
    %add3A_14 = vector.broadcast %broadcast_in_dim3A : vector<1x128xf32> to vector<10000x128xf32>
    %add3A_15 = arith.addf %mul3A, %add3A_14 : vector<10000x128xf32>
    %max3A = arith.constant 0.000000e+00 : f32
    %max3A_16 = vector.broadcast %max3A : f32 to vector<10000x128xf32>
    %max3A_17 = arith.maximumf %add3A_15, %max3A_16 : vector<10000x128xf32>
    %slice3A_18 = vector.extract_strided_slice %get3A_1 {offsets = [0, 0], sizes = [10000, 64], strides = [1, 1]} : vector<10000x128xf32> to vector<10000x64xf32>
    %get3A_19 = arith.constant 0 : index
    %get3A_20 = arith.constant 0 : index
    %get3A_21 = vector.load %arg3[%get3A_19, %get3A_20] : memref<128x64xf32, #tpu.memory_space<vmem>>, vector<128x64xf32>
    %dot_general3A = arith.constant dense<0.000000e+00> : vector<10000x64xf32>
    %dot_general3A_22 = tpu.matmul %max3A_17, %get3A_21, %dot_general3A {dimension_numbers = #tpu.dot_dimension_numbers<[1], [0], [0], [1], [0, 0, 1, 1], [], []>, transpose_lhs_hint = false} : vector<10000x128xf32>, vector<128x64xf32>, vector<10000x64xf32> -> vector<10000x64xf32>
    %mul3A_23 = arith.mulf %slice3A_18, %dot_general3A_22 : vector<10000x64xf32>
    %broadcast_in_dim3A_24 = arith.constant 0.000000e+00 : f32
    %broadcast_in_dim3A_25 = vector.broadcast %broadcast_in_dim3A_24 : f32 to vector<10000x64xf32>
    %concatenate3A = tpu.concatenate %mul3A_23, %broadcast_in_dim3A_25 in 1 : vector<10000x64xf32>, vector<10000x64xf32> -> vector<10000x128xf32>
    %swap3A = arith.constant 0 : index
    %swap3A_26 = arith.constant 0 : index
    %swap3A_27 = vector.load %arg5[%swap3A, %swap3A_26] : memref<10000x128xf32, #tpu.memory_space<vmem>>, vector<10000x128xf32>
    tpu.vector_store %arg5[%swap3A, %swap3A_26], %concatenate3A {strides = array<i32>} : memref<10000x128xf32, #tpu.memory_space<vmem>>, vector<10000x128xf32>,
    return
  }
}

module attributes {stable_mosaic.version = 14 : i64} {
  func.func @_mid_body(%arg0: memref<2x10112x128xf32, #tpu.memory_space<vmem>>, %arg1: memref<10000x128xf32, #tpu.memory_space<vmem>>, %arg2: memref<10000x128xf32, #tpu.memory_space<vmem>>, %arg3: memref<64x32xf32, #tpu.memory_space<vmem>>, %arg4: memref<64xf32, #tpu.memory_space<vmem>>, %arg5: memref<10000x128xf32, #tpu.memory_space<vmem>>) attributes {dimension_semantics = [], scalar_prefetch = 0 : i64, scratch_operands = 0 : i64, tpu.core_type = #tpu.core_type<tc>} {
    %get3A = arith.constant 0 : index
    %get3A_0 = arith.constant 0 : index
    %get3A_1 = vector.load %arg2[%get3A, %get3A_0] : memref<10000x128xf32, #tpu.memory_space<vmem>>, vector<10000x128xf32>
    %get3A_2 = arith.constant 0 : index
    %get3A_3 = arith.constant 0 : index
    %get3A_4 = arith.constant 0 : index
    %get3A_5 = vector.load %arg0[%get3A_2, %get3A_3, %get3A_4] : memref<2x10112x128xf32, #tpu.memory_space<vmem>>, vector<2x10112x128xf32>
    %slice3A = vector.extract_strided_slice %get3A_1 {offsets = [0, 0], sizes = [10000, 64], strides = [1, 1]} : vector<10000x128xf32> to vector<10000x64xf32>
    %slice3A_6 = vector.extract_strided_slice %get3A_5 {offsets = [0, 0, 0], sizes = [1, 10000, 64], strides = [1, 1, 1]} : vector<2x10112x128xf32> to vector<1x10000x64xf32>
    %squeeze3A = vector.shape_cast %slice3A_6 : vector<1x10000x64xf32> to vector<10000x64xf32>
    %slice3A_7 = vector.extract_strided_slice %get3A_5 {offsets = [1, 0, 0], sizes = [1, 10000, 64], strides = [1, 1, 1]} : vector<2x10112x128xf32> to vector<1x10000x64xf32>
    %squeeze3A_8 = vector.shape_cast %slice3A_7 : vector<1x10000x64xf32> to vector<10000x64xf32>
    %add3A = arith.addf %squeeze3A, %squeeze3A_8 : vector<10000x64xf32>
    %get3A_9 = arith.constant 0 : index
    %get3A_10 = arith.constant 0 : index
    %get3A_11 = vector.load %arg1[%get3A_9, %get3A_10] : memref<10000x128xf32, #tpu.memory_space<vmem>>, vector<10000x64xf32>
    %add3A_12 = arith.addf %add3A, %get3A_11 : vector<10000x64xf32>
    %mul3A = arith.mulf %slice3A, %add3A_12 : vector<10000x64xf32>
    %get3A_13 = arith.constant 0 : index
    %get3A_14 = vector.load %arg4[%get3A_13] : memref<64xf32, #tpu.memory_space<vmem>>, vector<64xf32>
    %broadcast_in_dim3A = vector.shape_cast %get3A_14 : vector<64xf32> to vector<1x64xf32>
    %add3A_15 = vector.broadcast %broadcast_in_dim3A : vector<1x64xf32> to vector<10000x64xf32>
    %add3A_16 = arith.addf %mul3A, %add3A_15 : vector<10000x64xf32>
    %max3A = arith.constant 0.000000e+00 : f32
    %max3A_17 = vector.broadcast %max3A : f32 to vector<10000x64xf32>
    %max3A_18 = arith.maximumf %add3A_16, %max3A_17 : vector<10000x64xf32>
    %slice3A_19 = vector.extract_strided_slice %get3A_1 {offsets = [0, 0], sizes = [10000, 32], strides = [1, 1]} : vector<10000x128xf32> to vector<10000x32xf32>
    %get3A_20 = arith.constant 0 : index
    %get3A_21 = arith.constant 0 : index
    %get3A_22 = vector.load %arg3[%get3A_20, %get3A_21] : memref<64x32xf32, #tpu.memory_space<vmem>>, vector<64x32xf32>
    %dot_general3A = arith.constant dense<0.000000e+00> : vector<10000x32xf32>
    %dot_general3A_23 = tpu.matmul %max3A_18, %get3A_22, %dot_general3A {dimension_numbers = #tpu.dot_dimension_numbers<[1], [0], [0], [1], [0, 0, 1, 1], [], []>, transpose_lhs_hint = false} : vector<10000x64xf32>, vector<64x32xf32>, vector<10000x32xf32> -> vector<10000x32xf32>
    %mul3A_24 = arith.mulf %slice3A_19, %dot_general3A_23 : vector<10000x32xf32>
    %broadcast_in_dim3A_25 = arith.constant 0.000000e+00 : f32
    %broadcast_in_dim3A_26 = vector.broadcast %broadcast_in_dim3A_25 : f32 to vector<10000x96xf32>
    %concatenate3A = tpu.concatenate %mul3A_24, %broadcast_in_dim3A_26 in 1 : vector<10000x32xf32>, vector<10000x96xf32> -> vector<10000x128xf32>
    %swap3A = arith.constant 0 : index
    %swap3A_27 = arith.constant 0 : index
    %swap3A_28 = vector.load %arg5[%swap3A, %swap3A_27] : memref<10000x128xf32, #tpu.memory_space<vmem>>, vector<10000x128xf32>
    tpu.vector_store %arg5[%swap3A, %swap3A_27], %concatenate3A {strides = array<i32>} : memref<10000x128xf32, #tpu.memory_space<vmem>>, vector<10000x128xf32>,
    return
  }
}

module attributes {stable_mosaic.version = 14 : i64} {
  func.func @_final_body(%arg0: memref<2x10112x128xf32, #tpu.memory_space<vmem>>, %arg1: memref<10000x128xf32, #tpu.memory_space<vmem>>, %arg2: memref<10000x128xf32, #tpu.memory_space<vmem>>, %arg3: memref<32xf32, #tpu.memory_space<vmem>>, %arg4: memref<10000x32xf32, #tpu.memory_space<vmem>>) attributes {dimension_semantics = [], scalar_prefetch = 0 : i64, scratch_operands = 0 : i64, tpu.core_type = #tpu.core_type<tc>} {
    %get3A = arith.constant 0 : index
    %get3A_0 = arith.constant 0 : index
    %get3A_1 = vector.load %arg2[%get3A, %get3A_0] : memref<10000x128xf32, #tpu.memory_space<vmem>>, vector<10000x128xf32>
    %get3A_2 = arith.constant 0 : index
    %get3A_3 = arith.constant 0 : index
    %get3A_4 = arith.constant 0 : index
    %get3A_5 = vector.load %arg0[%get3A_2, %get3A_3, %get3A_4] : memref<2x10112x128xf32, #tpu.memory_space<vmem>>, vector<2x10112x128xf32>
    %slice3A = vector.extract_strided_slice %get3A_1 {offsets = [0, 0], sizes = [10000, 32], strides = [1, 1]} : vector<10000x128xf32> to vector<10000x32xf32>
    %slice3A_6 = vector.extract_strided_slice %get3A_5 {offsets = [0, 0, 0], sizes = [1, 10000, 32], strides = [1, 1, 1]} : vector<2x10112x128xf32> to vector<1x10000x32xf32>
    %squeeze3A = vector.shape_cast %slice3A_6 : vector<1x10000x32xf32> to vector<10000x32xf32>
    %slice3A_7 = vector.extract_strided_slice %get3A_5 {offsets = [1, 0, 0], sizes = [1, 10000, 32], strides = [1, 1, 1]} : vector<2x10112x128xf32> to vector<1x10000x32xf32>
    %squeeze3A_8 = vector.shape_cast %slice3A_7 : vector<1x10000x32xf32> to vector<10000x32xf32>
    %add3A = arith.addf %squeeze3A, %squeeze3A_8 : vector<10000x32xf32>
    %get3A_9 = arith.constant 0 : index
    %get3A_10 = arith.constant 0 : index
    %get3A_11 = vector.load %arg1[%get3A_9, %get3A_10] : memref<10000x128xf32, #tpu.memory_space<vmem>>, vector<10000x32xf32>
    %add3A_12 = arith.addf %add3A, %get3A_11 : vector<10000x32xf32>
    %mul3A = arith.mulf %slice3A, %add3A_12 : vector<10000x32xf32>
    %get3A_13 = arith.constant 0 : index
    %get3A_14 = vector.load %arg3[%get3A_13] : memref<32xf32, #tpu.memory_space<vmem>>, vector<32xf32>
    %broadcast_in_dim3A = vector.shape_cast %get3A_14 : vector<32xf32> to vector<1x32xf32>
    %add3A_15 = vector.broadcast %broadcast_in_dim3A : vector<1x32xf32> to vector<10000x32xf32>
    %add3A_16 = arith.addf %mul3A, %add3A_15 : vector<10000x32xf32>
    %swap3A = arith.constant 0 : index
    %swap3A_17 = arith.constant 0 : index
    %swap3A_18 = vector.load %arg4[%swap3A, %swap3A_17] : memref<10000x32xf32, #tpu.memory_space<vmem>>, vector<10000x32xf32>
    tpu.vector_store %arg4[%swap3A, %swap3A_17], %add3A_16 {strides = array<i32>} : memref<10000x32xf32, #tpu.memory_space<vmem>>, vector<10000x32xf32>,
    return
  }
}

</mosaic_0001>

<sc_bundles>
// kernel: kernel.10.cloned.1.call-start
scs
__scs_entry_jumppad:
0x0: {  	(pc) =	sbr.rel $0x88, $3  }
0x1: {  	(tag) =	ssettag $0x0;
	lr =	simm.s32 $0x1  }
0x2: {  	[smem:$0x3F99] =	sst lr;
	_ =	strace $0xD0000000  }
0x3: {  	_ = 	snop  }
0x4: {  	_ = 	snop  }
0x5: {  	_ = 	snop  }
0x6: {  	_ = 	snop  }
0x7: {  	_ = 	snop  }
__scs_overlays_trampoline_lowered:
0x8: {  	[smem:$0x3FA8] =	sst s0  }
0x9: {  	[smem:$0x3FA9] =	sst s1  }
0xa: {  	[smem:$0x3FAA] =	sst s2  }
0xb: {  	[smem:$0x3FAB] =	sst s3  }
0xc: {  	[smem:$0x3FAC] =	sst s4  }
0xd: {  	[smem:$0x3FAD] =	sst s5  }
0xe: {  	[smem:$0x3FAE] =	sst s6  }
0xf: {  	[smem:$0x3FAF] =	sst s7  }
0x10: {  	[smem:$0x3FB0] =	sst s8  }
0x11: {  	[smem:$0x3FB1] =	sst s9;
	s0 =	simm.s32 @!p0 $0x0  }
0x12: {  	s1 =	sld [smem:$0x3F97];
	s0 =	simm.s32 @p0 $0x1  }
0x13: {  	[smem:$0x3FB2] =	sst s0;
	s0 =	simm.s32 @!p1 $0x0  }
0x14: {  	s2 =	sld [smem:$0x3F96];
	s0 =	simm.s32 @p1 $0x1  }
0x15: {  	[smem:$0x3FB3] =	sst s0;
	s0 =	simm.s32 @!p2 $0x0  }
0x16: {  	s3 =	sld [smem:$0x3FDB];
	s0 =	simm.s32 @p2 $0x1  }
0x17: {  	s4 =	simm.s32 $0x1BF5;
	[smem:$0x3FB5] =	sst s0  }
0x18: {  	s0 =	sld [smem:$0x3F98];
	_ =	swait.ge [sflag:s4], $0x0  }
0x19: {  	s7 =	sld [smem:$0x3F99]  }
0x1a: {  	s8 =	sadd.s32 $0xFFFFE003, lr  }
0x1b: {  	s9 =	sadd.s32 $0xFFFFFEF7, lr;
	s5 =	simm.s32 $0xFFFFFFFF;
	p2 =	slt.u32 s8, $0xFFFFF086  }
0x1c: {  	p1 =	slt.u32 s9, $0xF7A;
	s5 =	simm.s32 @!p2 $0x0  }
0x1d: {  	s5 =	simm.s32 @p1 $0x1;
	p0 =	seq.s32 s7, s2  }
0x1e: {  	s7 =	smul.u32 @!p0 $0xF7A, s2;
	p2 =	seq.s32 @!p0 s5, $0x0  }
0x1f: {  	s9 =	smul.u32 $0xF7A, s1;
	s8 =	simm.s32 @!p0 $0x1BF5;
	p2 =	por !p2, p0  }
0x20: {  	[sflag:s8] =	ssyncset.s32 @!p0 $0xFFFFF086;
	s6 =	sadd.s32 @!p0 s3, s7;
	s7 =	simm.s32 @!p0 $0x108  }
0x21: {  	s3 =	sadd.s32 s3, s9;
	s6 =	sadd.s32 @!p0 $0x88, s6;
	s7 =	simm.s32 @p2 $0x1082  }
0x22: {  	[simem:s7], [sflag:s8] =	dma.local @!p0 [hbm:s6], $0xF7A  }
0x23: {  	s9 =	sor.u32 $0xD0000000, s2;
	s6 =	simm.s32 $0x108;
	_ =	swait.ge @!p0 [sflag:s8], $0x0  }
0x24: {  	s3 =	sadd.s32 $0x88, s3;
	s6 =	simm.s32 @!p1 $0x1082;
	[sflag:s4] =	ssyncset.s32 $0xFFFFF086  }
0x25: {  	[simem:s6], [sflag:s4] =	dma.local [hbm:s3], $0xF7A  }
0x26: {  	[smem:$0x3F99] =	sst s1;
	(tag) =	ssettag s2;
	_ =	strace s9  }
0x27: {  	s1 =	sld [smem:$0x3FA9]  }
0x28: {  	s2 =	sld [smem:$0x3FAA]  }
0x29: {  	s4 =	sld [smem:$0x3FAC]  }
0x2a: {  	p0 =	seq.s32 s5, $0x0;
	s5 =	sld [smem:$0x3FAD]  }
0x2b: {  	s6 =	sld [smem:$0x3FAE]  }
0x2c: {  	s7 =	sld [smem:$0x3FAF]  }
0x2d: {  	s3 =	simm.s32 $0x108;
	s8 =	sld [smem:$0x3FB0]  }
0x2e: {  	s3 =	simm.s32 @!p0 $0x1082;
	s9 =	sld [smem:$0x3FB1]  }
0x2f: {  	lr =	sadd.s32 s0, s3;
	s0 =	sld [smem:$0x3FA8]  }
0x30: {  	s3 =	sld [smem:$0x3FAB]  }
0x31: {  	[smem:$0x3FB4] =	sst s10  }
0x32: {  	s10 =	sld [smem:$0x3FB2];
	_ =	sdelay $0x3  }
0x33: {  	p0 =	seq.s32 s10, $0x1;
	s10 =	sld [smem:$0x3FB4];
	_ =	sdelay $0x3  }
0x34: {  	[smem:$0x3FB4] =	sst s10  }
0x35: {  	s10 =	sld [smem:$0x3FB3];
	_ =	sdelay $0x3  }
0x36: {  	p1 =	seq.s32 s10, $0x1;
	s10 =	sld [smem:$0x3FB4];
	_ =	sdelay $0x3  }
0x37: {  	[smem:$0x3FB4] =	sst s10  }
0x38: {  	s10 =	sld [smem:$0x3FB5]  }
0x39: {  	_ = 	snop;
	(pc) =	sbr.ind lr, $3  }
0x3a: {  	_ = 	snop  }
0x3b: {  	_ = 	snop  }
0x3c: {  	p2 =	seq.s32 s10, $0x1;
	s10 =	sld [smem:$0x3FB4]  }
0x3d: {  	_ =	shalt  }
0x3e: {  	_ =	shalt  }
0x3f: {  	_ =	shalt  }
0x40: {  	_ =	shalt  }
0x41: {  	_ =	shalt  }
0x42: {  	_ =	shalt  }
0x43: {  	_ =	shalt  }
0x44: {  	_ =	shalt  }
0x45: {  	_ =	shalt  }
0x46: {  	_ =	shalt  }
0x47: {  	_ =	shalt  }
0x48: {  	_ =	shalt  }
0x49: {  	_ =	shalt  }
0x4a: {  	_ =	shalt  }
0x4b: {  	_ =	shalt  }
0x4c: {  	_ =	shalt  }
0x4d: {  	_ =	shalt  }
0x4e: {  	_ =	shalt  }
0x4f: {  	_ =	shalt  }
0x50: {  	_ =	shalt  }
0x51: {  	_ =	shalt  }
0x52: {  	_ =	shalt  }
0x53: {  	_ =	shalt  }
0x54: {  	_ =	shalt  }
0x55: {  	_ =	shalt  }
0x56: {  	_ =	shalt  }
0x57: {  	_ =	shalt  }
0x58: {  	_ =	shalt  }
0x59: {  	_ =	shalt  }
0x5a: {  	_ =	shalt  }
0x5b: {  	_ =	shalt  }
0x5c: {  	_ =	shalt  }
0x5d: {  	_ =	shalt  }
0x5e: {  	_ =	shalt  }
0x5f: {  	_ =	shalt  }
0x60: {  	_ =	shalt  }
0x61: {  	_ =	shalt  }
0x62: {  	_ =	shalt  }
0x63: {  	_ =	shalt  }
0x64: {  	_ =	shalt  }
0x65: {  	_ =	shalt  }
0x66: {  	_ =	shalt  }
0x67: {  	_ =	shalt  }
0x68: {  	_ =	shalt  }
0x69: {  	_ =	shalt  }
0x6a: {  	_ =	shalt  }
0x6b: {  	_ =	shalt  }
0x6c: {  	_ =	shalt  }
0x6d: {  	_ =	shalt  }
0x6e: {  	_ =	shalt  }
0x6f: {  	_ =	shalt  }
0x70: {  	_ =	shalt  }
0x71: {  	_ =	shalt  }
0x72: {  	_ =	shalt  }
0x73: {  	_ =	shalt  }
0x74: {  	_ =	shalt  }
0x75: {  	_ =	shalt  }
0x76: {  	_ =	shalt  }
0x77: {  	_ =	shalt  }
0x78: {  	_ =	shalt  }
0x79: {  	_ =	shalt  }
0x7a: {  	_ =	shalt  }
0x7b: {  	_ =	shalt  }
0x7c: {  	_ =	shalt  }
0x7d: {  	_ =	shalt  }
0x7e: {  	_ =	shalt  }
0x7f: {  	_ =	shalt  }
0x80: {  	_ =	shalt  }
0x81: {  	_ =	shalt  }
0x82: {  	_ =	shalt  }
0x83: {  	_ =	shalt  }
0x84: {  	_ =	shalt  }
0x85: {  	_ =	shalt  }
0x86: {  	_ =	shalt  }
0x87: {  	_ =	shalt  }
.Lfunc_end0:
.L_simem_size_0:
called_computation_lowered:
.L_overlay_start_0:
0x88: {  	s2 =	sld [smem:$0x3FD9]  }
0x89: {  	s3 =	sld [smem:$0x3FFE];
	_ =	sdelay $0x1  }
0x8a: {  	s1 =	srdreg.scid  }
0x8b: {  	s0 =	sand.u32 $0x1, s1  }
0x8c: {  	s17 =	sshll.u32 s0, $0xA;
	s2 =	sadd.s32 s3, s2  }
0x8d: {  	s2 =	sadd.s32 s2, s17  }
0x8e: {  	[smem:$0x3FC0] =	sst s2  }
0x8f: {  	_ = 	snop  }
0x90: {  	s2 =	sld [smem:$0x3FD0];
	(tm) =	ssettm $0x1  }
0x91: {  	s18 =	sld [smem:$0x3FFB];
	_ =	sdelay $0x3  }
0x92: {  	_ =	strace s18  }
0x93: {  	s3 =	sld [smem:$0x3FFC];
	_ =	sdelay $0x3  }
0x94: {  	_ =	strace s3  }
0x95: {  	s3 =	sld [smem:$0x3FFD];
	_ =	sdelay $0x3  }
0x96: {  	_ =	strace s3  }
0x97: {  	_ =	strace $0x8FFFFFFF  }
0x98: {  	s19 =	sld [smem:$0x3FDB];
	_ =	sdelay $0x1  }
0x99: {  	s4 =	simm.s32 $_scs_section_size  }
0x9a: {  	s5 =	simm.s32 $_size__tile_overlayer_lowered;
	s6 =	simm.s32 $_tile_overlayer_lowered  }
0x9b: {  	s22 =	simm.s32 $0x1BFF;
	s21 =	sshll.u32 s6, $0x1;
	s3 =	sadd.s32 s4, s19  }
0x9c: {  	s7 =	simm.s32 $0x0;
	s20 =	sshll.u32 s5, $0x1;
	s5 =	sadd.s32 s21, s3  }
0x9d: {  	[timem:s7], [sflag:s22] =	dma.local [hbm:s5], s20  }
0x9e: {  	_ =	swait.ge [sflag:s22], s20  }
0x9f: {  	s4 =	ssub.s32 $0x0, s20;
	[sflag:s22] =	ssyncset.done $0x0  }
0xa0: {  	[sflag:s22] =	ssyncadd.s32 s4;
	_ =	sdelay $0x1  }
0xa1: {  	s23 =	simm.s32 $0x1B8B  }
0xa2: {  	_ =	swait.ge [sflag:s23], $0x1  }
0xa3: {  	[sflag:s23] =	ssyncset.done $0x0  }
0xa4: {  	s25 =	simm.s32 $0x1B8E;
	s24 =	sld [smem:$0x3FFE];
	[sflag:s23] =	ssyncadd.s32 $0xFFFFFFFF  }
0xa5: {  	s26 =	simm.s32 $execute0_lowered;
	[smem:$0x3FD2] =	sst s25  }
0xa6: {  	s5 =	sshll.u32 s26, $0x1;
	_ =	strace $0x80000046;
	[dreg:$0x1] =	wrdreg $0xFFFFFFFF  }
0xa7: {  	s28 =	simm.s32 $_size_execute0_lowered;
	s3 =	sadd.s32 s3, s5;
	[dreg:$0x0] =	wrdreg $0x0  }
0xa8: {  	s5 =	sshll.u32 s28, $0x1;
	[dreg:$0x2] =	wrdreg s3  }
0xa9: {  	[dreg:$0x3] =	wrdreg s5  }
0xaa: {  	[dreg:$0x4] =	wrdreg $0xC0  }
0xab: {  	_ =	task [dreg:s7], $0x5FFFF  }
0xac: {  	[dreg:$0x1] =	wrdreg $0xFFFFFFFF  }
0xad: {  	[dreg:$0x0] =	wrdreg $0x60  }
0xae: {  	[dreg:$0x2] =	wrdreg s24  }
0xaf: {  	[dreg:$0x3] =	wrdreg s2  }
0xb0: {  	[dreg:$0x4] =	wrdreg $0x0  }
0xb1: {  	[dreg:$0x5] =	wrdreg $0x9  }
0xb2: {  	_ =	task.clear_ibuf [dreg:s7], $0x6FFFF;
	_ =	strace $0x90000046  }
0xb3: {  	s29 =	simm.s32 $0x9;
	_ =	strace $0x80000048  }
0xb4: {  	_ =	swait.ge [sflag:s29], $0x1  }
0xb5: {  	[sflag:s29] =	ssyncadd.s32 $0xFFFFFFFF  }
0xb6: {  	_ =	strace $0x90000048  }
0xb7: {  	_ =	sfence  }
0xb8: {  	s30 =	sld [smem:$0x0];
	_ =	sdelay $0x2  }
0xb9: {  	s31 =	sshll.u32 s1, $0xD;
	s1 =	sshrl.u32 s1, $0x2  }
0xba: {  	s3 =	sand.u32 $0x4000, s31;
	s1 =	sadd.s32 s1, s30  }
0xbb: {  	s0 =	sor.u32 s3, s0;
	s1 =	sshll.u32 s1, $0x11  }
0xbc: {  	s0 =	sor.u32 s1, s0  }
0xbd: {  	s0 =	sadd.s32 $0x8F2B, s0  }
0xbe: {  	[sflag:s0] =	ssyncadd.remote.s32 $0x1  }
0xbf: {  	_ =	sfence.sel $0xFFFF  }
0xc0: {  	[dreg:$0x0] =	wrdreg $0xFFFFFFFF;
	(pc) =	sbr.abs _section_cstart, $3  }
0xc1: {  	[dreg:$0x1] =	wrdreg $0xFFFFFFFF  }
0xc2: {  	_ =	task.clear_ibuf [dreg:s7], $0x2FFFF;
	_ =	strace $0x9FFFFFFF  }
0xc3: {  	(tm) =	ssettm $0x7FFFFFFF  }
tec
execute0_lowered:
.L_overlay_start_1:
0x0: {  	(tag) =	ssettag $0x1  }
0x1: {  	s4 =	rddreg [dreg:$0x0]  }
0x2: {  	s6 =	rddreg [dreg:$0x1]  }
0x3: {  	s2 =	rddreg [dreg:$0x2]  }
0x4: {  	s0 =	rddreg [dreg:$0x3]  }
0x5: {  	s1 =	stileid.u32;
	s5 =	srdreg.scid  }
0x6: {  	s3 =	simm.s32 $0x0;
	s11 =	simm.s32 $0x80;
	s12 =	simm.s32 $0x7780  }
0x7: {  	s13 =	simm.s32 $0x1;
	s14 =	simm.s32 $0xA700;
	s7 =	smul.u32 $0xA00, s1  }
0x8: {  	s15 =	simm.s32 $0x0;
	s5 =	sand.u32 $0x1, s5;
	s8 =	smul.u32 $0x9E00, s1  }
0x9: {  	[smem:$0x7FF] =	sst s3;
	s10 =	smul.u32 $0x4F, s1;
	s5 =	ssub.s32 $0x2, s5  }
0xa: {  	_ =	strace $0x80000047;
	s9 =	sshrl.u32 s5, $0x1;
	s4 =	sadd.s32 s7, s4  }
0xb: {  	s31 =	sshrl.u32 s8, $0x2;
	s6 =	sadd.s32 s6, s10;
	s8 =	simm.s32 $0x2780  }
0xc: {  	s10 =	simm.s32 $0x7F80;
	s30 =	ssub.s32 s5, s9;
	s4 =	sadd.s32 $0x3A00, s4  }
0xd: {  	v0 =	vimm.f32 $1.000000000e+00;
	v1 =	vimm.f32 $0.0e+00;
	v2 =	vlaneseq.u32;
	s5 =	sadd.s32 s31, s2;
	s9 =	simm.s32 $0x2;
	s7 =	smax.u32 s30, $0x1  }
.LBB2_1:
0xe: {  	[tilespmem:s8], [sflag:$0x2] =	stream.linear.gather [hbm4b:s4+s3], $0x5000, $0x38;
	[tilespmem:$0xA980] =	vst v63  }
0xf: {  	_ =	swait.ge [sflag:s9], $0x5000  }
0x10: {  	[sflag:s9] =	ssyncset.done $0x0  }
0x11: {  	s16 =	simm.s32 $0x0;
	[sflag:s9] =	ssyncadd.s32 $0xFFFFB000  }
.LBB2_2:
0x12: {  	p0 =	sne.s32 s16, $0x1FC0  }
.Ltmp0:
0x13: {  	_ = 	snop;
	(pc) =	sbr.rel @p0 .LBB2_2-.Ltmp0, $3  }
0x14: {  	_ =	sdelay $0x1  }
0x15: {  	s17 =	sshra.s32 s16, $0x2  }
0x16: {  	s16 =	sadd.s32 $0x40, s16;
	[tilespmem:s17+$0x7780] =	vst v0  }
0x17: {  	s16 =	simm.s32 $0x40;
	s17 =	simm.s32 $0x0  }
.LBB2_4:
0x18: {  	p0 =	sne.s32 s16, $0x9DC0;
	[tilespmem:s17+$0x7F80] =	vst v1;
	s17 =	smov.u32 s16;
	s16 =	sadd.s32 $0x40, s16  }
.Ltmp1:
0x19: {  	(pc) =	sbr.rel @p0 .LBB2_4-.Ltmp1, $2  }
0x1a: {  	_ =	sdelay $0x2  }
0x1b: {  	s17 =	sshra.s32 s17, $0x2  }
0x1c: {  	[tilespmem:s17+$0x7F80] =	vst v1  }
0x1d: {  	[spmem:s5] =	stream.linear.scatter [tilespmem:s10], [sflag:$0x2], $0x2780, $0x38;
	[tilespmem:$0xA980] =	vst v63  }
0x1e: {  	_ =	swait.ge [sflag:s9], $0x2780  }
0x1f: {  	[sflag:s9] =	ssyncset.done $0x0  }
0x20: {  	[sflag:s9] =	ssyncadd.s32 $0xFFFFD880  }
0x21: {  	s16 =	simm.s32 $0x0;
	[bflag:$0x0] =	sbarrier.arrive $0xFFFF  }
.LBB2_6:
0x22: {  	p0 =	sne.s32 s16, $0x13E00  }
.Ltmp2:
0x23: {  	_ = 	snop;
	(pc) =	sbr.rel @p0 .LBB2_6-.Ltmp2, $4  }
0x24: {  	_ = 	snop  }
0x25: {  	s17 =	sshra.s32 s16, $0x2  }
0x26: {  	s16 =	sadd.s32 $0x200, s16;
	s17 =	sadd.s32 $0x2780, s17  }
0x27: {  	[spmem:s2] =	stream.indirect.scatter.add.f32 [tilespmem:s12], [sflag:$0x1], $0x10, s17, s11, $0xb8;
	[tilespmem:$0xA980] =	vst v63  }
0x28: {  	_ =	swait.ge [sflag:s13], $0x800  }
0x29: {  	s16 =	simm.s32 $0x9F;
	[sflag:s13] =	ssyncset.done $0x0  }
.LBB2_8:
0x2a: {  	p0 =	sne.s32 s16, $0x1;
	s16 =	sadd.s32 $0xFFFFFFFF, s16;
	[sflag:s13] =	ssyncadd.s32 $0xFFFFF800  }
.Ltmp3:
0x2b: {  	(pc) =	sbr.rel @p0 .LBB2_8-.Ltmp3, $3  }
0x2c: {  	_ =	sdelay $0x1  }
0x2d: {  	_ =	swait.ge [sflag:s13], $0x800  }
0x2e: {  	[sflag:s13] =	ssyncset.done $0x0  }
0x2f: {  	s16 =	simm.s32 $0x0  }
0x30: {  	v3 =	vor.u32 s16, v2  }
0x31: {  	vm0 =	vlt.s32 v3, $0x277  }
0x32: {  	[sflag:s13] =	ssyncadd.s32 $0xFFFFF800;
	v3 =	vnsel vm0, $0x277, v3  }
0x33: {  	[bflag:$0x0] =	sbarrier.arrive $0xFFFF;
	v3 =	vshll.u32 v3, $0x4  }
0x34: {  	[tilespmem:s10], [sflag:$0x2] =	stream.linear.gather [spmem:s5], $0x2780, $0x38;
	[tilespmem:$0xA980] =	vst v63  }
0x35: {  	_ =	swait.ge [sflag:s9], $0x2780  }
0x36: {  	[sflag:s9] =	ssyncset.done $0x0  }
0x37: {  	[sflag:s9] =	ssyncadd.s32 $0xFFFFD880  }
0x38: {  	v3 =	vld.idx.msk [tilespmem:v3+s10+$0x0], $0xffff;
	_ =	sdelay $0x4  }
0x39: {  	v3 =	vadd.f32 $1.000000000e+00, v3;
	_ =	sdelay $0x1  }
0x3a: {  	v4 =	vshra.s32 v3, $0x1;
	v3 =	vmul.f32 $5.000000000e-01, v3  }
0x3b: {  	v4 =	vsub.s32 $0x5F3759DF, v4  }
0x3c: {  	v5 =	vmul.f32 v4, v3;
	_ =	sdelay $0x1  }
0x3d: {  	v5 =	vmul.f32 v4, v5;
	_ =	sdelay $0x1  }
0x3e: {  	v5 =	vsub.f32 $1.500000000e+00, v5;
	_ =	sdelay $0x1  }
0x3f: {  	v4 =	vmul.f32 v4, v5;
	_ =	sdelay $0x1  }
0x40: {  	v5 =	vmul.f32 v4, v3;
	_ =	sdelay $0x1  }
0x41: {  	v5 =	vmul.f32 v5, v4;
	_ =	sdelay $0x1  }
0x42: {  	v5 =	vsub.f32 $1.500000000e+00, v5;
	_ =	sdelay $0x1  }
0x43: {  	v4 =	vmul.f32 v5, v4;
	_ =	sdelay $0x1  }
0x44: {  	s31 =	simm.s32 $0x10;
	v3 =	vmul.f32 v4, v3  }
0x45: {  	v5 =	vor.u32 s31, v2  }
0x46: {  	vm15 =	vlt.s32 v5, $0x277;
	v3 =	vmul.f32 v3, v4  }
0x47: {  	v5 =	vnsel vm15, $0x277, v5  }
0x48: {  	v5 =	vshll.u32 v5, $0x4;
	v3 =	vsub.f32 $1.500000000e+00, v3;
	_ =	sdelay $0x1  }
0x49: {  	v3 =	vmul.f32 v3, v4  }
0x4a: {  	s16 =	simm.s32 $0xA700  }
0x4b: {  	[tilespmem:s16+$0x0] =	vst v3  }
0x4c: {  	v3 =	vld.idx.msk [tilespmem:v5+s10+$0x0], $0xffff;
	_ =	sdelay $0x4  }
0x4d: {  	v3 =	vadd.f32 $1.000000000e+00, v3;
	_ =	sdelay $0x1  }
0x4e: {  	v4 =	vshra.s32 v3, $0x1;
	v5 =	vmul.f32 $5.000000000e-01, v3  }
0x4f: {  	v3 =	vsub.s32 $0x5F3759DF, v4  }
0x50: {  	v4 =	vmul.f32 v3, v5;
	_ =	sdelay $0x1  }
0x51: {  	v4 =	vmul.f32 v3, v4;
	_ =	sdelay $0x1  }
0x52: {  	v4 =	vsub.f32 $1.500000000e+00, v4;
	_ =	sdelay $0x1  }
0x53: {  	v3 =	vmul.f32 v3, v4;
	_ =	sdelay $0x1  }
0x54: {  	v4 =	vmul.f32 v3, v5;
	_ =	sdelay $0x1  }
0x55: {  	v4 =	vmul.f32 v4, v3;
	_ =	sdelay $0x1  }
0x56: {  	v4 =	vsub.f32 $1.500000000e+00, v4;
	_ =	sdelay $0x1  }
0x57: {  	v3 =	vmul.f32 v4, v3;
	_ =	sdelay $0x1  }
0x58: {  	s17 =	simm.s32 $0x20;
	v5 =	vmul.f32 v3, v5  }
0x59: {  	v4 =	vor.u32 s17, v2;
	s17 =	simm.s32 $0x30  }
.LBB2_10:
0x5a: {  	p0 =	sne.s32 s17, $0x270;
	vm0 =	vlt.s32 v4, $0x277;
	v5 =	vmul.f32 v5, v3  }
0x5b: {  	v4 =	vnsel vm0, $0x277, v4  }
0x5c: {  	v4 =	vshll.u32 v4, $0x4;
	v5 =	vsub.f32 $1.500000000e+00, v5;
	_ =	sdelay $0x1  }
0x5d: {  	v3 =	vmul.f32 v5, v3  }
0x5e: {  	s16 =	sadd.s32 $0x10, s16  }
0x5f: {  	[tilespmem:s16+$0x0] =	vst v3  }
0x60: {  	v3 =	vld.idx.msk [tilespmem:v4+s10+$0x0], $0xffff;
	_ =	sdelay $0x5  }
0x61: {  	v3 =	vadd.f32 $1.000000000e+00, v3;
	_ =	sdelay $0x1  }
0x62: {  	v4 =	vshra.s32 v3, $0x1;
	v5 =	vmul.f32 $5.000000000e-01, v3  }
0x63: {  	v3 =	vsub.s32 $0x5F3759DF, v4  }
0x64: {  	v4 =	vmul.f32 v3, v5;
	_ =	sdelay $0x1  }
0x65: {  	v4 =	vmul.f32 v3, v4;
	_ =	sdelay $0x1  }
0x66: {  	v4 =	vsub.f32 $1.500000000e+00, v4;
	_ =	sdelay $0x1  }
0x67: {  	v3 =	vmul.f32 v3, v4;
	_ =	sdelay $0x1  }
0x68: {  	v4 =	vmul.f32 v3, v5;
	_ =	sdelay $0x1  }
0x69: {  	v4 =	vmul.f32 v4, v3;
	_ =	sdelay $0x1  }
0x6a: {  	v4 =	vsub.f32 $1.500000000e+00, v4  }
.Ltmp4:
0x6b: {  	(pc) =	sbr.rel @p0 .LBB2_10-.Ltmp4, $3  }
0x6c: {  	v3 =	vmul.f32 v4, v3;
	_ =	sdelay $0x1  }
0x6d: {  	v5 =	vmul.f32 v3, v5  }
0x6e: {  	v4 =	vor.u32 s17, v2;
	s17 =	sadd.s32 $0x10, s17  }
0x6f: {  	vm0 =	vlt.s32 v4, $0x277;
	v5 =	vmul.f32 v5, v3  }
0x70: {  	v4 =	vnsel vm0, $0x277, v4  }
0x71: {  	v4 =	vshll.u32 v4, $0x4;
	v5 =	vsub.f32 $1.500000000e+00, v5;
	_ =	sdelay $0x1  }
0x72: {  	v3 =	vmul.f32 v5, v3  }
0x73: {  	s16 =	sadd.s32 $0x10, s16  }
0x74: {  	[tilespmem:s16+$0x0] =	vst v3  }
0x75: {  	v3 =	vld.idx.msk [tilespmem:v4+s10+$0x0], $0xffff;
	_ =	sdelay $0x4  }
0x76: {  	v3 =	vadd.f32 $1.000000000e+00, v3;
	_ =	sdelay $0x1  }
0x77: {  	v62 =	vshra.s32 v3, $0x1;
	v3 =	vmul.f32 $5.000000000e-01, v3  }
0x78: {  	v4 =	vsub.s32 $0x5F3759DF, v62  }
0x79: {  	v63 =	vmul.f32 v4, v3;
	_ =	sdelay $0x1  }
0x7a: {  	v5 =	vmul.f32 v4, v63;
	_ =	sdelay $0x1  }
0x7b: {  	v5 =	vsub.f32 $1.500000000e+00, v5;
	_ =	sdelay $0x1  }
0x7c: {  	v4 =	vmul.f32 v4, v5;
	_ =	sdelay $0x1  }
0x7d: {  	v5 =	vmul.f32 v4, v3;
	_ =	sdelay $0x1  }
0x7e: {  	v5 =	vmul.f32 v5, v4;
	_ =	sdelay $0x1  }
0x7f: {  	v5 =	vsub.f32 $1.500000000e+00, v5;
	_ =	sdelay $0x1  }
0x80: {  	v4 =	vmul.f32 v5, v4;
	_ =	sdelay $0x1  }
0x81: {  	v3 =	vmul.f32 v4, v3;
	_ =	sdelay $0x1  }
0x82: {  	v3 =	vmul.f32 v3, v4;
	_ =	sdelay $0x1  }
0x83: {  	v3 =	vsub.f32 $1.500000000e+00, v3;
	_ =	sdelay $0x1  }
0x84: {  	s15 =	sadd.s32 $0x1, s15;
	v3 =	vmul.f32 v3, v4  }
0x85: {  	p0 =	sne.s32 s15, s7;
	s16 =	sadd.s32 $0x10, s16  }
.Ltmp5:
0x86: {  	[tilespmem:s16+$0x0] =	vst v3;
	(pc) =	sbr.rel @p0 .LBB2_1-.Ltmp5, $4  }
0x87: {  	[hbm4b:s6+s3] =	stream.linear.scatter [tilespmem:s14], [sflag:$0x2], $0x278, $0x38;
	[tilespmem:$0xA980] =	vst v63  }
0x88: {  	_ =	swait.ge [sflag:s9], $0x278  }
0x89: {  	[sflag:s9] =	ssyncset.done $0x0  }
0x8a: {  	[sflag:s9] =	ssyncadd.s32 $0xFFFFFD88  }
0x8b: {  	_ =	sfence.sel $0x180000  }
0x8c: {  	[bflag:$0x0] =	sbarrier.arrive $0xFFFF  }
0x8d: {  	p0 =	sne.s32 s1, $0x0;
	_ =	strace $0x90000047  }
0x8e: {  	s0 =	sadd.s32 @!p0 $0x100000, s0;
	[bflag:$0x2] =	sbarrier.arrive $0xFFFF  }
0x8f: {  	[sflag:s0] =	ssyncadd.tile.s32 @!p0 $0x1;
	_ =	shalt  }
.Lfunc_end2:
_tile_overlayer_lowered:
.L_overlay_start_2:
0x90: {  	(tag) =	ssettag $0x2  }
0x91: {  	s0 =	rddreg [dreg:$0x0];
	s2 =	stileid.u32  }
0x92: {  	s1 =	rddreg [dreg:$0x1];
	p0 =	sne.s32 s2, $0x0  }
0x93: {  	s3 =	rddreg [dreg:$0x2];
	[bflag:$0x3] =	sbarrier.arrive $0xFFFF;
	s2 =	simm.s32 @!p0 $0x1C02  }
0x94: {  	[timem:s3], [sflag:s2] =	dma.local @!p0 [hbm:s0], s1  }
0x95: {  	s0 =	simm.s32 @!p0 $0x2  }
0x96: {  	_ =	swait.ge @!p0 [sflag:s0], s1  }
0x97: {  	s1 =	ssub.s32 @!p0 $0x0, s1;
	[sflag:s0] =	ssyncset.done @!p0 $0x0  }
0x98: {  	[sflag:s0] =	ssyncadd.s32 @!p0 s1  }
0x99: {  	[bflag:$0x3] =	sbarrier.arrive $0xFFFF  }
0x9a: {  	_ =	shalt  }

// kernel: kernel.13.cloned.1.call-start
scs
__scs_entry_jumppad:
0x0: {  	(pc) =	sbr.rel $0x88, $3  }
0x1: {  	(tag) =	ssettag $0x0;
	lr =	simm.s32 $0x1  }
0x2: {  	[smem:$0x3F99] =	sst lr;
	_ =	strace $0xD0000000  }
0x3: {  	_ = 	snop  }
0x4: {  	_ = 	snop  }
0x5: {  	_ = 	snop  }
0x6: {  	_ = 	snop  }
0x7: {  	_ = 	snop  }
__scs_overlays_trampoline_lowered:
0x8: {  	[smem:$0x3FA8] =	sst s0  }
0x9: {  	[smem:$0x3FA9] =	sst s1  }
0xa: {  	[smem:$0x3FAA] =	sst s2  }
0xb: {  	[smem:$0x3FAB] =	sst s3  }
0xc: {  	[smem:$0x3FAC] =	sst s4  }
0xd: {  	[smem:$0x3FAD] =	sst s5  }
0xe: {  	[smem:$0x3FAE] =	sst s6  }
0xf: {  	[smem:$0x3FAF] =	sst s7  }
0x10: {  	[smem:$0x3FB0] =	sst s8  }
0x11: {  	[smem:$0x3FB1] =	sst s9;
	s0 =	simm.s32 @!p0 $0x0  }
0x12: {  	s1 =	sld [smem:$0x3F97];
	s0 =	simm.s32 @p0 $0x1  }
0x13: {  	[smem:$0x3FB2] =	sst s0;
	s0 =	simm.s32 @!p1 $0x0  }
0x14: {  	s2 =	sld [smem:$0x3F96];
	s0 =	simm.s32 @p1 $0x1  }
0x15: {  	[smem:$0x3FB3] =	sst s0;
	s0 =	simm.s32 @!p2 $0x0  }
0x16: {  	s3 =	sld [smem:$0x3FDB];
	s0 =	simm.s32 @p2 $0x1  }
0x17: {  	s4 =	simm.s32 $0x1BF5;
	[smem:$0x3FB5] =	sst s0  }
0x18: {  	s0 =	sld [smem:$0x3F98];
	_ =	swait.ge [sflag:s4], $0x0  }
0x19: {  	s7 =	sld [smem:$0x3F99]  }
0x1a: {  	s8 =	sadd.s32 $0xFFFFE003, lr  }
0x1b: {  	s9 =	sadd.s32 $0xFFFFFEF7, lr;
	s5 =	simm.s32 $0xFFFFFFFF;
	p2 =	slt.u32 s8, $0xFFFFF086  }
0x1c: {  	p1 =	slt.u32 s9, $0xF7A;
	s5 =	simm.s32 @!p2 $0x0  }
0x1d: {  	s5 =	simm.s32 @p1 $0x1;
	p0 =	seq.s32 s7, s2  }
0x1e: {  	s7 =	smul.u32 @!p0 $0xF7A, s2;
	p2 =	seq.s32 @!p0 s5, $0x0  }
0x1f: {  	s9 =	smul.u32 $0xF7A, s1;
	s8 =	simm.s32 @!p0 $0x1BF5;
	p2 =	por !p2, p0  }
0x20: {  	[sflag:s8] =	ssyncset.s32 @!p0 $0xFFFFF086;
	s6 =	sadd.s32 @!p0 s3, s7;
	s7 =	simm.s32 @!p0 $0x108  }
0x21: {  	s3 =	sadd.s32 s3, s9;
	s6 =	sadd.s32 @!p0 $0x88, s6;
	s7 =	simm.s32 @p2 $0x1082  }
0x22: {  	[simem:s7], [sflag:s8] =	dma.local @!p0 [hbm:s6], $0xF7A  }
0x23: {  	s9 =	sor.u32 $0xD0000000, s2;
	s6 =	simm.s32 $0x108;
	_ =	swait.ge @!p0 [sflag:s8], $0x0  }
0x24: {  	s3 =	sadd.s32 $0x88, s3;
	s6 =	simm.s32 @!p1 $0x1082;
	[sflag:s4] =	ssyncset.s32 $0xFFFFF086  }
0x25: {  	[simem:s6], [sflag:s4] =	dma.local [hbm:s3], $0xF7A  }
0x26: {  	[smem:$0x3F99] =	sst s1;
	(tag) =	ssettag s2;
	_ =	strace s9  }
0x27: {  	s1 =	sld [smem:$0x3FA9]  }
0x28: {  	s2 =	sld [smem:$0x3FAA]  }
0x29: {  	s4 =	sld [smem:$0x3FAC]  }
0x2a: {  	p0 =	seq.s32 s5, $0x0;
	s5 =	sld [smem:$0x3FAD]  }
0x2b: {  	s6 =	sld [smem:$0x3FAE]  }
0x2c: {  	s7 =	sld [smem:$0x3FAF]  }
0x2d: {  	s3 =	simm.s32 $0x108;
	s8 =	sld [smem:$0x3FB0]  }
0x2e: {  	s3 =	simm.s32 @!p0 $0x1082;
	s9 =	sld [smem:$0x3FB1]  }
0x2f: {  	lr =	sadd.s32 s0, s3;
	s0 =	sld [smem:$0x3FA8]  }
0x30: {  	s3 =	sld [smem:$0x3FAB]  }
0x31: {  	[smem:$0x3FB4] =	sst s10  }
0x32: {  	s10 =	sld [smem:$0x3FB2];
	_ =	sdelay $0x3  }
0x33: {  	p0 =	seq.s32 s10, $0x1;
	s10 =	sld [smem:$0x3FB4];
	_ =	sdelay $0x3  }
0x34: {  	[smem:$0x3FB4] =	sst s10  }
0x35: {  	s10 =	sld [smem:$0x3FB3];
	_ =	sdelay $0x3  }
0x36: {  	p1 =	seq.s32 s10, $0x1;
	s10 =	sld [smem:$0x3FB4];
	_ =	sdelay $0x3  }
0x37: {  	[smem:$0x3FB4] =	sst s10  }
0x38: {  	s10 =	sld [smem:$0x3FB5]  }
0x39: {  	_ = 	snop;
	(pc) =	sbr.ind lr, $3  }
0x3a: {  	_ = 	snop  }
0x3b: {  	_ = 	snop  }
0x3c: {  	p2 =	seq.s32 s10, $0x1;
	s10 =	sld [smem:$0x3FB4]  }
0x3d: {  	_ =	shalt  }
0x3e: {  	_ =	shalt  }
0x3f: {  	_ =	shalt  }
0x40: {  	_ =	shalt  }
0x41: {  	_ =	shalt  }
0x42: {  	_ =	shalt  }
0x43: {  	_ =	shalt  }
0x44: {  	_ =	shalt  }
0x45: {  	_ =	shalt  }
0x46: {  	_ =	shalt  }
0x47: {  	_ =	shalt  }
0x48: {  	_ =	shalt  }
0x49: {  	_ =	shalt  }
0x4a: {  	_ =	shalt  }
0x4b: {  	_ =	shalt  }
0x4c: {  	_ =	shalt  }
0x4d: {  	_ =	shalt  }
0x4e: {  	_ =	shalt  }
0x4f: {  	_ =	shalt  }
0x50: {  	_ =	shalt  }
0x51: {  	_ =	shalt  }
0x52: {  	_ =	shalt  }
0x53: {  	_ =	shalt  }
0x54: {  	_ =	shalt  }
0x55: {  	_ =	shalt  }
0x56: {  	_ =	shalt  }
0x57: {  	_ =	shalt  }
0x58: {  	_ =	shalt  }
0x59: {  	_ =	shalt  }
0x5a: {  	_ =	shalt  }
0x5b: {  	_ =	shalt  }
0x5c: {  	_ =	shalt  }
0x5d: {  	_ =	shalt  }
0x5e: {  	_ =	shalt  }
0x5f: {  	_ =	shalt  }
0x60: {  	_ =	shalt  }
0x61: {  	_ =	shalt  }
0x62: {  	_ =	shalt  }
0x63: {  	_ =	shalt  }
0x64: {  	_ =	shalt  }
0x65: {  	_ =	shalt  }
0x66: {  	_ =	shalt  }
0x67: {  	_ =	shalt  }
0x68: {  	_ =	shalt  }
0x69: {  	_ =	shalt  }
0x6a: {  	_ =	shalt  }
0x6b: {  	_ =	shalt  }
0x6c: {  	_ =	shalt  }
0x6d: {  	_ =	shalt  }
0x6e: {  	_ =	shalt  }
0x6f: {  	_ =	shalt  }
0x70: {  	_ =	shalt  }
0x71: {  	_ =	shalt  }
0x72: {  	_ =	shalt  }
0x73: {  	_ =	shalt  }
0x74: {  	_ =	shalt  }
0x75: {  	_ =	shalt  }
0x76: {  	_ =	shalt  }
0x77: {  	_ =	shalt  }
0x78: {  	_ =	shalt  }
0x79: {  	_ =	shalt  }
0x7a: {  	_ =	shalt  }
0x7b: {  	_ =	shalt  }
0x7c: {  	_ =	shalt  }
0x7d: {  	_ =	shalt  }
0x7e: {  	_ =	shalt  }
0x7f: {  	_ =	shalt  }
0x80: {  	_ =	shalt  }
0x81: {  	_ =	shalt  }
0x82: {  	_ =	shalt  }
0x83: {  	_ =	shalt  }
0x84: {  	_ =	shalt  }
0x85: {  	_ =	shalt  }
0x86: {  	_ =	shalt  }
0x87: {  	_ =	shalt  }
.Lfunc_end0:
.L_simem_size_0:
called_computation.1_lowered:
.L_overlay_start_0:
0x88: {  	s2 =	sld [smem:$0x3FD9]  }
0x89: {  	s3 =	sld [smem:$0x3FFE];
	_ =	sdelay $0x1  }
0x8a: {  	s1 =	srdreg.scid  }
0x8b: {  	s0 =	sand.u32 $0x1, s1  }
0x8c: {  	s17 =	sshll.u32 s0, $0xA;
	s2 =	sadd.s32 s3, s2  }
0x8d: {  	s2 =	sadd.s32 s2, s17  }
0x8e: {  	[smem:$0x3FC0] =	sst s2  }
0x8f: {  	_ = 	snop  }
0x90: {  	s2 =	sld [smem:$0x3FD0];
	(tm) =	ssettm $0x1  }
0x91: {  	s18 =	sld [smem:$0x3FFB];
	_ =	sdelay $0x3  }
0x92: {  	_ =	strace s18  }
0x93: {  	s3 =	sld [smem:$0x3FFC];
	_ =	sdelay $0x3  }
0x94: {  	_ =	strace s3  }
0x95: {  	s3 =	sld [smem:$0x3FFD];
	_ =	sdelay $0x3  }
0x96: {  	_ =	strace s3  }
0x97: {  	_ =	strace $0x8FFFFFFF  }
0x98: {  	s19 =	sld [smem:$0x3FDB];
	_ =	sdelay $0x1  }
0x99: {  	s4 =	simm.s32 $_scs_section_size  }
0x9a: {  	s5 =	simm.s32 $_size__tile_overlayer_lowered;
	s6 =	simm.s32 $_tile_overlayer_lowered  }
0x9b: {  	s22 =	simm.s32 $0x1BFF;
	s21 =	sshll.u32 s6, $0x1;
	s3 =	sadd.s32 s4, s19  }
0x9c: {  	s7 =	simm.s32 $0x0;
	s20 =	sshll.u32 s5, $0x1;
	s5 =	sadd.s32 s21, s3  }
0x9d: {  	[timem:s7], [sflag:s22] =	dma.local [hbm:s5], s20  }
0x9e: {  	_ =	swait.ge [sflag:s22], s20  }
0x9f: {  	s4 =	ssub.s32 $0x0, s20;
	[sflag:s22] =	ssyncset.done $0x0  }
0xa0: {  	[sflag:s22] =	ssyncadd.s32 s4;
	_ =	sdelay $0x1  }
0xa1: {  	s23 =	simm.s32 $0x1B8B  }
0xa2: {  	_ =	swait.ge [sflag:s23], $0x1  }
0xa3: {  	[sflag:s23] =	ssyncset.done $0x0  }
0xa4: {  	s25 =	simm.s32 $0x1B8E;
	s24 =	sld [smem:$0x3FFE];
	[sflag:s23] =	ssyncadd.s32 $0xFFFFFFFF  }
0xa5: {  	s26 =	simm.s32 $execute0_lowered;
	[smem:$0x3FD2] =	sst s25  }
0xa6: {  	s5 =	sshll.u32 s26, $0x1;
	_ =	strace $0x80000049;
	[dreg:$0x1] =	wrdreg $0xFFFFFFFF  }
0xa7: {  	s28 =	simm.s32 $_size_execute0_lowered;
	s3 =	sadd.s32 s3, s5;
	[dreg:$0x0] =	wrdreg $0x0  }
0xa8: {  	s5 =	sshll.u32 s28, $0x1;
	[dreg:$0x2] =	wrdreg s3  }
0xa9: {  	[dreg:$0x3] =	wrdreg s5  }
0xaa: {  	[dreg:$0x4] =	wrdreg $0xC0  }
0xab: {  	_ =	task [dreg:s7], $0x5FFFF  }
0xac: {  	[dreg:$0x1] =	wrdreg $0xFFFFFFFF  }
0xad: {  	[dreg:$0x0] =	wrdreg $0x60  }
0xae: {  	[dreg:$0x2] =	wrdreg s24  }
0xaf: {  	[dreg:$0x3] =	wrdreg s2  }
0xb0: {  	[dreg:$0x4] =	wrdreg $0x0  }
0xb1: {  	[dreg:$0x5] =	wrdreg $0x9  }
0xb2: {  	_ =	task.clear_ibuf [dreg:s7], $0x6FFFF;
	_ =	strace $0x90000049  }
0xb3: {  	s29 =	simm.s32 $0x9;
	_ =	strace $0x8000004B  }
0xb4: {  	_ =	swait.ge [sflag:s29], $0x1  }
0xb5: {  	[sflag:s29] =	ssyncadd.s32 $0xFFFFFFFF  }
0xb6: {  	_ =	strace $0x9000004B  }
0xb7: {  	_ =	sfence  }
0xb8: {  	s30 =	sld [smem:$0x0];
	_ =	sdelay $0x2  }
0xb9: {  	s31 =	sshll.u32 s1, $0xD;
	s1 =	sshrl.u32 s1, $0x2  }
0xba: {  	s3 =	sand.u32 $0x4000, s31;
	s1 =	sadd.s32 s1, s30  }
0xbb: {  	s0 =	sor.u32 s3, s0;
	s1 =	sshll.u32 s1, $0x11  }
0xbc: {  	s0 =	sor.u32 s1, s0  }
0xbd: {  	s0 =	sadd.s32 $0x8F2B, s0  }
0xbe: {  	[sflag:s0] =	ssyncadd.remote.s32 $0x1  }
0xbf: {  	_ =	sfence.sel $0xFFFF  }
0xc0: {  	[dreg:$0x0] =	wrdreg $0xFFFFFFFF;
	(pc) =	sbr.abs _section_cstart, $3  }
0xc1: {  	[dreg:$0x1] =	wrdreg $0xFFFFFFFF  }
0xc2: {  	_ =	task.clear_ibuf [dreg:s7], $0x2FFFF;
	_ =	strace $0x9FFFFFFF  }
0xc3: {  	(tm) =	ssettm $0x7FFFFFFF  }
tec
execute0_lowered:
.L_overlay_start_1:
0x0: {  	(tag) =	ssettag $0x1  }
0x1: {  	s0 =	srdreg.scid  }
0x2: {  	s12 =	stileid.u32;
	s1 =	rddreg [dreg:$0x0]  }
0x3: {  	s3 =	rddreg [dreg:$0x2];
	s4 =	simm.s32 $0x0;
	s13 =	simm.s32 $0x13D00  }
0x4: {  	s28 =	simm.s32 $0x16600;
	s29 =	simm.s32 $0x8;
	s30 =	simm.s32 $0x1A600  }
0x5: {  	s0 =	sand.u32 $0x1, s0;
	s2 =	sshll.u32 s12, $0x1;
	s6 =	smul.u32 $0x13C00, s12  }
0x6: {  	[smem:$0x7FF] =	sst s4;
	s5 =	sadd.s32 $0x21A00, s1;
	s8 =	sadd.s32 $0x17A00, s1  }
0x7: {  	s21 =	sshll.u32 s12, $0x6;
	s22 =	smul.u32 $0x5000, s12;
	s12 =	simm.s32 $0x0  }
0x8: {  	s2 =	sor.u32 s0, s2;
	s7 =	smul.u32 $0x13C000, s0;
	_ =	strace $0x8000004A  }
0x9: {  	s9 =	ssub.s32 $0x2, s0;
	[dreg:$0x4] =	wrdreg s21;
	s0 =	smul.u32 $0x2800, s0  }
0xa: {  	s2 =	smul.u32 $0x2800, s2;
	s11 =	sshrl.u32 s9, $0x1;
	s7 =	sadd.s32 s6, s7  }
0xb: {  	s20 =	ssub.s32 s9, s11;
	s6 =	sadd.s32 s6, s3;
	s9 =	sor.u32 $0x1C05, s21  }
0xc: {  	s0 =	sadd.s32 s0, s22;
	s11 =	simm.s32 $0x13C80;
	s2 =	sshrl.u32 s2, $0x3  }
0xd: {  	s7 =	sshrl.u32 s7, $0x3;
	[dreg:$0x5] =	wrdreg s9;
	s26 =	smax.u32 s20, $0x1  }
0xe: {  	s31 =	sor.u32 $0x280, s0;
	s0 =	sor.u32 $0x200, s0;
	s19 =	sshrl.u32 s6, $0x3  }
0xf: {  	s10 =	sadd.s32 s2, s1;
	s2 =	sadd.s32 s8, s2;
	[dreg:$0xc] =	wrdreg s26  }
0x10: {  	s9 =	simm.s32 $0x13C00;
	s10 =	sadd.s32 $0xDA00, s10;
	[dreg:$0x7] =	wrdreg s2  }
0x11: {  	s1 =	sadd.s32 s7, s1;
	s23 =	sadd.s32 $0x10, s2;
	[dreg:$0x6] =	wrdreg s10  }
0x12: {  	s0 =	sshrl.u32 s0, $0x3;
	s24 =	sadd.s32 $0x20, s2;
	[dreg:$0x8] =	wrdreg s23  }
0x13: {  	s26 =	simm.s32 $0x80;
	s25 =	sadd.s32 $0x30, s2;
	[dreg:$0x9] =	wrdreg s24  }
0x14: {  	s7 =	simm.s32 $0x4;
	s1 =	sadd.s32 $0x48C00, s1;
	[dreg:$0xa] =	wrdreg s25  }
0x15: {  	s15 =	sadd.s32 $0x4F0, s2;
	s2 =	sadd.s32 $0x4E0, s2;
	[dreg:$0xb] =	wrdreg s1  }
0x16: {  	s0 =	sadd.s32 s0, s8;
	[dreg:$0xd] =	wrdreg s2;
	s1 =	sshrl.u32 s31, $0x3  }
0x17: {  	[dreg:$0xf] =	wrdreg s0;
	s24 =	simm.s32 $0x13D80;
	s25 =	simm.s32 $0x7  }
0x18: {  	s0 =	simm.s32 $0x2;
	s2 =	simm.s32 $0x3;
	s1 =	sadd.s32 s1, s8  }
0x19: {  	s10 =	simm.s32 $0xA;
	[dreg:$0xe] =	wrdreg s1;
	s1 =	simm.s32 $0x1  }
.LBB2_1:
0x1a: {  	s6 =	rddreg [dreg:$0x1]  }
0x1b: {  	s8 =	rddreg [dreg:$0x5]  }
0x1c: {  	[spmem:s19], [sflag:s8] =	dma.local [hbm:s6], $0x2780  }
0x1d: {  	s18 =	simm.s32 $0x13E00;
	s6 =	rddreg [dreg:$0x6]  }
0x1e: {  	[tilespmem:s18], [sflag:$0x6] =	stream.linear.gather [hbm4b:s6+s4], $0x2800, $0x38;
	[tilespmem:$0x1E600] =	vst v63  }
0x1f: {  	s20 =	rddreg [dreg:$0x7]  }
0x20: {  	[tilespmem:s9], [sflag:$0x7] =	stream.linear.gather [hbm4b:s20+s4], $0x80, $0x38;
	[tilespmem:$0x1E600] =	vst v63  }
0x21: {  	s21 =	rddreg [dreg:$0x8]  }
0x22: {  	[tilespmem:s11], [sflag:$0x8] =	stream.linear.gather [hbm4b:s21+s4], $0x80, $0x38;
	[tilespmem:$0x1E600] =	vst v63  }
0x23: {  	s22 =	rddreg [dreg:$0x9]  }
0x24: {  	[tilespmem:s13], [sflag:$0x9] =	stream.linear.gather [hbm4b:s22+s4], $0x80, $0x38;
	[tilespmem:$0x1E600] =	vst v63  }
0x25: {  	s23 =	rddreg [dreg:$0xa]  }
0x26: {  	[tilespmem:s24], [sflag:$0xA] =	stream.linear.gather [hbm4b:s23+s4], $0x80, $0x38;
	[tilespmem:$0x1E600] =	vst v63  }
0x27: {  	_ =	swait.ge [sflag:s25], $0x80  }
0x28: {  	[sflag:s25] =	ssyncset.done $0x0  }
0x29: {  	[sflag:s25] =	ssyncadd.s32 $0xFFFFFF80  }
0x2a: {  	[tilespmem:s28], [sflag:$0x1] =	stream.indirect.gather [hbm4b:s5+s26], $0x80, s9, s26, $0xb8;
	[tilespmem:$0x1E600] =	vst v63  }
0x2b: {  	_ =	swait.ge [sflag:s29], $0x80  }
0x2c: {  	[sflag:s29] =	ssyncset.done $0x0  }
0x2d: {  	s9 =	simm.s32 $0x6;
	[sflag:s29] =	ssyncadd.s32 $0xFFFFFF80  }
0x2e: {  	[tilespmem:s30], [sflag:$0x2] =	stream.indirect.gather [hbm4b:s5+s26], $0x80, s11, s26, $0xb8;
	[tilespmem:$0x1E600] =	vst v63  }
0x2f: {  	_ =	swait.ge [sflag:s9], $0x2800  }
0x30: {  	[sflag:s9] =	ssyncset.done $0x0  }
0x31: {  	s11 =	simm.s32 $0x5;
	[sflag:s9] =	ssyncadd.s32 $0xFFFFD800  }
0x32: {  	_ =	swait.ge [sflag:s11], $0x2780  }
0x33: {  	[sflag:s11] =	ssyncset.done $0x0  }
0x34: {  	[sflag:s11] =	ssyncadd.s32 $0xFFFFD880  }
0x35: {  	[bflag:$0x0] =	sbarrier.arrive $0xFFFF  }
0x36: {  	_ =	swait.ge [sflag:s1], $0x4000  }
0x37: {  	[sflag:s1] =	ssyncset.done $0x0  }
0x38: {  	[sflag:s1] =	ssyncadd.s32 $0xFFFFC000  }
0x39: {  	[spmem:s3] =	stream.indirect.scatter.add.f32 [tilespmem:s28], [sflag:$0x3], $0x80, s18, s26, $0xb8;
	[tilespmem:$0x1E600] =	vst v63  }
0x3a: {  	s16 =	simm.s32 $0x2;
	_ =	swait.ge [sflag:s0], $0x4000  }
0x3b: {  	s8 =	sand.u32 $0x2, s16;
	[sflag:s0] =	ssyncset.done $0x0  }
0x3c: {  	s14 =	simm.s32 $0x13E80;
	s17 =	sadd.s32 $0x7, s8;
	[sflag:s0] =	ssyncadd.s32 $0xFFFFC000  }
0x3d: {  	[spmem:s3] =	stream.indirect.scatter.add.f32 [tilespmem:s30], [sflag:$0x4], $0x80, s14, s26, $0xb8;
	[tilespmem:$0x1E600] =	vst v63  }
0x3e: {  	_ =	swait.ge [sflag:s17], $0x80  }
0x3f: {  	[sflag:s17] =	ssyncset.done $0x0  }
0x40: {  	[sflag:s17] =	ssyncadd.s32 $0xFFFFFF80  }
0x41: {  	s18 =	simm.s32 $0x3;
	_ =	swait.ge [sflag:s2], $0x4000  }
0x42: {  	s8 =	sshll.u32 s8, $0x7;
	s9 =	sand.u32 $0x3, s18;
	[sflag:s2] =	ssyncset.done $0x0  }
0x43: {  	s8 =	sor.u32 $0x13C00, s8;
	s20 =	sadd.s32 $0x7, s9;
	[sflag:s2] =	ssyncadd.s32 $0xFFFFC000  }
0x44: {  	[tilespmem:s28], [sflag:$0x1] =	stream.indirect.gather [hbm4b:s5+s26], $0x80, s8, s26, $0xb8;
	[tilespmem:$0x1E600] =	vst v63  }
0x45: {  	_ =	swait.ge [sflag:s20], $0x80  }
0x46: {  	s22 =	simm.s32 $0x4;
	s6 =	sand.u32 $0x3, s11;
	[sflag:s20] =	ssyncset.done $0x0  }
0x47: {  	s16 =	sshll.u32 s6, $0x7;
	s6 =	sadd.s32 $0x7, s6;
	[sflag:s20] =	ssyncadd.s32 $0xFFFFFF80  }
0x48: {  	s21 =	sshll.u32 s9, $0x7;
	s9 =	sand.u32 $0x2, s22;
	_ =	swait.ge [sflag:s7], $0x4000  }
0x49: {  	s22 =	simm.s32 $0x9;
	s23 =	sshll.u32 s9, $0x7;
	[sflag:s7] =	ssyncset.done $0x0  }
0x4a: {  	s11 =	sadd.s32 $0x7, s9;
	s8 =	sor.u32 $0x13C00, s21;
	[sflag:s7] =	ssyncadd.s32 $0xFFFFC000  }
0x4b: {  	[tilespmem:s30], [sflag:$0x2] =	stream.indirect.gather [hbm4b:s5+s26], $0x80, s8, s26, $0xb8;
	[tilespmem:$0x1E600] =	vst v63  }
0x4c: {  	s9 =	simm.s32 $0x13F80;
	s13 =	sor.u32 $0x13C00, s23;
	s14 =	rddreg [dreg:$0xf]  }
0x4d: {  	[tilespmem:s13], [sflag:s11] =	stream.linear.gather [hbm4b:s14+s4], $0x80, $0x38;
	[tilespmem:$0x1E600] =	vst v63  }
0x4e: {  	s23 =	simm.s32 $0x4;
	s17 =	sor.u32 $0x13C00, s16;
	s18 =	rddreg [dreg:$0xe]  }
0x4f: {  	[tilespmem:s17], [sflag:s6] =	stream.linear.gather [hbm4b:s18+s4], $0x80, $0x38;
	[tilespmem:$0x1E600] =	vst v63  }
0x50: {  	s31 =	sand.u32 $0x2, s23;
	s21 =	simm.s32 $0x13F00;
	_ =	swait.ge [sflag:s1], $0x4000  }
0x51: {  	s20 =	simm.s32 $0x7;
	s16 =	sadd.s32 $0x20, s14;
	[sflag:s1] =	ssyncset.done $0x0  }
0x52: {  	s13 =	simm.s32 $0x14080;
	s14 =	sadd.s32 $0x20, s18;
	[sflag:s1] =	ssyncadd.s32 $0xFFFFC000  }
0x53: {  	[spmem:s3] =	stream.indirect.scatter.add.f32 [tilespmem:s28], [sflag:$0x3], $0x80, s21, s26, $0xb8;
	[tilespmem:$0x1E600] =	vst v63  }
0x54: {  	s6 =	simm.s32 $0x14000;
	s21 =	simm.s32 $0x14100;
	_ =	swait.ge [sflag:s0], $0x4000  }
.LBB2_2:
0x55: {  	s11 =	sadd.s32 $0x7, s31;
	[sflag:s0] =	ssyncset.done $0x0;
	s17 =	smov.u32 s22  }
0x56: {  	s8 =	sadd.s32 $0x2, s22;
	s23 =	smov.u32 s6;
	s6 =	smov.u32 s21  }
0x57: {  	s18 =	sadd.s32 $0x80, s21;
	p0 =	sne.s32 s22, $0x4D;
	[sflag:s0] =	ssyncadd.s32 $0xFFFFC000  }
0x58: {  	[spmem:s3] =	stream.indirect.scatter.add.f32 [tilespmem:s30], [sflag:$0x4], $0x80, s9, s26, $0xb8;
	[tilespmem:$0x1E600] =	vst v63  }
0x59: {  	s9 =	smov.u32 s13;
	s13 =	smov.u32 s18;
	_ =	swait.ge [sflag:s11], $0x80  }
0x5a: {  	[sflag:s11] =	ssyncset.done $0x0  }
0x5b: {  	[sflag:s11] =	ssyncadd.s32 $0xFFFFFF80  }
0x5c: {  	s18 =	sadd.s32 $0xFFFFFFFE, s20;
	s11 =	sshll.u32 s31, $0x7;
	_ =	swait.ge [sflag:s2], $0x4000  }
0x5d: {  	s18 =	sand.u32 $0x3, s18;
	s11 =	sor.u32 $0x13C00, s11;
	[sflag:s2] =	ssyncset.done $0x0  }
0x5e: {  	s22 =	sadd.s32 $0x7, s18;
	s18 =	sshll.u32 s18, $0x7;
	[sflag:s2] =	ssyncadd.s32 $0xFFFFC000  }
0x5f: {  	[tilespmem:s28], [sflag:$0x1] =	stream.indirect.gather [hbm4b:s5+s26], $0x80, s11, s26, $0xb8;
	[tilespmem:$0x1E600] =	vst v63  }
0x60: {  	_ =	swait.ge [sflag:s22], $0x80  }
0x61: {  	[sflag:s22] =	ssyncset.done $0x0  }
0x62: {  	[sflag:s22] =	ssyncadd.s32 $0xFFFFFF80  }
0x63: {  	s11 =	sadd.s32 $0xFFFFFFFF, s20;
	s20 =	sand.u32 $0x3, s20;
	_ =	swait.ge [sflag:s7], $0x4000  }
0x64: {  	s18 =	sor.u32 $0x13C00, s18;
	s11 =	sand.u32 $0x2, s11;
	[sflag:s7] =	ssyncset.done $0x0  }
0x65: {  	s22 =	sshll.u32 s11, $0x7;
	s11 =	sadd.s32 $0x7, s11;
	[sflag:s7] =	ssyncadd.s32 $0xFFFFC000  }
0x66: {  	[tilespmem:s30], [sflag:$0x2] =	stream.indirect.gather [hbm4b:s5+s26], $0x80, s18, s26, $0xb8;
	[tilespmem:$0x1E600] =	vst v63  }
0x67: {  	s31 =	sadd.s32 $0x7, s20;
	s18 =	sor.u32 $0x13C00, s22;
	s22 =	sshll.u32 s20, $0x7  }
0x68: {  	[tilespmem:s18], [sflag:s11] =	stream.linear.gather [hbm4b:s16+s4], $0x80, $0x38;
	[tilespmem:$0x1E600] =	vst v63  }
0x69: {  	s20 =	smov.u32 s17;
	s11 =	sor.u32 $0x13C00, s22  }
0x6a: {  	[tilespmem:s11], [sflag:s31] =	stream.linear.gather [hbm4b:s14+s4], $0x80, $0x38;
	[tilespmem:$0x1E600] =	vst v63  }
.Ltmp0:
0x6b: {  	_ =	swait.ge [sflag:s1], $0x4000;
	(pc) =	sbr.rel @p0 .LBB2_2-.Ltmp0, $4  }
0x6c: {  	s21 =	sadd.s32 $0x100, s21;
	s16 =	sadd.s32 $0x20, s16;
	[sflag:s1] =	ssyncset.done $0x0  }
0x6d: {  	s11 =	sadd.s32 $0xFFFFFFFD, s20;
	s14 =	sadd.s32 $0x20, s14;
	[sflag:s1] =	ssyncadd.s32 $0xFFFFC000  }
0x6e: {  	[spmem:s3] =	stream.indirect.scatter.add.f32 [tilespmem:s28], [sflag:$0x3], $0x80, s23, s26, $0xb8;
	[tilespmem:$0x1E600] =	vst v63  }
0x6f: {  	s22 =	smov.u32 s8;
	s31 =	sand.u32 $0x2, s11;
	_ =	swait.ge [sflag:s0], $0x4000  }
0x70: {  	[sflag:s0] =	ssyncset.done $0x0  }
0x71: {  	s8 =	sadd.s32 $0x7, s31;
	[sflag:s0] =	ssyncadd.s32 $0xFFFFC000  }
0x72: {  	[spmem:s3] =	stream.indirect.scatter.add.f32 [tilespmem:s30], [sflag:$0x4], $0x80, s9, s26, $0xb8;
	[tilespmem:$0x1E600] =	vst v63  }
0x73: {  	_ =	swait.ge [sflag:s8], $0x80  }
0x74: {  	[sflag:s8] =	ssyncset.done $0x0  }
0x75: {  	[sflag:s8] =	ssyncadd.s32 $0xFFFFFF80  }
0x76: {  	s11 =	sadd.s32 $0xFFFFFFFE, s20;
	s9 =	sshll.u32 s31, $0x7;
	_ =	swait.ge [sflag:s2], $0x4000  }
0x77: {  	s8 =	sor.u32 $0x13C00, s9;
	s9 =	sand.u32 $0x3, s11;
	[sflag:s2] =	ssyncset.done $0x0  }
0x78: {  	s17 =	sadd.s32 $0x7, s9;
	[sflag:s2] =	ssyncadd.s32 $0xFFFFC000  }
0x79: {  	[tilespmem:s28], [sflag:$0x1] =	stream.indirect.gather [hbm4b:s5+s26], $0x80, s8, s26, $0xb8;
	[tilespmem:$0x1E600] =	vst v63  }
0x7a: {  	_ =	swait.ge [sflag:s17], $0x80  }
0x7b: {  	[sflag:s17] =	ssyncset.done $0x0  }
0x7c: {  	[sflag:s17] =	ssyncadd.s32 $0xFFFFFF80  }
0x7d: {  	s21 =	sadd.s32 $0xFFFFFFFF, s20;
	s23 =	sand.u32 $0x3, s20;
	_ =	swait.ge [sflag:s7], $0x4000  }
0x7e: {  	s18 =	sshll.u32 s9, $0x7;
	s9 =	sand.u32 $0x2, s21;
	[sflag:s7] =	ssyncset.done $0x0  }
0x7f: {  	s22 =	sshll.u32 s9, $0x7;
	s8 =	sor.u32 $0x13C00, s18;
	[sflag:s7] =	ssyncadd.s32 $0xFFFFC000  }
0x80: {  	[tilespmem:s30], [sflag:$0x2] =	stream.indirect.gather [hbm4b:s5+s26], $0x80, s8, s26, $0xb8;
	[tilespmem:$0x1E600] =	vst v63  }
0x81: {  	s31 =	sshll.u32 s23, $0x7;
	s9 =	sadd.s32 $0x7, s9;
	s8 =	sor.u32 $0x13C00, s22  }
0x82: {  	[tilespmem:s8], [sflag:s9] =	stream.linear.gather [hbm4b:s16+s4], $0x80, $0x38;
	[tilespmem:$0x1E600] =	vst v63  }
0x83: {  	s8 =	sadd.s32 $0x7, s23;
	s9 =	sor.u32 $0x13C00, s31  }
0x84: {  	[tilespmem:s9], [sflag:s8] =	stream.linear.gather [hbm4b:s14+s4], $0x80, $0x38;
	[tilespmem:$0x1E600] =	vst v63  }
0x85: {  	_ =	swait.ge [sflag:s1], $0x4000  }
0x86: {  	[sflag:s1] =	ssyncset.done $0x0  }
0x87: {  	[sflag:s1] =	ssyncadd.s32 $0xFFFFC000  }
0x88: {  	[spmem:s3] =	stream.indirect.scatter.add.f32 [tilespmem:s28], [sflag:$0x3], $0x80, s6, s26, $0xb8;
	[tilespmem:$0x1E600] =	vst v63  }
0x89: {  	_ =	swait.ge [sflag:s0], $0x4000  }
0x8a: {  	[sflag:s0] =	ssyncset.done $0x0  }
0x8b: {  	[sflag:s0] =	ssyncadd.s32 $0xFFFFC000  }
0x8c: {  	[spmem:s3] =	stream.indirect.scatter.add.f32 [tilespmem:s30], [sflag:$0x4], $0x80, s13, s26, $0xb8;
	[tilespmem:$0x1E600] =	vst v63  }
0x8d: {  	_ =	swait.ge [sflag:s25], $0x80  }
0x8e: {  	[sflag:s25] =	ssyncset.done $0x0  }
0x8f: {  	[sflag:s25] =	ssyncadd.s32 $0xFFFFFF80  }
0x90: {  	_ =	swait.ge [sflag:s2], $0x4000  }
0x91: {  	[sflag:s2] =	ssyncset.done $0x0  }
0x92: {  	s9 =	simm.s32 $0x13C00;
	[sflag:s2] =	ssyncadd.s32 $0xFFFFC000  }
0x93: {  	[tilespmem:s28], [sflag:$0x1] =	stream.indirect.gather [hbm4b:s5+s26], $0x80, s9, s26, $0xb8;
	[tilespmem:$0x1E600] =	vst v63  }
0x94: {  	_ =	swait.ge [sflag:s29], $0x80  }
0x95: {  	[sflag:s29] =	ssyncset.done $0x0  }
0x96: {  	[sflag:s29] =	ssyncadd.s32 $0xFFFFFF80  }
0x97: {  	_ =	swait.ge [sflag:s7], $0x4000  }
0x98: {  	[sflag:s7] =	ssyncset.done $0x0  }
0x99: {  	s11 =	simm.s32 $0x13C80;
	[sflag:s7] =	ssyncadd.s32 $0xFFFFC000  }
0x9a: {  	[tilespmem:s30], [sflag:$0x2] =	stream.indirect.gather [hbm4b:s5+s26], $0x80, s11, s26, $0xb8;
	[tilespmem:$0x1E600] =	vst v63  }
0x9b: {  	s13 =	simm.s32 $0x13D00;
	s8 =	rddreg [dreg:$0xd]  }
0x9c: {  	[tilespmem:s13], [sflag:$0x9] =	stream.linear.gather [hbm4b:s8+s4], $0x80, $0x38;
	[tilespmem:$0x1E600] =	vst v63  }
0x9d: {  	_ = 	snop  }
0x9e: {  	[tilespmem:s24], [sflag:$0xA] =	stream.linear.gather [hbm4b:s15+s4], $0x80, $0x38;
	[tilespmem:$0x1E600] =	vst v63  }
0x9f: {  	_ =	swait.ge [sflag:s1], $0x4000  }
0xa0: {  	[sflag:s1] =	ssyncset.done $0x0  }
0xa1: {  	s14 =	simm.s32 $0x16400;
	[sflag:s1] =	ssyncadd.s32 $0xFFFFC000  }
0xa2: {  	[spmem:s3] =	stream.indirect.scatter.add.f32 [tilespmem:s28], [sflag:$0x3], $0x80, s14, s26, $0xb8;
	[tilespmem:$0x1E600] =	vst v63  }
0xa3: {  	_ =	swait.ge [sflag:s0], $0x4000  }
0xa4: {  	[sflag:s0] =	ssyncset.done $0x0  }
0xa5: {  	s17 =	simm.s32 $0x9;
	s16 =	simm.s32 $0x16480;
	[sflag:s0] =	ssyncadd.s32 $0xFFFFC000  }
0xa6: {  	[spmem:s3] =	stream.indirect.scatter.add.f32 [tilespmem:s30], [sflag:$0x4], $0x80, s16, s26, $0xb8;
	[tilespmem:$0x1E600] =	vst v63  }
0xa7: {  	_ =	swait.ge [sflag:s17], $0x80  }
0xa8: {  	[sflag:s17] =	ssyncset.done $0x0  }
0xa9: {  	[sflag:s17] =	ssyncadd.s32 $0xFFFFFF80  }
0xaa: {  	_ =	swait.ge [sflag:s2], $0x4000  }
0xab: {  	[sflag:s2] =	ssyncset.done $0x0  }
0xac: {  	[sflag:s2] =	ssyncadd.s32 $0xFFFFC000  }
0xad: {  	[tilespmem:s28], [sflag:$0x1] =	stream.indirect.gather [hbm4b:s5+s26], $0x80, s13, s26, $0xb8;
	[tilespmem:$0x1E600] =	vst v63  }
0xae: {  	_ =	swait.ge [sflag:s10], $0x80  }
0xaf: {  	[sflag:s10] =	ssyncset.done $0x0  }
0xb0: {  	[sflag:s10] =	ssyncadd.s32 $0xFFFFFF80  }
0xb1: {  	_ =	swait.ge [sflag:s7], $0x4000  }
0xb2: {  	[sflag:s7] =	ssyncset.done $0x0  }
0xb3: {  	[sflag:s7] =	ssyncadd.s32 $0xFFFFC000  }
0xb4: {  	[tilespmem:s30], [sflag:$0x2] =	stream.indirect.gather [hbm4b:s5+s26], $0x80, s24, s26, $0xb8;
	[tilespmem:$0x1E600] =	vst v63  }
0xb5: {  	_ = 	snop  }
0xb6: {  	[tilespmem:s24], [sflag:$0xA] =	stream.linear.gather [hbm4b:s15+s4], $0x80, $0x38;
	[tilespmem:$0x1E600] =	vst v63  }
0xb7: {  	_ = 	snop  }
0xb8: {  	[tilespmem:s24], [sflag:$0xA] =	stream.linear.gather [hbm4b:s15+s4], $0x80, $0x38;
	[tilespmem:$0x1E600] =	vst v63  }
0xb9: {  	_ =	swait.ge [sflag:s1], $0x4000  }
0xba: {  	[sflag:s1] =	ssyncset.done $0x0  }
0xbb: {  	s18 =	simm.s32 $0x16500;
	[sflag:s1] =	ssyncadd.s32 $0xFFFFC000  }
0xbc: {  	[spmem:s3] =	stream.indirect.scatter.add.f32 [tilespmem:s28], [sflag:$0x3], $0x80, s18, s26, $0xb8;
	[tilespmem:$0x1E600] =	vst v63  }
0xbd: {  	_ =	swait.ge [sflag:s0], $0x4000  }
0xbe: {  	[sflag:s0] =	ssyncset.done $0x0  }
0xbf: {  	s20 =	simm.s32 $0x16580;
	[sflag:s0] =	ssyncadd.s32 $0xFFFFC000  }
0xc0: {  	[spmem:s3] =	stream.indirect.scatter.add.f32 [tilespmem:s30], [sflag:$0x4], $0x80, s20, s26, $0xb8;
	[tilespmem:$0x1E600] =	vst v63  }
0xc1: {  	_ =	swait.ge [sflag:s2], $0x4000  }
0xc2: {  	[sflag:s2] =	ssyncset.done $0x0  }
0xc3: {  	[sflag:s2] =	ssyncadd.s32 $0xFFFFC000  }
0xc4: {  	_ =	swait.ge [sflag:s7], $0x4000  }
0xc5: {  	[sflag:s7] =	ssyncset.done $0x0  }
0xc6: {  	[sflag:s7] =	ssyncadd.s32 $0xFFFFC000  }
0xc7: {  	_ =	swait.ge [sflag:s10], $0x80  }
0xc8: {  	[sflag:s10] =	ssyncset.done $0x0  }
0xc9: {  	[sflag:s10] =	ssyncadd.s32 $0xFFFFFF80  }
0xca: {  	_ =	swait.ge [sflag:s10], $0x80  }
0xcb: {  	[sflag:s10] =	ssyncset.done $0x0  }
0xcc: {  	[sflag:s10] =	ssyncadd.s32 $0xFFFFFF80  }
0xcd: {  	[bflag:$0x0] =	sbarrier.arrive $0xFFFF  }
0xce: {  	s21 =	rddreg [dreg:$0x4]  }
0xcf: {  	s23 =	simm.s32 $0xB;
	s22 =	rddreg [dreg:$0xb];
	s6 =	sor.u32 $0x1C0B, s21  }
0xd0: {  	[hbm:s22], [sflag:s6] =	dma.local [spmem:s19], $0x2780  }
0xd1: {  	_ =	swait.ge [sflag:s23], $0x2780  }
0xd2: {  	s12 =	sadd.s32 $0x1, s12;
	s31 =	rddreg [dreg:$0xc]  }
0xd3: {  	p0 =	sne.s32 s12, s31  }
.Ltmp1:
0xd4: {  	_ = 	snop;
	(pc) =	sbr.rel @p0 .LBB2_1-.Ltmp1, $3  }
0xd5: {  	_ =	sdelay $0x1  }
0xd6: {  	[sflag:s23] =	ssyncset.done $0x0  }
0xd7: {  	[sflag:s23] =	ssyncadd.s32 $0xFFFFD880  }
0xd8: {  	_ =	sfence.sel $0x180000  }
0xd9: {  	[bflag:$0x0] =	sbarrier.arrive $0xFFFF  }
0xda: {  	_ =	strace $0x9000004A  }
0xdb: {  	s0 =	stileid.u32;
	[bflag:$0x2] =	sbarrier.arrive $0xFFFF  }
0xdc: {  	p0 =	sne.s32 s0, $0x0;
	s0 =	rddreg [dreg:$0x3]  }
0xdd: {  	s0 =	sadd.s32 @!p0 $0x100000, s0  }
0xde: {  	[sflag:s0] =	ssyncadd.tile.s32 @!p0 $0x1;
	_ =	shalt  }
.Lfunc_end2:
_tile_overlayer_lowered:
.L_overlay_start_2:
0xdf: {  	(tag) =	ssettag $0x2  }
0xe0: {  	s0 =	rddreg [dreg:$0x0];
	s2 =	stileid.u32  }
0xe1: {  	s1 =	rddreg [dreg:$0x1];
	p0 =	sne.s32 s2, $0x0  }
0xe2: {  	s3 =	rddreg [dreg:$0x2];
	[bflag:$0x3] =	sbarrier.arrive $0xFFFF;
	s2 =	simm.s32 @!p0 $0x1C0B  }
0xe3: {  	[timem:s3], [sflag:s2] =	dma.local @!p0 [hbm:s0], s1  }
0xe4: {  	s0 =	simm.s32 @!p0 $0xB  }
0xe5: {  	_ =	swait.ge @!p0 [sflag:s0], s1  }
0xe6: {  	s1 =	ssub.s32 @!p0 $0x0, s1;
	[sflag:s0] =	ssyncset.done @!p0 $0x0  }
0xe7: {  	[sflag:s0] =	ssyncadd.s32 @!p0 s1  }
0xe8: {  	[bflag:$0x3] =	sbarrier.arrive $0xFFFF  }
0xe9: {  	_ =	shalt  }

// kernel: kernel.16.cloned.1.call-start
scs
__scs_entry_jumppad:
0x0: {  	(pc) =	sbr.rel $0x88, $3  }
0x1: {  	(tag) =	ssettag $0x0;
	lr =	simm.s32 $0x1  }
0x2: {  	[smem:$0x3F99] =	sst lr;
	_ =	strace $0xD0000000  }
0x3: {  	_ = 	snop  }
0x4: {  	_ = 	snop  }
0x5: {  	_ = 	snop  }
0x6: {  	_ = 	snop  }
0x7: {  	_ = 	snop  }
__scs_overlays_trampoline_lowered:
0x8: {  	[smem:$0x3FA8] =	sst s0  }
0x9: {  	[smem:$0x3FA9] =	sst s1  }
0xa: {  	[smem:$0x3FAA] =	sst s2  }
0xb: {  	[smem:$0x3FAB] =	sst s3  }
0xc: {  	[smem:$0x3FAC] =	sst s4  }
0xd: {  	[smem:$0x3FAD] =	sst s5  }
0xe: {  	[smem:$0x3FAE] =	sst s6  }
0xf: {  	[smem:$0x3FAF] =	sst s7  }
0x10: {  	[smem:$0x3FB0] =	sst s8  }
0x11: {  	[smem:$0x3FB1] =	sst s9;
	s0 =	simm.s32 @!p0 $0x0  }
0x12: {  	s1 =	sld [smem:$0x3F97];
	s0 =	simm.s32 @p0 $0x1  }
0x13: {  	[smem:$0x3FB2] =	sst s0;
	s0 =	simm.s32 @!p1 $0x0  }
0x14: {  	s2 =	sld [smem:$0x3F96];
	s0 =	simm.s32 @p1 $0x1  }
0x15: {  	[smem:$0x3FB3] =	sst s0;
	s0 =	simm.s32 @!p2 $0x0  }
0x16: {  	s3 =	sld [smem:$0x3FDB];
	s0 =	simm.s32 @p2 $0x1  }
0x17: {  	s4 =	simm.s32 $0x1BF5;
	[smem:$0x3FB5] =	sst s0  }
0x18: {  	s0 =	sld [smem:$0x3F98];
	_ =	swait.ge [sflag:s4], $0x0  }
0x19: {  	s7 =	sld [smem:$0x3F99]  }
0x1a: {  	s8 =	sadd.s32 $0xFFFFE003, lr  }
0x1b: {  	s9 =	sadd.s32 $0xFFFFFEF7, lr;
	s5 =	simm.s32 $0xFFFFFFFF;
	p2 =	slt.u32 s8, $0xFFFFF086  }
0x1c: {  	p1 =	slt.u32 s9, $0xF7A;
	s5 =	simm.s32 @!p2 $0x0  }
0x1d: {  	s5 =	simm.s32 @p1 $0x1;
	p0 =	seq.s32 s7, s2  }
0x1e: {  	s7 =	smul.u32 @!p0 $0xF7A, s2;
	p2 =	seq.s32 @!p0 s5, $0x0  }
0x1f: {  	s9 =	smul.u32 $0xF7A, s1;
	s8 =	simm.s32 @!p0 $0x1BF5;
	p2 =	por !p2, p0  }
0x20: {  	[sflag:s8] =	ssyncset.s32 @!p0 $0xFFFFF086;
	s6 =	sadd.s32 @!p0 s3, s7;
	s7 =	simm.s32 @!p0 $0x108  }
0x21: {  	s3 =	sadd.s32 s3, s9;
	s6 =	sadd.s32 @!p0 $0x88, s6;
	s7 =	simm.s32 @p2 $0x1082  }
0x22: {  	[simem:s7], [sflag:s8] =	dma.local @!p0 [hbm:s6], $0xF7A  }
0x23: {  	s9 =	sor.u32 $0xD0000000, s2;
	s6 =	simm.s32 $0x108;
	_ =	swait.ge @!p0 [sflag:s8], $0x0  }
0x24: {  	s3 =	sadd.s32 $0x88, s3;
	s6 =	simm.s32 @!p1 $0x1082;
	[sflag:s4] =	ssyncset.s32 $0xFFFFF086  }
0x25: {  	[simem:s6], [sflag:s4] =	dma.local [hbm:s3], $0xF7A  }
0x26: {  	[smem:$0x3F99] =	sst s1;
	(tag) =	ssettag s2;
	_ =	strace s9  }
0x27: {  	s1 =	sld [smem:$0x3FA9]  }
0x28: {  	s2 =	sld [smem:$0x3FAA]  }
0x29: {  	s4 =	sld [smem:$0x3FAC]  }
0x2a: {  	p0 =	seq.s32 s5, $0x0;
	s5 =	sld [smem:$0x3FAD]  }
0x2b: {  	s6 =	sld [smem:$0x3FAE]  }
0x2c: {  	s7 =	sld [smem:$0x3FAF]  }
0x2d: {  	s3 =	simm.s32 $0x108;
	s8 =	sld [smem:$0x3FB0]  }
0x2e: {  	s3 =	simm.s32 @!p0 $0x1082;
	s9 =	sld [smem:$0x3FB1]  }
0x2f: {  	lr =	sadd.s32 s0, s3;
	s0 =	sld [smem:$0x3FA8]  }
0x30: {  	s3 =	sld [smem:$0x3FAB]  }
0x31: {  	[smem:$0x3FB4] =	sst s10  }
0x32: {  	s10 =	sld [smem:$0x3FB2];
	_ =	sdelay $0x3  }
0x33: {  	p0 =	seq.s32 s10, $0x1;
	s10 =	sld [smem:$0x3FB4];
	_ =	sdelay $0x3  }
0x34: {  	[smem:$0x3FB4] =	sst s10  }
0x35: {  	s10 =	sld [smem:$0x3FB3];
	_ =	sdelay $0x3  }
0x36: {  	p1 =	seq.s32 s10, $0x1;
	s10 =	sld [smem:$0x3FB4];
	_ =	sdelay $0x3  }
0x37: {  	[smem:$0x3FB4] =	sst s10  }
0x38: {  	s10 =	sld [smem:$0x3FB5]  }
0x39: {  	_ = 	snop;
	(pc) =	sbr.ind lr, $3  }
0x3a: {  	_ = 	snop  }
0x3b: {  	_ = 	snop  }
0x3c: {  	p2 =	seq.s32 s10, $0x1;
	s10 =	sld [smem:$0x3FB4]  }
0x3d: {  	_ =	shalt  }
0x3e: {  	_ =	shalt  }
0x3f: {  	_ =	shalt  }
0x40: {  	_ =	shalt  }
0x41: {  	_ =	shalt  }
0x42: {  	_ =	shalt  }
0x43: {  	_ =	shalt  }
0x44: {  	_ =	shalt  }
0x45: {  	_ =	shalt  }
0x46: {  	_ =	shalt  }
0x47: {  	_ =	shalt  }
0x48: {  	_ =	shalt  }
0x49: {  	_ =	shalt  }
0x4a: {  	_ =	shalt  }
0x4b: {  	_ =	shalt  }
0x4c: {  	_ =	shalt  }
0x4d: {  	_ =	shalt  }
0x4e: {  	_ =	shalt  }
0x4f: {  	_ =	shalt  }
0x50: {  	_ =	shalt  }
0x51: {  	_ =	shalt  }
0x52: {  	_ =	shalt  }
0x53: {  	_ =	shalt  }
0x54: {  	_ =	shalt  }
0x55: {  	_ =	shalt  }
0x56: {  	_ =	shalt  }
0x57: {  	_ =	shalt  }
0x58: {  	_ =	shalt  }
0x59: {  	_ =	shalt  }
0x5a: {  	_ =	shalt  }
0x5b: {  	_ =	shalt  }
0x5c: {  	_ =	shalt  }
0x5d: {  	_ =	shalt  }
0x5e: {  	_ =	shalt  }
0x5f: {  	_ =	shalt  }
0x60: {  	_ =	shalt  }
0x61: {  	_ =	shalt  }
0x62: {  	_ =	shalt  }
0x63: {  	_ =	shalt  }
0x64: {  	_ =	shalt  }
0x65: {  	_ =	shalt  }
0x66: {  	_ =	shalt  }
0x67: {  	_ =	shalt  }
0x68: {  	_ =	shalt  }
0x69: {  	_ =	shalt  }
0x6a: {  	_ =	shalt  }
0x6b: {  	_ =	shalt  }
0x6c: {  	_ =	shalt  }
0x6d: {  	_ =	shalt  }
0x6e: {  	_ =	shalt  }
0x6f: {  	_ =	shalt  }
0x70: {  	_ =	shalt  }
0x71: {  	_ =	shalt  }
0x72: {  	_ =	shalt  }
0x73: {  	_ =	shalt  }
0x74: {  	_ =	shalt  }
0x75: {  	_ =	shalt  }
0x76: {  	_ =	shalt  }
0x77: {  	_ =	shalt  }
0x78: {  	_ =	shalt  }
0x79: {  	_ =	shalt  }
0x7a: {  	_ =	shalt  }
0x7b: {  	_ =	shalt  }
0x7c: {  	_ =	shalt  }
0x7d: {  	_ =	shalt  }
0x7e: {  	_ =	shalt  }
0x7f: {  	_ =	shalt  }
0x80: {  	_ =	shalt  }
0x81: {  	_ =	shalt  }
0x82: {  	_ =	shalt  }
0x83: {  	_ =	shalt  }
0x84: {  	_ =	shalt  }
0x85: {  	_ =	shalt  }
0x86: {  	_ =	shalt  }
0x87: {  	_ =	shalt  }
.Lfunc_end0:
.L_simem_size_0:
called_computation.2_lowered:
.L_overlay_start_0:
0x88: {  	s2 =	sld [smem:$0x3FD9]  }
0x89: {  	s3 =	sld [smem:$0x3FFE];
	_ =	sdelay $0x1  }
0x8a: {  	s1 =	srdreg.scid  }
0x8b: {  	s0 =	sand.u32 $0x1, s1  }
0x8c: {  	s17 =	sshll.u32 s0, $0xA;
	s2 =	sadd.s32 s3, s2  }
0x8d: {  	s2 =	sadd.s32 s2, s17  }
0x8e: {  	[smem:$0x3FC0] =	sst s2  }
0x8f: {  	_ = 	snop  }
0x90: {  	s2 =	sld [smem:$0x3FD0];
	(tm) =	ssettm $0x1  }
0x91: {  	s18 =	sld [smem:$0x3FFB];
	_ =	sdelay $0x3  }
0x92: {  	_ =	strace s18  }
0x93: {  	s3 =	sld [smem:$0x3FFC];
	_ =	sdelay $0x3  }
0x94: {  	_ =	strace s3  }
0x95: {  	s3 =	sld [smem:$0x3FFD];
	_ =	sdelay $0x3  }
0x96: {  	_ =	strace s3  }
0x97: {  	_ =	strace $0x8FFFFFFF  }
0x98: {  	s19 =	sld [smem:$0x3FDB];
	_ =	sdelay $0x1  }
0x99: {  	s4 =	simm.s32 $_scs_section_size  }
0x9a: {  	s5 =	simm.s32 $_size__tile_overlayer_lowered;
	s6 =	simm.s32 $_tile_overlayer_lowered  }
0x9b: {  	s22 =	simm.s32 $0x1BFF;
	s21 =	sshll.u32 s6, $0x1;
	s3 =	sadd.s32 s4, s19  }
0x9c: {  	s7 =	simm.s32 $0x0;
	s20 =	sshll.u32 s5, $0x1;
	s5 =	sadd.s32 s21, s3  }
0x9d: {  	[timem:s7], [sflag:s22] =	dma.local [hbm:s5], s20  }
0x9e: {  	_ =	swait.ge [sflag:s22], s20  }
0x9f: {  	s4 =	ssub.s32 $0x0, s20;
	[sflag:s22] =	ssyncset.done $0x0  }
0xa0: {  	[sflag:s22] =	ssyncadd.s32 s4;
	_ =	sdelay $0x1  }
0xa1: {  	s23 =	simm.s32 $0x1B8B  }
0xa2: {  	_ =	swait.ge [sflag:s23], $0x1  }
0xa3: {  	[sflag:s23] =	ssyncset.done $0x0  }
0xa4: {  	s25 =	simm.s32 $0x1B8E;
	s24 =	sld [smem:$0x3FFE];
	[sflag:s23] =	ssyncadd.s32 $0xFFFFFFFF  }
0xa5: {  	s26 =	simm.s32 $execute0_lowered;
	[smem:$0x3FD2] =	sst s25  }
0xa6: {  	s5 =	sshll.u32 s26, $0x1;
	_ =	strace $0x8000004C;
	[dreg:$0x1] =	wrdreg $0xFFFFFFFF  }
0xa7: {  	s28 =	simm.s32 $_size_execute0_lowered;
	s3 =	sadd.s32 s3, s5;
	[dreg:$0x0] =	wrdreg $0x0  }
0xa8: {  	s5 =	sshll.u32 s28, $0x1;
	[dreg:$0x2] =	wrdreg s3  }
0xa9: {  	[dreg:$0x3] =	wrdreg s5  }
0xaa: {  	[dreg:$0x4] =	wrdreg $0xC0  }
0xab: {  	_ =	task [dreg:s7], $0x5FFFF  }
0xac: {  	[dreg:$0x1] =	wrdreg $0xFFFFFFFF  }
0xad: {  	[dreg:$0x0] =	wrdreg $0x60  }
0xae: {  	[dreg:$0x2] =	wrdreg s24  }
0xaf: {  	[dreg:$0x3] =	wrdreg s2  }
0xb0: {  	[dreg:$0x4] =	wrdreg $0x0  }
0xb1: {  	[dreg:$0x5] =	wrdreg $0x9  }
0xb2: {  	_ =	task.clear_ibuf [dreg:s7], $0x6FFFF;
	_ =	strace $0x9000004C  }
0xb3: {  	s29 =	simm.s32 $0x9;
	_ =	strace $0x8000004E  }
0xb4: {  	_ =	swait.ge [sflag:s29], $0x1  }
0xb5: {  	[sflag:s29] =	ssyncadd.s32 $0xFFFFFFFF  }
0xb6: {  	_ =	strace $0x9000004E  }
0xb7: {  	_ =	sfence  }
0xb8: {  	s30 =	sld [smem:$0x0];
	_ =	sdelay $0x2  }
0xb9: {  	s31 =	sshll.u32 s1, $0xD;
	s1 =	sshrl.u32 s1, $0x2  }
0xba: {  	s3 =	sand.u32 $0x4000, s31;
	s1 =	sadd.s32 s1, s30  }
0xbb: {  	s0 =	sor.u32 s3, s0;
	s1 =	sshll.u32 s1, $0x11  }
0xbc: {  	s0 =	sor.u32 s1, s0  }
0xbd: {  	s0 =	sadd.s32 $0x8F2B, s0  }
0xbe: {  	[sflag:s0] =	ssyncadd.remote.s32 $0x1  }
0xbf: {  	_ =	sfence.sel $0xFFFF  }
0xc0: {  	[dreg:$0x0] =	wrdreg $0xFFFFFFFF;
	(pc) =	sbr.abs _section_cstart, $3  }
0xc1: {  	[dreg:$0x1] =	wrdreg $0xFFFFFFFF  }
0xc2: {  	_ =	task.clear_ibuf [dreg:s7], $0x2FFFF;
	_ =	strace $0x9FFFFFFF  }
0xc3: {  	(tm) =	ssettm $0x7FFFFFFF  }
tec
execute0_lowered:
.L_overlay_start_1:
0x0: {  	(tag) =	ssettag $0x1  }
0x1: {  	s0 =	srdreg.scid  }
0x2: {  	s12 =	stileid.u32;
	s1 =	rddreg [dreg:$0x0]  }
0x3: {  	s3 =	rddreg [dreg:$0x2];
	s4 =	simm.s32 $0x0;
	s13 =	simm.s32 $0x13D00  }
0x4: {  	s28 =	simm.s32 $0x16600;
	s29 =	simm.s32 $0x8;
	s30 =	simm.s32 $0x1A600  }
0x5: {  	s0 =	sand.u32 $0x1, s0;
	s2 =	sshll.u32 s12, $0x1;
	s6 =	smul.u32 $0x13C00, s12  }
0x6: {  	[smem:$0x7FF] =	sst s4;
	s5 =	sadd.s32 $0x21A00, s1;
	s8 =	sadd.s32 $0x17A00, s1  }
0x7: {  	s21 =	sshll.u32 s12, $0x6;
	s22 =	smul.u32 $0x5000, s12;
	s12 =	simm.s32 $0x0  }
0x8: {  	s2 =	sor.u32 s0, s2;
	s7 =	smul.u32 $0x13C000, s0;
	_ =	strace $0x8000004D  }
0x9: {  	s9 =	ssub.s32 $0x2, s0;
	[dreg:$0x4] =	wrdreg s21;
	s0 =	smul.u32 $0x2800, s0  }
0xa: {  	s2 =	smul.u32 $0x2800, s2;
	s11 =	sshrl.u32 s9, $0x1;
	s7 =	sadd.s32 s6, s7  }
0xb: {  	s20 =	ssub.s32 s9, s11;
	s6 =	sadd.s32 s6, s3;
	s9 =	sor.u32 $0x1C05, s21  }
0xc: {  	s0 =	sadd.s32 s0, s22;
	s11 =	simm.s32 $0x13C80;
	s2 =	sshrl.u32 s2, $0x3  }
0xd: {  	s7 =	sshrl.u32 s7, $0x3;
	[dreg:$0x5] =	wrdreg s9;
	s26 =	smax.u32 s20, $0x1  }
0xe: {  	s31 =	sor.u32 $0x280, s0;
	s0 =	sor.u32 $0x200, s0;
	s19 =	sshrl.u32 s6, $0x3  }
0xf: {  	s10 =	sadd.s32 s2, s1;
	s2 =	sadd.s32 s8, s2;
	[dreg:$0xc] =	wrdreg s26  }
0x10: {  	s9 =	simm.s32 $0x13C00;
	s10 =	sadd.s32 $0xDA00, s10;
	[dreg:$0x7] =	wrdreg s2  }
0x11: {  	s1 =	sadd.s32 s7, s1;
	s23 =	sadd.s32 $0x10, s2;
	[dreg:$0x6] =	wrdreg s10  }
0x12: {  	s0 =	sshrl.u32 s0, $0x3;
	s24 =	sadd.s32 $0x20, s2;
	[dreg:$0x8] =	wrdreg s23  }
0x13: {  	s26 =	simm.s32 $0x80;
	s25 =	sadd.s32 $0x30, s2;
	[dreg:$0x9] =	wrdreg s24  }
0x14: {  	s7 =	simm.s32 $0x4;
	s1 =	sadd.s32 $0x48C00, s1;
	[dreg:$0xa] =	wrdreg s25  }
0x15: {  	s15 =	sadd.s32 $0x4F0, s2;
	s2 =	sadd.s32 $0x4E0, s2;
	[dreg:$0xb] =	wrdreg s1  }
0x16: {  	s0 =	sadd.s32 s0, s8;
	[dreg:$0xd] =	wrdreg s2;
	s1 =	sshrl.u32 s31, $0x3  }
0x17: {  	[dreg:$0xf] =	wrdreg s0;
	s24 =	simm.s32 $0x13D80;
	s25 =	simm.s32 $0x7  }
0x18: {  	s0 =	simm.s32 $0x2;
	s2 =	simm.s32 $0x3;
	s1 =	sadd.s32 s1, s8  }
0x19: {  	s10 =	simm.s32 $0xA;
	[dreg:$0xe] =	wrdreg s1;
	s1 =	simm.s32 $0x1  }
.LBB2_1:
0x1a: {  	s6 =	rddreg [dreg:$0x1]  }
0x1b: {  	s8 =	rddreg [dreg:$0x5]  }
0x1c: {  	[spmem:s19], [sflag:s8] =	dma.local [hbm:s6], $0x2780  }
0x1d: {  	s18 =	simm.s32 $0x13E00;
	s6 =	rddreg [dreg:$0x6]  }
0x1e: {  	[tilespmem:s18], [sflag:$0x6] =	stream.linear.gather [hbm4b:s6+s4], $0x2800, $0x38;
	[tilespmem:$0x1E600] =	vst v63  }
0x1f: {  	s20 =	rddreg [dreg:$0x7]  }
0x20: {  	[tilespmem:s9], [sflag:$0x7] =	stream.linear.gather [hbm4b:s20+s4], $0x80, $0x38;
	[tilespmem:$0x1E600] =	vst v63  }
0x21: {  	s21 =	rddreg [dreg:$0x8]  }
0x22: {  	[tilespmem:s11], [sflag:$0x8] =	stream.linear.gather [hbm4b:s21+s4], $0x80, $0x38;
	[tilespmem:$0x1E600] =	vst v63  }
0x23: {  	s22 =	rddreg [dreg:$0x9]  }
0x24: {  	[tilespmem:s13], [sflag:$0x9] =	stream.linear.gather [hbm4b:s22+s4], $0x80, $0x38;
	[tilespmem:$0x1E600] =	vst v63  }
0x25: {  	s23 =	rddreg [dreg:$0xa]  }
0x26: {  	[tilespmem:s24], [sflag:$0xA] =	stream.linear.gather [hbm4b:s23+s4], $0x80, $0x38;
	[tilespmem:$0x1E600] =	vst v63  }
0x27: {  	_ =	swait.ge [sflag:s25], $0x80  }
0x28: {  	[sflag:s25] =	ssyncset.done $0x0  }
0x29: {  	[sflag:s25] =	ssyncadd.s32 $0xFFFFFF80  }
0x2a: {  	[tilespmem:s28], [sflag:$0x1] =	stream.indirect.gather [hbm4b:s5+s26], $0x80, s9, s26, $0xb8;
	[tilespmem:$0x1E600] =	vst v63  }
0x2b: {  	_ =	swait.ge [sflag:s29], $0x80  }
0x2c: {  	[sflag:s29] =	ssyncset.done $0x0  }
0x2d: {  	s9 =	simm.s32 $0x6;
	[sflag:s29] =	ssyncadd.s32 $0xFFFFFF80  }
0x2e: {  	[tilespmem:s30], [sflag:$0x2] =	stream.indirect.gather [hbm4b:s5+s26], $0x80, s11, s26, $0xb8;
	[tilespmem:$0x1E600] =	vst v63  }
0x2f: {  	_ =	swait.ge [sflag:s9], $0x2800  }
0x30: {  	[sflag:s9] =	ssyncset.done $0x0  }
0x31: {  	s11 =	simm.s32 $0x5;
	[sflag:s9] =	ssyncadd.s32 $0xFFFFD800  }
0x32: {  	_ =	swait.ge [sflag:s11], $0x2780  }
0x33: {  	[sflag:s11] =	ssyncset.done $0x0  }
0x34: {  	[sflag:s11] =	ssyncadd.s32 $0xFFFFD880  }
0x35: {  	[bflag:$0x0] =	sbarrier.arrive $0xFFFF  }
0x36: {  	_ =	swait.ge [sflag:s1], $0x4000  }
0x37: {  	[sflag:s1] =	ssyncset.done $0x0  }
0x38: {  	[sflag:s1] =	ssyncadd.s32 $0xFFFFC000  }
0x39: {  	[spmem:s3] =	stream.indirect.scatter.add.f32 [tilespmem:s28], [sflag:$0x3], $0x80, s18, s26, $0xb8;
	[tilespmem:$0x1E600] =	vst v63  }
0x3a: {  	s16 =	simm.s32 $0x2;
	_ =	swait.ge [sflag:s0], $0x4000  }
0x3b: {  	s8 =	sand.u32 $0x2, s16;
	[sflag:s0] =	ssyncset.done $0x0  }
0x3c: {  	s14 =	simm.s32 $0x13E80;
	s17 =	sadd.s32 $0x7, s8;
	[sflag:s0] =	ssyncadd.s32 $0xFFFFC000  }
0x3d: {  	[spmem:s3] =	stream.indirect.scatter.add.f32 [tilespmem:s30], [sflag:$0x4], $0x80, s14, s26, $0xb8;
	[tilespmem:$0x1E600] =	vst v63  }
0x3e: {  	_ =	swait.ge [sflag:s17], $0x80  }
0x3f: {  	[sflag:s17] =	ssyncset.done $0x0  }
0x40: {  	[sflag:s17] =	ssyncadd.s32 $0xFFFFFF80  }
0x41: {  	s18 =	simm.s32 $0x3;
	_ =	swait.ge [sflag:s2], $0x4000  }
0x42: {  	s8 =	sshll.u32 s8, $0x7;
	s9 =	sand.u32 $0x3, s18;
	[sflag:s2] =	ssyncset.done $0x0  }
0x43: {  	s8 =	sor.u32 $0x13C00, s8;
	s20 =	sadd.s32 $0x7, s9;
	[sflag:s2] =	ssyncadd.s32 $0xFFFFC000  }
0x44: {  	[tilespmem:s28], [sflag:$0x1] =	stream.indirect.gather [hbm4b:s5+s26], $0x80, s8, s26, $0xb8;
	[tilespmem:$0x1E600] =	vst v63  }
0x45: {  	_ =	swait.ge [sflag:s20], $0x80  }
0x46: {  	s22 =	simm.s32 $0x4;
	s6 =	sand.u32 $0x3, s11;
	[sflag:s20] =	ssyncset.done $0x0  }
0x47: {  	s16 =	sshll.u32 s6, $0x7;
	s6 =	sadd.s32 $0x7, s6;
	[sflag:s20] =	ssyncadd.s32 $0xFFFFFF80  }
0x48: {  	s21 =	sshll.u32 s9, $0x7;
	s9 =	sand.u32 $0x2, s22;
	_ =	swait.ge [sflag:s7], $0x4000  }
0x49: {  	s22 =	simm.s32 $0x9;
	s23 =	sshll.u32 s9, $0x7;
	[sflag:s7] =	ssyncset.done $0x0  }
0x4a: {  	s11 =	sadd.s32 $0x7, s9;
	s8 =	sor.u32 $0x13C00, s21;
	[sflag:s7] =	ssyncadd.s32 $0xFFFFC000  }
0x4b: {  	[tilespmem:s30], [sflag:$0x2] =	stream.indirect.gather [hbm4b:s5+s26], $0x80, s8, s26, $0xb8;
	[tilespmem:$0x1E600] =	vst v63  }
0x4c: {  	s9 =	simm.s32 $0x13F80;
	s13 =	sor.u32 $0x13C00, s23;
	s14 =	rddreg [dreg:$0xf]  }
0x4d: {  	[tilespmem:s13], [sflag:s11] =	stream.linear.gather [hbm4b:s14+s4], $0x80, $0x38;
	[tilespmem:$0x1E600] =	vst v63  }
0x4e: {  	s23 =	simm.s32 $0x4;
	s17 =	sor.u32 $0x13C00, s16;
	s18 =	rddreg [dreg:$0xe]  }
0x4f: {  	[tilespmem:s17], [sflag:s6] =	stream.linear.gather [hbm4b:s18+s4], $0x80, $0x38;
	[tilespmem:$0x1E600] =	vst v63  }
0x50: {  	s31 =	sand.u32 $0x2, s23;
	s21 =	simm.s32 $0x13F00;
	_ =	swait.ge [sflag:s1], $0x4000  }
0x51: {  	s20 =	simm.s32 $0x7;
	s16 =	sadd.s32 $0x20, s14;
	[sflag:s1] =	ssyncset.done $0x0  }
0x52: {  	s13 =	simm.s32 $0x14080;
	s14 =	sadd.s32 $0x20, s18;
	[sflag:s1] =	ssyncadd.s32 $0xFFFFC000  }
0x53: {  	[spmem:s3] =	stream.indirect.scatter.add.f32 [tilespmem:s28], [sflag:$0x3], $0x80, s21, s26, $0xb8;
	[tilespmem:$0x1E600] =	vst v63  }
0x54: {  	s6 =	simm.s32 $0x14000;
	s21 =	simm.s32 $0x14100;
	_ =	swait.ge [sflag:s0], $0x4000  }
.LBB2_2:
0x55: {  	s11 =	sadd.s32 $0x7, s31;
	[sflag:s0] =	ssyncset.done $0x0;
	s17 =	smov.u32 s22  }
0x56: {  	s8 =	sadd.s32 $0x2, s22;
	s23 =	smov.u32 s6;
	s6 =	smov.u32 s21  }
0x57: {  	s18 =	sadd.s32 $0x80, s21;
	p0 =	sne.s32 s22, $0x4D;
	[sflag:s0] =	ssyncadd.s32 $0xFFFFC000  }
0x58: {  	[spmem:s3] =	stream.indirect.scatter.add.f32 [tilespmem:s30], [sflag:$0x4], $0x80, s9, s26, $0xb8;
	[tilespmem:$0x1E600] =	vst v63  }
0x59: {  	s9 =	smov.u32 s13;
	s13 =	smov.u32 s18;
	_ =	swait.ge [sflag:s11], $0x80  }
0x5a: {  	[sflag:s11] =	ssyncset.done $0x0  }
0x5b: {  	[sflag:s11] =	ssyncadd.s32 $0xFFFFFF80  }
0x5c: {  	s18 =	sadd.s32 $0xFFFFFFFE, s20;
	s11 =	sshll.u32 s31, $0x7;
	_ =	swait.ge [sflag:s2], $0x4000  }
0x5d: {  	s18 =	sand.u32 $0x3, s18;
	s11 =	sor.u32 $0x13C00, s11;
	[sflag:s2] =	ssyncset.done $0x0  }
0x5e: {  	s22 =	sadd.s32 $0x7, s18;
	s18 =	sshll.u32 s18, $0x7;
	[sflag:s2] =	ssyncadd.s32 $0xFFFFC000  }
0x5f: {  	[tilespmem:s28], [sflag:$0x1] =	stream.indirect.gather [hbm4b:s5+s26], $0x80, s11, s26, $0xb8;
	[tilespmem:$0x1E600] =	vst v63  }
0x60: {  	_ =	swait.ge [sflag:s22], $0x80  }
0x61: {  	[sflag:s22] =	ssyncset.done $0x0  }
0x62: {  	[sflag:s22] =	ssyncadd.s32 $0xFFFFFF80  }
0x63: {  	s11 =	sadd.s32 $0xFFFFFFFF, s20;
	s20 =	sand.u32 $0x3, s20;
	_ =	swait.ge [sflag:s7], $0x4000  }
0x64: {  	s18 =	sor.u32 $0x13C00, s18;
	s11 =	sand.u32 $0x2, s11;
	[sflag:s7] =	ssyncset.done $0x0  }
0x65: {  	s22 =	sshll.u32 s11, $0x7;
	s11 =	sadd.s32 $0x7, s11;
	[sflag:s7] =	ssyncadd.s32 $0xFFFFC000  }
0x66: {  	[tilespmem:s30], [sflag:$0x2] =	stream.indirect.gather [hbm4b:s5+s26], $0x80, s18, s26, $0xb8;
	[tilespmem:$0x1E600] =	vst v63  }
0x67: {  	s31 =	sadd.s32 $0x7, s20;
	s18 =	sor.u32 $0x13C00, s22;
	s22 =	sshll.u32 s20, $0x7  }
0x68: {  	[tilespmem:s18], [sflag:s11] =	stream.linear.gather [hbm4b:s16+s4], $0x80, $0x38;
	[tilespmem:$0x1E600] =	vst v63  }
0x69: {  	s20 =	smov.u32 s17;
	s11 =	sor.u32 $0x13C00, s22  }
0x6a: {  	[tilespmem:s11], [sflag:s31] =	stream.linear.gather [hbm4b:s14+s4], $0x80, $0x38;
	[tilespmem:$0x1E600] =	vst v63  }
.Ltmp0:
0x6b: {  	_ =	swait.ge [sflag:s1], $0x4000;
	(pc) =	sbr.rel @p0 .LBB2_2-.Ltmp0, $4  }
0x6c: {  	s21 =	sadd.s32 $0x100, s21;
	s16 =	sadd.s32 $0x20, s16;
	[sflag:s1] =	ssyncset.done $0x0  }
0x6d: {  	s11 =	sadd.s32 $0xFFFFFFFD, s20;
	s14 =	sadd.s32 $0x20, s14;
	[sflag:s1] =	ssyncadd.s32 $0xFFFFC000  }
0x6e: {  	[spmem:s3] =	stream.indirect.scatter.add.f32 [tilespmem:s28], [sflag:$0x3], $0x80, s23, s26, $0xb8;
	[tilespmem:$0x1E600] =	vst v63  }
0x6f: {  	s22 =	smov.u32 s8;
	s31 =	sand.u32 $0x2, s11;
	_ =	swait.ge [sflag:s0], $0x4000  }
0x70: {  	[sflag:s0] =	ssyncset.done $0x0  }
0x71: {  	s8 =	sadd.s32 $0x7, s31;
	[sflag:s0] =	ssyncadd.s32 $0xFFFFC000  }
0x72: {  	[spmem:s3] =	stream.indirect.scatter.add.f32 [tilespmem:s30], [sflag:$0x4], $0x80, s9, s26, $0xb8;
	[tilespmem:$0x1E600] =	vst v63  }
0x73: {  	_ =	swait.ge [sflag:s8], $0x80  }
0x74: {  	[sflag:s8] =	ssyncset.done $0x0  }
0x75: {  	[sflag:s8] =	ssyncadd.s32 $0xFFFFFF80  }
0x76: {  	s11 =	sadd.s32 $0xFFFFFFFE, s20;
	s9 =	sshll.u32 s31, $0x7;
	_ =	swait.ge [sflag:s2], $0x4000  }
0x77: {  	s8 =	sor.u32 $0x13C00, s9;
	s9 =	sand.u32 $0x3, s11;
	[sflag:s2] =	ssyncset.done $0x0  }
0x78: {  	s17 =	sadd.s32 $0x7, s9;
	[sflag:s2] =	ssyncadd.s32 $0xFFFFC000  }
0x79: {  	[tilespmem:s28], [sflag:$0x1] =	stream.indirect.gather [hbm4b:s5+s26], $0x80, s8, s26, $0xb8;
	[tilespmem:$0x1E600] =	vst v63  }
0x7a: {  	_ =	swait.ge [sflag:s17], $0x80  }
0x7b: {  	[sflag:s17] =	ssyncset.done $0x0  }
0x7c: {  	[sflag:s17] =	ssyncadd.s32 $0xFFFFFF80  }
0x7d: {  	s21 =	sadd.s32 $0xFFFFFFFF, s20;
	s23 =	sand.u32 $0x3, s20;
	_ =	swait.ge [sflag:s7], $0x4000  }
0x7e: {  	s18 =	sshll.u32 s9, $0x7;
	s9 =	sand.u32 $0x2, s21;
	[sflag:s7] =	ssyncset.done $0x0  }
0x7f: {  	s22 =	sshll.u32 s9, $0x7;
	s8 =	sor.u32 $0x13C00, s18;
	[sflag:s7] =	ssyncadd.s32 $0xFFFFC000  }
0x80: {  	[tilespmem:s30], [sflag:$0x2] =	stream.indirect.gather [hbm4b:s5+s26], $0x80, s8, s26, $0xb8;
	[tilespmem:$0x1E600] =	vst v63  }
0x81: {  	s31 =	sshll.u32 s23, $0x7;
	s9 =	sadd.s32 $0x7, s9;
	s8 =	sor.u32 $0x13C00, s22  }
0x82: {  	[tilespmem:s8], [sflag:s9] =	stream.linear.gather [hbm4b:s16+s4], $0x80, $0x38;
	[tilespmem:$0x1E600] =	vst v63  }
0x83: {  	s8 =	sadd.s32 $0x7, s23;
	s9 =	sor.u32 $0x13C00, s31  }
0x84: {  	[tilespmem:s9], [sflag:s8] =	stream.linear.gather [hbm4b:s14+s4], $0x80, $0x38;
	[tilespmem:$0x1E600] =	vst v63  }
0x85: {  	_ =	swait.ge [sflag:s1], $0x4000  }
0x86: {  	[sflag:s1] =	ssyncset.done $0x0  }
0x87: {  	[sflag:s1] =	ssyncadd.s32 $0xFFFFC000  }
0x88: {  	[spmem:s3] =	stream.indirect.scatter.add.f32 [tilespmem:s28], [sflag:$0x3], $0x80, s6, s26, $0xb8;
	[tilespmem:$0x1E600] =	vst v63  }
0x89: {  	_ =	swait.ge [sflag:s0], $0x4000  }
0x8a: {  	[sflag:s0] =	ssyncset.done $0x0  }
0x8b: {  	[sflag:s0] =	ssyncadd.s32 $0xFFFFC000  }
0x8c: {  	[spmem:s3] =	stream.indirect.scatter.add.f32 [tilespmem:s30], [sflag:$0x4], $0x80, s13, s26, $0xb8;
	[tilespmem:$0x1E600] =	vst v63  }
0x8d: {  	_ =	swait.ge [sflag:s25], $0x80  }
0x8e: {  	[sflag:s25] =	ssyncset.done $0x0  }
0x8f: {  	[sflag:s25] =	ssyncadd.s32 $0xFFFFFF80  }
0x90: {  	_ =	swait.ge [sflag:s2], $0x4000  }
0x91: {  	[sflag:s2] =	ssyncset.done $0x0  }
0x92: {  	s9 =	simm.s32 $0x13C00;
	[sflag:s2] =	ssyncadd.s32 $0xFFFFC000  }
0x93: {  	[tilespmem:s28], [sflag:$0x1] =	stream.indirect.gather [hbm4b:s5+s26], $0x80, s9, s26, $0xb8;
	[tilespmem:$0x1E600] =	vst v63  }
0x94: {  	_ =	swait.ge [sflag:s29], $0x80  }
0x95: {  	[sflag:s29] =	ssyncset.done $0x0  }
0x96: {  	[sflag:s29] =	ssyncadd.s32 $0xFFFFFF80  }
0x97: {  	_ =	swait.ge [sflag:s7], $0x4000  }
0x98: {  	[sflag:s7] =	ssyncset.done $0x0  }
0x99: {  	s11 =	simm.s32 $0x13C80;
	[sflag:s7] =	ssyncadd.s32 $0xFFFFC000  }
0x9a: {  	[tilespmem:s30], [sflag:$0x2] =	stream.indirect.gather [hbm4b:s5+s26], $0x80, s11, s26, $0xb8;
	[tilespmem:$0x1E600] =	vst v63  }
0x9b: {  	s13 =	simm.s32 $0x13D00;
	s8 =	rddreg [dreg:$0xd]  }
0x9c: {  	[tilespmem:s13], [sflag:$0x9] =	stream.linear.gather [hbm4b:s8+s4], $0x80, $0x38;
	[tilespmem:$0x1E600] =	vst v63  }
0x9d: {  	_ = 	snop  }
0x9e: {  	[tilespmem:s24], [sflag:$0xA] =	stream.linear.gather [hbm4b:s15+s4], $0x80, $0x38;
	[tilespmem:$0x1E600] =	vst v63  }
0x9f: {  	_ =	swait.ge [sflag:s1], $0x4000  }
0xa0: {  	[sflag:s1] =	ssyncset.done $0x0  }
0xa1: {  	s14 =	simm.s32 $0x16400;
	[sflag:s1] =	ssyncadd.s32 $0xFFFFC000  }
0xa2: {  	[spmem:s3] =	stream.indirect.scatter.add.f32 [tilespmem:s28], [sflag:$0x3], $0x80, s14, s26, $0xb8;
	[tilespmem:$0x1E600] =	vst v63  }
0xa3: {  	_ =	swait.ge [sflag:s0], $0x4000  }
0xa4: {  	[sflag:s0] =	ssyncset.done $0x0  }
0xa5: {  	s17 =	simm.s32 $0x9;
	s16 =	simm.s32 $0x16480;
	[sflag:s0] =	ssyncadd.s32 $0xFFFFC000  }
0xa6: {  	[spmem:s3] =	stream.indirect.scatter.add.f32 [tilespmem:s30], [sflag:$0x4], $0x80, s16, s26, $0xb8;
	[tilespmem:$0x1E600] =	vst v63  }
0xa7: {  	_ =	swait.ge [sflag:s17], $0x80  }
0xa8: {  	[sflag:s17] =	ssyncset.done $0x0  }
0xa9: {  	[sflag:s17] =	ssyncadd.s32 $0xFFFFFF80  }
0xaa: {  	_ =	swait.ge [sflag:s2], $0x4000  }
0xab: {  	[sflag:s2] =	ssyncset.done $0x0  }
0xac: {  	[sflag:s2] =	ssyncadd.s32 $0xFFFFC000  }
0xad: {  	[tilespmem:s28], [sflag:$0x1] =	stream.indirect.gather [hbm4b:s5+s26], $0x80, s13, s26, $0xb8;
	[tilespmem:$0x1E600] =	vst v63  }
0xae: {  	_ =	swait.ge [sflag:s10], $0x80  }
0xaf: {  	[sflag:s10] =	ssyncset.done $0x0  }
0xb0: {  	[sflag:s10] =	ssyncadd.s32 $0xFFFFFF80  }
0xb1: {  	_ =	swait.ge [sflag:s7], $0x4000  }
0xb2: {  	[sflag:s7] =	ssyncset.done $0x0  }
0xb3: {  	[sflag:s7] =	ssyncadd.s32 $0xFFFFC000  }
0xb4: {  	[tilespmem:s30], [sflag:$0x2] =	stream.indirect.gather [hbm4b:s5+s26], $0x80, s24, s26, $0xb8;
	[tilespmem:$0x1E600] =	vst v63  }
0xb5: {  	_ = 	snop  }
0xb6: {  	[tilespmem:s24], [sflag:$0xA] =	stream.linear.gather [hbm4b:s15+s4], $0x80, $0x38;
	[tilespmem:$0x1E600] =	vst v63  }
0xb7: {  	_ = 	snop  }
0xb8: {  	[tilespmem:s24], [sflag:$0xA] =	stream.linear.gather [hbm4b:s15+s4], $0x80, $0x38;
	[tilespmem:$0x1E600] =	vst v63  }
0xb9: {  	_ =	swait.ge [sflag:s1], $0x4000  }
0xba: {  	[sflag:s1] =	ssyncset.done $0x0  }
0xbb: {  	s18 =	simm.s32 $0x16500;
	[sflag:s1] =	ssyncadd.s32 $0xFFFFC000  }
0xbc: {  	[spmem:s3] =	stream.indirect.scatter.add.f32 [tilespmem:s28], [sflag:$0x3], $0x80, s18, s26, $0xb8;
	[tilespmem:$0x1E600] =	vst v63  }
0xbd: {  	_ =	swait.ge [sflag:s0], $0x4000  }
0xbe: {  	[sflag:s0] =	ssyncset.done $0x0  }
0xbf: {  	s20 =	simm.s32 $0x16580;
	[sflag:s0] =	ssyncadd.s32 $0xFFFFC000  }
0xc0: {  	[spmem:s3] =	stream.indirect.scatter.add.f32 [tilespmem:s30], [sflag:$0x4], $0x80, s20, s26, $0xb8;
	[tilespmem:$0x1E600] =	vst v63  }
0xc1: {  	_ =	swait.ge [sflag:s2], $0x4000  }
0xc2: {  	[sflag:s2] =	ssyncset.done $0x0  }
0xc3: {  	[sflag:s2] =	ssyncadd.s32 $0xFFFFC000  }
0xc4: {  	_ =	swait.ge [sflag:s7], $0x4000  }
0xc5: {  	[sflag:s7] =	ssyncset.done $0x0  }
0xc6: {  	[sflag:s7] =	ssyncadd.s32 $0xFFFFC000  }
0xc7: {  	_ =	swait.ge [sflag:s10], $0x80  }
0xc8: {  	[sflag:s10] =	ssyncset.done $0x0  }
0xc9: {  	[sflag:s10] =	ssyncadd.s32 $0xFFFFFF80  }
0xca: {  	_ =	swait.ge [sflag:s10], $0x80  }
0xcb: {  	[sflag:s10] =	ssyncset.done $0x0  }
0xcc: {  	[sflag:s10] =	ssyncadd.s32 $0xFFFFFF80  }
0xcd: {  	[bflag:$0x0] =	sbarrier.arrive $0xFFFF  }
0xce: {  	s21 =	rddreg [dreg:$0x4]  }
0xcf: {  	s23 =	simm.s32 $0xB;
	s22 =	rddreg [dreg:$0xb];
	s6 =	sor.u32 $0x1C0B, s21  }
0xd0: {  	[hbm:s22], [sflag:s6] =	dma.local [spmem:s19], $0x2780  }
0xd1: {  	_ =	swait.ge [sflag:s23], $0x2780  }
0xd2: {  	s12 =	sadd.s32 $0x1, s12;
	s31 =	rddreg [dreg:$0xc]  }
0xd3: {  	p0 =	sne.s32 s12, s31  }
.Ltmp1:
0xd4: {  	_ = 	snop;
	(pc) =	sbr.rel @p0 .LBB2_1-.Ltmp1, $3  }
0xd5: {  	_ =	sdelay $0x1  }
0xd6: {  	[sflag:s23] =	ssyncset.done $0x0  }
0xd7: {  	[sflag:s23] =	ssyncadd.s32 $0xFFFFD880  }
0xd8: {  	_ =	sfence.sel $0x180000  }
0xd9: {  	[bflag:$0x0] =	sbarrier.arrive $0xFFFF  }
0xda: {  	_ =	strace $0x9000004D  }
0xdb: {  	s0 =	stileid.u32;
	[bflag:$0x2] =	sbarrier.arrive $0xFFFF  }
0xdc: {  	p0 =	sne.s32 s0, $0x0;
	s0 =	rddreg [dreg:$0x3]  }
0xdd: {  	s0 =	sadd.s32 @!p0 $0x100000, s0  }
0xde: {  	[sflag:s0] =	ssyncadd.tile.s32 @!p0 $0x1;
	_ =	shalt  }
.Lfunc_end2:
_tile_overlayer_lowered:
.L_overlay_start_2:
0xdf: {  	(tag) =	ssettag $0x2  }
0xe0: {  	s0 =	rddreg [dreg:$0x0];
	s2 =	stileid.u32  }
0xe1: {  	s1 =	rddreg [dreg:$0x1];
	p0 =	sne.s32 s2, $0x0  }
0xe2: {  	s3 =	rddreg [dreg:$0x2];
	[bflag:$0x3] =	sbarrier.arrive $0xFFFF;
	s2 =	simm.s32 @!p0 $0x1C0B  }
0xe3: {  	[timem:s3], [sflag:s2] =	dma.local @!p0 [hbm:s0], s1  }
0xe4: {  	s0 =	simm.s32 @!p0 $0xB  }
0xe5: {  	_ =	swait.ge @!p0 [sflag:s0], s1  }
0xe6: {  	s1 =	ssub.s32 @!p0 $0x0, s1;
	[sflag:s0] =	ssyncset.done @!p0 $0x0  }
0xe7: {  	[sflag:s0] =	ssyncadd.s32 @!p0 s1  }
0xe8: {  	[bflag:$0x3] =	sbarrier.arrive $0xFFFF  }
0xe9: {  	_ =	shalt  }

// kernel: kernel.19.cloned.1.call-start
scs
__scs_entry_jumppad:
0x0: {  	(pc) =	sbr.rel $0x88, $3  }
0x1: {  	(tag) =	ssettag $0x0;
	lr =	simm.s32 $0x1  }
0x2: {  	[smem:$0x3F99] =	sst lr;
	_ =	strace $0xD0000000  }
0x3: {  	_ = 	snop  }
0x4: {  	_ = 	snop  }
0x5: {  	_ = 	snop  }
0x6: {  	_ = 	snop  }
0x7: {  	_ = 	snop  }
__scs_overlays_trampoline_lowered:
0x8: {  	[smem:$0x3FA8] =	sst s0  }
0x9: {  	[smem:$0x3FA9] =	sst s1  }
0xa: {  	[smem:$0x3FAA] =	sst s2  }
0xb: {  	[smem:$0x3FAB] =	sst s3  }
0xc: {  	[smem:$0x3FAC] =	sst s4  }
0xd: {  	[smem:$0x3FAD] =	sst s5  }
0xe: {  	[smem:$0x3FAE] =	sst s6  }
0xf: {  	[smem:$0x3FAF] =	sst s7  }
0x10: {  	[smem:$0x3FB0] =	sst s8  }
0x11: {  	[smem:$0x3FB1] =	sst s9;
	s0 =	simm.s32 @!p0 $0x0  }
0x12: {  	s1 =	sld [smem:$0x3F97];
	s0 =	simm.s32 @p0 $0x1  }
0x13: {  	[smem:$0x3FB2] =	sst s0;
	s0 =	simm.s32 @!p1 $0x0  }
0x14: {  	s2 =	sld [smem:$0x3F96];
	s0 =	simm.s32 @p1 $0x1  }
0x15: {  	[smem:$0x3FB3] =	sst s0;
	s0 =	simm.s32 @!p2 $0x0  }
0x16: {  	s3 =	sld [smem:$0x3FDB];
	s0 =	simm.s32 @p2 $0x1  }
0x17: {  	s4 =	simm.s32 $0x1BF5;
	[smem:$0x3FB5] =	sst s0  }
0x18: {  	s0 =	sld [smem:$0x3F98];
	_ =	swait.ge [sflag:s4], $0x0  }
0x19: {  	s7 =	sld [smem:$0x3F99]  }
0x1a: {  	s8 =	sadd.s32 $0xFFFFE003, lr  }
0x1b: {  	s9 =	sadd.s32 $0xFFFFFEF7, lr;
	s5 =	simm.s32 $0xFFFFFFFF;
	p2 =	slt.u32 s8, $0xFFFFF086  }
0x1c: {  	p1 =	slt.u32 s9, $0xF7A;
	s5 =	simm.s32 @!p2 $0x0  }
0x1d: {  	s5 =	simm.s32 @p1 $0x1;
	p0 =	seq.s32 s7, s2  }
0x1e: {  	s7 =	smul.u32 @!p0 $0xF7A, s2;
	p2 =	seq.s32 @!p0 s5, $0x0  }
0x1f: {  	s9 =	smul.u32 $0xF7A, s1;
	s8 =	simm.s32 @!p0 $0x1BF5;
	p2 =	por !p2, p0  }
0x20: {  	[sflag:s8] =	ssyncset.s32 @!p0 $0xFFFFF086;
	s6 =	sadd.s32 @!p0 s3, s7;
	s7 =	simm.s32 @!p0 $0x108  }
0x21: {  	s3 =	sadd.s32 s3, s9;
	s6 =	sadd.s32 @!p0 $0x88, s6;
	s7 =	simm.s32 @p2 $0x1082  }
0x22: {  	[simem:s7], [sflag:s8] =	dma.local @!p0 [hbm:s6], $0xF7A  }
0x23: {  	s9 =	sor.u32 $0xD0000000, s2;
	s6 =	simm.s32 $0x108;
	_ =	swait.ge @!p0 [sflag:s8], $0x0  }
0x24: {  	s3 =	sadd.s32 $0x88, s3;
	s6 =	simm.s32 @!p1 $0x1082;
	[sflag:s4] =	ssyncset.s32 $0xFFFFF086  }
0x25: {  	[simem:s6], [sflag:s4] =	dma.local [hbm:s3], $0xF7A  }
0x26: {  	[smem:$0x3F99] =	sst s1;
	(tag) =	ssettag s2;
	_ =	strace s9  }
0x27: {  	s1 =	sld [smem:$0x3FA9]  }
0x28: {  	s2 =	sld [smem:$0x3FAA]  }
0x29: {  	s4 =	sld [smem:$0x3FAC]  }
0x2a: {  	p0 =	seq.s32 s5, $0x0;
	s5 =	sld [smem:$0x3FAD]  }
0x2b: {  	s6 =	sld [smem:$0x3FAE]  }
0x2c: {  	s7 =	sld [smem:$0x3FAF]  }
0x2d: {  	s3 =	simm.s32 $0x108;
	s8 =	sld [smem:$0x3FB0]  }
0x2e: {  	s3 =	simm.s32 @!p0 $0x1082;
	s9 =	sld [smem:$0x3FB1]  }
0x2f: {  	lr =	sadd.s32 s0, s3;
	s0 =	sld [smem:$0x3FA8]  }
0x30: {  	s3 =	sld [smem:$0x3FAB]  }
0x31: {  	[smem:$0x3FB4] =	sst s10  }
0x32: {  	s10 =	sld [smem:$0x3FB2];
	_ =	sdelay $0x3  }
0x33: {  	p0 =	seq.s32 s10, $0x1;
	s10 =	sld [smem:$0x3FB4];
	_ =	sdelay $0x3  }
0x34: {  	[smem:$0x3FB4] =	sst s10  }
0x35: {  	s10 =	sld [smem:$0x3FB3];
	_ =	sdelay $0x3  }
0x36: {  	p1 =	seq.s32 s10, $0x1;
	s10 =	sld [smem:$0x3FB4];
	_ =	sdelay $0x3  }
0x37: {  	[smem:$0x3FB4] =	sst s10  }
0x38: {  	s10 =	sld [smem:$0x3FB5]  }
0x39: {  	_ = 	snop;
	(pc) =	sbr.ind lr, $3  }
0x3a: {  	_ = 	snop  }
0x3b: {  	_ = 	snop  }
0x3c: {  	p2 =	seq.s32 s10, $0x1;
	s10 =	sld [smem:$0x3FB4]  }
0x3d: {  	_ =	shalt  }
0x3e: {  	_ =	shalt  }
0x3f: {  	_ =	shalt  }
0x40: {  	_ =	shalt  }
0x41: {  	_ =	shalt  }
0x42: {  	_ =	shalt  }
0x43: {  	_ =	shalt  }
0x44: {  	_ =	shalt  }
0x45: {  	_ =	shalt  }
0x46: {  	_ =	shalt  }
0x47: {  	_ =	shalt  }
0x48: {  	_ =	shalt  }
0x49: {  	_ =	shalt  }
0x4a: {  	_ =	shalt  }
0x4b: {  	_ =	shalt  }
0x4c: {  	_ =	shalt  }
0x4d: {  	_ =	shalt  }
0x4e: {  	_ =	shalt  }
0x4f: {  	_ =	shalt  }
0x50: {  	_ =	shalt  }
0x51: {  	_ =	shalt  }
0x52: {  	_ =	shalt  }
0x53: {  	_ =	shalt  }
0x54: {  	_ =	shalt  }
0x55: {  	_ =	shalt  }
0x56: {  	_ =	shalt  }
0x57: {  	_ =	shalt  }
0x58: {  	_ =	shalt  }
0x59: {  	_ =	shalt  }
0x5a: {  	_ =	shalt  }
0x5b: {  	_ =	shalt  }
0x5c: {  	_ =	shalt  }
0x5d: {  	_ =	shalt  }
0x5e: {  	_ =	shalt  }
0x5f: {  	_ =	shalt  }
0x60: {  	_ =	shalt  }
0x61: {  	_ =	shalt  }
0x62: {  	_ =	shalt  }
0x63: {  	_ =	shalt  }
0x64: {  	_ =	shalt  }
0x65: {  	_ =	shalt  }
0x66: {  	_ =	shalt  }
0x67: {  	_ =	shalt  }
0x68: {  	_ =	shalt  }
0x69: {  	_ =	shalt  }
0x6a: {  	_ =	shalt  }
0x6b: {  	_ =	shalt  }
0x6c: {  	_ =	shalt  }
0x6d: {  	_ =	shalt  }
0x6e: {  	_ =	shalt  }
0x6f: {  	_ =	shalt  }
0x70: {  	_ =	shalt  }
0x71: {  	_ =	shalt  }
0x72: {  	_ =	shalt  }
0x73: {  	_ =	shalt  }
0x74: {  	_ =	shalt  }
0x75: {  	_ =	shalt  }
0x76: {  	_ =	shalt  }
0x77: {  	_ =	shalt  }
0x78: {  	_ =	shalt  }
0x79: {  	_ =	shalt  }
0x7a: {  	_ =	shalt  }
0x7b: {  	_ =	shalt  }
0x7c: {  	_ =	shalt  }
0x7d: {  	_ =	shalt  }
0x7e: {  	_ =	shalt  }
0x7f: {  	_ =	shalt  }
0x80: {  	_ =	shalt  }
0x81: {  	_ =	shalt  }
0x82: {  	_ =	shalt  }
0x83: {  	_ =	shalt  }
0x84: {  	_ =	shalt  }
0x85: {  	_ =	shalt  }
0x86: {  	_ =	shalt  }
0x87: {  	_ =	shalt  }
.Lfunc_end0:
.L_simem_size_0:
called_computation.3_lowered:
.L_overlay_start_0:
0x88: {  	s2 =	sld [smem:$0x3FD9]  }
0x89: {  	s3 =	sld [smem:$0x3FFE];
	_ =	sdelay $0x1  }
0x8a: {  	s1 =	srdreg.scid  }
0x8b: {  	s0 =	sand.u32 $0x1, s1  }
0x8c: {  	s17 =	sshll.u32 s0, $0xA;
	s2 =	sadd.s32 s3, s2  }
0x8d: {  	s2 =	sadd.s32 s2, s17  }
0x8e: {  	[smem:$0x3FC0] =	sst s2  }
0x8f: {  	_ = 	snop  }
0x90: {  	s2 =	sld [smem:$0x3FD0];
	(tm) =	ssettm $0x1  }
0x91: {  	s18 =	sld [smem:$0x3FFB];
	_ =	sdelay $0x3  }
0x92: {  	_ =	strace s18  }
0x93: {  	s3 =	sld [smem:$0x3FFC];
	_ =	sdelay $0x3  }
0x94: {  	_ =	strace s3  }
0x95: {  	s3 =	sld [smem:$0x3FFD];
	_ =	sdelay $0x3  }
0x96: {  	_ =	strace s3  }
0x97: {  	_ =	strace $0x8FFFFFFF  }
0x98: {  	s19 =	sld [smem:$0x3FDB];
	_ =	sdelay $0x1  }
0x99: {  	s4 =	simm.s32 $_scs_section_size  }
0x9a: {  	s5 =	simm.s32 $_size__tile_overlayer_lowered;
	s6 =	simm.s32 $_tile_overlayer_lowered  }
0x9b: {  	s22 =	simm.s32 $0x1BFF;
	s21 =	sshll.u32 s6, $0x1;
	s3 =	sadd.s32 s4, s19  }
0x9c: {  	s7 =	simm.s32 $0x0;
	s20 =	sshll.u32 s5, $0x1;
	s5 =	sadd.s32 s21, s3  }
0x9d: {  	[timem:s7], [sflag:s22] =	dma.local [hbm:s5], s20  }
0x9e: {  	_ =	swait.ge [sflag:s22], s20  }
0x9f: {  	s4 =	ssub.s32 $0x0, s20;
	[sflag:s22] =	ssyncset.done $0x0  }
0xa0: {  	[sflag:s22] =	ssyncadd.s32 s4;
	_ =	sdelay $0x1  }
0xa1: {  	s23 =	simm.s32 $0x1B8B  }
0xa2: {  	_ =	swait.ge [sflag:s23], $0x1  }
0xa3: {  	[sflag:s23] =	ssyncset.done $0x0  }
0xa4: {  	s25 =	simm.s32 $0x1B8E;
	s24 =	sld [smem:$0x3FFE];
	[sflag:s23] =	ssyncadd.s32 $0xFFFFFFFF  }
0xa5: {  	s26 =	simm.s32 $execute0_lowered;
	[smem:$0x3FD2] =	sst s25  }
0xa6: {  	s5 =	sshll.u32 s26, $0x1;
	_ =	strace $0x8000004F;
	[dreg:$0x1] =	wrdreg $0xFFFFFFFF  }
0xa7: {  	s28 =	simm.s32 $_size_execute0_lowered;
	s3 =	sadd.s32 s3, s5;
	[dreg:$0x0] =	wrdreg $0x0  }
0xa8: {  	s5 =	sshll.u32 s28, $0x1;
	[dreg:$0x2] =	wrdreg s3  }
0xa9: {  	[dreg:$0x3] =	wrdreg s5  }
0xaa: {  	[dreg:$0x4] =	wrdreg $0xC0  }
0xab: {  	_ =	task [dreg:s7], $0x5FFFF  }
0xac: {  	[dreg:$0x1] =	wrdreg $0xFFFFFFFF  }
0xad: {  	[dreg:$0x0] =	wrdreg $0x60  }
0xae: {  	[dreg:$0x2] =	wrdreg s24  }
0xaf: {  	[dreg:$0x3] =	wrdreg s2  }
0xb0: {  	[dreg:$0x4] =	wrdreg $0x0  }
0xb1: {  	[dreg:$0x5] =	wrdreg $0x9  }
0xb2: {  	_ =	task.clear_ibuf [dreg:s7], $0x6FFFF;
	_ =	strace $0x9000004F  }
0xb3: {  	s29 =	simm.s32 $0x9;
	_ =	strace $0x80000051  }
0xb4: {  	_ =	swait.ge [sflag:s29], $0x1  }
0xb5: {  	[sflag:s29] =	ssyncadd.s32 $0xFFFFFFFF  }
0xb6: {  	_ =	strace $0x90000051  }
0xb7: {  	_ =	sfence  }
0xb8: {  	s30 =	sld [smem:$0x0];
	_ =	sdelay $0x2  }
0xb9: {  	s31 =	sshll.u32 s1, $0xD;
	s1 =	sshrl.u32 s1, $0x2  }
0xba: {  	s3 =	sand.u32 $0x4000, s31;
	s1 =	sadd.s32 s1, s30  }
0xbb: {  	s0 =	sor.u32 s3, s0;
	s1 =	sshll.u32 s1, $0x11  }
0xbc: {  	s0 =	sor.u32 s1, s0  }
0xbd: {  	s0 =	sadd.s32 $0x8F2B, s0  }
0xbe: {  	[sflag:s0] =	ssyncadd.remote.s32 $0x1  }
0xbf: {  	_ =	sfence.sel $0xFFFF  }
0xc0: {  	[dreg:$0x0] =	wrdreg $0xFFFFFFFF;
	(pc) =	sbr.abs _section_cstart, $3  }
0xc1: {  	[dreg:$0x1] =	wrdreg $0xFFFFFFFF  }
0xc2: {  	_ =	task.clear_ibuf [dreg:s7], $0x2FFFF;
	_ =	strace $0x9FFFFFFF  }
0xc3: {  	(tm) =	ssettm $0x7FFFFFFF  }
tec
execute0_lowered:
.L_overlay_start_1:
0x0: {  	(tag) =	ssettag $0x1  }
0x1: {  	s0 =	srdreg.scid  }
0x2: {  	s12 =	stileid.u32;
	s1 =	rddreg [dreg:$0x0]  }
0x3: {  	s3 =	rddreg [dreg:$0x2];
	s4 =	simm.s32 $0x0;
	s13 =	simm.s32 $0x13D00  }
0x4: {  	s28 =	simm.s32 $0x16600;
	s29 =	simm.s32 $0x8;
	s30 =	simm.s32 $0x1A600  }
0x5: {  	s0 =	sand.u32 $0x1, s0;
	s2 =	sshll.u32 s12, $0x1;
	s6 =	smul.u32 $0x13C00, s12  }
0x6: {  	[smem:$0x7FF] =	sst s4;
	s5 =	sadd.s32 $0x21A00, s1;
	s8 =	sadd.s32 $0x17A00, s1  }
0x7: {  	s21 =	sshll.u32 s12, $0x6;
	s22 =	smul.u32 $0x5000, s12;
	s12 =	simm.s32 $0x0  }
0x8: {  	s2 =	sor.u32 s0, s2;
	s7 =	smul.u32 $0x13C000, s0;
	_ =	strace $0x80000050  }
0x9: {  	s9 =	ssub.s32 $0x2, s0;
	[dreg:$0x4] =	wrdreg s21;
	s0 =	smul.u32 $0x2800, s0  }
0xa: {  	s2 =	smul.u32 $0x2800, s2;
	s11 =	sshrl.u32 s9, $0x1;
	s7 =	sadd.s32 s6, s7  }
0xb: {  	s20 =	ssub.s32 s9, s11;
	s6 =	sadd.s32 s6, s3;
	s9 =	sor.u32 $0x1C05, s21  }
0xc: {  	s0 =	sadd.s32 s0, s22;
	s11 =	simm.s32 $0x13C80;
	s2 =	sshrl.u32 s2, $0x3  }
0xd: {  	s7 =	sshrl.u32 s7, $0x3;
	[dreg:$0x5] =	wrdreg s9;
	s26 =	smax.u32 s20, $0x1  }
0xe: {  	s31 =	sor.u32 $0x280, s0;
	s0 =	sor.u32 $0x200, s0;
	s19 =	sshrl.u32 s6, $0x3  }
0xf: {  	s10 =	sadd.s32 s2, s1;
	s2 =	sadd.s32 s8, s2;
	[dreg:$0xc] =	wrdreg s26  }
0x10: {  	s9 =	simm.s32 $0x13C00;
	s10 =	sadd.s32 $0xDA00, s10;
	[dreg:$0x7] =	wrdreg s2  }
0x11: {  	s1 =	sadd.s32 s7, s1;
	s23 =	sadd.s32 $0x10, s2;
	[dreg:$0x6] =	wrdreg s10  }
0x12: {  	s0 =	sshrl.u32 s0, $0x3;
	s24 =	sadd.s32 $0x20, s2;
	[dreg:$0x8] =	wrdreg s23  }
0x13: {  	s26 =	simm.s32 $0x80;
	s25 =	sadd.s32 $0x30, s2;
	[dreg:$0x9] =	wrdreg s24  }
0x14: {  	s7 =	simm.s32 $0x4;
	s1 =	sadd.s32 $0x48C00, s1;
	[dreg:$0xa] =	wrdreg s25  }
0x15: {  	s15 =	sadd.s32 $0x4F0, s2;
	s2 =	sadd.s32 $0x4E0, s2;
	[dreg:$0xb] =	wrdreg s1  }
0x16: {  	s0 =	sadd.s32 s0, s8;
	[dreg:$0xd] =	wrdreg s2;
	s1 =	sshrl.u32 s31, $0x3  }
0x17: {  	[dreg:$0xf] =	wrdreg s0;
	s24 =	simm.s32 $0x13D80;
	s25 =	simm.s32 $0x7  }
0x18: {  	s0 =	simm.s32 $0x2;
	s2 =	simm.s32 $0x3;
	s1 =	sadd.s32 s1, s8  }
0x19: {  	s10 =	simm.s32 $0xA;
	[dreg:$0xe] =	wrdreg s1;
	s1 =	simm.s32 $0x1  }
.LBB2_1:
0x1a: {  	s6 =	rddreg [dreg:$0x1]  }
0x1b: {  	s8 =	rddreg [dreg:$0x5]  }
0x1c: {  	[spmem:s19], [sflag:s8] =	dma.local [hbm:s6], $0x2780  }
0x1d: {  	s18 =	simm.s32 $0x13E00;
	s6 =	rddreg [dreg:$0x6]  }
0x1e: {  	[tilespmem:s18], [sflag:$0x6] =	stream.linear.gather [hbm4b:s6+s4], $0x2800, $0x38;
	[tilespmem:$0x1E600] =	vst v63  }
0x1f: {  	s20 =	rddreg [dreg:$0x7]  }
0x20: {  	[tilespmem:s9], [sflag:$0x7] =	stream.linear.gather [hbm4b:s20+s4], $0x80, $0x38;
	[tilespmem:$0x1E600] =	vst v63  }
0x21: {  	s21 =	rddreg [dreg:$0x8]  }
0x22: {  	[tilespmem:s11], [sflag:$0x8] =	stream.linear.gather [hbm4b:s21+s4], $0x80, $0x38;
	[tilespmem:$0x1E600] =	vst v63  }
0x23: {  	s22 =	rddreg [dreg:$0x9]  }
0x24: {  	[tilespmem:s13], [sflag:$0x9] =	stream.linear.gather [hbm4b:s22+s4], $0x80, $0x38;
	[tilespmem:$0x1E600] =	vst v63  }
0x25: {  	s23 =	rddreg [dreg:$0xa]  }
0x26: {  	[tilespmem:s24], [sflag:$0xA] =	stream.linear.gather [hbm4b:s23+s4], $0x80, $0x38;
	[tilespmem:$0x1E600] =	vst v63  }
0x27: {  	_ =	swait.ge [sflag:s25], $0x80  }
0x28: {  	[sflag:s25] =	ssyncset.done $0x0  }
0x29: {  	[sflag:s25] =	ssyncadd.s32 $0xFFFFFF80  }
0x2a: {  	[tilespmem:s28], [sflag:$0x1] =	stream.indirect.gather [hbm4b:s5+s26], $0x80, s9, s26, $0xb8;
	[tilespmem:$0x1E600] =	vst v63  }
0x2b: {  	_ =	swait.ge [sflag:s29], $0x80  }
0x2c: {  	[sflag:s29] =	ssyncset.done $0x0  }
0x2d: {  	s9 =	simm.s32 $0x6;
	[sflag:s29] =	ssyncadd.s32 $0xFFFFFF80  }
0x2e: {  	[tilespmem:s30], [sflag:$0x2] =	stream.indirect.gather [hbm4b:s5+s26], $0x80, s11, s26, $0xb8;
	[tilespmem:$0x1E600] =	vst v63  }
0x2f: {  	_ =	swait.ge [sflag:s9], $0x2800  }
0x30: {  	[sflag:s9] =	ssyncset.done $0x0  }
0x31: {  	s11 =	simm.s32 $0x5;
	[sflag:s9] =	ssyncadd.s32 $0xFFFFD800  }
0x32: {  	_ =	swait.ge [sflag:s11], $0x2780  }
0x33: {  	[sflag:s11] =	ssyncset.done $0x0  }
0x34: {  	[sflag:s11] =	ssyncadd.s32 $0xFFFFD880  }
0x35: {  	[bflag:$0x0] =	sbarrier.arrive $0xFFFF  }
0x36: {  	_ =	swait.ge [sflag:s1], $0x4000  }
0x37: {  	[sflag:s1] =	ssyncset.done $0x0  }
0x38: {  	[sflag:s1] =	ssyncadd.s32 $0xFFFFC000  }
0x39: {  	[spmem:s3] =	stream.indirect.scatter.add.f32 [tilespmem:s28], [sflag:$0x3], $0x80, s18, s26, $0xb8;
	[tilespmem:$0x1E600] =	vst v63  }
0x3a: {  	s16 =	simm.s32 $0x2;
	_ =	swait.ge [sflag:s0], $0x4000  }
0x3b: {  	s8 =	sand.u32 $0x2, s16;
	[sflag:s0] =	ssyncset.done $0x0  }
0x3c: {  	s14 =	simm.s32 $0x13E80;
	s17 =	sadd.s32 $0x7, s8;
	[sflag:s0] =	ssyncadd.s32 $0xFFFFC000  }
0x3d: {  	[spmem:s3] =	stream.indirect.scatter.add.f32 [tilespmem:s30], [sflag:$0x4], $0x80, s14, s26, $0xb8;
	[tilespmem:$0x1E600] =	vst v63  }
0x3e: {  	_ =	swait.ge [sflag:s17], $0x80  }
0x3f: {  	[sflag:s17] =	ssyncset.done $0x0  }
0x40: {  	[sflag:s17] =	ssyncadd.s32 $0xFFFFFF80  }
0x41: {  	s18 =	simm.s32 $0x3;
	_ =	swait.ge [sflag:s2], $0x4000  }
0x42: {  	s8 =	sshll.u32 s8, $0x7;
	s9 =	sand.u32 $0x3, s18;
	[sflag:s2] =	ssyncset.done $0x0  }
0x43: {  	s8 =	sor.u32 $0x13C00, s8;
	s20 =	sadd.s32 $0x7, s9;
	[sflag:s2] =	ssyncadd.s32 $0xFFFFC000  }
0x44: {  	[tilespmem:s28], [sflag:$0x1] =	stream.indirect.gather [hbm4b:s5+s26], $0x80, s8, s26, $0xb8;
	[tilespmem:$0x1E600] =	vst v63  }
0x45: {  	_ =	swait.ge [sflag:s20], $0x80  }
0x46: {  	s22 =	simm.s32 $0x4;
	s6 =	sand.u32 $0x3, s11;
	[sflag:s20] =	ssyncset.done $0x0  }
0x47: {  	s16 =	sshll.u32 s6, $0x7;
	s6 =	sadd.s32 $0x7, s6;
	[sflag:s20] =	ssyncadd.s32 $0xFFFFFF80  }
0x48: {  	s21 =	sshll.u32 s9, $0x7;
	s9 =	sand.u32 $0x2, s22;
	_ =	swait.ge [sflag:s7], $0x4000  }
0x49: {  	s22 =	simm.s32 $0x9;
	s23 =	sshll.u32 s9, $0x7;
	[sflag:s7] =	ssyncset.done $0x0  }
0x4a: {  	s11 =	sadd.s32 $0x7, s9;
	s8 =	sor.u32 $0x13C00, s21;
	[sflag:s7] =	ssyncadd.s32 $0xFFFFC000  }
0x4b: {  	[tilespmem:s30], [sflag:$0x2] =	stream.indirect.gather [hbm4b:s5+s26], $0x80, s8, s26, $0xb8;
	[tilespmem:$0x1E600] =	vst v63  }
0x4c: {  	s9 =	simm.s32 $0x13F80;
	s13 =	sor.u32 $0x13C00, s23;
	s14 =	rddreg [dreg:$0xf]  }
0x4d: {  	[tilespmem:s13], [sflag:s11] =	stream.linear.gather [hbm4b:s14+s4], $0x80, $0x38;
	[tilespmem:$0x1E600] =	vst v63  }
0x4e: {  	s23 =	simm.s32 $0x4;
	s17 =	sor.u32 $0x13C00, s16;
	s18 =	rddreg [dreg:$0xe]  }
0x4f: {  	[tilespmem:s17], [sflag:s6] =	stream.linear.gather [hbm4b:s18+s4], $0x80, $0x38;
	[tilespmem:$0x1E600] =	vst v63  }
0x50: {  	s31 =	sand.u32 $0x2, s23;
	s21 =	simm.s32 $0x13F00;
	_ =	swait.ge [sflag:s1], $0x4000  }
0x51: {  	s20 =	simm.s32 $0x7;
	s16 =	sadd.s32 $0x20, s14;
	[sflag:s1] =	ssyncset.done $0x0  }
0x52: {  	s13 =	simm.s32 $0x14080;
	s14 =	sadd.s32 $0x20, s18;
	[sflag:s1] =	ssyncadd.s32 $0xFFFFC000  }
0x53: {  	[spmem:s3] =	stream.indirect.scatter.add.f32 [tilespmem:s28], [sflag:$0x3], $0x80, s21, s26, $0xb8;
	[tilespmem:$0x1E600] =	vst v63  }
0x54: {  	s6 =	simm.s32 $0x14000;
	s21 =	simm.s32 $0x14100;
	_ =	swait.ge [sflag:s0], $0x4000  }
.LBB2_2:
0x55: {  	s11 =	sadd.s32 $0x7, s31;
	[sflag:s0] =	ssyncset.done $0x0;
	s17 =	smov.u32 s22  }
0x56: {  	s8 =	sadd.s32 $0x2, s22;
	s23 =	smov.u32 s6;
	s6 =	smov.u32 s21  }
0x57: {  	s18 =	sadd.s32 $0x80, s21;
	p0 =	sne.s32 s22, $0x4D;
	[sflag:s0] =	ssyncadd.s32 $0xFFFFC000  }
0x58: {  	[spmem:s3] =	stream.indirect.scatter.add.f32 [tilespmem:s30], [sflag:$0x4], $0x80, s9, s26, $0xb8;
	[tilespmem:$0x1E600] =	vst v63  }
0x59: {  	s9 =	smov.u32 s13;
	s13 =	smov.u32 s18;
	_ =	swait.ge [sflag:s11], $0x80  }
0x5a: {  	[sflag:s11] =	ssyncset.done $0x0  }
0x5b: {  	[sflag:s11] =	ssyncadd.s32 $0xFFFFFF80  }
0x5c: {  	s18 =	sadd.s32 $0xFFFFFFFE, s20;
	s11 =	sshll.u32 s31, $0x7;
	_ =	swait.ge [sflag:s2], $0x4000  }
0x5d: {  	s18 =	sand.u32 $0x3, s18;
	s11 =	sor.u32 $0x13C00, s11;
	[sflag:s2] =	ssyncset.done $0x0  }
0x5e: {  	s22 =	sadd.s32 $0x7, s18;
	s18 =	sshll.u32 s18, $0x7;
	[sflag:s2] =	ssyncadd.s32 $0xFFFFC000  }
0x5f: {  	[tilespmem:s28], [sflag:$0x1] =	stream.indirect.gather [hbm4b:s5+s26], $0x80, s11, s26, $0xb8;
	[tilespmem:$0x1E600] =	vst v63  }
0x60: {  	_ =	swait.ge [sflag:s22], $0x80  }
0x61: {  	[sflag:s22] =	ssyncset.done $0x0  }
0x62: {  	[sflag:s22] =	ssyncadd.s32 $0xFFFFFF80  }
0x63: {  	s11 =	sadd.s32 $0xFFFFFFFF, s20;
	s20 =	sand.u32 $0x3, s20;
	_ =	swait.ge [sflag:s7], $0x4000  }
0x64: {  	s18 =	sor.u32 $0x13C00, s18;
	s11 =	sand.u32 $0x2, s11;
	[sflag:s7] =	ssyncset.done $0x0  }
0x65: {  	s22 =	sshll.u32 s11, $0x7;
	s11 =	sadd.s32 $0x7, s11;
	[sflag:s7] =	ssyncadd.s32 $0xFFFFC000  }
0x66: {  	[tilespmem:s30], [sflag:$0x2] =	stream.indirect.gather [hbm4b:s5+s26], $0x80, s18, s26, $0xb8;
	[tilespmem:$0x1E600] =	vst v63  }
0x67: {  	s31 =	sadd.s32 $0x7, s20;
	s18 =	sor.u32 $0x13C00, s22;
	s22 =	sshll.u32 s20, $0x7  }
0x68: {  	[tilespmem:s18], [sflag:s11] =	stream.linear.gather [hbm4b:s16+s4], $0x80, $0x38;
	[tilespmem:$0x1E600] =	vst v63  }
0x69: {  	s20 =	smov.u32 s17;
	s11 =	sor.u32 $0x13C00, s22  }
0x6a: {  	[tilespmem:s11], [sflag:s31] =	stream.linear.gather [hbm4b:s14+s4], $0x80, $0x38;
	[tilespmem:$0x1E600] =	vst v63  }
.Ltmp0:
0x6b: {  	_ =	swait.ge [sflag:s1], $0x4000;
	(pc) =	sbr.rel @p0 .LBB2_2-.Ltmp0, $4  }
0x6c: {  	s21 =	sadd.s32 $0x100, s21;
	s16 =	sadd.s32 $0x20, s16;
	[sflag:s1] =	ssyncset.done $0x0  }
0x6d: {  	s11 =	sadd.s32 $0xFFFFFFFD, s20;
	s14 =	sadd.s32 $0x20, s14;
	[sflag:s1] =	ssyncadd.s32 $0xFFFFC000  }
0x6e: {  	[spmem:s3] =	stream.indirect.scatter.add.f32 [tilespmem:s28], [sflag:$0x3], $0x80, s23, s26, $0xb8;
	[tilespmem:$0x1E600] =	vst v63  }
0x6f: {  	s22 =	smov.u32 s8;
	s31 =	sand.u32 $0x2, s11;
	_ =	swait.ge [sflag:s0], $0x4000  }
0x70: {  	[sflag:s0] =	ssyncset.done $0x0  }
0x71: {  	s8 =	sadd.s32 $0x7, s31;
	[sflag:s0] =	ssyncadd.s32 $0xFFFFC000  }
0x72: {  	[spmem:s3] =	stream.indirect.scatter.add.f32 [tilespmem:s30], [sflag:$0x4], $0x80, s9, s26, $0xb8;
	[tilespmem:$0x1E600] =	vst v63  }
0x73: {  	_ =	swait.ge [sflag:s8], $0x80  }
0x74: {  	[sflag:s8] =	ssyncset.done $0x0  }
0x75: {  	[sflag:s8] =	ssyncadd.s32 $0xFFFFFF80  }
0x76: {  	s11 =	sadd.s32 $0xFFFFFFFE, s20;
	s9 =	sshll.u32 s31, $0x7;
	_ =	swait.ge [sflag:s2], $0x4000  }
0x77: {  	s8 =	sor.u32 $0x13C00, s9;
	s9 =	sand.u32 $0x3, s11;
	[sflag:s2] =	ssyncset.done $0x0  }
0x78: {  	s17 =	sadd.s32 $0x7, s9;
	[sflag:s2] =	ssyncadd.s32 $0xFFFFC000  }
0x79: {  	[tilespmem:s28], [sflag:$0x1] =	stream.indirect.gather [hbm4b:s5+s26], $0x80, s8, s26, $0xb8;
	[tilespmem:$0x1E600] =	vst v63  }
0x7a: {  	_ =	swait.ge [sflag:s17], $0x80  }
0x7b: {  	[sflag:s17] =	ssyncset.done $0x0  }
0x7c: {  	[sflag:s17] =	ssyncadd.s32 $0xFFFFFF80  }
0x7d: {  	s21 =	sadd.s32 $0xFFFFFFFF, s20;
	s23 =	sand.u32 $0x3, s20;
	_ =	swait.ge [sflag:s7], $0x4000  }
0x7e: {  	s18 =	sshll.u32 s9, $0x7;
	s9 =	sand.u32 $0x2, s21;
	[sflag:s7] =	ssyncset.done $0x0  }
0x7f: {  	s22 =	sshll.u32 s9, $0x7;
	s8 =	sor.u32 $0x13C00, s18;
	[sflag:s7] =	ssyncadd.s32 $0xFFFFC000  }
0x80: {  	[tilespmem:s30], [sflag:$0x2] =	stream.indirect.gather [hbm4b:s5+s26], $0x80, s8, s26, $0xb8;
	[tilespmem:$0x1E600] =	vst v63  }
0x81: {  	s31 =	sshll.u32 s23, $0x7;
	s9 =	sadd.s32 $0x7, s9;
	s8 =	sor.u32 $0x13C00, s22  }
0x82: {  	[tilespmem:s8], [sflag:s9] =	stream.linear.gather [hbm4b:s16+s4], $0x80, $0x38;
	[tilespmem:$0x1E600] =	vst v63  }
0x83: {  	s8 =	sadd.s32 $0x7, s23;
	s9 =	sor.u32 $0x13C00, s31  }
0x84: {  	[tilespmem:s9], [sflag:s8] =	stream.linear.gather [hbm4b:s14+s4], $0x80, $0x38;
	[tilespmem:$0x1E600] =	vst v63  }
0x85: {  	_ =	swait.ge [sflag:s1], $0x4000  }
0x86: {  	[sflag:s1] =	ssyncset.done $0x0  }
0x87: {  	[sflag:s1] =	ssyncadd.s32 $0xFFFFC000  }
0x88: {  	[spmem:s3] =	stream.indirect.scatter.add.f32 [tilespmem:s28], [sflag:$0x3], $0x80, s6, s26, $0xb8;
	[tilespmem:$0x1E600] =	vst v63  }
0x89: {  	_ =	swait.ge [sflag:s0], $0x4000  }
0x8a: {  	[sflag:s0] =	ssyncset.done $0x0  }
0x8b: {  	[sflag:s0] =	ssyncadd.s32 $0xFFFFC000  }
0x8c: {  	[spmem:s3] =	stream.indirect.scatter.add.f32 [tilespmem:s30], [sflag:$0x4], $0x80, s13, s26, $0xb8;
	[tilespmem:$0x1E600] =	vst v63  }
0x8d: {  	_ =	swait.ge [sflag:s25], $0x80  }
0x8e: {  	[sflag:s25] =	ssyncset.done $0x0  }
0x8f: {  	[sflag:s25] =	ssyncadd.s32 $0xFFFFFF80  }
0x90: {  	_ =	swait.ge [sflag:s2], $0x4000  }
0x91: {  	[sflag:s2] =	ssyncset.done $0x0  }
0x92: {  	s9 =	simm.s32 $0x13C00;
	[sflag:s2] =	ssyncadd.s32 $0xFFFFC000  }
0x93: {  	[tilespmem:s28], [sflag:$0x1] =	stream.indirect.gather [hbm4b:s5+s26], $0x80, s9, s26, $0xb8;
	[tilespmem:$0x1E600] =	vst v63  }
0x94: {  	_ =	swait.ge [sflag:s29], $0x80  }
0x95: {  	[sflag:s29] =	ssyncset.done $0x0  }
0x96: {  	[sflag:s29] =	ssyncadd.s32 $0xFFFFFF80  }
0x97: {  	_ =	swait.ge [sflag:s7], $0x4000  }
0x98: {  	[sflag:s7] =	ssyncset.done $0x0  }
0x99: {  	s11 =	simm.s32 $0x13C80;
	[sflag:s7] =	ssyncadd.s32 $0xFFFFC000  }
0x9a: {  	[tilespmem:s30], [sflag:$0x2] =	stream.indirect.gather [hbm4b:s5+s26], $0x80, s11, s26, $0xb8;
	[tilespmem:$0x1E600] =	vst v63  }
0x9b: {  	s13 =	simm.s32 $0x13D00;
	s8 =	rddreg [dreg:$0xd]  }
0x9c: {  	[tilespmem:s13], [sflag:$0x9] =	stream.linear.gather [hbm4b:s8+s4], $0x80, $0x38;
	[tilespmem:$0x1E600] =	vst v63  }
0x9d: {  	_ = 	snop  }
0x9e: {  	[tilespmem:s24], [sflag:$0xA] =	stream.linear.gather [hbm4b:s15+s4], $0x80, $0x38;
	[tilespmem:$0x1E600] =	vst v63  }
0x9f: {  	_ =	swait.ge [sflag:s1], $0x4000  }
0xa0: {  	[sflag:s1] =	ssyncset.done $0x0  }
0xa1: {  	s14 =	simm.s32 $0x16400;
	[sflag:s1] =	ssyncadd.s32 $0xFFFFC000  }
0xa2: {  	[spmem:s3] =	stream.indirect.scatter.add.f32 [tilespmem:s28], [sflag:$0x3], $0x80, s14, s26, $0xb8;
	[tilespmem:$0x1E600] =	vst v63  }
0xa3: {  	_ =	swait.ge [sflag:s0], $0x4000  }
0xa4: {  	[sflag:s0] =	ssyncset.done $0x0  }
0xa5: {  	s17 =	simm.s32 $0x9;
	s16 =	simm.s32 $0x16480;
	[sflag:s0] =	ssyncadd.s32 $0xFFFFC000  }
0xa6: {  	[spmem:s3] =	stream.indirect.scatter.add.f32 [tilespmem:s30], [sflag:$0x4], $0x80, s16, s26, $0xb8;
	[tilespmem:$0x1E600] =	vst v63  }
0xa7: {  	_ =	swait.ge [sflag:s17], $0x80  }
0xa8: {  	[sflag:s17] =	ssyncset.done $0x0  }
0xa9: {  	[sflag:s17] =	ssyncadd.s32 $0xFFFFFF80  }
0xaa: {  	_ =	swait.ge [sflag:s2], $0x4000  }
0xab: {  	[sflag:s2] =	ssyncset.done $0x0  }
0xac: {  	[sflag:s2] =	ssyncadd.s32 $0xFFFFC000  }
0xad: {  	[tilespmem:s28], [sflag:$0x1] =	stream.indirect.gather [hbm4b:s5+s26], $0x80, s13, s26, $0xb8;
	[tilespmem:$0x1E600] =	vst v63  }
0xae: {  	_ =	swait.ge [sflag:s10], $0x80  }
0xaf: {  	[sflag:s10] =	ssyncset.done $0x0  }
0xb0: {  	[sflag:s10] =	ssyncadd.s32 $0xFFFFFF80  }
0xb1: {  	_ =	swait.ge [sflag:s7], $0x4000  }
0xb2: {  	[sflag:s7] =	ssyncset.done $0x0  }
0xb3: {  	[sflag:s7] =	ssyncadd.s32 $0xFFFFC000  }
0xb4: {  	[tilespmem:s30], [sflag:$0x2] =	stream.indirect.gather [hbm4b:s5+s26], $0x80, s24, s26, $0xb8;
	[tilespmem:$0x1E600] =	vst v63  }
0xb5: {  	_ = 	snop  }
0xb6: {  	[tilespmem:s24], [sflag:$0xA] =	stream.linear.gather [hbm4b:s15+s4], $0x80, $0x38;
	[tilespmem:$0x1E600] =	vst v63  }
0xb7: {  	_ = 	snop  }
0xb8: {  	[tilespmem:s24], [sflag:$0xA] =	stream.linear.gather [hbm4b:s15+s4], $0x80, $0x38;
	[tilespmem:$0x1E600] =	vst v63  }
0xb9: {  	_ =	swait.ge [sflag:s1], $0x4000  }
0xba: {  	[sflag:s1] =	ssyncset.done $0x0  }
0xbb: {  	s18 =	simm.s32 $0x16500;
	[sflag:s1] =	ssyncadd.s32 $0xFFFFC000  }
0xbc: {  	[spmem:s3] =	stream.indirect.scatter.add.f32 [tilespmem:s28], [sflag:$0x3], $0x80, s18, s26, $0xb8;
	[tilespmem:$0x1E600] =	vst v63  }
0xbd: {  	_ =	swait.ge [sflag:s0], $0x4000  }
0xbe: {  	[sflag:s0] =	ssyncset.done $0x0  }
0xbf: {  	s20 =	simm.s32 $0x16580;
	[sflag:s0] =	ssyncadd.s32 $0xFFFFC000  }
0xc0: {  	[spmem:s3] =	stream.indirect.scatter.add.f32 [tilespmem:s30], [sflag:$0x4], $0x80, s20, s26, $0xb8;
	[tilespmem:$0x1E600] =	vst v63  }
0xc1: {  	_ =	swait.ge [sflag:s2], $0x4000  }
0xc2: {  	[sflag:s2] =	ssyncset.done $0x0  }
0xc3: {  	[sflag:s2] =	ssyncadd.s32 $0xFFFFC000  }
0xc4: {  	_ =	swait.ge [sflag:s7], $0x4000  }
0xc5: {  	[sflag:s7] =	ssyncset.done $0x0  }
0xc6: {  	[sflag:s7] =	ssyncadd.s32 $0xFFFFC000  }
0xc7: {  	_ =	swait.ge [sflag:s10], $0x80  }
0xc8: {  	[sflag:s10] =	ssyncset.done $0x0  }
0xc9: {  	[sflag:s10] =	ssyncadd.s32 $0xFFFFFF80  }
0xca: {  	_ =	swait.ge [sflag:s10], $0x80  }
0xcb: {  	[sflag:s10] =	ssyncset.done $0x0  }
0xcc: {  	[sflag:s10] =	ssyncadd.s32 $0xFFFFFF80  }
0xcd: {  	[bflag:$0x0] =	sbarrier.arrive $0xFFFF  }
0xce: {  	s21 =	rddreg [dreg:$0x4]  }
0xcf: {  	s23 =	simm.s32 $0xB;
	s22 =	rddreg [dreg:$0xb];
	s6 =	sor.u32 $0x1C0B, s21  }
0xd0: {  	[hbm:s22], [sflag:s6] =	dma.local [spmem:s19], $0x2780  }
0xd1: {  	_ =	swait.ge [sflag:s23], $0x2780  }
0xd2: {  	s12 =	sadd.s32 $0x1, s12;
	s31 =	rddreg [dreg:$0xc]  }
0xd3: {  	p0 =	sne.s32 s12, s31  }
.Ltmp1:
0xd4: {  	_ = 	snop;
	(pc) =	sbr.rel @p0 .LBB2_1-.Ltmp1, $3  }
0xd5: {  	_ =	sdelay $0x1  }
0xd6: {  	[sflag:s23] =	ssyncset.done $0x0  }
0xd7: {  	[sflag:s23] =	ssyncadd.s32 $0xFFFFD880  }
0xd8: {  	_ =	sfence.sel $0x180000  }
0xd9: {  	[bflag:$0x0] =	sbarrier.arrive $0xFFFF  }
0xda: {  	_ =	strace $0x90000050  }
0xdb: {  	s0 =	stileid.u32;
	[bflag:$0x2] =	sbarrier.arrive $0xFFFF  }
0xdc: {  	p0 =	sne.s32 s0, $0x0;
	s0 =	rddreg [dreg:$0x3]  }
0xdd: {  	s0 =	sadd.s32 @!p0 $0x100000, s0  }
0xde: {  	[sflag:s0] =	ssyncadd.tile.s32 @!p0 $0x1;
	_ =	shalt  }
.Lfunc_end2:
_tile_overlayer_lowered:
.L_overlay_start_2:
0xdf: {  	(tag) =	ssettag $0x2  }
0xe0: {  	s0 =	rddreg [dreg:$0x0];
	s2 =	stileid.u32  }
0xe1: {  	s1 =	rddreg [dreg:$0x1];
	p0 =	sne.s32 s2, $0x0  }
0xe2: {  	s3 =	rddreg [dreg:$0x2];
	[bflag:$0x3] =	sbarrier.arrive $0xFFFF;
	s2 =	simm.s32 @!p0 $0x1C0B  }
0xe3: {  	[timem:s3], [sflag:s2] =	dma.local @!p0 [hbm:s0], s1  }
0xe4: {  	s0 =	simm.s32 @!p0 $0xB  }
0xe5: {  	_ =	swait.ge @!p0 [sflag:s0], s1  }
0xe6: {  	s1 =	ssub.s32 @!p0 $0x0, s1;
	[sflag:s0] =	ssyncset.done @!p0 $0x0  }
0xe7: {  	[sflag:s0] =	ssyncadd.s32 @!p0 s1  }
0xe8: {  	[bflag:$0x3] =	sbarrier.arrive $0xFFFF  }
0xe9: {  	_ =	shalt  }

</sc_bundles>
